<compile_context>
chip_gen: v7x
topology: tpu7x:2x2x1
jax: 0.10.2.dev20260603
libtpu: 0.0.44.dev20260713+nightly
codegen_flags: <defaults>
</compile_context>

<pallas_src>
import functools

import jax
import jax.numpy as jnp
import numpy as np
from jax import lax
from jax.experimental import pallas as pl
from jax.experimental.pallas import tpu as pltpu
from jax.experimental.pallas import tpu_sc as plsc

N = 10000
E = 320000
H = 64
P_MAX = 1.0
R_MIN = 1.0
N_PER_GRAPH = 1000
NC_CONS = 500

NCORE = 2
NSUB = 16
NW = NCORE * NSUB

CH = 128
SUP = 3
SE = SUP * CH
NSUPER = 27
EPT = NSUPER * SE
E_PAD = EPT * NW
ECH = E_PAD // CH
NPAD = 10240
RPT = NPAD // NSUB

T_PAD = 12288


def _make_edge_pass(D):
    mesh = plsc.VectorSubcoreMesh(core_axis_name="c", subcore_axis_name="s")

    @functools.partial(
        pl.kernel,
        out_type=jax.ShapeDtypeStruct((NCORE, NPAD, D), jnp.float32),
        mesh=mesh,
        compiler_params=pltpu.CompilerParams(use_tc_tiling_on_sc=False),
        scratch_types=[
            pltpu.VMEM((3, SUP, CH), jnp.int32),
            pltpu.VMEM((3, SUP, CH), jnp.int32),
            pltpu.VMEM((3, SE), jnp.float32),
            pltpu.VMEM((3, SE, D), jnp.float32),
            pltpu.VMEM_SHARED((NPAD, D), jnp.float32),
            pltpu.SemaphoreType.DMA,
            pltpu.SemaphoreType.DMA,
            pltpu.SemaphoreType.DMA,
        ],
    )
    def edge_pass(z_hbm, src_hbm, dst_hbm, w_hbm, out_hbm,
                  sidx, didx, wbuf, rows, agg_sh, lsem, gsem, ssem):
        c = lax.axis_index("c")
        s = lax.axis_index("s")
        wid = s * NCORE + c
        cbase = wid * (NSUPER * SUP)

        def issue_loads(t, b):
            c0 = cbase + t * SUP
            pltpu.async_copy(src_hbm.at[pl.ds(c0, SUP)], sidx.at[b], lsem)
            pltpu.async_copy(dst_hbm.at[pl.ds(c0, SUP)], didx.at[b], lsem)
            pltpu.async_copy(w_hbm.at[wid * NSUPER + t], wbuf.at[b], lsem)

        def wait_loads(t, b):
            c0 = cbase + t * SUP
            pltpu.make_async_copy(src_hbm.at[pl.ds(c0, SUP)], sidx.at[b],
                                  lsem).wait()
            pltpu.make_async_copy(dst_hbm.at[pl.ds(c0, SUP)], didx.at[b],
                                  lsem).wait()
            pltpu.make_async_copy(w_hbm.at[wid * NSUPER + t], wbuf.at[b],
                                  lsem).wait()

        def issue_gathers(b):
            for j in range(SUP):
                pltpu.async_copy(z_hbm.at[sidx.at[b, j]],
                                 rows.at[b, pl.ds(j * CH, CH)], gsem)

        def wait_gathers(b):
            for j in range(SUP):
                pltpu.make_async_copy(z_hbm.at[sidx.at[b, j]],
                                      rows.at[b, pl.ds(j * CH, CH)],
                                      gsem).wait()

        def issue_scatters(b):
            for j in range(SUP):
                pltpu.async_copy(rows.at[b, pl.ds(j * CH, CH)],
                                 agg_sh.at[didx.at[b, j]], ssem, add=True)

        def drain_scatters(b):
            for j in range(SUP):
                pltpu.make_async_copy(rows.at[b, pl.ds(j * CH, CH)],
                                      agg_sh.at[didx.at[b, j]], ssem).wait()

        def zero_body(i, carry):
            for j in range(D // 16):
                rows[0, i, pl.ds(16 * j, 16)] = jnp.zeros((16,), jnp.float32)
            return carry
        lax.fori_loop(0, SE, zero_body, 0)
        row0 = s * RPT
        pltpu.sync_copy(rows.at[0], agg_sh.at[pl.ds(row0, SE)])
        pltpu.sync_copy(rows.at[0, pl.ds(0, RPT - SE)],
                        agg_sh.at[pl.ds(row0 + SE, RPT - SE)])
        plsc.subcore_barrier()

        def scale(b):
            def scale_body(g, inner):
                w16 = wbuf[b, pl.ds(16 * g, 16)]
                for l in range(16):
                    wv = w16[l]
                    e = 16 * g + l
                    for j in range(D // 16):
                        sl = pl.ds(16 * j, 16)
                        rows[b, e, sl] = rows[b, e, sl] * wv
                return inner
            lax.fori_loop(0, SE // 16, scale_body, 0)

        issue_loads(0, 0)
        wait_loads(0, 0)
        issue_gathers(0)

        def step(t, carry):
            b = t % 3
            pl.when(t >= 2)(lambda: drain_scatters((t - 2) % 3))
            pl.when(t + 1 < NSUPER)(lambda: issue_loads(t + 1, (t + 1) % 3))
            wait_gathers(b)

            def next_gathers():
                wait_loads(t + 1, (t + 1) % 3)
                issue_gathers((t + 1) % 3)
            pl.when(t + 1 < NSUPER)(next_gathers)
            scale(b)
            issue_scatters(b)
            return carry
        lax.fori_loop(0, NSUPER, step, 0)

        drain_scatters((NSUPER - 2) % 3)
        drain_scatters((NSUPER - 1) % 3)
        plsc.subcore_barrier()
        pltpu.sync_copy(agg_sh.at[pl.ds(row0, RPT)],
                        out_hbm.at[c, pl.ds(row0, RPT)])

    return edge_pass


_edge_pass_16 = _make_edge_pass(16)
_edge_pass_64 = _make_edge_pass(64)


def _dot(a, b):
    return jnp.dot(a, b, preferred_element_type=jnp.float32)


def _tc1_body(mu_ref, aggp_ref, ws0_ref, wn0_ref, b0_ref, ws1_ref,
              h1_ref, s1_ref):
    mu = mu_ref[...]
    B = mu.shape[0]
    r = lax.broadcasted_iota(jnp.int32, (B, 2), 0)
    lane = lax.broadcasted_iota(jnp.int32, (B, 2), 1)
    cons = jnp.where(r < NC_CONS, R_MIN, 0.0).astype(jnp.float32)
    x = jnp.where(lane == 0, jnp.broadcast_to(mu, (B, 2)), cons)
    agg = aggp_ref[0] + aggp_ref[1]
    h1 = jnp.maximum(
        _dot(x, ws0_ref[...]) + _dot(agg[:, 0:2], wn0_ref[...]) + b0_ref[...],
        0.0)
    h1_ref[...] = h1
    s1_ref[...] = _dot(h1, ws1_ref[...])


def _tc2_body(s1_ref, aggp_ref, wn1_ref, b1_ref, wout_ref, bout_ref, o16_ref):
    agg1 = aggp_ref[0] + aggp_ref[1]
    h2 = jnp.maximum(
        s1_ref[...] + _dot(agg1, wn1_ref[...]) + b1_ref[...], 0.0)
    logit = _dot(h2, wout_ref[...]) + bout_ref[...]
    o = P_MAX * (1.0 / (1.0 + jnp.exp(-logit)))
    o16_ref[...] = jnp.broadcast_to(o, o16_ref.shape)


_B = 1000


def _tc1(mu, agg0p, ws0, wn0, b0, ws1):
    return pl.pallas_call(
        _tc1_body,
        grid=(N // _B,),
        in_specs=[
            pl.BlockSpec((_B, 1), lambda i: (i, 0)),
            pl.BlockSpec((NCORE, _B, 16), lambda i: (0, i, 0)),
            pl.BlockSpec((2, H), lambda i: (0, 0)),
            pl.BlockSpec((2, H), lambda i: (0, 0)),
            pl.BlockSpec((1, H), lambda i: (0, 0)),
            pl.BlockSpec((H, H), lambda i: (0, 0)),
        ],
        out_specs=[
            pl.BlockSpec((_B, H), lambda i: (i, 0)),
            pl.BlockSpec((_B, H), lambda i: (i, 0)),
        ],
        out_shape=[
            jax.ShapeDtypeStruct((N, H), jnp.float32),
            jax.ShapeDtypeStruct((N, H), jnp.float32),
        ],
    )(mu, agg0p, ws0, wn0, b0, ws1)


def _tc2(s1, agg1p, wn1, b1, wout, bout):
    return pl.pallas_call(
        _tc2_body,
        grid=(N // _B,),
        in_specs=[
            pl.BlockSpec((_B, H), lambda i: (i, 0)),
            pl.BlockSpec((NCORE, _B, H), lambda i: (0, i, 0)),
            pl.BlockSpec((H, H), lambda i: (0, 0)),
            pl.BlockSpec((1, H), lambda i: (0, 0)),
            pl.BlockSpec((H, 1), lambda i: (0, 0)),
            pl.BlockSpec((1, 1), lambda i: (0, 0)),
        ],
        out_specs=pl.BlockSpec((_B, 16), lambda i: (i, 0)),
        out_shape=jax.ShapeDtypeStruct((N, 16), jnp.float32),
    )(s1, agg1p, wn1, b1, wout, bout)


mesh_g = plsc.VectorSubcoreMesh(core_axis_name="c", subcore_axis_name="s")


@functools.partial(
    pl.kernel,
    out_type=jax.ShapeDtypeStruct((T_PAD, 16), jnp.float32),
    mesh=mesh_g,
    compiler_params=pltpu.CompilerParams(use_tc_tiling_on_sc=False),
    scratch_types=[
        pltpu.VMEM((3, CH), jnp.int32),
        pltpu.VMEM((3, CH, 16), jnp.float32),
        pltpu.SemaphoreType.DMA,
        pltpu.SemaphoreType.DMA,
    ],
)
def _trans_gather(o16_hbm, t_hbm, out_hbm, idx_v, rows_v, lsem, gsem):
    c = lax.axis_index("c")
    s = lax.axis_index("s")
    wid = s * NCORE + c
    base = wid * (T_PAD // NW)
    nch = T_PAD // NW // CH
    for k in range(nch):
        pltpu.async_copy(t_hbm.at[pl.ds(base + k * CH, CH)], idx_v.at[k], lsem)
    for k in range(nch):
        pltpu.make_async_copy(t_hbm.at[pl.ds(base + k * CH, CH)],
                              idx_v.at[k], lsem).wait()
        pltpu.async_copy(o16_hbm.at[idx_v.at[k]], rows_v.at[k], gsem)
    for k in range(nch):
        pltpu.make_async_copy(o16_hbm.at[idx_v.at[k]], rows_v.at[k],
                              gsem).wait()
        pltpu.async_copy(rows_v.at[k], out_hbm.at[pl.ds(base + k * CH, CH)],
                         lsem)
    for k in range(nch):
        pltpu.make_async_copy(rows_v.at[k],
                              out_hbm.at[pl.ds(base + k * CH, CH)],
                              lsem).wait()


def kernel(mu, edge_index_l, edge_weight_l, transmitters_index,
           W_self0, W_nei0, b0, W_self1, W_nei1, b1, W_out, b_out):
    src = edge_index_l[0].astype(jnp.int32)
    dst = edge_index_l[1].astype(jnp.int32)
    w = edge_weight_l.astype(jnp.float32)
    pad = E_PAD - E
    srcp = jnp.pad(src, (0, pad)).reshape(ECH, CH)
    dstp = jnp.pad(dst, (0, pad)).reshape(ECH, CH)
    wp = jnp.pad(w, (0, pad)).reshape(NW * NSUPER, SE)

    cons = jnp.where((jnp.arange(N) % N_PER_GRAPH) < NC_CONS, R_MIN, 0.0)
    x16 = jnp.concatenate(
        [mu, cons[:, None].astype(jnp.float32), jnp.zeros((N, 14), jnp.float32)],
        axis=1)

    agg0p = _edge_pass_16(x16, srcp, dstp, wp)
    h1, s1 = _tc1(mu, agg0p, W_self0, W_nei0, b0.reshape(1, H), W_self1)
    agg1p = _edge_pass_64(h1, srcp, dstp, wp)
    o16 = _tc2(s1, agg1p, W_nei1, b1.reshape(1, H), W_out,
               b_out.reshape(1, 1))
    tp = jnp.pad(transmitters_index.astype(jnp.int32), (0, T_PAD - N))
    pg = _trans_gather(o16, tp)
    return pg[:N, :1]

# --- scband reference (transcript-rebuilt; emitter-appended) ---
"""Pipeline reference for scband-primal-model-63960652972352 (READ-ONLY COPY).

The authoritative reference and input builder live on the scoring server;
editing this copy changes nothing except your own understanding.
"""

import jax, jax.numpy as jnp
import numpy as np

N = 10000
E = 320000
N_PER_GRAPH = 1000
H = 64
P_MAX = 1.0
R_MIN = 1.0
CONSTRAINED_FRAC = 0.5


def setup_inputs(seed: int = 0):
    key = jax.random.key(seed)
    ks = jax.random.split(key, 12)
    inp = {}
    inp["mu"] = jax.random.uniform(ks[0], (N, 1), dtype=jnp.float32)
    inp["edge_index_l"] = jax.random.randint(ks[1], (2, E), 0, N)
    inp["edge_weight_l"] = jax.random.uniform(ks[2], (E,), dtype=jnp.float32)
    inp["transmitters_index"] = jax.random.randint(ks[3], (N,), 0, N)
    def lin(k, fan_in, shape):
        return jax.random.normal(k, shape, dtype=jnp.float32) * (1.0 / np.sqrt(fan_in))
    inp["W_self0"] = lin(ks[4], 2, (2, H))
    inp["W_nei0"] = lin(ks[5], 2, (2, H))
    inp["b0"] = jnp.zeros((H,), dtype=jnp.float32)
    inp["W_self1"] = lin(ks[6], H, (H, H))
    inp["W_nei1"] = lin(ks[7], H, (H, H))
    inp["b1"] = jnp.zeros((H,), dtype=jnp.float32)
    inp["W_out"] = lin(ks[8], H, (H, 1))
    inp["b_out"] = jnp.zeros((1,), dtype=jnp.float32)
    return inp


def reference(mu, edge_index_l, edge_weight_l, transmitters_index, W_self0, W_nei0, b0, W_self1, W_nei1, b1, W_out, b_out):
    # cons_lvl: first floor(frac*n) nodes of each graph get r_min, rest 0 (built once in torch forward)
    m = N // N_PER_GRAPH
    nc = int(np.floor(CONSTRAINED_FRAC * N_PER_GRAPH))
    cons_lvl = jnp.concatenate(
        [R_MIN * jnp.ones((m, nc), dtype=jnp.float32), jnp.zeros((m, N_PER_GRAPH - nc), dtype=jnp.float32)],
        axis=1,
    ).reshape(-1, 1)
    # normalized_mu = 1 since normalize_mu=False
    x = jnp.concatenate([mu, cons_lvl], axis=1)  # [N, 2]
    src = edge_index_l[0]
    dst = edge_index_l[1]

    def conv(h, Ws, Wn, b):
        msg = h[src] * edge_weight_l[:, None]          # gather over edges
        agg = jax.ops.segment_sum(msg, dst, num_segments=N)  # scatter-add
        return h @ Ws + agg @ Wn + b

    x = jax.nn.relu(conv(x, W_self0, W_nei0, b0))
    x = jax.nn.relu(conv(x, W_self1, W_nei1, b1))
    x = x @ W_out + b_out                              # [N, 1]
    p = P_MAX * jax.nn.sigmoid(x)                      # activation='sigmoid', scaled by P_max
    p = p[transmitters_index]                          # readout per transmitter
    return p

if __name__ == "__main__":
    import jax
    _d = setup_inputs()
    print(jax.jit(kernel)(*tuple(_d.values())))

</pallas_src>

<mosaic_0001>
#map = affine_map<(d0, d1) -> (0, 0)>
#map1 = affine_map<(d0, d1) -> (0)>
module attributes {stable_mosaic.version = 14 : i64} {
  func.func @_trans_gather(%arg0: i32, %arg1: i32, %arg2: memref<10000x16xf32, #tpu.memory_space<hbm>>, %arg3: memref<12288xi32, #tpu.memory_space<hbm>>, %arg4: memref<12288x16xf32, #tpu.memory_space<hbm>>, %arg5: memref<3x128xi32, #tpu.memory_space<vmem>>, %arg6: memref<3x128x16xf32, #tpu.memory_space<vmem>>, %arg7: memref<!tpu.dma_semaphore, #tpu.memory_space<semaphore_mem>>, %arg8: memref<!tpu.dma_semaphore, #tpu.memory_space<semaphore_mem>>) attributes {dimension_semantics = [#tpu.dimension_semantics<core_parallel>, #tpu.dimension_semantics<subcore_parallel>], iteration_bounds = array<i64: 2, 16>, scalar_prefetch = 0 : i64, scratch_operands = 4 : i64, tpu.core_type = #tpu.core_type<sc_vector_subcore>, window_params = [{transform_indices = #map}, {transform_indices = #map1}, {transform_indices = #map}]} {
    %mul3A = arith.constant 2 : i32
    %mul3A_0 = arith.muli %arg1, %mul3A : i32
    %add3A = arith.addi %mul3A_0, %arg0 : i32
    %mul3A_1 = arith.constant 384 : i32
    %mul3A_2 = arith.muli %add3A, %mul3A_1 : i32
    %add3A_3 = arith.constant 0 : i32
    %add3A_4 = arith.addi %mul3A_2, %add3A_3 : i32
    %dma_start3A = arith.constant 0 : i32
    %dma_start3A_5 = arith.constant 0 : i32
    %dma_start3A_6 = tpu.memref_slice %arg5[%dma_start3A, %dma_start3A_5] : memref<3x128xi32, #tpu.memory_space<vmem>> -> memref<1x128xi32, #tpu.memory_space<vmem>>
    %dma_start3A_7 = tpu.memref_squeeze %dma_start3A_6 : memref<1x128xi32, #tpu.memory_space<vmem>> -> memref<128xi32, #tpu.memory_space<vmem>>
    %dma_start3A_8 = tpu.memref_slice %arg3[%add3A_4] : memref<12288xi32, #tpu.memory_space<hbm>> -> memref<128xi32, #tpu.memory_space<hbm>>
    %dma_start3A_9 = arith.constant 0 : i32
    %dma_start3A_10 = tpu.memref_slice %arg5[%dma_start3A, %dma_start3A_9] : memref<3x128xi32, #tpu.memory_space<vmem>> -> memref<1x128xi32, #tpu.memory_space<vmem>>
    %dma_start3A_11 = tpu.memref_squeeze %dma_start3A_10 : memref<1x128xi32, #tpu.memory_space<vmem>> -> memref<128xi32, #tpu.memory_space<vmem>>
    %dma_start3A_12 = tpu.memref_slice %arg3[%add3A_4] : memref<12288xi32, #tpu.memory_space<hbm>> -> memref<128xi32, #tpu.memory_space<hbm>>
    tpu.enqueue_dma source(%dma_start3A_12 : memref<128xi32, #tpu.memory_space<hbm>>) target(%dma_start3A_11 : memref<128xi32, #tpu.memory_space<vmem>>) target_semaphore(%arg7 : memref<!tpu.dma_semaphore, #tpu.memory_space<semaphore_mem>>)
    %add3A_13 = arith.constant 128 : i32
    %add3A_14 = arith.addi %mul3A_2, %add3A_13 : i32
    %dma_start3A_15 = arith.constant 1 : i32
    %dma_start3A_16 = arith.constant 0 : i32
    %dma_start3A_17 = tpu.memref_slice %arg5[%dma_start3A_15, %dma_start3A_16] : memref<3x128xi32, #tpu.memory_space<vmem>> -> memref<1x128xi32, #tpu.memory_space<vmem>>
    %dma_start3A_18 = tpu.memref_squeeze %dma_start3A_17 : memref<1x128xi32, #tpu.memory_space<vmem>> -> memref<128xi32, #tpu.memory_space<vmem>>
    %dma_start3A_19 = tpu.memref_slice %arg3[%add3A_14] : memref<12288xi32, #tpu.memory_space<hbm>> -> memref<128xi32, #tpu.memory_space<hbm>>
    %dma_start3A_20 = arith.constant 0 : i32
    %dma_start3A_21 = tpu.memref_slice %arg5[%dma_start3A_15, %dma_start3A_20] : memref<3x128xi32, #tpu.memory_space<vmem>> -> memref<1x128xi32, #tpu.memory_space<vmem>>
    %dma_start3A_22 = tpu.memref_squeeze %dma_start3A_21 : memref<1x128xi32, #tpu.memory_space<vmem>> -> memref<128xi32, #tpu.memory_space<vmem>>
    %dma_start3A_23 = tpu.memref_slice %arg3[%add3A_14] : memref<12288xi32, #tpu.memory_space<hbm>> -> memref<128xi32, #tpu.memory_space<hbm>>
    tpu.enqueue_dma source(%dma_start3A_23 : memref<128xi32, #tpu.memory_space<hbm>>) target(%dma_start3A_22 : memref<128xi32, #tpu.memory_space<vmem>>) target_semaphore(%arg7 : memref<!tpu.dma_semaphore, #tpu.memory_space<semaphore_mem>>)
    %add3A_24 = arith.constant 256 : i32
    %add3A_25 = arith.addi %mul3A_2, %add3A_24 : i32
    %dma_start3A_26 = arith.constant 2 : i32
    %dma_start3A_27 = arith.constant 0 : i32
    %dma_start3A_28 = tpu.memref_slice %arg5[%dma_start3A_26, %dma_start3A_27] : memref<3x128xi32, #tpu.memory_space<vmem>> -> memref<1x128xi32, #tpu.memory_space<vmem>>
    %dma_start3A_29 = tpu.memref_squeeze %dma_start3A_28 : memref<1x128xi32, #tpu.memory_space<vmem>> -> memref<128xi32, #tpu.memory_space<vmem>>
    %dma_start3A_30 = tpu.memref_slice %arg3[%add3A_25] : memref<12288xi32, #tpu.memory_space<hbm>> -> memref<128xi32, #tpu.memory_space<hbm>>
    %dma_start3A_31 = arith.constant 0 : i32
    %dma_start3A_32 = tpu.memref_slice %arg5[%dma_start3A_26, %dma_start3A_31] : memref<3x128xi32, #tpu.memory_space<vmem>> -> memref<1x128xi32, #tpu.memory_space<vmem>>
    %dma_start3A_33 = tpu.memref_squeeze %dma_start3A_32 : memref<1x128xi32, #tpu.memory_space<vmem>> -> memref<128xi32, #tpu.memory_space<vmem>>
    %dma_start3A_34 = tpu.memref_slice %arg3[%add3A_25] : memref<12288xi32, #tpu.memory_space<hbm>> -> memref<128xi32, #tpu.memory_space<hbm>>
    tpu.enqueue_dma source(%dma_start3A_34 : memref<128xi32, #tpu.memory_space<hbm>>) target(%dma_start3A_33 : memref<128xi32, #tpu.memory_space<vmem>>) target_semaphore(%arg7 : memref<!tpu.dma_semaphore, #tpu.memory_space<semaphore_mem>>)
    %add3A_35 = arith.constant 0 : i32
    %add3A_36 = arith.addi %mul3A_2, %add3A_35 : i32
    %dma_wait3A = arith.constant 0 : i32
    %dma_wait3A_37 = arith.constant 0 : i32
    %dma_wait3A_38 = tpu.memref_slice %arg5[%dma_wait3A, %dma_wait3A_37] : memref<3x128xi32, #tpu.memory_space<vmem>> -> memref<1x128xi32, #tpu.memory_space<vmem>>
    %dma_wait3A_39 = tpu.memref_squeeze %dma_wait3A_38 : memref<1x128xi32, #tpu.memory_space<vmem>> -> memref<128xi32, #tpu.memory_space<vmem>>
    %dma_wait3A_40 = tpu.memref_slice %arg3[%add3A_36] : memref<12288xi32, #tpu.memory_space<hbm>> -> memref<128xi32, #tpu.memory_space<hbm>>
    %dma_wait3A_41 = arith.constant 0 : i32
    %dma_wait3A_42 = tpu.memref_slice %arg5[%dma_wait3A, %dma_wait3A_41] : memref<3x128xi32, #tpu.memory_space<vmem>> -> memref<1x128xi32, #tpu.memory_space<vmem>>
    %dma_wait3A_43 = tpu.memref_squeeze %dma_wait3A_42 : memref<1x128xi32, #tpu.memory_space<vmem>> -> memref<128xi32, #tpu.memory_space<vmem>>
    %dma_wait3A_44 = tpu.memref_slice %arg3[%add3A_36] : memref<12288xi32, #tpu.memory_space<hbm>> -> memref<128xi32, #tpu.memory_space<hbm>>
    tpu.wait_dma2 semaphore(%arg7 : memref<!tpu.dma_semaphore, #tpu.memory_space<semaphore_mem>>) src(%dma_wait3A_44 : memref<128xi32, #tpu.memory_space<hbm>>) dst(%dma_wait3A_43 : memref<128xi32, #tpu.memory_space<vmem>>)
    %dma_start3A_45 = arith.constant 0 : i32
    %dma_start3A_46 = arith.constant 0 : i32
    %dma_start3A_47 = arith.constant 0 : i32
    %dma_start3A_48 = arith.constant 0 : i32
    %dma_start3A_49 = tpu.memref_slice %arg6[%dma_start3A_46, %dma_start3A_47, %dma_start3A_48] : memref<3x128x16xf32, #tpu.memory_space<vmem>> -> memref<1x128x16xf32, #tpu.memory_space<vmem>>
    %dma_start3A_50 = tpu.memref_squeeze %dma_start3A_49 : memref<1x128x16xf32, #tpu.memory_space<vmem>> -> memref<128x16xf32, #tpu.memory_space<vmem>>
    %dma_start3A_51 = arith.constant 0 : i32
    %dma_start3A_52 = tpu.memref_slice %arg5[%dma_start3A_45, %dma_start3A_51] : memref<3x128xi32, #tpu.memory_space<vmem>> -> memref<1x128xi32, #tpu.memory_space<vmem>>
    %dma_start3A_53 = tpu.memref_squeeze %dma_start3A_52 : memref<1x128xi32, #tpu.memory_space<vmem>> -> memref<128xi32, #tpu.memory_space<vmem>>
    %dma_start3A_54 = arith.constant 0 : i32
    %dma_start3A_55 = arith.constant 0 : i32
    %dma_start3A_56 = tpu.memref_slice %arg2[%dma_start3A_54, %dma_start3A_55] : memref<10000x16xf32, #tpu.memory_space<hbm>> -> memref<10000x16xf32, #tpu.memory_space<hbm>>
    tpu.enqueue_indirect_dma source(%dma_start3A_56 : memref<10000x16xf32, #tpu.memory_space<hbm>>) target(%dma_start3A_50 : memref<128x16xf32, #tpu.memory_space<vmem>>) offsets(%dma_start3A_53 : memref<128xi32, #tpu.memory_space<vmem>>) semaphore(%arg8 : memref<!tpu.dma_semaphore, #tpu.memory_space<semaphore_mem>>)
    %add3A_57 = arith.constant 128 : i32
    %add3A_58 = arith.addi %mul3A_2, %add3A_57 : i32
    %dma_wait3A_59 = arith.constant 1 : i32
    %dma_wait3A_60 = arith.constant 0 : i32
    %dma_wait3A_61 = tpu.memref_slice %arg5[%dma_wait3A_59, %dma_wait3A_60] : memref<3x128xi32, #tpu.memory_space<vmem>> -> memref<1x128xi32, #tpu.memory_space<vmem>>
    %dma_wait3A_62 = tpu.memref_squeeze %dma_wait3A_61 : memref<1x128xi32, #tpu.memory_space<vmem>> -> memref<128xi32, #tpu.memory_space<vmem>>
    %dma_wait3A_63 = tpu.memref_slice %arg3[%add3A_58] : memref<12288xi32, #tpu.memory_space<hbm>> -> memref<128xi32, #tpu.memory_space<hbm>>
    %dma_wait3A_64 = arith.constant 0 : i32
    %dma_wait3A_65 = tpu.memref_slice %arg5[%dma_wait3A_59, %dma_wait3A_64] : memref<3x128xi32, #tpu.memory_space<vmem>> -> memref<1x128xi32, #tpu.memory_space<vmem>>
    %dma_wait3A_66 = tpu.memref_squeeze %dma_wait3A_65 : memref<1x128xi32, #tpu.memory_space<vmem>> -> memref<128xi32, #tpu.memory_space<vmem>>
    %dma_wait3A_67 = tpu.memref_slice %arg3[%add3A_58] : memref<12288xi32, #tpu.memory_space<hbm>> -> memref<128xi32, #tpu.memory_space<hbm>>
    tpu.wait_dma2 semaphore(%arg7 : memref<!tpu.dma_semaphore, #tpu.memory_space<semaphore_mem>>) src(%dma_wait3A_67 : memref<128xi32, #tpu.memory_space<hbm>>) dst(%dma_wait3A_66 : memref<128xi32, #tpu.memory_space<vmem>>)
    %dma_start3A_68 = arith.constant 1 : i32
    %dma_start3A_69 = arith.constant 1 : i32
    %dma_start3A_70 = arith.constant 0 : i32
    %dma_start3A_71 = arith.constant 0 : i32
    %dma_start3A_72 = tpu.memref_slice %arg6[%dma_start3A_69, %dma_start3A_70, %dma_start3A_71] : memref<3x128x16xf32, #tpu.memory_space<vmem>> -> memref<1x128x16xf32, #tpu.memory_space<vmem>>
    %dma_start3A_73 = tpu.memref_squeeze %dma_start3A_72 : memref<1x128x16xf32, #tpu.memory_space<vmem>> -> memref<128x16xf32, #tpu.memory_space<vmem>>
    %dma_start3A_74 = arith.constant 0 : i32
    %dma_start3A_75 = tpu.memref_slice %arg5[%dma_start3A_68, %dma_start3A_74] : memref<3x128xi32, #tpu.memory_space<vmem>> -> memref<1x128xi32, #tpu.memory_space<vmem>>
    %dma_start3A_76 = tpu.memref_squeeze %dma_start3A_75 : memref<1x128xi32, #tpu.memory_space<vmem>> -> memref<128xi32, #tpu.memory_space<vmem>>
    %dma_start3A_77 = arith.constant 0 : i32
    %dma_start3A_78 = arith.constant 0 : i32
    %dma_start3A_79 = tpu.memref_slice %arg2[%dma_start3A_77, %dma_start3A_78] : memref<10000x16xf32, #tpu.memory_space<hbm>> -> memref<10000x16xf32, #tpu.memory_space<hbm>>
    tpu.enqueue_indirect_dma source(%dma_start3A_79 : memref<10000x16xf32, #tpu.memory_space<hbm>>) target(%dma_start3A_73 : memref<128x16xf32, #tpu.memory_space<vmem>>) offsets(%dma_start3A_76 : memref<128xi32, #tpu.memory_space<vmem>>) semaphore(%arg8 : memref<!tpu.dma_semaphore, #tpu.memory_space<semaphore_mem>>)
    %add3A_80 = arith.constant 256 : i32
    %add3A_81 = arith.addi %mul3A_2, %add3A_80 : i32
    %dma_wait3A_82 = arith.constant 2 : i32
    %dma_wait3A_83 = arith.constant 0 : i32
    %dma_wait3A_84 = tpu.memref_slice %arg5[%dma_wait3A_82, %dma_wait3A_83] : memref<3x128xi32, #tpu.memory_space<vmem>> -> memref<1x128xi32, #tpu.memory_space<vmem>>
    %dma_wait3A_85 = tpu.memref_squeeze %dma_wait3A_84 : memref<1x128xi32, #tpu.memory_space<vmem>> -> memref<128xi32, #tpu.memory_space<vmem>>
    %dma_wait3A_86 = tpu.memref_slice %arg3[%add3A_81] : memref<12288xi32, #tpu.memory_space<hbm>> -> memref<128xi32, #tpu.memory_space<hbm>>
    %dma_wait3A_87 = arith.constant 0 : i32
    %dma_wait3A_88 = tpu.memref_slice %arg5[%dma_wait3A_82, %dma_wait3A_87] : memref<3x128xi32, #tpu.memory_space<vmem>> -> memref<1x128xi32, #tpu.memory_space<vmem>>
    %dma_wait3A_89 = tpu.memref_squeeze %dma_wait3A_88 : memref<1x128xi32, #tpu.memory_space<vmem>> -> memref<128xi32, #tpu.memory_space<vmem>>
    %dma_wait3A_90 = tpu.memref_slice %arg3[%add3A_81] : memref<12288xi32, #tpu.memory_space<hbm>> -> memref<128xi32, #tpu.memory_space<hbm>>
    tpu.wait_dma2 semaphore(%arg7 : memref<!tpu.dma_semaphore, #tpu.memory_space<semaphore_mem>>) src(%dma_wait3A_90 : memref<128xi32, #tpu.memory_space<hbm>>) dst(%dma_wait3A_89 : memref<128xi32, #tpu.memory_space<vmem>>)
    %dma_start3A_91 = arith.constant 2 : i32
    %dma_start3A_92 = arith.constant 2 : i32
    %dma_start3A_93 = arith.constant 0 : i32
    %dma_start3A_94 = arith.constant 0 : i32
    %dma_start3A_95 = tpu.memref_slice %arg6[%dma_start3A_92, %dma_start3A_93, %dma_start3A_94] : memref<3x128x16xf32, #tpu.memory_space<vmem>> -> memref<1x128x16xf32, #tpu.memory_space<vmem>>
    %dma_start3A_96 = tpu.memref_squeeze %dma_start3A_95 : memref<1x128x16xf32, #tpu.memory_space<vmem>> -> memref<128x16xf32, #tpu.memory_space<vmem>>
    %dma_start3A_97 = arith.constant 0 : i32
    %dma_start3A_98 = tpu.memref_slice %arg5[%dma_start3A_91, %dma_start3A_97] : memref<3x128xi32, #tpu.memory_space<vmem>> -> memref<1x128xi32, #tpu.memory_space<vmem>>
    %dma_start3A_99 = tpu.memref_squeeze %dma_start3A_98 : memref<1x128xi32, #tpu.memory_space<vmem>> -> memref<128xi32, #tpu.memory_space<vmem>>
    %dma_start3A_100 = arith.constant 0 : i32
    %dma_start3A_101 = arith.constant 0 : i32
    %dma_start3A_102 = tpu.memref_slice %arg2[%dma_start3A_100, %dma_start3A_101] : memref<10000x16xf32, #tpu.memory_space<hbm>> -> memref<10000x16xf32, #tpu.memory_space<hbm>>
    tpu.enqueue_indirect_dma source(%dma_start3A_102 : memref<10000x16xf32, #tpu.memory_space<hbm>>) target(%dma_start3A_96 : memref<128x16xf32, #tpu.memory_space<vmem>>) offsets(%dma_start3A_99 : memref<128xi32, #tpu.memory_space<vmem>>) semaphore(%arg8 : memref<!tpu.dma_semaphore, #tpu.memory_space<semaphore_mem>>)
    %dma_wait3A_103 = arith.constant 0 : i32
    %dma_wait3A_104 = arith.constant 0 : i32
    %dma_wait3A_105 = arith.constant 0 : i32
    %dma_wait3A_106 = arith.constant 0 : i32
    %dma_wait3A_107 = tpu.memref_slice %arg6[%dma_wait3A_104, %dma_wait3A_105, %dma_wait3A_106] : memref<3x128x16xf32, #tpu.memory_space<vmem>> -> memref<1x128x16xf32, #tpu.memory_space<vmem>>
    %dma_wait3A_108 = tpu.memref_squeeze %dma_wait3A_107 : memref<1x128x16xf32, #tpu.memory_space<vmem>> -> memref<128x16xf32, #tpu.memory_space<vmem>>
    %dma_wait3A_109 = arith.constant 0 : i32
    %dma_wait3A_110 = tpu.memref_slice %arg5[%dma_wait3A_103, %dma_wait3A_109] : memref<3x128xi32, #tpu.memory_space<vmem>> -> memref<1x128xi32, #tpu.memory_space<vmem>>
    %dma_wait3A_111 = tpu.memref_squeeze %dma_wait3A_110 : memref<1x128xi32, #tpu.memory_space<vmem>> -> memref<128xi32, #tpu.memory_space<vmem>>
    %dma_wait3A_112 = arith.constant 0 : i32
    %dma_wait3A_113 = arith.constant 0 : i32
    %dma_wait3A_114 = tpu.memref_slice %arg2[%dma_wait3A_112, %dma_wait3A_113] : memref<10000x16xf32, #tpu.memory_space<hbm>> -> memref<10000x16xf32, #tpu.memory_space<hbm>>
    tpu.wait_indirect_dma semaphore(%arg8 : memref<!tpu.dma_semaphore, #tpu.memory_space<semaphore_mem>>) src(%dma_wait3A_114 : memref<10000x16xf32, #tpu.memory_space<hbm>>) dst(%dma_wait3A_108 : memref<128x16xf32, #tpu.memory_space<vmem>>)
    %add3A_115 = arith.constant 0 : i32
    %add3A_116 = arith.addi %mul3A_2, %add3A_115 : i32
    %dma_start3A_117 = arith.constant 0 : i32
    %dma_start3A_118 = arith.constant 0 : i32
    %dma_start3A_119 = arith.constant 0 : i32
    %dma_start3A_120 = tpu.memref_slice %arg6[%dma_start3A_117, %dma_start3A_118, %dma_start3A_119] : memref<3x128x16xf32, #tpu.memory_space<vmem>> -> memref<1x128x16xf32, #tpu.memory_space<vmem>>
    %dma_start3A_121 = tpu.memref_squeeze %dma_start3A_120 : memref<1x128x16xf32, #tpu.memory_space<vmem>> -> memref<128x16xf32, #tpu.memory_space<vmem>>
    %dma_start3A_122 = arith.constant 0 : i32
    %dma_start3A_123 = tpu.memref_slice %arg4[%add3A_116, %dma_start3A_122] : memref<12288x16xf32, #tpu.memory_space<hbm>> -> memref<128x16xf32, #tpu.memory_space<hbm>>
    %dma_start3A_124 = arith.constant 0 : i32
    %dma_start3A_125 = tpu.memref_slice %arg4[%add3A_116, %dma_start3A_124] : memref<12288x16xf32, #tpu.memory_space<hbm>> -> memref<128x16xf32, #tpu.memory_space<hbm>>
    %dma_start3A_126 = arith.constant 0 : i32
    %dma_start3A_127 = arith.constant 0 : i32
    %dma_start3A_128 = tpu.memref_slice %arg6[%dma_start3A_117, %dma_start3A_126, %dma_start3A_127] : memref<3x128x16xf32, #tpu.memory_space<vmem>> -> memref<1x128x16xf32, #tpu.memory_space<vmem>>
    %dma_start3A_129 = tpu.memref_squeeze %dma_start3A_128 : memref<1x128x16xf32, #tpu.memory_space<vmem>> -> memref<128x16xf32, #tpu.memory_space<vmem>>
    tpu.enqueue_dma source(%dma_start3A_129 : memref<128x16xf32, #tpu.memory_space<vmem>>) target(%dma_start3A_125 : memref<128x16xf32, #tpu.memory_space<hbm>>) target_semaphore(%arg7 : memref<!tpu.dma_semaphore, #tpu.memory_space<semaphore_mem>>)
    %dma_wait3A_130 = arith.constant 1 : i32
    %dma_wait3A_131 = arith.constant 1 : i32
    %dma_wait3A_132 = arith.constant 0 : i32
    %dma_wait3A_133 = arith.constant 0 : i32
    %dma_wait3A_134 = tpu.memref_slice %arg6[%dma_wait3A_131, %dma_wait3A_132, %dma_wait3A_133] : memref<3x128x16xf32, #tpu.memory_space<vmem>> -> memref<1x128x16xf32, #tpu.memory_space<vmem>>
    %dma_wait3A_135 = tpu.memref_squeeze %dma_wait3A_134 : memref<1x128x16xf32, #tpu.memory_space<vmem>> -> memref<128x16xf32, #tpu.memory_space<vmem>>
    %dma_wait3A_136 = arith.constant 0 : i32
    %dma_wait3A_137 = tpu.memref_slice %arg5[%dma_wait3A_130, %dma_wait3A_136] : memref<3x128xi32, #tpu.memory_space<vmem>> -> memref<1x128xi32, #tpu.memory_space<vmem>>
    %dma_wait3A_138 = tpu.memref_squeeze %dma_wait3A_137 : memref<1x128xi32, #tpu.memory_space<vmem>> -> memref<128xi32, #tpu.memory_space<vmem>>
    %dma_wait3A_139 = arith.constant 0 : i32
    %dma_wait3A_140 = arith.constant 0 : i32
    %dma_wait3A_141 = tpu.memref_slice %arg2[%dma_wait3A_139, %dma_wait3A_140] : memref<10000x16xf32, #tpu.memory_space<hbm>> -> memref<10000x16xf32, #tpu.memory_space<hbm>>
    tpu.wait_indirect_dma semaphore(%arg8 : memref<!tpu.dma_semaphore, #tpu.memory_space<semaphore_mem>>) src(%dma_wait3A_141 : memref<10000x16xf32, #tpu.memory_space<hbm>>) dst(%dma_wait3A_135 : memref<128x16xf32, #tpu.memory_space<vmem>>)
    %add3A_142 = arith.constant 128 : i32
    %add3A_143 = arith.addi %mul3A_2, %add3A_142 : i32
    %dma_start3A_144 = arith.constant 1 : i32
    %dma_start3A_145 = arith.constant 0 : i32
    %dma_start3A_146 = arith.constant 0 : i32
    %dma_start3A_147 = tpu.memref_slice %arg6[%dma_start3A_144, %dma_start3A_145, %dma_start3A_146] : memref<3x128x16xf32, #tpu.memory_space<vmem>> -> memref<1x128x16xf32, #tpu.memory_space<vmem>>
    %dma_start3A_148 = tpu.memref_squeeze %dma_start3A_147 : memref<1x128x16xf32, #tpu.memory_space<vmem>> -> memref<128x16xf32, #tpu.memory_space<vmem>>
    %dma_start3A_149 = arith.constant 0 : i32
    %dma_start3A_150 = tpu.memref_slice %arg4[%add3A_143, %dma_start3A_149] : memref<12288x16xf32, #tpu.memory_space<hbm>> -> memref<128x16xf32, #tpu.memory_space<hbm>>
    %dma_start3A_151 = arith.constant 0 : i32
    %dma_start3A_152 = tpu.memref_slice %arg4[%add3A_143, %dma_start3A_151] : memref<12288x16xf32, #tpu.memory_space<hbm>> -> memref<128x16xf32, #tpu.memory_space<hbm>>
    %dma_start3A_153 = arith.constant 0 : i32
    %dma_start3A_154 = arith.constant 0 : i32
    %dma_start3A_155 = tpu.memref_slice %arg6[%dma_start3A_144, %dma_start3A_153, %dma_start3A_154] : memref<3x128x16xf32, #tpu.memory_space<vmem>> -> memref<1x128x16xf32, #tpu.memory_space<vmem>>
    %dma_start3A_156 = tpu.memref_squeeze %dma_start3A_155 : memref<1x128x16xf32, #tpu.memory_space<vmem>> -> memref<128x16xf32, #tpu.memory_space<vmem>>
    tpu.enqueue_dma source(%dma_start3A_156 : memref<128x16xf32, #tpu.memory_space<vmem>>) target(%dma_start3A_152 : memref<128x16xf32, #tpu.memory_space<hbm>>) target_semaphore(%arg7 : memref<!tpu.dma_semaphore, #tpu.memory_space<semaphore_mem>>)
    %dma_wait3A_157 = arith.constant 2 : i32
    %dma_wait3A_158 = arith.constant 2 : i32
    %dma_wait3A_159 = arith.constant 0 : i32
    %dma_wait3A_160 = arith.constant 0 : i32
    %dma_wait3A_161 = tpu.memref_slice %arg6[%dma_wait3A_158, %dma_wait3A_159, %dma_wait3A_160] : memref<3x128x16xf32, #tpu.memory_space<vmem>> -> memref<1x128x16xf32, #tpu.memory_space<vmem>>
    %dma_wait3A_162 = tpu.memref_squeeze %dma_wait3A_161 : memref<1x128x16xf32, #tpu.memory_space<vmem>> -> memref<128x16xf32, #tpu.memory_space<vmem>>
    %dma_wait3A_163 = arith.constant 0 : i32
    %dma_wait3A_164 = tpu.memref_slice %arg5[%dma_wait3A_157, %dma_wait3A_163] : memref<3x128xi32, #tpu.memory_space<vmem>> -> memref<1x128xi32, #tpu.memory_space<vmem>>
    %dma_wait3A_165 = tpu.memref_squeeze %dma_wait3A_164 : memref<1x128xi32, #tpu.memory_space<vmem>> -> memref<128xi32, #tpu.memory_space<vmem>>
    %dma_wait3A_166 = arith.constant 0 : i32
    %dma_wait3A_167 = arith.constant 0 : i32
    %dma_wait3A_168 = tpu.memref_slice %arg2[%dma_wait3A_166, %dma_wait3A_167] : memref<10000x16xf32, #tpu.memory_space<hbm>> -> memref<10000x16xf32, #tpu.memory_space<hbm>>
    tpu.wait_indirect_dma semaphore(%arg8 : memref<!tpu.dma_semaphore, #tpu.memory_space<semaphore_mem>>) src(%dma_wait3A_168 : memref<10000x16xf32, #tpu.memory_space<hbm>>) dst(%dma_wait3A_162 : memref<128x16xf32, #tpu.memory_space<vmem>>)
    %add3A_169 = arith.constant 256 : i32
    %add3A_170 = arith.addi %mul3A_2, %add3A_169 : i32
    %dma_start3A_171 = arith.constant 2 : i32
    %dma_start3A_172 = arith.constant 0 : i32
    %dma_start3A_173 = arith.constant 0 : i32
    %dma_start3A_174 = tpu.memref_slice %arg6[%dma_start3A_171, %dma_start3A_172, %dma_start3A_173] : memref<3x128x16xf32, #tpu.memory_space<vmem>> -> memref<1x128x16xf32, #tpu.memory_space<vmem>>
    %dma_start3A_175 = tpu.memref_squeeze %dma_start3A_174 : memref<1x128x16xf32, #tpu.memory_space<vmem>> -> memref<128x16xf32, #tpu.memory_space<vmem>>
    %dma_start3A_176 = arith.constant 0 : i32
    %dma_start3A_177 = tpu.memref_slice %arg4[%add3A_170, %dma_start3A_176] : memref<12288x16xf32, #tpu.memory_space<hbm>> -> memref<128x16xf32, #tpu.memory_space<hbm>>
    %dma_start3A_178 = arith.constant 0 : i32
    %dma_start3A_179 = tpu.memref_slice %arg4[%add3A_170, %dma_start3A_178] : memref<12288x16xf32, #tpu.memory_space<hbm>> -> memref<128x16xf32, #tpu.memory_space<hbm>>
    %dma_start3A_180 = arith.constant 0 : i32
    %dma_start3A_181 = arith.constant 0 : i32
    %dma_start3A_182 = tpu.memref_slice %arg6[%dma_start3A_171, %dma_start3A_180, %dma_start3A_181] : memref<3x128x16xf32, #tpu.memory_space<vmem>> -> memref<1x128x16xf32, #tpu.memory_space<vmem>>
    %dma_start3A_183 = tpu.memref_squeeze %dma_start3A_182 : memref<1x128x16xf32, #tpu.memory_space<vmem>> -> memref<128x16xf32, #tpu.memory_space<vmem>>
    tpu.enqueue_dma source(%dma_start3A_183 : memref<128x16xf32, #tpu.memory_space<vmem>>) target(%dma_start3A_179 : memref<128x16xf32, #tpu.memory_space<hbm>>) target_semaphore(%arg7 : memref<!tpu.dma_semaphore, #tpu.memory_space<semaphore_mem>>)
    %add3A_184 = arith.constant 0 : i32
    %add3A_185 = arith.addi %mul3A_2, %add3A_184 : i32
    %dma_wait3A_186 = arith.constant 0 : i32
    %dma_wait3A_187 = arith.constant 0 : i32
    %dma_wait3A_188 = arith.constant 0 : i32
    %dma_wait3A_189 = tpu.memref_slice %arg6[%dma_wait3A_186, %dma_wait3A_187, %dma_wait3A_188] : memref<3x128x16xf32, #tpu.memory_space<vmem>> -> memref<1x128x16xf32, #tpu.memory_space<vmem>>
    %dma_wait3A_190 = tpu.memref_squeeze %dma_wait3A_189 : memref<1x128x16xf32, #tpu.memory_space<vmem>> -> memref<128x16xf32, #tpu.memory_space<vmem>>
    %dma_wait3A_191 = arith.constant 0 : i32
    %dma_wait3A_192 = tpu.memref_slice %arg4[%add3A_185, %dma_wait3A_191] : memref<12288x16xf32, #tpu.memory_space<hbm>> -> memref<128x16xf32, #tpu.memory_space<hbm>>
    %dma_wait3A_193 = arith.constant 0 : i32
    %dma_wait3A_194 = tpu.memref_slice %arg4[%add3A_185, %dma_wait3A_193] : memref<12288x16xf32, #tpu.memory_space<hbm>> -> memref<128x16xf32, #tpu.memory_space<hbm>>
    %dma_wait3A_195 = arith.constant 0 : i32
    %dma_wait3A_196 = arith.constant 0 : i32
    %dma_wait3A_197 = tpu.memref_slice %arg6[%dma_wait3A_186, %dma_wait3A_195, %dma_wait3A_196] : memref<3x128x16xf32, #tpu.memory_space<vmem>> -> memref<1x128x16xf32, #tpu.memory_space<vmem>>
    %dma_wait3A_198 = tpu.memref_squeeze %dma_wait3A_197 : memref<1x128x16xf32, #tpu.memory_space<vmem>> -> memref<128x16xf32, #tpu.memory_space<vmem>>
    tpu.wait_dma2 semaphore(%arg7 : memref<!tpu.dma_semaphore, #tpu.memory_space<semaphore_mem>>) src(%dma_wait3A_198 : memref<128x16xf32, #tpu.memory_space<vmem>>) dst(%dma_wait3A_194 : memref<128x16xf32, #tpu.memory_space<hbm>>)
    %add3A_199 = arith.constant 128 : i32
    %add3A_200 = arith.addi %mul3A_2, %add3A_199 : i32
    %dma_wait3A_201 = arith.constant 1 : i32
    %dma_wait3A_202 = arith.constant 0 : i32
    %dma_wait3A_203 = arith.constant 0 : i32
    %dma_wait3A_204 = tpu.memref_slice %arg6[%dma_wait3A_201, %dma_wait3A_202, %dma_wait3A_203] : memref<3x128x16xf32, #tpu.memory_space<vmem>> -> memref<1x128x16xf32, #tpu.memory_space<vmem>>
    %dma_wait3A_205 = tpu.memref_squeeze %dma_wait3A_204 : memref<1x128x16xf32, #tpu.memory_space<vmem>> -> memref<128x16xf32, #tpu.memory_space<vmem>>
    %dma_wait3A_206 = arith.constant 0 : i32
    %dma_wait3A_207 = tpu.memref_slice %arg4[%add3A_200, %dma_wait3A_206] : memref<12288x16xf32, #tpu.memory_space<hbm>> -> memref<128x16xf32, #tpu.memory_space<hbm>>
    %dma_wait3A_208 = arith.constant 0 : i32
    %dma_wait3A_209 = tpu.memref_slice %arg4[%add3A_200, %dma_wait3A_208] : memref<12288x16xf32, #tpu.memory_space<hbm>> -> memref<128x16xf32, #tpu.memory_space<hbm>>
    %dma_wait3A_210 = arith.constant 0 : i32
    %dma_wait3A_211 = arith.constant 0 : i32
    %dma_wait3A_212 = tpu.memref_slice %arg6[%dma_wait3A_201, %dma_wait3A_210, %dma_wait3A_211] : memref<3x128x16xf32, #tpu.memory_space<vmem>> -> memref<1x128x16xf32, #tpu.memory_space<vmem>>
    %dma_wait3A_213 = tpu.memref_squeeze %dma_wait3A_212 : memref<1x128x16xf32, #tpu.memory_space<vmem>> -> memref<128x16xf32, #tpu.memory_space<vmem>>
    tpu.wait_dma2 semaphore(%arg7 : memref<!tpu.dma_semaphore, #tpu.memory_space<semaphore_mem>>) src(%dma_wait3A_213 : memref<128x16xf32, #tpu.memory_space<vmem>>) dst(%dma_wait3A_209 : memref<128x16xf32, #tpu.memory_space<hbm>>)
    %add3A_214 = arith.constant 256 : i32
    %add3A_215 = arith.addi %mul3A_2, %add3A_214 : i32
    %dma_wait3A_216 = arith.constant 2 : i32
    %dma_wait3A_217 = arith.constant 0 : i32
    %dma_wait3A_218 = arith.constant 0 : i32
    %dma_wait3A_219 = tpu.memref_slice %arg6[%dma_wait3A_216, %dma_wait3A_217, %dma_wait3A_218] : memref<3x128x16xf32, #tpu.memory_space<vmem>> -> memref<1x128x16xf32, #tpu.memory_space<vmem>>
    %dma_wait3A_220 = tpu.memref_squeeze %dma_wait3A_219 : memref<1x128x16xf32, #tpu.memory_space<vmem>> -> memref<128x16xf32, #tpu.memory_space<vmem>>
    %dma_wait3A_221 = arith.constant 0 : i32
    %dma_wait3A_222 = tpu.memref_slice %arg4[%add3A_215, %dma_wait3A_221] : memref<12288x16xf32, #tpu.memory_space<hbm>> -> memref<128x16xf32, #tpu.memory_space<hbm>>
    %dma_wait3A_223 = arith.constant 0 : i32
    %dma_wait3A_224 = tpu.memref_slice %arg4[%add3A_215, %dma_wait3A_223] : memref<12288x16xf32, #tpu.memory_space<hbm>> -> memref<128x16xf32, #tpu.memory_space<hbm>>
    %dma_wait3A_225 = arith.constant 0 : i32
    %dma_wait3A_226 = arith.constant 0 : i32
    %dma_wait3A_227 = tpu.memref_slice %arg6[%dma_wait3A_216, %dma_wait3A_225, %dma_wait3A_226] : memref<3x128x16xf32, #tpu.memory_space<vmem>> -> memref<1x128x16xf32, #tpu.memory_space<vmem>>
    %dma_wait3A_228 = tpu.memref_squeeze %dma_wait3A_227 : memref<1x128x16xf32, #tpu.memory_space<vmem>> -> memref<128x16xf32, #tpu.memory_space<vmem>>
    tpu.wait_dma2 semaphore(%arg7 : memref<!tpu.dma_semaphore, #tpu.memory_space<semaphore_mem>>) src(%dma_wait3A_228 : memref<128x16xf32, #tpu.memory_space<vmem>>) dst(%dma_wait3A_224 : memref<128x16xf32, #tpu.memory_space<hbm>>)
    return
  }
}

#map = affine_map<(d0, d1) -> (0, 0)>
#map1 = affine_map<(d0, d1) -> (0, 0, 0)>
module attributes {stable_mosaic.version = 14 : i64} {
  func.func @edge_pass(%arg0: i32, %arg1: i32, %arg2: memref<10000x16xf32, #tpu.memory_space<hbm>>, %arg3: memref<2592x128xi32, #tpu.memory_space<hbm>>, %arg4: memref<2592x128xi32, #tpu.memory_space<hbm>>, %arg5: memref<864x384xf32, #tpu.memory_space<hbm>>, %arg6: memref<2x10240x16xf32, #tpu.memory_space<hbm>>, %arg7: memref<3x3x128xi32, #tpu.memory_space<vmem>>, %arg8: memref<3x3x128xi32, #tpu.memory_space<vmem>>, %arg9: memref<3x384xf32, #tpu.memory_space<vmem>>, %arg10: memref<3x384x16xf32, #tpu.memory_space<vmem>>, %arg11: memref<10240x16xf32, #tpu.memory_space<vmem_shared>>, %arg12: memref<!tpu.dma_semaphore, #tpu.memory_space<semaphore_mem>>, %arg13: memref<!tpu.dma_semaphore, #tpu.memory_space<semaphore_mem>>, %arg14: memref<!tpu.dma_semaphore, #tpu.memory_space<semaphore_mem>>) attributes {dimension_semantics = [#tpu.dimension_semantics<core_parallel>, #tpu.dimension_semantics<subcore_parallel>], iteration_bounds = array<i64: 2, 16>, scalar_prefetch = 0 : i64, scratch_operands = 8 : i64, tpu.core_type = #tpu.core_type<sc_vector_subcore>, window_params = [{transform_indices = #map}, {transform_indices = #map}, {transform_indices = #map}, {transform_indices = #map}, {transform_indices = #map1}]} {
    %mul3A = arith.constant 2 : i32
    %mul3A_0 = arith.muli %arg1, %mul3A : i32
    %add3A = arith.addi %mul3A_0, %arg0 : i32
    %mul3A_1 = arith.constant 81 : i32
    %mul3A_2 = arith.muli %add3A, %mul3A_1 : i32
    %scan3A = arith.constant 0 : i32
    %scan3A_3 = arith.constant 0 : i32
    %scan3A_4 = arith.constant 384 : i32
    %scan3A_5 = arith.addi %scan3A_3, %scan3A_4 : i32
    %scan3A_6 = arith.constant 1 : i32
    scf.for %scan3A_225 = %scan3A_3 to %scan3A_5 step %scan3A_6  : i32 {
      %broadcast_in_dim3A = arith.constant 0.000000e+00 : f32
      %broadcast_in_dim3A_226 = vector.broadcast %broadcast_in_dim3A : f32 to vector<16xf32>
      %swap3A = arith.constant 0 : i32
      %swap3A_227 = arith.index_cast %swap3A : i32 to index
      %swap3A_228 = arith.index_cast %scan3A_225 : i32 to index
      %swap3A_229 = arith.constant 0 : index
      %swap3A_230 = tpu.vector_load %arg10[%swap3A_227, %swap3A_228, %swap3A_229] {strides = array<i32>} : memref<3x384x16xf32, #tpu.memory_space<vmem>>, vector<1x1x16xf32>,
      %swap3A_231 = vector.shape_cast %swap3A_230 : vector<1x1x16xf32> to vector<16xf32>
      %swap3A_232 = vector.shape_cast %broadcast_in_dim3A_226 : vector<16xf32> to vector<1x1x16xf32>
      tpu.vector_store %arg10[%swap3A_227, %swap3A_228, %swap3A_229], %swap3A_232 {strides = array<i32>} : memref<3x384x16xf32, #tpu.memory_space<vmem>>, vector<1x1x16xf32>,
    }
    %scan3A_7 = arith.constant 384 : i32
    %mul3A_8 = arith.constant 640 : i32
    %mul3A_9 = arith.muli %arg1, %mul3A_8 : i32
    %run_scoped3A = arith.constant 0 : i32
    "tpu.region"() ({
      %run_scoped3A_225 = tpu.sem_alloc : memref<!tpu.dma_semaphore, #tpu.memory_space<semaphore_mem>>
      %dma_start3A_226 = arith.constant 0 : i32
      %dma_start3A_227 = arith.constant 0 : i32
      %dma_start3A_228 = tpu.memref_slice %arg10[%run_scoped3A, %dma_start3A_226, %dma_start3A_227] : memref<3x384x16xf32, #tpu.memory_space<vmem>> -> memref<1x384x16xf32, #tpu.memory_space<vmem>>
      %dma_start3A_229 = tpu.memref_squeeze %dma_start3A_228 : memref<1x384x16xf32, #tpu.memory_space<vmem>> -> memref<384x16xf32, #tpu.memory_space<vmem>>
      %dma_start3A_230 = arith.constant 0 : i32
      %dma_start3A_231 = tpu.memref_slice %arg11[%mul3A_9, %dma_start3A_230] : memref<10240x16xf32, #tpu.memory_space<vmem_shared>> -> memref<384x16xf32, #tpu.memory_space<vmem_shared>>
      %dma_start3A_232 = arith.constant 0 : i32
      %dma_start3A_233 = tpu.memref_slice %arg11[%mul3A_9, %dma_start3A_232] : memref<10240x16xf32, #tpu.memory_space<vmem_shared>> -> memref<384x16xf32, #tpu.memory_space<vmem_shared>>
      %dma_start3A_234 = arith.constant 0 : i32
      %dma_start3A_235 = arith.constant 0 : i32
      %dma_start3A_236 = tpu.memref_slice %arg10[%run_scoped3A, %dma_start3A_234, %dma_start3A_235] : memref<3x384x16xf32, #tpu.memory_space<vmem>> -> memref<1x384x16xf32, #tpu.memory_space<vmem>>
      %dma_start3A_237 = tpu.memref_squeeze %dma_start3A_236 : memref<1x384x16xf32, #tpu.memory_space<vmem>> -> memref<384x16xf32, #tpu.memory_space<vmem>>
      tpu.enqueue_dma source(%dma_start3A_237 : memref<384x16xf32, #tpu.memory_space<vmem>>) target(%dma_start3A_233 : memref<384x16xf32, #tpu.memory_space<vmem_shared>>) target_semaphore(%run_scoped3A_225 : memref<!tpu.dma_semaphore, #tpu.memory_space<semaphore_mem>>)
      %dma_wait3A_238 = arith.constant 0 : i32
      %dma_wait3A_239 = arith.constant 0 : i32
      %dma_wait3A_240 = tpu.memref_slice %arg10[%run_scoped3A, %dma_wait3A_238, %dma_wait3A_239] : memref<3x384x16xf32, #tpu.memory_space<vmem>> -> memref<1x384x16xf32, #tpu.memory_space<vmem>>
      %dma_wait3A_241 = tpu.memref_squeeze %dma_wait3A_240 : memref<1x384x16xf32, #tpu.memory_space<vmem>> -> memref<384x16xf32, #tpu.memory_space<vmem>>
      %dma_wait3A_242 = arith.constant 0 : i32
      %dma_wait3A_243 = tpu.memref_slice %arg11[%mul3A_9, %dma_wait3A_242] : memref<10240x16xf32, #tpu.memory_space<vmem_shared>> -> memref<384x16xf32, #tpu.memory_space<vmem_shared>>
      %dma_wait3A_244 = arith.constant 0 : i32
      %dma_wait3A_245 = tpu.memref_slice %arg11[%mul3A_9, %dma_wait3A_244] : memref<10240x16xf32, #tpu.memory_space<vmem_shared>> -> memref<384x16xf32, #tpu.memory_space<vmem_shared>>
      %dma_wait3A_246 = arith.constant 0 : i32
      %dma_wait3A_247 = arith.constant 0 : i32
      %dma_wait3A_248 = tpu.memref_slice %arg10[%run_scoped3A, %dma_wait3A_246, %dma_wait3A_247] : memref<3x384x16xf32, #tpu.memory_space<vmem>> -> memref<1x384x16xf32, #tpu.memory_space<vmem>>
      %dma_wait3A_249 = tpu.memref_squeeze %dma_wait3A_248 : memref<1x384x16xf32, #tpu.memory_space<vmem>> -> memref<384x16xf32, #tpu.memory_space<vmem>>
      tpu.wait_dma2 semaphore(%run_scoped3A_225 : memref<!tpu.dma_semaphore, #tpu.memory_space<semaphore_mem>>) src(%dma_wait3A_249 : memref<384x16xf32, #tpu.memory_space<vmem>>) dst(%dma_wait3A_245 : memref<384x16xf32, #tpu.memory_space<vmem_shared>>)
      tpu.yield
    }) : () -> ()
    %add3A_10 = arith.constant 384 : i32
    %add3A_11 = arith.addi %mul3A_9, %add3A_10 : i32
    %run_scoped3A_12 = arith.constant 0 : i32
    "tpu.region"() ({
      %run_scoped3A_225 = tpu.sem_alloc : memref<!tpu.dma_semaphore, #tpu.memory_space<semaphore_mem>>
      %dma_start3A_226 = arith.constant 0 : i32
      %dma_start3A_227 = arith.constant 0 : i32
      %dma_start3A_228 = tpu.memref_slice %arg10[%run_scoped3A_12, %dma_start3A_226, %dma_start3A_227] : memref<3x384x16xf32, #tpu.memory_space<vmem>> -> memref<1x256x16xf32, #tpu.memory_space<vmem>>
      %dma_start3A_229 = tpu.memref_squeeze %dma_start3A_228 : memref<1x256x16xf32, #tpu.memory_space<vmem>> -> memref<256x16xf32, #tpu.memory_space<vmem>>
      %dma_start3A_230 = arith.constant 0 : i32
      %dma_start3A_231 = tpu.memref_slice %arg11[%add3A_11, %dma_start3A_230] : memref<10240x16xf32, #tpu.memory_space<vmem_shared>> -> memref<256x16xf32, #tpu.memory_space<vmem_shared>>
      %dma_start3A_232 = arith.constant 0 : i32
      %dma_start3A_233 = tpu.memref_slice %arg11[%add3A_11, %dma_start3A_232] : memref<10240x16xf32, #tpu.memory_space<vmem_shared>> -> memref<256x16xf32, #tpu.memory_space<vmem_shared>>
      %dma_start3A_234 = arith.constant 0 : i32
      %dma_start3A_235 = arith.constant 0 : i32
      %dma_start3A_236 = tpu.memref_slice %arg10[%run_scoped3A_12, %dma_start3A_234, %dma_start3A_235] : memref<3x384x16xf32, #tpu.memory_space<vmem>> -> memref<1x256x16xf32, #tpu.memory_space<vmem>>
      %dma_start3A_237 = tpu.memref_squeeze %dma_start3A_236 : memref<1x256x16xf32, #tpu.memory_space<vmem>> -> memref<256x16xf32, #tpu.memory_space<vmem>>
      tpu.enqueue_dma source(%dma_start3A_237 : memref<256x16xf32, #tpu.memory_space<vmem>>) target(%dma_start3A_233 : memref<256x16xf32, #tpu.memory_space<vmem_shared>>) target_semaphore(%run_scoped3A_225 : memref<!tpu.dma_semaphore, #tpu.memory_space<semaphore_mem>>)
      %dma_wait3A_238 = arith.constant 0 : i32
      %dma_wait3A_239 = arith.constant 0 : i32
      %dma_wait3A_240 = tpu.memref_slice %arg10[%run_scoped3A_12, %dma_wait3A_238, %dma_wait3A_239] : memref<3x384x16xf32, #tpu.memory_space<vmem>> -> memref<1x256x16xf32, #tpu.memory_space<vmem>>
      %dma_wait3A_241 = tpu.memref_squeeze %dma_wait3A_240 : memref<1x256x16xf32, #tpu.memory_space<vmem>> -> memref<256x16xf32, #tpu.memory_space<vmem>>
      %dma_wait3A_242 = arith.constant 0 : i32
      %dma_wait3A_243 = tpu.memref_slice %arg11[%add3A_11, %dma_wait3A_242] : memref<10240x16xf32, #tpu.memory_space<vmem_shared>> -> memref<256x16xf32, #tpu.memory_space<vmem_shared>>
      %dma_wait3A_244 = arith.constant 0 : i32
      %dma_wait3A_245 = tpu.memref_slice %arg11[%add3A_11, %dma_wait3A_244] : memref<10240x16xf32, #tpu.memory_space<vmem_shared>> -> memref<256x16xf32, #tpu.memory_space<vmem_shared>>
      %dma_wait3A_246 = arith.constant 0 : i32
      %dma_wait3A_247 = arith.constant 0 : i32
      %dma_wait3A_248 = tpu.memref_slice %arg10[%run_scoped3A_12, %dma_wait3A_246, %dma_wait3A_247] : memref<3x384x16xf32, #tpu.memory_space<vmem>> -> memref<1x256x16xf32, #tpu.memory_space<vmem>>
      %dma_wait3A_249 = tpu.memref_squeeze %dma_wait3A_248 : memref<1x256x16xf32, #tpu.memory_space<vmem>> -> memref<256x16xf32, #tpu.memory_space<vmem>>
      tpu.wait_dma2 semaphore(%run_scoped3A_225 : memref<!tpu.dma_semaphore, #tpu.memory_space<semaphore_mem>>) src(%dma_wait3A_249 : memref<256x16xf32, #tpu.memory_space<vmem>>) dst(%dma_wait3A_245 : memref<256x16xf32, #tpu.memory_space<vmem_shared>>)
      tpu.yield
    }) : () -> ()
    %barrier3A = arith.constant 0 : index
    tpu.barrier barrier_id(%barrier3A)
    %add3A_13 = arith.constant 0 : i32
    %add3A_14 = arith.addi %mul3A_2, %add3A_13 : i32
    %dma_start3A = arith.constant 0 : i32
    %dma_start3A_15 = arith.constant 0 : i32
    %dma_start3A_16 = arith.constant 0 : i32
    %dma_start3A_17 = tpu.memref_slice %arg7[%dma_start3A, %dma_start3A_15, %dma_start3A_16] : memref<3x3x128xi32, #tpu.memory_space<vmem>> -> memref<1x3x128xi32, #tpu.memory_space<vmem>>
    %dma_start3A_18 = tpu.memref_squeeze %dma_start3A_17 : memref<1x3x128xi32, #tpu.memory_space<vmem>> -> memref<3x128xi32, #tpu.memory_space<vmem>>
    %dma_start3A_19 = arith.constant 0 : i32
    %dma_start3A_20 = tpu.memref_slice %arg3[%add3A_14, %dma_start3A_19] : memref<2592x128xi32, #tpu.memory_space<hbm>> -> memref<3x128xi32, #tpu.memory_space<hbm>>
    %dma_start3A_21 = arith.constant 0 : i32
    %dma_start3A_22 = arith.constant 0 : i32
    %dma_start3A_23 = tpu.memref_slice %arg7[%dma_start3A, %dma_start3A_21, %dma_start3A_22] : memref<3x3x128xi32, #tpu.memory_space<vmem>> -> memref<1x3x128xi32, #tpu.memory_space<vmem>>
    %dma_start3A_24 = tpu.memref_squeeze %dma_start3A_23 : memref<1x3x128xi32, #tpu.memory_space<vmem>> -> memref<3x128xi32, #tpu.memory_space<vmem>>
    %dma_start3A_25 = arith.constant 0 : i32
    %dma_start3A_26 = tpu.memref_slice %arg3[%add3A_14, %dma_start3A_25] : memref<2592x128xi32, #tpu.memory_space<hbm>> -> memref<3x128xi32, #tpu.memory_space<hbm>>
    tpu.enqueue_dma source(%dma_start3A_26 : memref<3x128xi32, #tpu.memory_space<hbm>>) target(%dma_start3A_24 : memref<3x128xi32, #tpu.memory_space<vmem>>) target_semaphore(%arg12 : memref<!tpu.dma_semaphore, #tpu.memory_space<semaphore_mem>>)
    %dma_start3A_27 = arith.constant 0 : i32
    %dma_start3A_28 = arith.constant 0 : i32
    %dma_start3A_29 = arith.constant 0 : i32
    %dma_start3A_30 = tpu.memref_slice %arg8[%dma_start3A_27, %dma_start3A_28, %dma_start3A_29] : memref<3x3x128xi32, #tpu.memory_space<vmem>> -> memref<1x3x128xi32, #tpu.memory_space<vmem>>
    %dma_start3A_31 = tpu.memref_squeeze %dma_start3A_30 : memref<1x3x128xi32, #tpu.memory_space<vmem>> -> memref<3x128xi32, #tpu.memory_space<vmem>>
    %dma_start3A_32 = arith.constant 0 : i32
    %dma_start3A_33 = tpu.memref_slice %arg4[%add3A_14, %dma_start3A_32] : memref<2592x128xi32, #tpu.memory_space<hbm>> -> memref<3x128xi32, #tpu.memory_space<hbm>>
    %dma_start3A_34 = arith.constant 0 : i32
    %dma_start3A_35 = arith.constant 0 : i32
    %dma_start3A_36 = tpu.memref_slice %arg8[%dma_start3A_27, %dma_start3A_34, %dma_start3A_35] : memref<3x3x128xi32, #tpu.memory_space<vmem>> -> memref<1x3x128xi32, #tpu.memory_space<vmem>>
    %dma_start3A_37 = tpu.memref_squeeze %dma_start3A_36 : memref<1x3x128xi32, #tpu.memory_space<vmem>> -> memref<3x128xi32, #tpu.memory_space<vmem>>
    %dma_start3A_38 = arith.constant 0 : i32
    %dma_start3A_39 = tpu.memref_slice %arg4[%add3A_14, %dma_start3A_38] : memref<2592x128xi32, #tpu.memory_space<hbm>> -> memref<3x128xi32, #tpu.memory_space<hbm>>
    tpu.enqueue_dma source(%dma_start3A_39 : memref<3x128xi32, #tpu.memory_space<hbm>>) target(%dma_start3A_37 : memref<3x128xi32, #tpu.memory_space<vmem>>) target_semaphore(%arg12 : memref<!tpu.dma_semaphore, #tpu.memory_space<semaphore_mem>>)
    %mul3A_40 = arith.constant 27 : i32
    %mul3A_41 = arith.muli %add3A, %mul3A_40 : i32
    %add3A_42 = arith.constant 0 : i32
    %add3A_43 = arith.addi %mul3A_41, %add3A_42 : i32
    %dma_start3A_44 = arith.constant 0 : i32
    %dma_start3A_45 = arith.constant 0 : i32
    %dma_start3A_46 = tpu.memref_slice %arg9[%dma_start3A_44, %dma_start3A_45] : memref<3x384xf32, #tpu.memory_space<vmem>> -> memref<1x384xf32, #tpu.memory_space<vmem>>
    %dma_start3A_47 = tpu.memref_squeeze %dma_start3A_46 : memref<1x384xf32, #tpu.memory_space<vmem>> -> memref<384xf32, #tpu.memory_space<vmem>>
    %dma_start3A_48 = arith.constant 0 : i32
    %dma_start3A_49 = tpu.memref_slice %arg5[%add3A_43, %dma_start3A_48] : memref<864x384xf32, #tpu.memory_space<hbm>> -> memref<1x384xf32, #tpu.memory_space<hbm>>
    %dma_start3A_50 = tpu.memref_squeeze %dma_start3A_49 : memref<1x384xf32, #tpu.memory_space<hbm>> -> memref<384xf32, #tpu.memory_space<hbm>>
    %dma_start3A_51 = arith.constant 0 : i32
    %dma_start3A_52 = tpu.memref_slice %arg9[%dma_start3A_44, %dma_start3A_51] : memref<3x384xf32, #tpu.memory_space<vmem>> -> memref<1x384xf32, #tpu.memory_space<vmem>>
    %dma_start3A_53 = tpu.memref_squeeze %dma_start3A_52 : memref<1x384xf32, #tpu.memory_space<vmem>> -> memref<384xf32, #tpu.memory_space<vmem>>
    %dma_start3A_54 = arith.constant 0 : i32
    %dma_start3A_55 = tpu.memref_slice %arg5[%add3A_43, %dma_start3A_54] : memref<864x384xf32, #tpu.memory_space<hbm>> -> memref<1x384xf32, #tpu.memory_space<hbm>>
    %dma_start3A_56 = tpu.memref_squeeze %dma_start3A_55 : memref<1x384xf32, #tpu.memory_space<hbm>> -> memref<384xf32, #tpu.memory_space<hbm>>
    tpu.enqueue_dma source(%dma_start3A_56 : memref<384xf32, #tpu.memory_space<hbm>>) target(%dma_start3A_53 : memref<384xf32, #tpu.memory_space<vmem>>) target_semaphore(%arg12 : memref<!tpu.dma_semaphore, #tpu.memory_space<semaphore_mem>>)
    %add3A_57 = arith.constant 0 : i32
    %add3A_58 = arith.addi %mul3A_2, %add3A_57 : i32
    %dma_wait3A = arith.constant 0 : i32
    %dma_wait3A_59 = arith.constant 0 : i32
    %dma_wait3A_60 = arith.constant 0 : i32
    %dma_wait3A_61 = tpu.memref_slice %arg7[%dma_wait3A, %dma_wait3A_59, %dma_wait3A_60] : memref<3x3x128xi32, #tpu.memory_space<vmem>> -> memref<1x3x128xi32, #tpu.memory_space<vmem>>
    %dma_wait3A_62 = tpu.memref_squeeze %dma_wait3A_61 : memref<1x3x128xi32, #tpu.memory_space<vmem>> -> memref<3x128xi32, #tpu.memory_space<vmem>>
    %dma_wait3A_63 = arith.constant 0 : i32
    %dma_wait3A_64 = tpu.memref_slice %arg3[%add3A_58, %dma_wait3A_63] : memref<2592x128xi32, #tpu.memory_space<hbm>> -> memref<3x128xi32, #tpu.memory_space<hbm>>
    %dma_wait3A_65 = arith.constant 0 : i32
    %dma_wait3A_66 = arith.constant 0 : i32
    %dma_wait3A_67 = tpu.memref_slice %arg7[%dma_wait3A, %dma_wait3A_65, %dma_wait3A_66] : memref<3x3x128xi32, #tpu.memory_space<vmem>> -> memref<1x3x128xi32, #tpu.memory_space<vmem>>
    %dma_wait3A_68 = tpu.memref_squeeze %dma_wait3A_67 : memref<1x3x128xi32, #tpu.memory_space<vmem>> -> memref<3x128xi32, #tpu.memory_space<vmem>>
    %dma_wait3A_69 = arith.constant 0 : i32
    %dma_wait3A_70 = tpu.memref_slice %arg3[%add3A_58, %dma_wait3A_69] : memref<2592x128xi32, #tpu.memory_space<hbm>> -> memref<3x128xi32, #tpu.memory_space<hbm>>
    tpu.wait_dma2 semaphore(%arg12 : memref<!tpu.dma_semaphore, #tpu.memory_space<semaphore_mem>>) src(%dma_wait3A_70 : memref<3x128xi32, #tpu.memory_space<hbm>>) dst(%dma_wait3A_68 : memref<3x128xi32, #tpu.memory_space<vmem>>)
    %dma_wait3A_71 = arith.constant 0 : i32
    %dma_wait3A_72 = arith.constant 0 : i32
    %dma_wait3A_73 = arith.constant 0 : i32
    %dma_wait3A_74 = tpu.memref_slice %arg8[%dma_wait3A_71, %dma_wait3A_72, %dma_wait3A_73] : memref<3x3x128xi32, #tpu.memory_space<vmem>> -> memref<1x3x128xi32, #tpu.memory_space<vmem>>
    %dma_wait3A_75 = tpu.memref_squeeze %dma_wait3A_74 : memref<1x3x128xi32, #tpu.memory_space<vmem>> -> memref<3x128xi32, #tpu.memory_space<vmem>>
    %dma_wait3A_76 = arith.constant 0 : i32
    %dma_wait3A_77 = tpu.memref_slice %arg4[%add3A_58, %dma_wait3A_76] : memref<2592x128xi32, #tpu.memory_space<hbm>> -> memref<3x128xi32, #tpu.memory_space<hbm>>
    %dma_wait3A_78 = arith.constant 0 : i32
    %dma_wait3A_79 = arith.constant 0 : i32
    %dma_wait3A_80 = tpu.memref_slice %arg8[%dma_wait3A_71, %dma_wait3A_78, %dma_wait3A_79] : memref<3x3x128xi32, #tpu.memory_space<vmem>> -> memref<1x3x128xi32, #tpu.memory_space<vmem>>
    %dma_wait3A_81 = tpu.memref_squeeze %dma_wait3A_80 : memref<1x3x128xi32, #tpu.memory_space<vmem>> -> memref<3x128xi32, #tpu.memory_space<vmem>>
    %dma_wait3A_82 = arith.constant 0 : i32
    %dma_wait3A_83 = tpu.memref_slice %arg4[%add3A_58, %dma_wait3A_82] : memref<2592x128xi32, #tpu.memory_space<hbm>> -> memref<3x128xi32, #tpu.memory_space<hbm>>
    tpu.wait_dma2 semaphore(%arg12 : memref<!tpu.dma_semaphore, #tpu.memory_space<semaphore_mem>>) src(%dma_wait3A_83 : memref<3x128xi32, #tpu.memory_space<hbm>>) dst(%dma_wait3A_81 : memref<3x128xi32, #tpu.memory_space<vmem>>)
    %mul3A_84 = arith.constant 27 : i32
    %mul3A_85 = arith.muli %add3A, %mul3A_84 : i32
    %add3A_86 = arith.constant 0 : i32
    %add3A_87 = arith.addi %mul3A_85, %add3A_86 : i32
    %dma_wait3A_88 = arith.constant 0 : i32
    %dma_wait3A_89 = arith.constant 0 : i32
    %dma_wait3A_90 = tpu.memref_slice %arg9[%dma_wait3A_88, %dma_wait3A_89] : memref<3x384xf32, #tpu.memory_space<vmem>> -> memref<1x384xf32, #tpu.memory_space<vmem>>
    %dma_wait3A_91 = tpu.memref_squeeze %dma_wait3A_90 : memref<1x384xf32, #tpu.memory_space<vmem>> -> memref<384xf32, #tpu.memory_space<vmem>>
    %dma_wait3A_92 = arith.constant 0 : i32
    %dma_wait3A_93 = tpu.memref_slice %arg5[%add3A_87, %dma_wait3A_92] : memref<864x384xf32, #tpu.memory_space<hbm>> -> memref<1x384xf32, #tpu.memory_space<hbm>>
    %dma_wait3A_94 = tpu.memref_squeeze %dma_wait3A_93 : memref<1x384xf32, #tpu.memory_space<hbm>> -> memref<384xf32, #tpu.memory_space<hbm>>
    %dma_wait3A_95 = arith.constant 0 : i32
    %dma_wait3A_96 = tpu.memref_slice %arg9[%dma_wait3A_88, %dma_wait3A_95] : memref<3x384xf32, #tpu.memory_space<vmem>> -> memref<1x384xf32, #tpu.memory_space<vmem>>
    %dma_wait3A_97 = tpu.memref_squeeze %dma_wait3A_96 : memref<1x384xf32, #tpu.memory_space<vmem>> -> memref<384xf32, #tpu.memory_space<vmem>>
    %dma_wait3A_98 = arith.constant 0 : i32
    %dma_wait3A_99 = tpu.memref_slice %arg5[%add3A_87, %dma_wait3A_98] : memref<864x384xf32, #tpu.memory_space<hbm>> -> memref<1x384xf32, #tpu.memory_space<hbm>>
    %dma_wait3A_100 = tpu.memref_squeeze %dma_wait3A_99 : memref<1x384xf32, #tpu.memory_space<hbm>> -> memref<384xf32, #tpu.memory_space<hbm>>
    tpu.wait_dma2 semaphore(%arg12 : memref<!tpu.dma_semaphore, #tpu.memory_space<semaphore_mem>>) src(%dma_wait3A_100 : memref<384xf32, #tpu.memory_space<hbm>>) dst(%dma_wait3A_97 : memref<384xf32, #tpu.memory_space<vmem>>)
    %dma_start3A_101 = arith.constant 0 : i32
    %dma_start3A_102 = arith.constant 0 : i32
    %dma_start3A_103 = arith.constant 0 : i32
    %dma_start3A_104 = arith.constant 0 : i32
    %dma_start3A_105 = arith.constant 0 : i32
    %dma_start3A_106 = tpu.memref_slice %arg10[%dma_start3A_103, %dma_start3A_104, %dma_start3A_105] : memref<3x384x16xf32, #tpu.memory_space<vmem>> -> memref<1x128x16xf32, #tpu.memory_space<vmem>>
    %dma_start3A_107 = tpu.memref_squeeze %dma_start3A_106 : memref<1x128x16xf32, #tpu.memory_space<vmem>> -> memref<128x16xf32, #tpu.memory_space<vmem>>
    %dma_start3A_108 = arith.constant 0 : i32
    %dma_start3A_109 = tpu.memref_slice %arg7[%dma_start3A_101, %dma_start3A_102, %dma_start3A_108] : memref<3x3x128xi32, #tpu.memory_space<vmem>> -> memref<1x1x128xi32, #tpu.memory_space<vmem>>
    %dma_start3A_110 = tpu.memref_squeeze %dma_start3A_109 : memref<1x1x128xi32, #tpu.memory_space<vmem>> -> memref<128xi32, #tpu.memory_space<vmem>>
    %dma_start3A_111 = arith.constant 0 : i32
    %dma_start3A_112 = arith.constant 0 : i32
    %dma_start3A_113 = tpu.memref_slice %arg2[%dma_start3A_111, %dma_start3A_112] : memref<10000x16xf32, #tpu.memory_space<hbm>> -> memref<10000x16xf32, #tpu.memory_space<hbm>>
    tpu.enqueue_indirect_dma source(%dma_start3A_113 : memref<10000x16xf32, #tpu.memory_space<hbm>>) target(%dma_start3A_107 : memref<128x16xf32, #tpu.memory_space<vmem>>) offsets(%dma_start3A_110 : memref<128xi32, #tpu.memory_space<vmem>>) semaphore(%arg13 : memref<!tpu.dma_semaphore, #tpu.memory_space<semaphore_mem>>)
    %dma_start3A_114 = arith.constant 0 : i32
    %dma_start3A_115 = arith.constant 1 : i32
    %dma_start3A_116 = arith.constant 0 : i32
    %dma_start3A_117 = arith.constant 128 : i32
    %dma_start3A_118 = arith.constant 0 : i32
    %dma_start3A_119 = tpu.memref_slice %arg10[%dma_start3A_116, %dma_start3A_117, %dma_start3A_118] : memref<3x384x16xf32, #tpu.memory_space<vmem>> -> memref<1x128x16xf32, #tpu.memory_space<vmem>>
    %dma_start3A_120 = tpu.memref_squeeze %dma_start3A_119 : memref<1x128x16xf32, #tpu.memory_space<vmem>> -> memref<128x16xf32, #tpu.memory_space<vmem>>
    %dma_start3A_121 = arith.constant 0 : i32
    %dma_start3A_122 = tpu.memref_slice %arg7[%dma_start3A_114, %dma_start3A_115, %dma_start3A_121] : memref<3x3x128xi32, #tpu.memory_space<vmem>> -> memref<1x1x128xi32, #tpu.memory_space<vmem>>
    %dma_start3A_123 = tpu.memref_squeeze %dma_start3A_122 : memref<1x1x128xi32, #tpu.memory_space<vmem>> -> memref<128xi32, #tpu.memory_space<vmem>>
    %dma_start3A_124 = arith.constant 0 : i32
    %dma_start3A_125 = arith.constant 0 : i32
    %dma_start3A_126 = tpu.memref_slice %arg2[%dma_start3A_124, %dma_start3A_125] : memref<10000x16xf32, #tpu.memory_space<hbm>> -> memref<10000x16xf32, #tpu.memory_space<hbm>>
    tpu.enqueue_indirect_dma source(%dma_start3A_126 : memref<10000x16xf32, #tpu.memory_space<hbm>>) target(%dma_start3A_120 : memref<128x16xf32, #tpu.memory_space<vmem>>) offsets(%dma_start3A_123 : memref<128xi32, #tpu.memory_space<vmem>>) semaphore(%arg13 : memref<!tpu.dma_semaphore, #tpu.memory_space<semaphore_mem>>)
    %dma_start3A_127 = arith.constant 0 : i32
    %dma_start3A_128 = arith.constant 2 : i32
    %dma_start3A_129 = arith.constant 0 : i32
    %dma_start3A_130 = arith.constant 256 : i32
    %dma_start3A_131 = arith.constant 0 : i32
    %dma_start3A_132 = tpu.memref_slice %arg10[%dma_start3A_129, %dma_start3A_130, %dma_start3A_131] : memref<3x384x16xf32, #tpu.memory_space<vmem>> -> memref<1x128x16xf32, #tpu.memory_space<vmem>>
    %dma_start3A_133 = tpu.memref_squeeze %dma_start3A_132 : memref<1x128x16xf32, #tpu.memory_space<vmem>> -> memref<128x16xf32, #tpu.memory_space<vmem>>
    %dma_start3A_134 = arith.constant 0 : i32
    %dma_start3A_135 = tpu.memref_slice %arg7[%dma_start3A_127, %dma_start3A_128, %dma_start3A_134] : memref<3x3x128xi32, #tpu.memory_space<vmem>> -> memref<1x1x128xi32, #tpu.memory_space<vmem>>
    %dma_start3A_136 = tpu.memref_squeeze %dma_start3A_135 : memref<1x1x128xi32, #tpu.memory_space<vmem>> -> memref<128xi32, #tpu.memory_space<vmem>>
    %dma_start3A_137 = arith.constant 0 : i32
    %dma_start3A_138 = arith.constant 0 : i32
    %dma_start3A_139 = tpu.memref_slice %arg2[%dma_start3A_137, %dma_start3A_138] : memref<10000x16xf32, #tpu.memory_space<hbm>> -> memref<10000x16xf32, #tpu.memory_space<hbm>>
    tpu.enqueue_indirect_dma source(%dma_start3A_139 : memref<10000x16xf32, #tpu.memory_space<hbm>>) target(%dma_start3A_133 : memref<128x16xf32, #tpu.memory_space<vmem>>) offsets(%dma_start3A_136 : memref<128xi32, #tpu.memory_space<vmem>>) semaphore(%arg13 : memref<!tpu.dma_semaphore, #tpu.memory_space<semaphore_mem>>)
    %scan3A_140 = arith.constant 0 : i32
    %scan3A_141 = arith.constant 0 : i32
    %scan3A_142 = arith.constant 27 : i32
    %scan3A_143 = arith.addi %scan3A_141, %scan3A_142 : i32
    %scan3A_144 = arith.constant 1 : i32
    scf.for %scan3A_225 = %scan3A_141 to %scan3A_143 step %scan3A_144  : i32 {
      %jit3A = arith.constant 3 : i32
      %eq3A = arith.constant 0 : i32
      %eq3A_226 = arith.cmpi eq, %jit3A, %eq3A : i32
      %jit3A_227 = arith.constant 1 : i32
      %select_n3A = arith.select %eq3A_226, %jit3A_227, %jit3A : i32
      %rem3A = arith.remsi %scan3A_225, %select_n3A : i32
      %ne3A = arith.constant 0 : i32
      %ne3A_228 = arith.cmpi ne, %rem3A, %ne3A : i32
      %lt3A = arith.constant 0 : i32
      %lt3A_229 = arith.cmpi slt, %rem3A, %lt3A : i32
      %lt3A_230 = arith.constant 0 : i32
      %lt3A_231 = arith.cmpi slt, %select_n3A, %lt3A_230 : i32
      %ne3A_232 = arith.xori %lt3A_229, %lt3A_231 : i1
      %and3A = arith.andi %ne3A_232, %ne3A_228 : i1
      %add3A_233 = arith.addi %rem3A, %select_n3A : i32
      %select_n3A_234 = arith.select %and3A, %add3A_233, %rem3A : i32
      %ge3A = arith.constant 2 : i32
      %ge3A_235 = arith.cmpi sge, %scan3A_225, %ge3A : i32
      %convert_element_type3A = arith.extui %ge3A_235 : i1 to i32
      %cond3A = arith.constant 0 : i32
      %cond3A_236 = arith.cmpi ne, %convert_element_type3A, %cond3A : i32
      scf.if %cond3A_236 {
        %sub3A = arith.constant 2 : i32
        %sub3A_323 = arith.subi %scan3A_225, %sub3A : i32
        %jit3A_324 = arith.constant 3 : i32
        %eq3A_325 = arith.constant 0 : i32
        %eq3A_326 = arith.cmpi eq, %jit3A_324, %eq3A_325 : i32
        %jit3A_327 = arith.constant 1 : i32
        %select_n3A_328 = arith.select %eq3A_326, %jit3A_327, %jit3A_324 : i32
        %rem3A_329 = arith.remsi %sub3A_323, %select_n3A_328 : i32
        %ne3A_330 = arith.constant 0 : i32
        %ne3A_331 = arith.cmpi ne, %rem3A_329, %ne3A_330 : i32
        %lt3A_332 = arith.constant 0 : i32
        %lt3A_333 = arith.cmpi slt, %rem3A_329, %lt3A_332 : i32
        %lt3A_334 = arith.constant 0 : i32
        %lt3A_335 = arith.cmpi slt, %select_n3A_328, %lt3A_334 : i32
        %ne3A_336 = arith.xori %lt3A_333, %lt3A_335 : i1
        %and3A_337 = arith.andi %ne3A_336, %ne3A_331 : i1
        %add3A_338 = arith.addi %rem3A_329, %select_n3A_328 : i32
        %select_n3A_339 = arith.select %and3A_337, %add3A_338, %rem3A_329 : i32
        %dma_wait3A_340 = arith.constant 0 : i32
        %dma_wait3A_341 = arith.constant 0 : i32
        %dma_wait3A_342 = arith.constant 0 : i32
        %dma_wait3A_343 = tpu.memref_slice %arg10[%select_n3A_339, %dma_wait3A_341, %dma_wait3A_342] : memref<3x384x16xf32, #tpu.memory_space<vmem>> -> memref<1x128x16xf32, #tpu.memory_space<vmem>>
        %dma_wait3A_344 = tpu.memref_squeeze %dma_wait3A_343 : memref<1x128x16xf32, #tpu.memory_space<vmem>> -> memref<128x16xf32, #tpu.memory_space<vmem>>
        %dma_wait3A_345 = arith.constant 0 : i32
        %dma_wait3A_346 = tpu.memref_slice %arg8[%select_n3A_339, %dma_wait3A_340, %dma_wait3A_345] : memref<3x3x128xi32, #tpu.memory_space<vmem>> -> memref<1x1x128xi32, #tpu.memory_space<vmem>>
        %dma_wait3A_347 = tpu.memref_squeeze %dma_wait3A_346 : memref<1x1x128xi32, #tpu.memory_space<vmem>> -> memref<128xi32, #tpu.memory_space<vmem>>
        %dma_wait3A_348 = arith.constant 0 : i32
        %dma_wait3A_349 = arith.constant 0 : i32
        %dma_wait3A_350 = tpu.memref_slice %arg11[%dma_wait3A_348, %dma_wait3A_349] : memref<10240x16xf32, #tpu.memory_space<vmem_shared>> -> memref<10240x16xf32, #tpu.memory_space<vmem_shared>>
        tpu.wait_indirect_dma semaphore(%arg14 : memref<!tpu.dma_semaphore, #tpu.memory_space<semaphore_mem>>) src(%dma_wait3A_344 : memref<128x16xf32, #tpu.memory_space<vmem>>) dst(%dma_wait3A_350 : memref<10240x16xf32, #tpu.memory_space<vmem_shared>>)
        %dma_wait3A_351 = arith.constant 1 : i32
        %dma_wait3A_352 = arith.constant 128 : i32
        %dma_wait3A_353 = arith.constant 0 : i32
        %dma_wait3A_354 = tpu.memref_slice %arg10[%select_n3A_339, %dma_wait3A_352, %dma_wait3A_353] : memref<3x384x16xf32, #tpu.memory_space<vmem>> -> memref<1x128x16xf32, #tpu.memory_space<vmem>>
        %dma_wait3A_355 = tpu.memref_squeeze %dma_wait3A_354 : memref<1x128x16xf32, #tpu.memory_space<vmem>> -> memref<128x16xf32, #tpu.memory_space<vmem>>
        %dma_wait3A_356 = arith.constant 0 : i32
        %dma_wait3A_357 = tpu.memref_slice %arg8[%select_n3A_339, %dma_wait3A_351, %dma_wait3A_356] : memref<3x3x128xi32, #tpu.memory_space<vmem>> -> memref<1x1x128xi32, #tpu.memory_space<vmem>>
        %dma_wait3A_358 = tpu.memref_squeeze %dma_wait3A_357 : memref<1x1x128xi32, #tpu.memory_space<vmem>> -> memref<128xi32, #tpu.memory_space<vmem>>
        %dma_wait3A_359 = arith.constant 0 : i32
        %dma_wait3A_360 = arith.constant 0 : i32
        %dma_wait3A_361 = tpu.memref_slice %arg11[%dma_wait3A_359, %dma_wait3A_360] : memref<10240x16xf32, #tpu.memory_space<vmem_shared>> -> memref<10240x16xf32, #tpu.memory_space<vmem_shared>>
        tpu.wait_indirect_dma semaphore(%arg14 : memref<!tpu.dma_semaphore, #tpu.memory_space<semaphore_mem>>) src(%dma_wait3A_355 : memref<128x16xf32, #tpu.memory_space<vmem>>) dst(%dma_wait3A_361 : memref<10240x16xf32, #tpu.memory_space<vmem_shared>>)
        %dma_wait3A_362 = arith.constant 2 : i32
        %dma_wait3A_363 = arith.constant 256 : i32
        %dma_wait3A_364 = arith.constant 0 : i32
        %dma_wait3A_365 = tpu.memref_slice %arg10[%select_n3A_339, %dma_wait3A_363, %dma_wait3A_364] : memref<3x384x16xf32, #tpu.memory_space<vmem>> -> memref<1x128x16xf32, #tpu.memory_space<vmem>>
        %dma_wait3A_366 = tpu.memref_squeeze %dma_wait3A_365 : memref<1x128x16xf32, #tpu.memory_space<vmem>> -> memref<128x16xf32, #tpu.memory_space<vmem>>
        %dma_wait3A_367 = arith.constant 0 : i32
        %dma_wait3A_368 = tpu.memref_slice %arg8[%select_n3A_339, %dma_wait3A_362, %dma_wait3A_367] : memref<3x3x128xi32, #tpu.memory_space<vmem>> -> memref<1x1x128xi32, #tpu.memory_space<vmem>>
        %dma_wait3A_369 = tpu.memref_squeeze %dma_wait3A_368 : memref<1x1x128xi32, #tpu.memory_space<vmem>> -> memref<128xi32, #tpu.memory_space<vmem>>
        %dma_wait3A_370 = arith.constant 0 : i32
        %dma_wait3A_371 = arith.constant 0 : i32
        %dma_wait3A_372 = tpu.memref_slice %arg11[%dma_wait3A_370, %dma_wait3A_371] : memref<10240x16xf32, #tpu.memory_space<vmem_shared>> -> memref<10240x16xf32, #tpu.memory_space<vmem_shared>>
        tpu.wait_indirect_dma semaphore(%arg14 : memref<!tpu.dma_semaphore, #tpu.memory_space<semaphore_mem>>) src(%dma_wait3A_366 : memref<128x16xf32, #tpu.memory_space<vmem>>) dst(%dma_wait3A_372 : memref<10240x16xf32, #tpu.memory_space<vmem_shared>>)
      } else {
      }
      %add3A_237 = arith.constant 1 : i32
      %add3A_238 = arith.addi %scan3A_225, %add3A_237 : i32
      %lt3A_239 = arith.constant 27 : i32
      %lt3A_240 = arith.cmpi slt, %add3A_238, %lt3A_239 : i32
      %convert_element_type3A_241 = arith.extui %lt3A_240 : i1 to i32
      %cond3A_242 = arith.constant 0 : i32
      %cond3A_243 = arith.cmpi ne, %convert_element_type3A_241, %cond3A_242 : i32
      scf.if %cond3A_243 {
        %add3A_323 = arith.constant 1 : i32
        %add3A_324 = arith.addi %scan3A_225, %add3A_323 : i32
        %add3A_325 = arith.constant 1 : i32
        %add3A_326 = arith.addi %scan3A_225, %add3A_325 : i32
        %jit3A_327 = arith.constant 3 : i32
        %eq3A_328 = arith.constant 0 : i32
        %eq3A_329 = arith.cmpi eq, %jit3A_327, %eq3A_328 : i32
        %jit3A_330 = arith.constant 1 : i32
        %select_n3A_331 = arith.select %eq3A_329, %jit3A_330, %jit3A_327 : i32
        %rem3A_332 = arith.remsi %add3A_326, %select_n3A_331 : i32
        %ne3A_333 = arith.constant 0 : i32
        %ne3A_334 = arith.cmpi ne, %rem3A_332, %ne3A_333 : i32
        %lt3A_335 = arith.constant 0 : i32
        %lt3A_336 = arith.cmpi slt, %rem3A_332, %lt3A_335 : i32
        %lt3A_337 = arith.constant 0 : i32
        %lt3A_338 = arith.cmpi slt, %select_n3A_331, %lt3A_337 : i32
        %ne3A_339 = arith.xori %lt3A_336, %lt3A_338 : i1
        %and3A_340 = arith.andi %ne3A_339, %ne3A_334 : i1
        %add3A_341 = arith.addi %rem3A_332, %select_n3A_331 : i32
        %select_n3A_342 = arith.select %and3A_340, %add3A_341, %rem3A_332 : i32
        %mul3A_343 = arith.constant 3 : i32
        %mul3A_344 = arith.muli %add3A_324, %mul3A_343 : i32
        %add3A_345 = arith.addi %mul3A_2, %mul3A_344 : i32
        %dma_start3A_346 = arith.constant 0 : i32
        %dma_start3A_347 = arith.constant 0 : i32
        %dma_start3A_348 = tpu.memref_slice %arg7[%select_n3A_342, %dma_start3A_346, %dma_start3A_347] : memref<3x3x128xi32, #tpu.memory_space<vmem>> -> memref<1x3x128xi32, #tpu.memory_space<vmem>>
        %dma_start3A_349 = tpu.memref_squeeze %dma_start3A_348 : memref<1x3x128xi32, #tpu.memory_space<vmem>> -> memref<3x128xi32, #tpu.memory_space<vmem>>
        %dma_start3A_350 = arith.constant 0 : i32
        %dma_start3A_351 = tpu.memref_slice %arg3[%add3A_345, %dma_start3A_350] : memref<2592x128xi32, #tpu.memory_space<hbm>> -> memref<3x128xi32, #tpu.memory_space<hbm>>
        %dma_start3A_352 = arith.constant 0 : i32
        %dma_start3A_353 = arith.constant 0 : i32
        %dma_start3A_354 = tpu.memref_slice %arg7[%select_n3A_342, %dma_start3A_352, %dma_start3A_353] : memref<3x3x128xi32, #tpu.memory_space<vmem>> -> memref<1x3x128xi32, #tpu.memory_space<vmem>>
        %dma_start3A_355 = tpu.memref_squeeze %dma_start3A_354 : memref<1x3x128xi32, #tpu.memory_space<vmem>> -> memref<3x128xi32, #tpu.memory_space<vmem>>
        %dma_start3A_356 = arith.constant 0 : i32
        %dma_start3A_357 = tpu.memref_slice %arg3[%add3A_345, %dma_start3A_356] : memref<2592x128xi32, #tpu.memory_space<hbm>> -> memref<3x128xi32, #tpu.memory_space<hbm>>
        tpu.enqueue_dma source(%dma_start3A_357 : memref<3x128xi32, #tpu.memory_space<hbm>>) target(%dma_start3A_355 : memref<3x128xi32, #tpu.memory_space<vmem>>) target_semaphore(%arg12 : memref<!tpu.dma_semaphore, #tpu.memory_space<semaphore_mem>>)
        %dma_start3A_358 = arith.constant 0 : i32
        %dma_start3A_359 = arith.constant 0 : i32
        %dma_start3A_360 = tpu.memref_slice %arg8[%select_n3A_342, %dma_start3A_358, %dma_start3A_359] : memref<3x3x128xi32, #tpu.memory_space<vmem>> -> memref<1x3x128xi32, #tpu.memory_space<vmem>>
        %dma_start3A_361 = tpu.memref_squeeze %dma_start3A_360 : memref<1x3x128xi32, #tpu.memory_space<vmem>> -> memref<3x128xi32, #tpu.memory_space<vmem>>
        %dma_start3A_362 = arith.constant 0 : i32
        %dma_start3A_363 = tpu.memref_slice %arg4[%add3A_345, %dma_start3A_362] : memref<2592x128xi32, #tpu.memory_space<hbm>> -> memref<3x128xi32, #tpu.memory_space<hbm>>
        %dma_start3A_364 = arith.constant 0 : i32
        %dma_start3A_365 = arith.constant 0 : i32
        %dma_start3A_366 = tpu.memref_slice %arg8[%select_n3A_342, %dma_start3A_364, %dma_start3A_365] : memref<3x3x128xi32, #tpu.memory_space<vmem>> -> memref<1x3x128xi32, #tpu.memory_space<vmem>>
        %dma_start3A_367 = tpu.memref_squeeze %dma_start3A_366 : memref<1x3x128xi32, #tpu.memory_space<vmem>> -> memref<3x128xi32, #tpu.memory_space<vmem>>
        %dma_start3A_368 = arith.constant 0 : i32
        %dma_start3A_369 = tpu.memref_slice %arg4[%add3A_345, %dma_start3A_368] : memref<2592x128xi32, #tpu.memory_space<hbm>> -> memref<3x128xi32, #tpu.memory_space<hbm>>
        tpu.enqueue_dma source(%dma_start3A_369 : memref<3x128xi32, #tpu.memory_space<hbm>>) target(%dma_start3A_367 : memref<3x128xi32, #tpu.memory_space<vmem>>) target_semaphore(%arg12 : memref<!tpu.dma_semaphore, #tpu.memory_space<semaphore_mem>>)
        %mul3A_370 = arith.constant 27 : i32
        %mul3A_371 = arith.muli %add3A, %mul3A_370 : i32
        %add3A_372 = arith.addi %mul3A_371, %add3A_324 : i32
        %dma_start3A_373 = arith.constant 0 : i32
        %dma_start3A_374 = tpu.memref_slice %arg9[%select_n3A_342, %dma_start3A_373] : memref<3x384xf32, #tpu.memory_space<vmem>> -> memref<1x384xf32, #tpu.memory_space<vmem>>
        %dma_start3A_375 = tpu.memref_squeeze %dma_start3A_374 : memref<1x384xf32, #tpu.memory_space<vmem>> -> memref<384xf32, #tpu.memory_space<vmem>>
        %dma_start3A_376 = arith.constant 0 : i32
        %dma_start3A_377 = tpu.memref_slice %arg5[%add3A_372, %dma_start3A_376] : memref<864x384xf32, #tpu.memory_space<hbm>> -> memref<1x384xf32, #tpu.memory_space<hbm>>
        %dma_start3A_378 = tpu.memref_squeeze %dma_start3A_377 : memref<1x384xf32, #tpu.memory_space<hbm>> -> memref<384xf32, #tpu.memory_space<hbm>>
        %dma_start3A_379 = arith.constant 0 : i32
        %dma_start3A_380 = tpu.memref_slice %arg9[%select_n3A_342, %dma_start3A_379] : memref<3x384xf32, #tpu.memory_space<vmem>> -> memref<1x384xf32, #tpu.memory_space<vmem>>
        %dma_start3A_381 = tpu.memref_squeeze %dma_start3A_380 : memref<1x384xf32, #tpu.memory_space<vmem>> -> memref<384xf32, #tpu.memory_space<vmem>>
        %dma_start3A_382 = arith.constant 0 : i32
        %dma_start3A_383 = tpu.memref_slice %arg5[%add3A_372, %dma_start3A_382] : memref<864x384xf32, #tpu.memory_space<hbm>> -> memref<1x384xf32, #tpu.memory_space<hbm>>
        %dma_start3A_384 = tpu.memref_squeeze %dma_start3A_383 : memref<1x384xf32, #tpu.memory_space<hbm>> -> memref<384xf32, #tpu.memory_space<hbm>>
        tpu.enqueue_dma source(%dma_start3A_384 : memref<384xf32, #tpu.memory_space<hbm>>) target(%dma_start3A_381 : memref<384xf32, #tpu.memory_space<vmem>>) target_semaphore(%arg12 : memref<!tpu.dma_semaphore, #tpu.memory_space<semaphore_mem>>)
      } else {
      }
      %dma_wait3A_244 = arith.constant 0 : i32
      %dma_wait3A_245 = arith.constant 0 : i32
      %dma_wait3A_246 = arith.constant 0 : i32
      %dma_wait3A_247 = tpu.memref_slice %arg10[%select_n3A_234, %dma_wait3A_245, %dma_wait3A_246] : memref<3x384x16xf32, #tpu.memory_space<vmem>> -> memref<1x128x16xf32, #tpu.memory_space<vmem>>
      %dma_wait3A_248 = tpu.memref_squeeze %dma_wait3A_247 : memref<1x128x16xf32, #tpu.memory_space<vmem>> -> memref<128x16xf32, #tpu.memory_space<vmem>>
      %dma_wait3A_249 = arith.constant 0 : i32
      %dma_wait3A_250 = tpu.memref_slice %arg7[%select_n3A_234, %dma_wait3A_244, %dma_wait3A_249] : memref<3x3x128xi32, #tpu.memory_space<vmem>> -> memref<1x1x128xi32, #tpu.memory_space<vmem>>
      %dma_wait3A_251 = tpu.memref_squeeze %dma_wait3A_250 : memref<1x1x128xi32, #tpu.memory_space<vmem>> -> memref<128xi32, #tpu.memory_space<vmem>>
      %dma_wait3A_252 = arith.constant 0 : i32
      %dma_wait3A_253 = arith.constant 0 : i32
      %dma_wait3A_254 = tpu.memref_slice %arg2[%dma_wait3A_252, %dma_wait3A_253] : memref<10000x16xf32, #tpu.memory_space<hbm>> -> memref<10000x16xf32, #tpu.memory_space<hbm>>
      tpu.wait_indirect_dma semaphore(%arg13 : memref<!tpu.dma_semaphore, #tpu.memory_space<semaphore_mem>>) src(%dma_wait3A_254 : memref<10000x16xf32, #tpu.memory_space<hbm>>) dst(%dma_wait3A_248 : memref<128x16xf32, #tpu.memory_space<vmem>>)
      %dma_wait3A_255 = arith.constant 1 : i32
      %dma_wait3A_256 = arith.constant 128 : i32
      %dma_wait3A_257 = arith.constant 0 : i32
      %dma_wait3A_258 = tpu.memref_slice %arg10[%select_n3A_234, %dma_wait3A_256, %dma_wait3A_257] : memref<3x384x16xf32, #tpu.memory_space<vmem>> -> memref<1x128x16xf32, #tpu.memory_space<vmem>>
      %dma_wait3A_259 = tpu.memref_squeeze %dma_wait3A_258 : memref<1x128x16xf32, #tpu.memory_space<vmem>> -> memref<128x16xf32, #tpu.memory_space<vmem>>
      %dma_wait3A_260 = arith.constant 0 : i32
      %dma_wait3A_261 = tpu.memref_slice %arg7[%select_n3A_234, %dma_wait3A_255, %dma_wait3A_260] : memref<3x3x128xi32, #tpu.memory_space<vmem>> -> memref<1x1x128xi32, #tpu.memory_space<vmem>>
      %dma_wait3A_262 = tpu.memref_squeeze %dma_wait3A_261 : memref<1x1x128xi32, #tpu.memory_space<vmem>> -> memref<128xi32, #tpu.memory_space<vmem>>
      %dma_wait3A_263 = arith.constant 0 : i32
      %dma_wait3A_264 = arith.constant 0 : i32
      %dma_wait3A_265 = tpu.memref_slice %arg2[%dma_wait3A_263, %dma_wait3A_264] : memref<10000x16xf32, #tpu.memory_space<hbm>> -> memref<10000x16xf32, #tpu.memory_space<hbm>>
      tpu.wait_indirect_dma semaphore(%arg13 : memref<!tpu.dma_semaphore, #tpu.memory_space<semaphore_mem>>) src(%dma_wait3A_265 : memref<10000x16xf32, #tpu.memory_space<hbm>>) dst(%dma_wait3A_259 : memref<128x16xf32, #tpu.memory_space<vmem>>)
      %dma_wait3A_266 = arith.constant 2 : i32
      %dma_wait3A_267 = arith.constant 256 : i32
      %dma_wait3A_268 = arith.constant 0 : i32
      %dma_wait3A_269 = tpu.memref_slice %arg10[%select_n3A_234, %dma_wait3A_267, %dma_wait3A_268] : memref<3x384x16xf32, #tpu.memory_space<vmem>> -> memref<1x128x16xf32, #tpu.memory_space<vmem>>
      %dma_wait3A_270 = tpu.memref_squeeze %dma_wait3A_269 : memref<1x128x16xf32, #tpu.memory_space<vmem>> -> memref<128x16xf32, #tpu.memory_space<vmem>>
      %dma_wait3A_271 = arith.constant 0 : i32
      %dma_wait3A_272 = tpu.memref_slice %arg7[%select_n3A_234, %dma_wait3A_266, %dma_wait3A_271] : memref<3x3x128xi32, #tpu.memory_space<vmem>> -> memref<1x1x128xi32, #tpu.memory_space<vmem>>
      %dma_wait3A_273 = tpu.memref_squeeze %dma_wait3A_272 : memref<1x1x128xi32, #tpu.memory_space<vmem>> -> memref<128xi32, #tpu.memory_space<vmem>>
      %dma_wait3A_274 = arith.constant 0 : i32
      %dma_wait3A_275 = arith.constant 0 : i32
      %dma_wait3A_276 = tpu.memref_slice %arg2[%dma_wait3A_274, %dma_wait3A_275] : memref<10000x16xf32, #tpu.memory_space<hbm>> -> memref<10000x16xf32, #tpu.memory_space<hbm>>
      tpu.wait_indirect_dma semaphore(%arg13 : memref<!tpu.dma_semaphore, #tpu.memory_space<semaphore_mem>>) src(%dma_wait3A_276 : memref<10000x16xf32, #tpu.memory_space<hbm>>) dst(%dma_wait3A_270 : memref<128x16xf32, #tpu.memory_space<vmem>>)
      %add3A_277 = arith.constant 1 : i32
      %add3A_278 = arith.addi %scan3A_225, %add3A_277 : i32
      %lt3A_279 = arith.constant 27 : i32
      %lt3A_280 = arith.cmpi slt, %add3A_278, %lt3A_279 : i32
      %convert_element_type3A_281 = arith.extui %lt3A_280 : i1 to i32
      %cond3A_282 = arith.constant 0 : i32
      %cond3A_283 = arith.cmpi ne, %convert_element_type3A_281, %cond3A_282 : i32
      scf.if %cond3A_283 {
        %add3A_323 = arith.constant 1 : i32
        %add3A_324 = arith.addi %scan3A_225, %add3A_323 : i32
        %add3A_325 = arith.constant 1 : i32
        %add3A_326 = arith.addi %scan3A_225, %add3A_325 : i32
        %jit3A_327 = arith.constant 3 : i32
        %eq3A_328 = arith.constant 0 : i32
        %eq3A_329 = arith.cmpi eq, %jit3A_327, %eq3A_328 : i32
        %jit3A_330 = arith.constant 1 : i32
        %select_n3A_331 = arith.select %eq3A_329, %jit3A_330, %jit3A_327 : i32
        %rem3A_332 = arith.remsi %add3A_326, %select_n3A_331 : i32
        %ne3A_333 = arith.constant 0 : i32
        %ne3A_334 = arith.cmpi ne, %rem3A_332, %ne3A_333 : i32
        %lt3A_335 = arith.constant 0 : i32
        %lt3A_336 = arith.cmpi slt, %rem3A_332, %lt3A_335 : i32
        %lt3A_337 = arith.constant 0 : i32
        %lt3A_338 = arith.cmpi slt, %select_n3A_331, %lt3A_337 : i32
        %ne3A_339 = arith.xori %lt3A_336, %lt3A_338 : i1
        %and3A_340 = arith.andi %ne3A_339, %ne3A_334 : i1
        %add3A_341 = arith.addi %rem3A_332, %select_n3A_331 : i32
        %select_n3A_342 = arith.select %and3A_340, %add3A_341, %rem3A_332 : i32
        %mul3A_343 = arith.constant 3 : i32
        %mul3A_344 = arith.muli %add3A_324, %mul3A_343 : i32
        %add3A_345 = arith.addi %mul3A_2, %mul3A_344 : i32
        %dma_wait3A_346 = arith.constant 0 : i32
        %dma_wait3A_347 = arith.constant 0 : i32
        %dma_wait3A_348 = tpu.memref_slice %arg7[%select_n3A_342, %dma_wait3A_346, %dma_wait3A_347] : memref<3x3x128xi32, #tpu.memory_space<vmem>> -> memref<1x3x128xi32, #tpu.memory_space<vmem>>
        %dma_wait3A_349 = tpu.memref_squeeze %dma_wait3A_348 : memref<1x3x128xi32, #tpu.memory_space<vmem>> -> memref<3x128xi32, #tpu.memory_space<vmem>>
        %dma_wait3A_350 = arith.constant 0 : i32
        %dma_wait3A_351 = tpu.memref_slice %arg3[%add3A_345, %dma_wait3A_350] : memref<2592x128xi32, #tpu.memory_space<hbm>> -> memref<3x128xi32, #tpu.memory_space<hbm>>
        %dma_wait3A_352 = arith.constant 0 : i32
        %dma_wait3A_353 = arith.constant 0 : i32
        %dma_wait3A_354 = tpu.memref_slice %arg7[%select_n3A_342, %dma_wait3A_352, %dma_wait3A_353] : memref<3x3x128xi32, #tpu.memory_space<vmem>> -> memref<1x3x128xi32, #tpu.memory_space<vmem>>
        %dma_wait3A_355 = tpu.memref_squeeze %dma_wait3A_354 : memref<1x3x128xi32, #tpu.memory_space<vmem>> -> memref<3x128xi32, #tpu.memory_space<vmem>>
        %dma_wait3A_356 = arith.constant 0 : i32
        %dma_wait3A_357 = tpu.memref_slice %arg3[%add3A_345, %dma_wait3A_356] : memref<2592x128xi32, #tpu.memory_space<hbm>> -> memref<3x128xi32, #tpu.memory_space<hbm>>
        tpu.wait_dma2 semaphore(%arg12 : memref<!tpu.dma_semaphore, #tpu.memory_space<semaphore_mem>>) src(%dma_wait3A_357 : memref<3x128xi32, #tpu.memory_space<hbm>>) dst(%dma_wait3A_355 : memref<3x128xi32, #tpu.memory_space<vmem>>)
        %dma_wait3A_358 = arith.constant 0 : i32
        %dma_wait3A_359 = arith.constant 0 : i32
        %dma_wait3A_360 = tpu.memref_slice %arg8[%select_n3A_342, %dma_wait3A_358, %dma_wait3A_359] : memref<3x3x128xi32, #tpu.memory_space<vmem>> -> memref<1x3x128xi32, #tpu.memory_space<vmem>>
        %dma_wait3A_361 = tpu.memref_squeeze %dma_wait3A_360 : memref<1x3x128xi32, #tpu.memory_space<vmem>> -> memref<3x128xi32, #tpu.memory_space<vmem>>
        %dma_wait3A_362 = arith.constant 0 : i32
        %dma_wait3A_363 = tpu.memref_slice %arg4[%add3A_345, %dma_wait3A_362] : memref<2592x128xi32, #tpu.memory_space<hbm>> -> memref<3x128xi32, #tpu.memory_space<hbm>>
        %dma_wait3A_364 = arith.constant 0 : i32
        %dma_wait3A_365 = arith.constant 0 : i32
        %dma_wait3A_366 = tpu.memref_slice %arg8[%select_n3A_342, %dma_wait3A_364, %dma_wait3A_365] : memref<3x3x128xi32, #tpu.memory_space<vmem>> -> memref<1x3x128xi32, #tpu.memory_space<vmem>>
        %dma_wait3A_367 = tpu.memref_squeeze %dma_wait3A_366 : memref<1x3x128xi32, #tpu.memory_space<vmem>> -> memref<3x128xi32, #tpu.memory_space<vmem>>
        %dma_wait3A_368 = arith.constant 0 : i32
        %dma_wait3A_369 = tpu.memref_slice %arg4[%add3A_345, %dma_wait3A_368] : memref<2592x128xi32, #tpu.memory_space<hbm>> -> memref<3x128xi32, #tpu.memory_space<hbm>>
        tpu.wait_dma2 semaphore(%arg12 : memref<!tpu.dma_semaphore, #tpu.memory_space<semaphore_mem>>) src(%dma_wait3A_369 : memref<3x128xi32, #tpu.memory_space<hbm>>) dst(%dma_wait3A_367 : memref<3x128xi32, #tpu.memory_space<vmem>>)
        %mul3A_370 = arith.constant 27 : i32
        %mul3A_371 = arith.muli %add3A, %mul3A_370 : i32
        %add3A_372 = arith.addi %mul3A_371, %add3A_324 : i32
        %dma_wait3A_373 = arith.constant 0 : i32
        %dma_wait3A_374 = tpu.memref_slice %arg9[%select_n3A_342, %dma_wait3A_373] : memref<3x384xf32, #tpu.memory_space<vmem>> -> memref<1x384xf32, #tpu.memory_space<vmem>>
        %dma_wait3A_375 = tpu.memref_squeeze %dma_wait3A_374 : memref<1x384xf32, #tpu.memory_space<vmem>> -> memref<384xf32, #tpu.memory_space<vmem>>
        %dma_wait3A_376 = arith.constant 0 : i32
        %dma_wait3A_377 = tpu.memref_slice %arg5[%add3A_372, %dma_wait3A_376] : memref<864x384xf32, #tpu.memory_space<hbm>> -> memref<1x384xf32, #tpu.memory_space<hbm>>
        %dma_wait3A_378 = tpu.memref_squeeze %dma_wait3A_377 : memref<1x384xf32, #tpu.memory_space<hbm>> -> memref<384xf32, #tpu.memory_space<hbm>>
        %dma_wait3A_379 = arith.constant 0 : i32
        %dma_wait3A_380 = tpu.memref_slice %arg9[%select_n3A_342, %dma_wait3A_379] : memref<3x384xf32, #tpu.memory_space<vmem>> -> memref<1x384xf32, #tpu.memory_space<vmem>>
        %dma_wait3A_381 = tpu.memref_squeeze %dma_wait3A_380 : memref<1x384xf32, #tpu.memory_space<vmem>> -> memref<384xf32, #tpu.memory_space<vmem>>
        %dma_wait3A_382 = arith.constant 0 : i32
        %dma_wait3A_383 = tpu.memref_slice %arg5[%add3A_372, %dma_wait3A_382] : memref<864x384xf32, #tpu.memory_space<hbm>> -> memref<1x384xf32, #tpu.memory_space<hbm>>
        %dma_wait3A_384 = tpu.memref_squeeze %dma_wait3A_383 : memref<1x384xf32, #tpu.memory_space<hbm>> -> memref<384xf32, #tpu.memory_space<hbm>>
        tpu.wait_dma2 semaphore(%arg12 : memref<!tpu.dma_semaphore, #tpu.memory_space<semaphore_mem>>) src(%dma_wait3A_384 : memref<384xf32, #tpu.memory_space<hbm>>) dst(%dma_wait3A_381 : memref<384xf32, #tpu.memory_space<vmem>>)
        %add3A_385 = arith.constant 1 : i32
        %add3A_386 = arith.addi %scan3A_225, %add3A_385 : i32
        %jit3A_387 = arith.constant 3 : i32
        %eq3A_388 = arith.constant 0 : i32
        %eq3A_389 = arith.cmpi eq, %jit3A_387, %eq3A_388 : i32
        %jit3A_390 = arith.constant 1 : i32
        %select_n3A_391 = arith.select %eq3A_389, %jit3A_390, %jit3A_387 : i32
        %rem3A_392 = arith.remsi %add3A_386, %select_n3A_391 : i32
        %ne3A_393 = arith.constant 0 : i32
        %ne3A_394 = arith.cmpi ne, %rem3A_392, %ne3A_393 : i32
        %lt3A_395 = arith.constant 0 : i32
        %lt3A_396 = arith.cmpi slt, %rem3A_392, %lt3A_395 : i32
        %lt3A_397 = arith.constant 0 : i32
        %lt3A_398 = arith.cmpi slt, %select_n3A_391, %lt3A_397 : i32
        %ne3A_399 = arith.xori %lt3A_396, %lt3A_398 : i1
        %and3A_400 = arith.andi %ne3A_399, %ne3A_394 : i1
        %add3A_401 = arith.addi %rem3A_392, %select_n3A_391 : i32
        %select_n3A_402 = arith.select %and3A_400, %add3A_401, %rem3A_392 : i32
        %dma_start3A_403 = arith.constant 0 : i32
        %dma_start3A_404 = arith.constant 0 : i32
        %dma_start3A_405 = arith.constant 0 : i32
        %dma_start3A_406 = tpu.memref_slice %arg10[%select_n3A_402, %dma_start3A_404, %dma_start3A_405] : memref<3x384x16xf32, #tpu.memory_space<vmem>> -> memref<1x128x16xf32, #tpu.memory_space<vmem>>
        %dma_start3A_407 = tpu.memref_squeeze %dma_start3A_406 : memref<1x128x16xf32, #tpu.memory_space<vmem>> -> memref<128x16xf32, #tpu.memory_space<vmem>>
        %dma_start3A_408 = arith.constant 0 : i32
        %dma_start3A_409 = tpu.memref_slice %arg7[%select_n3A_402, %dma_start3A_403, %dma_start3A_408] : memref<3x3x128xi32, #tpu.memory_space<vmem>> -> memref<1x1x128xi32, #tpu.memory_space<vmem>>
        %dma_start3A_410 = tpu.memref_squeeze %dma_start3A_409 : memref<1x1x128xi32, #tpu.memory_space<vmem>> -> memref<128xi32, #tpu.memory_space<vmem>>
        %dma_start3A_411 = arith.constant 0 : i32
        %dma_start3A_412 = arith.constant 0 : i32
        %dma_start3A_413 = tpu.memref_slice %arg2[%dma_start3A_411, %dma_start3A_412] : memref<10000x16xf32, #tpu.memory_space<hbm>> -> memref<10000x16xf32, #tpu.memory_space<hbm>>
        tpu.enqueue_indirect_dma source(%dma_start3A_413 : memref<10000x16xf32, #tpu.memory_space<hbm>>) target(%dma_start3A_407 : memref<128x16xf32, #tpu.memory_space<vmem>>) offsets(%dma_start3A_410 : memref<128xi32, #tpu.memory_space<vmem>>) semaphore(%arg13 : memref<!tpu.dma_semaphore, #tpu.memory_space<semaphore_mem>>)
        %dma_start3A_414 = arith.constant 1 : i32
        %dma_start3A_415 = arith.constant 128 : i32
        %dma_start3A_416 = arith.constant 0 : i32
        %dma_start3A_417 = tpu.memref_slice %arg10[%select_n3A_402, %dma_start3A_415, %dma_start3A_416] : memref<3x384x16xf32, #tpu.memory_space<vmem>> -> memref<1x128x16xf32, #tpu.memory_space<vmem>>
        %dma_start3A_418 = tpu.memref_squeeze %dma_start3A_417 : memref<1x128x16xf32, #tpu.memory_space<vmem>> -> memref<128x16xf32, #tpu.memory_space<vmem>>
        %dma_start3A_419 = arith.constant 0 : i32
        %dma_start3A_420 = tpu.memref_slice %arg7[%select_n3A_402, %dma_start3A_414, %dma_start3A_419] : memref<3x3x128xi32, #tpu.memory_space<vmem>> -> memref<1x1x128xi32, #tpu.memory_space<vmem>>
        %dma_start3A_421 = tpu.memref_squeeze %dma_start3A_420 : memref<1x1x128xi32, #tpu.memory_space<vmem>> -> memref<128xi32, #tpu.memory_space<vmem>>
        %dma_start3A_422 = arith.constant 0 : i32
        %dma_start3A_423 = arith.constant 0 : i32
        %dma_start3A_424 = tpu.memref_slice %arg2[%dma_start3A_422, %dma_start3A_423] : memref<10000x16xf32, #tpu.memory_space<hbm>> -> memref<10000x16xf32, #tpu.memory_space<hbm>>
        tpu.enqueue_indirect_dma source(%dma_start3A_424 : memref<10000x16xf32, #tpu.memory_space<hbm>>) target(%dma_start3A_418 : memref<128x16xf32, #tpu.memory_space<vmem>>) offsets(%dma_start3A_421 : memref<128xi32, #tpu.memory_space<vmem>>) semaphore(%arg13 : memref<!tpu.dma_semaphore, #tpu.memory_space<semaphore_mem>>)
        %dma_start3A_425 = arith.constant 2 : i32
        %dma_start3A_426 = arith.constant 256 : i32
        %dma_start3A_427 = arith.constant 0 : i32
        %dma_start3A_428 = tpu.memref_slice %arg10[%select_n3A_402, %dma_start3A_426, %dma_start3A_427] : memref<3x384x16xf32, #tpu.memory_space<vmem>> -> memref<1x128x16xf32, #tpu.memory_space<vmem>>
        %dma_start3A_429 = tpu.memref_squeeze %dma_start3A_428 : memref<1x128x16xf32, #tpu.memory_space<vmem>> -> memref<128x16xf32, #tpu.memory_space<vmem>>
        %dma_start3A_430 = arith.constant 0 : i32
        %dma_start3A_431 = tpu.memref_slice %arg7[%select_n3A_402, %dma_start3A_425, %dma_start3A_430] : memref<3x3x128xi32, #tpu.memory_space<vmem>> -> memref<1x1x128xi32, #tpu.memory_space<vmem>>
        %dma_start3A_432 = tpu.memref_squeeze %dma_start3A_431 : memref<1x1x128xi32, #tpu.memory_space<vmem>> -> memref<128xi32, #tpu.memory_space<vmem>>
        %dma_start3A_433 = arith.constant 0 : i32
        %dma_start3A_434 = arith.constant 0 : i32
        %dma_start3A_435 = tpu.memref_slice %arg2[%dma_start3A_433, %dma_start3A_434] : memref<10000x16xf32, #tpu.memory_space<hbm>> -> memref<10000x16xf32, #tpu.memory_space<hbm>>
        tpu.enqueue_indirect_dma source(%dma_start3A_435 : memref<10000x16xf32, #tpu.memory_space<hbm>>) target(%dma_start3A_429 : memref<128x16xf32, #tpu.memory_space<vmem>>) offsets(%dma_start3A_432 : memref<128xi32, #tpu.memory_space<vmem>>) semaphore(%arg13 : memref<!tpu.dma_semaphore, #tpu.memory_space<semaphore_mem>>)
      } else {
      }
      %scan3A_284 = arith.constant 0 : i32
      %scan3A_285 = arith.constant 0 : i32
      %scan3A_286 = arith.constant 24 : i32
      %scan3A_287 = arith.addi %scan3A_285, %scan3A_286 : i32
      %scan3A_288 = arith.constant 1 : i32
      scf.for %scan3A_323 = %scan3A_285 to %scan3A_287 step %scan3A_288  : i32 {
        %mul3A_324 = arith.constant 16 : i32
        %mul3A_325 = arith.muli %mul3A_324, %scan3A_323 : i32
        %get3A = arith.index_cast %select_n3A_234 : i32 to index
        %get3A_326 = arith.index_cast %mul3A_325 : i32 to index
        %get3A_327 = tpu.vector_load %arg9[%get3A, %get3A_326] {strides = array<i32>} : memref<3x384xf32, #tpu.memory_space<vmem>>, vector<1x16xf32>,
        %get3A_328 = vector.shape_cast %get3A_327 : vector<1x16xf32> to vector<16xf32>
        %slice3A = vector.extract_strided_slice %get3A_328 {offsets = [0], sizes = [1], strides = [1]} : vector<16xf32> to vector<1xf32>
        %squeeze3A = vector.extract %slice3A[0] : f32 from vector<1xf32>
        %mul3A_329 = arith.constant 16 : i32
        %mul3A_330 = arith.muli %mul3A_329, %scan3A_323 : i32
        %add3A_331 = arith.constant 0 : i32
        %add3A_332 = arith.addi %mul3A_330, %add3A_331 : i32
        %get3A_333 = arith.index_cast %select_n3A_234 : i32 to index
        %get3A_334 = arith.index_cast %add3A_332 : i32 to index
        %get3A_335 = arith.constant 0 : index
        %get3A_336 = tpu.vector_load %arg10[%get3A_333, %get3A_334, %get3A_335] {strides = array<i32>} : memref<3x384x16xf32, #tpu.memory_space<vmem>>, vector<1x1x16xf32>,
        %get3A_337 = vector.shape_cast %get3A_336 : vector<1x1x16xf32> to vector<16xf32>
        %mul3A_338 = vector.broadcast %squeeze3A : f32 to vector<16xf32>
        %mul3A_339 = arith.mulf %get3A_337, %mul3A_338 : vector<16xf32>
        %swap3A = arith.index_cast %select_n3A_234 : i32 to index
        %swap3A_340 = arith.index_cast %add3A_332 : i32 to index
        %swap3A_341 = arith.constant 0 : index
        %swap3A_342 = tpu.vector_load %arg10[%swap3A, %swap3A_340, %swap3A_341] {strides = array<i32>} : memref<3x384x16xf32, #tpu.memory_space<vmem>>, vector<1x1x16xf32>,
        %swap3A_343 = vector.shape_cast %swap3A_342 : vector<1x1x16xf32> to vector<16xf32>
        %swap3A_344 = vector.shape_cast %mul3A_339 : vector<16xf32> to vector<1x1x16xf32>
        tpu.vector_store %arg10[%swap3A, %swap3A_340, %swap3A_341], %swap3A_344 {strides = array<i32>} : memref<3x384x16xf32, #tpu.memory_space<vmem>>, vector<1x1x16xf32>,
        %slice3A_345 = vector.extract_strided_slice %get3A_328 {offsets = [1], sizes = [1], strides = [1]} : vector<16xf32> to vector<1xf32>
        %squeeze3A_346 = vector.extract %slice3A_345[0] : f32 from vector<1xf32>
        %mul3A_347 = arith.constant 16 : i32
        %mul3A_348 = arith.muli %mul3A_347, %scan3A_323 : i32
        %add3A_349 = arith.constant 1 : i32
        %add3A_350 = arith.addi %mul3A_348, %add3A_349 : i32
        %get3A_351 = arith.index_cast %select_n3A_234 : i32 to index
        %get3A_352 = arith.index_cast %add3A_350 : i32 to index
        %get3A_353 = arith.constant 0 : index
        %get3A_354 = tpu.vector_load %arg10[%get3A_351, %get3A_352, %get3A_353] {strides = array<i32>} : memref<3x384x16xf32, #tpu.memory_space<vmem>>, vector<1x1x16xf32>,
        %get3A_355 = vector.shape_cast %get3A_354 : vector<1x1x16xf32> to vector<16xf32>
        %mul3A_356 = vector.broadcast %squeeze3A_346 : f32 to vector<16xf32>
        %mul3A_357 = arith.mulf %get3A_355, %mul3A_356 : vector<16xf32>
        %swap3A_358 = arith.index_cast %select_n3A_234 : i32 to index
        %swap3A_359 = arith.index_cast %add3A_350 : i32 to index
        %swap3A_360 = arith.constant 0 : index
        %swap3A_361 = tpu.vector_load %arg10[%swap3A_358, %swap3A_359, %swap3A_360] {strides = array<i32>} : memref<3x384x16xf32, #tpu.memory_space<vmem>>, vector<1x1x16xf32>,
        %swap3A_362 = vector.shape_cast %swap3A_361 : vector<1x1x16xf32> to vector<16xf32>
        %swap3A_363 = vector.shape_cast %mul3A_357 : vector<16xf32> to vector<1x1x16xf32>
        tpu.vector_store %arg10[%swap3A_358, %swap3A_359, %swap3A_360], %swap3A_363 {strides = array<i32>} : memref<3x384x16xf32, #tpu.memory_space<vmem>>, vector<1x1x16xf32>,
        %slice3A_364 = vector.extract_strided_slice %get3A_328 {offsets = [2], sizes = [1], strides = [1]} : vector<16xf32> to vector<1xf32>
        %squeeze3A_365 = vector.extract %slice3A_364[0] : f32 from vector<1xf32>
        %mul3A_366 = arith.constant 16 : i32
        %mul3A_367 = arith.muli %mul3A_366, %scan3A_323 : i32
        %add3A_368 = arith.constant 2 : i32
        %add3A_369 = arith.addi %mul3A_367, %add3A_368 : i32
        %get3A_370 = arith.index_cast %select_n3A_234 : i32 to index
        %get3A_371 = arith.index_cast %add3A_369 : i32 to index
        %get3A_372 = arith.constant 0 : index
        %get3A_373 = tpu.vector_load %arg10[%get3A_370, %get3A_371, %get3A_372] {strides = array<i32>} : memref<3x384x16xf32, #tpu.memory_space<vmem>>, vector<1x1x16xf32>,
        %get3A_374 = vector.shape_cast %get3A_373 : vector<1x1x16xf32> to vector<16xf32>
        %mul3A_375 = vector.broadcast %squeeze3A_365 : f32 to vector<16xf32>
        %mul3A_376 = arith.mulf %get3A_374, %mul3A_375 : vector<16xf32>
        %swap3A_377 = arith.index_cast %select_n3A_234 : i32 to index
        %swap3A_378 = arith.index_cast %add3A_369 : i32 to index
        %swap3A_379 = arith.constant 0 : index
        %swap3A_380 = tpu.vector_load %arg10[%swap3A_377, %swap3A_378, %swap3A_379] {strides = array<i32>} : memref<3x384x16xf32, #tpu.memory_space<vmem>>, vector<1x1x16xf32>,
        %swap3A_381 = vector.shape_cast %swap3A_380 : vector<1x1x16xf32> to vector<16xf32>
        %swap3A_382 = vector.shape_cast %mul3A_376 : vector<16xf32> to vector<1x1x16xf32>
        tpu.vector_store %arg10[%swap3A_377, %swap3A_378, %swap3A_379], %swap3A_382 {strides = array<i32>} : memref<3x384x16xf32, #tpu.memory_space<vmem>>, vector<1x1x16xf32>,
        %slice3A_383 = vector.extract_strided_slice %get3A_328 {offsets = [3], sizes = [1], strides = [1]} : vector<16xf32> to vector<1xf32>
        %squeeze3A_384 = vector.extract %slice3A_383[0] : f32 from vector<1xf32>
        %mul3A_385 = arith.constant 16 : i32
        %mul3A_386 = arith.muli %mul3A_385, %scan3A_323 : i32
        %add3A_387 = arith.constant 3 : i32
        %add3A_388 = arith.addi %mul3A_386, %add3A_387 : i32
        %get3A_389 = arith.index_cast %select_n3A_234 : i32 to index
        %get3A_390 = arith.index_cast %add3A_388 : i32 to index
        %get3A_391 = arith.constant 0 : index
        %get3A_392 = tpu.vector_load %arg10[%get3A_389, %get3A_390, %get3A_391] {strides = array<i32>} : memref<3x384x16xf32, #tpu.memory_space<vmem>>, vector<1x1x16xf32>,
        %get3A_393 = vector.shape_cast %get3A_392 : vector<1x1x16xf32> to vector<16xf32>
        %mul3A_394 = vector.broadcast %squeeze3A_384 : f32 to vector<16xf32>
        %mul3A_395 = arith.mulf %get3A_393, %mul3A_394 : vector<16xf32>
        %swap3A_396 = arith.index_cast %select_n3A_234 : i32 to index
        %swap3A_397 = arith.index_cast %add3A_388 : i32 to index
        %swap3A_398 = arith.constant 0 : index
        %swap3A_399 = tpu.vector_load %arg10[%swap3A_396, %swap3A_397, %swap3A_398] {strides = array<i32>} : memref<3x384x16xf32, #tpu.memory_space<vmem>>, vector<1x1x16xf32>,
        %swap3A_400 = vector.shape_cast %swap3A_399 : vector<1x1x16xf32> to vector<16xf32>
        %swap3A_401 = vector.shape_cast %mul3A_395 : vector<16xf32> to vector<1x1x16xf32>
        tpu.vector_store %arg10[%swap3A_396, %swap3A_397, %swap3A_398], %swap3A_401 {strides = array<i32>} : memref<3x384x16xf32, #tpu.memory_space<vmem>>, vector<1x1x16xf32>,
        %slice3A_402 = vector.extract_strided_slice %get3A_328 {offsets = [4], sizes = [1], strides = [1]} : vector<16xf32> to vector<1xf32>
        %squeeze3A_403 = vector.extract %slice3A_402[0] : f32 from vector<1xf32>
        %mul3A_404 = arith.constant 16 : i32
        %mul3A_405 = arith.muli %mul3A_404, %scan3A_323 : i32
        %add3A_406 = arith.constant 4 : i32
        %add3A_407 = arith.addi %mul3A_405, %add3A_406 : i32
        %get3A_408 = arith.index_cast %select_n3A_234 : i32 to index
        %get3A_409 = arith.index_cast %add3A_407 : i32 to index
        %get3A_410 = arith.constant 0 : index
        %get3A_411 = tpu.vector_load %arg10[%get3A_408, %get3A_409, %get3A_410] {strides = array<i32>} : memref<3x384x16xf32, #tpu.memory_space<vmem>>, vector<1x1x16xf32>,
        %get3A_412 = vector.shape_cast %get3A_411 : vector<1x1x16xf32> to vector<16xf32>
        %mul3A_413 = vector.broadcast %squeeze3A_403 : f32 to vector<16xf32>
        %mul3A_414 = arith.mulf %get3A_412, %mul3A_413 : vector<16xf32>
        %swap3A_415 = arith.index_cast %select_n3A_234 : i32 to index
        %swap3A_416 = arith.index_cast %add3A_407 : i32 to index
        %swap3A_417 = arith.constant 0 : index
        %swap3A_418 = tpu.vector_load %arg10[%swap3A_415, %swap3A_416, %swap3A_417] {strides = array<i32>} : memref<3x384x16xf32, #tpu.memory_space<vmem>>, vector<1x1x16xf32>,
        %swap3A_419 = vector.shape_cast %swap3A_418 : vector<1x1x16xf32> to vector<16xf32>
        %swap3A_420 = vector.shape_cast %mul3A_414 : vector<16xf32> to vector<1x1x16xf32>
        tpu.vector_store %arg10[%swap3A_415, %swap3A_416, %swap3A_417], %swap3A_420 {strides = array<i32>} : memref<3x384x16xf32, #tpu.memory_space<vmem>>, vector<1x1x16xf32>,
        %slice3A_421 = vector.extract_strided_slice %get3A_328 {offsets = [5], sizes = [1], strides = [1]} : vector<16xf32> to vector<1xf32>
        %squeeze3A_422 = vector.extract %slice3A_421[0] : f32 from vector<1xf32>
        %mul3A_423 = arith.constant 16 : i32
        %mul3A_424 = arith.muli %mul3A_423, %scan3A_323 : i32
        %add3A_425 = arith.constant 5 : i32
        %add3A_426 = arith.addi %mul3A_424, %add3A_425 : i32
        %get3A_427 = arith.index_cast %select_n3A_234 : i32 to index
        %get3A_428 = arith.index_cast %add3A_426 : i32 to index
        %get3A_429 = arith.constant 0 : index
        %get3A_430 = tpu.vector_load %arg10[%get3A_427, %get3A_428, %get3A_429] {strides = array<i32>} : memref<3x384x16xf32, #tpu.memory_space<vmem>>, vector<1x1x16xf32>,
        %get3A_431 = vector.shape_cast %get3A_430 : vector<1x1x16xf32> to vector<16xf32>
        %mul3A_432 = vector.broadcast %squeeze3A_422 : f32 to vector<16xf32>
        %mul3A_433 = arith.mulf %get3A_431, %mul3A_432 : vector<16xf32>
        %swap3A_434 = arith.index_cast %select_n3A_234 : i32 to index
        %swap3A_435 = arith.index_cast %add3A_426 : i32 to index
        %swap3A_436 = arith.constant 0 : index
        %swap3A_437 = tpu.vector_load %arg10[%swap3A_434, %swap3A_435, %swap3A_436] {strides = array<i32>} : memref<3x384x16xf32, #tpu.memory_space<vmem>>, vector<1x1x16xf32>,
        %swap3A_438 = vector.shape_cast %swap3A_437 : vector<1x1x16xf32> to vector<16xf32>
        %swap3A_439 = vector.shape_cast %mul3A_433 : vector<16xf32> to vector<1x1x16xf32>
        tpu.vector_store %arg10[%swap3A_434, %swap3A_435, %swap3A_436], %swap3A_439 {strides = array<i32>} : memref<3x384x16xf32, #tpu.memory_space<vmem>>, vector<1x1x16xf32>,
        %slice3A_440 = vector.extract_strided_slice %get3A_328 {offsets = [6], sizes = [1], strides = [1]} : vector<16xf32> to vector<1xf32>
        %squeeze3A_441 = vector.extract %slice3A_440[0] : f32 from vector<1xf32>
        %mul3A_442 = arith.constant 16 : i32
        %mul3A_443 = arith.muli %mul3A_442, %scan3A_323 : i32
        %add3A_444 = arith.constant 6 : i32
        %add3A_445 = arith.addi %mul3A_443, %add3A_444 : i32
        %get3A_446 = arith.index_cast %select_n3A_234 : i32 to index
        %get3A_447 = arith.index_cast %add3A_445 : i32 to index
        %get3A_448 = arith.constant 0 : index
        %get3A_449 = tpu.vector_load %arg10[%get3A_446, %get3A_447, %get3A_448] {strides = array<i32>} : memref<3x384x16xf32, #tpu.memory_space<vmem>>, vector<1x1x16xf32>,
        %get3A_450 = vector.shape_cast %get3A_449 : vector<1x1x16xf32> to vector<16xf32>
        %mul3A_451 = vector.broadcast %squeeze3A_441 : f32 to vector<16xf32>
        %mul3A_452 = arith.mulf %get3A_450, %mul3A_451 : vector<16xf32>
        %swap3A_453 = arith.index_cast %select_n3A_234 : i32 to index
        %swap3A_454 = arith.index_cast %add3A_445 : i32 to index
        %swap3A_455 = arith.constant 0 : index
        %swap3A_456 = tpu.vector_load %arg10[%swap3A_453, %swap3A_454, %swap3A_455] {strides = array<i32>} : memref<3x384x16xf32, #tpu.memory_space<vmem>>, vector<1x1x16xf32>,
        %swap3A_457 = vector.shape_cast %swap3A_456 : vector<1x1x16xf32> to vector<16xf32>
        %swap3A_458 = vector.shape_cast %mul3A_452 : vector<16xf32> to vector<1x1x16xf32>
        tpu.vector_store %arg10[%swap3A_453, %swap3A_454, %swap3A_455], %swap3A_458 {strides = array<i32>} : memref<3x384x16xf32, #tpu.memory_space<vmem>>, vector<1x1x16xf32>,
        %slice3A_459 = vector.extract_strided_slice %get3A_328 {offsets = [7], sizes = [1], strides = [1]} : vector<16xf32> to vector<1xf32>
        %squeeze3A_460 = vector.extract %slice3A_459[0] : f32 from vector<1xf32>
        %mul3A_461 = arith.constant 16 : i32
        %mul3A_462 = arith.muli %mul3A_461, %scan3A_323 : i32
        %add3A_463 = arith.constant 7 : i32
        %add3A_464 = arith.addi %mul3A_462, %add3A_463 : i32
        %get3A_465 = arith.index_cast %select_n3A_234 : i32 to index
        %get3A_466 = arith.index_cast %add3A_464 : i32 to index
        %get3A_467 = arith.constant 0 : index
        %get3A_468 = tpu.vector_load %arg10[%get3A_465, %get3A_466, %get3A_467] {strides = array<i32>} : memref<3x384x16xf32, #tpu.memory_space<vmem>>, vector<1x1x16xf32>,
        %get3A_469 = vector.shape_cast %get3A_468 : vector<1x1x16xf32> to vector<16xf32>
        %mul3A_470 = vector.broadcast %squeeze3A_460 : f32 to vector<16xf32>
        %mul3A_471 = arith.mulf %get3A_469, %mul3A_470 : vector<16xf32>
        %swap3A_472 = arith.index_cast %select_n3A_234 : i32 to index
        %swap3A_473 = arith.index_cast %add3A_464 : i32 to index
        %swap3A_474 = arith.constant 0 : index
        %swap3A_475 = tpu.vector_load %arg10[%swap3A_472, %swap3A_473, %swap3A_474] {strides = array<i32>} : memref<3x384x16xf32, #tpu.memory_space<vmem>>, vector<1x1x16xf32>,
        %swap3A_476 = vector.shape_cast %swap3A_475 : vector<1x1x16xf32> to vector<16xf32>
        %swap3A_477 = vector.shape_cast %mul3A_471 : vector<16xf32> to vector<1x1x16xf32>
        tpu.vector_store %arg10[%swap3A_472, %swap3A_473, %swap3A_474], %swap3A_477 {strides = array<i32>} : memref<3x384x16xf32, #tpu.memory_space<vmem>>, vector<1x1x16xf32>,
        %slice3A_478 = vector.extract_strided_slice %get3A_328 {offsets = [8], sizes = [1], strides = [1]} : vector<16xf32> to vector<1xf32>
        %squeeze3A_479 = vector.extract %slice3A_478[0] : f32 from vector<1xf32>
        %mul3A_480 = arith.constant 16 : i32
        %mul3A_481 = arith.muli %mul3A_480, %scan3A_323 : i32
        %add3A_482 = arith.constant 8 : i32
        %add3A_483 = arith.addi %mul3A_481, %add3A_482 : i32
        %get3A_484 = arith.index_cast %select_n3A_234 : i32 to index
        %get3A_485 = arith.index_cast %add3A_483 : i32 to index
        %get3A_486 = arith.constant 0 : index
        %get3A_487 = tpu.vector_load %arg10[%get3A_484, %get3A_485, %get3A_486] {strides = array<i32>} : memref<3x384x16xf32, #tpu.memory_space<vmem>>, vector<1x1x16xf32>,
        %get3A_488 = vector.shape_cast %get3A_487 : vector<1x1x16xf32> to vector<16xf32>
        %mul3A_489 = vector.broadcast %squeeze3A_479 : f32 to vector<16xf32>
        %mul3A_490 = arith.mulf %get3A_488, %mul3A_489 : vector<16xf32>
        %swap3A_491 = arith.index_cast %select_n3A_234 : i32 to index
        %swap3A_492 = arith.index_cast %add3A_483 : i32 to index
        %swap3A_493 = arith.constant 0 : index
        %swap3A_494 = tpu.vector_load %arg10[%swap3A_491, %swap3A_492, %swap3A_493] {strides = array<i32>} : memref<3x384x16xf32, #tpu.memory_space<vmem>>, vector<1x1x16xf32>,
        %swap3A_495 = vector.shape_cast %swap3A_494 : vector<1x1x16xf32> to vector<16xf32>
        %swap3A_496 = vector.shape_cast %mul3A_490 : vector<16xf32> to vector<1x1x16xf32>
        tpu.vector_store %arg10[%swap3A_491, %swap3A_492, %swap3A_493], %swap3A_496 {strides = array<i32>} : memref<3x384x16xf32, #tpu.memory_space<vmem>>, vector<1x1x16xf32>,
        %slice3A_497 = vector.extract_strided_slice %get3A_328 {offsets = [9], sizes = [1], strides = [1]} : vector<16xf32> to vector<1xf32>
        %squeeze3A_498 = vector.extract %slice3A_497[0] : f32 from vector<1xf32>
        %mul3A_499 = arith.constant 16 : i32
        %mul3A_500 = arith.muli %mul3A_499, %scan3A_323 : i32
        %add3A_501 = arith.constant 9 : i32
        %add3A_502 = arith.addi %mul3A_500, %add3A_501 : i32
        %get3A_503 = arith.index_cast %select_n3A_234 : i32 to index
        %get3A_504 = arith.index_cast %add3A_502 : i32 to index
        %get3A_505 = arith.constant 0 : index
        %get3A_506 = tpu.vector_load %arg10[%get3A_503, %get3A_504, %get3A_505] {strides = array<i32>} : memref<3x384x16xf32, #tpu.memory_space<vmem>>, vector<1x1x16xf32>,
        %get3A_507 = vector.shape_cast %get3A_506 : vector<1x1x16xf32> to vector<16xf32>
        %mul3A_508 = vector.broadcast %squeeze3A_498 : f32 to vector<16xf32>
        %mul3A_509 = arith.mulf %get3A_507, %mul3A_508 : vector<16xf32>
        %swap3A_510 = arith.index_cast %select_n3A_234 : i32 to index
        %swap3A_511 = arith.index_cast %add3A_502 : i32 to index
        %swap3A_512 = arith.constant 0 : index
        %swap3A_513 = tpu.vector_load %arg10[%swap3A_510, %swap3A_511, %swap3A_512] {strides = array<i32>} : memref<3x384x16xf32, #tpu.memory_space<vmem>>, vector<1x1x16xf32>,
        %swap3A_514 = vector.shape_cast %swap3A_513 : vector<1x1x16xf32> to vector<16xf32>
        %swap3A_515 = vector.shape_cast %mul3A_509 : vector<16xf32> to vector<1x1x16xf32>
        tpu.vector_store %arg10[%swap3A_510, %swap3A_511, %swap3A_512], %swap3A_515 {strides = array<i32>} : memref<3x384x16xf32, #tpu.memory_space<vmem>>, vector<1x1x16xf32>,
        %slice3A_516 = vector.extract_strided_slice %get3A_328 {offsets = [10], sizes = [1], strides = [1]} : vector<16xf32> to vector<1xf32>
        %squeeze3A_517 = vector.extract %slice3A_516[0] : f32 from vector<1xf32>
        %mul3A_518 = arith.constant 16 : i32
        %mul3A_519 = arith.muli %mul3A_518, %scan3A_323 : i32
        %add3A_520 = arith.constant 10 : i32
        %add3A_521 = arith.addi %mul3A_519, %add3A_520 : i32
        %get3A_522 = arith.index_cast %select_n3A_234 : i32 to index
        %get3A_523 = arith.index_cast %add3A_521 : i32 to index
        %get3A_524 = arith.constant 0 : index
        %get3A_525 = tpu.vector_load %arg10[%get3A_522, %get3A_523, %get3A_524] {strides = array<i32>} : memref<3x384x16xf32, #tpu.memory_space<vmem>>, vector<1x1x16xf32>,
        %get3A_526 = vector.shape_cast %get3A_525 : vector<1x1x16xf32> to vector<16xf32>
        %mul3A_527 = vector.broadcast %squeeze3A_517 : f32 to vector<16xf32>
        %mul3A_528 = arith.mulf %get3A_526, %mul3A_527 : vector<16xf32>
        %swap3A_529 = arith.index_cast %select_n3A_234 : i32 to index
        %swap3A_530 = arith.index_cast %add3A_521 : i32 to index
        %swap3A_531 = arith.constant 0 : index
        %swap3A_532 = tpu.vector_load %arg10[%swap3A_529, %swap3A_530, %swap3A_531] {strides = array<i32>} : memref<3x384x16xf32, #tpu.memory_space<vmem>>, vector<1x1x16xf32>,
        %swap3A_533 = vector.shape_cast %swap3A_532 : vector<1x1x16xf32> to vector<16xf32>
        %swap3A_534 = vector.shape_cast %mul3A_528 : vector<16xf32> to vector<1x1x16xf32>
        tpu.vector_store %arg10[%swap3A_529, %swap3A_530, %swap3A_531], %swap3A_534 {strides = array<i32>} : memref<3x384x16xf32, #tpu.memory_space<vmem>>, vector<1x1x16xf32>,
        %slice3A_535 = vector.extract_strided_slice %get3A_328 {offsets = [11], sizes = [1], strides = [1]} : vector<16xf32> to vector<1xf32>
        %squeeze3A_536 = vector.extract %slice3A_535[0] : f32 from vector<1xf32>
        %mul3A_537 = arith.constant 16 : i32
        %mul3A_538 = arith.muli %mul3A_537, %scan3A_323 : i32
        %add3A_539 = arith.constant 11 : i32
        %add3A_540 = arith.addi %mul3A_538, %add3A_539 : i32
        %get3A_541 = arith.index_cast %select_n3A_234 : i32 to index
        %get3A_542 = arith.index_cast %add3A_540 : i32 to index
        %get3A_543 = arith.constant 0 : index
        %get3A_544 = tpu.vector_load %arg10[%get3A_541, %get3A_542, %get3A_543] {strides = array<i32>} : memref<3x384x16xf32, #tpu.memory_space<vmem>>, vector<1x1x16xf32>,
        %get3A_545 = vector.shape_cast %get3A_544 : vector<1x1x16xf32> to vector<16xf32>
        %mul3A_546 = vector.broadcast %squeeze3A_536 : f32 to vector<16xf32>
        %mul3A_547 = arith.mulf %get3A_545, %mul3A_546 : vector<16xf32>
        %swap3A_548 = arith.index_cast %select_n3A_234 : i32 to index
        %swap3A_549 = arith.index_cast %add3A_540 : i32 to index
        %swap3A_550 = arith.constant 0 : index
        %swap3A_551 = tpu.vector_load %arg10[%swap3A_548, %swap3A_549, %swap3A_550] {strides = array<i32>} : memref<3x384x16xf32, #tpu.memory_space<vmem>>, vector<1x1x16xf32>,
        %swap3A_552 = vector.shape_cast %swap3A_551 : vector<1x1x16xf32> to vector<16xf32>
        %swap3A_553 = vector.shape_cast %mul3A_547 : vector<16xf32> to vector<1x1x16xf32>
        tpu.vector_store %arg10[%swap3A_548, %swap3A_549, %swap3A_550], %swap3A_553 {strides = array<i32>} : memref<3x384x16xf32, #tpu.memory_space<vmem>>, vector<1x1x16xf32>,
        %slice3A_554 = vector.extract_strided_slice %get3A_328 {offsets = [12], sizes = [1], strides = [1]} : vector<16xf32> to vector<1xf32>
        %squeeze3A_555 = vector.extract %slice3A_554[0] : f32 from vector<1xf32>
        %mul3A_556 = arith.constant 16 : i32
        %mul3A_557 = arith.muli %mul3A_556, %scan3A_323 : i32
        %add3A_558 = arith.constant 12 : i32
        %add3A_559 = arith.addi %mul3A_557, %add3A_558 : i32
        %get3A_560 = arith.index_cast %select_n3A_234 : i32 to index
        %get3A_561 = arith.index_cast %add3A_559 : i32 to index
        %get3A_562 = arith.constant 0 : index
        %get3A_563 = tpu.vector_load %arg10[%get3A_560, %get3A_561, %get3A_562] {strides = array<i32>} : memref<3x384x16xf32, #tpu.memory_space<vmem>>, vector<1x1x16xf32>,
        %get3A_564 = vector.shape_cast %get3A_563 : vector<1x1x16xf32> to vector<16xf32>
        %mul3A_565 = vector.broadcast %squeeze3A_555 : f32 to vector<16xf32>
        %mul3A_566 = arith.mulf %get3A_564, %mul3A_565 : vector<16xf32>
        %swap3A_567 = arith.index_cast %select_n3A_234 : i32 to index
        %swap3A_568 = arith.index_cast %add3A_559 : i32 to index
        %swap3A_569 = arith.constant 0 : index
        %swap3A_570 = tpu.vector_load %arg10[%swap3A_567, %swap3A_568, %swap3A_569] {strides = array<i32>} : memref<3x384x16xf32, #tpu.memory_space<vmem>>, vector<1x1x16xf32>,
        %swap3A_571 = vector.shape_cast %swap3A_570 : vector<1x1x16xf32> to vector<16xf32>
        %swap3A_572 = vector.shape_cast %mul3A_566 : vector<16xf32> to vector<1x1x16xf32>
        tpu.vector_store %arg10[%swap3A_567, %swap3A_568, %swap3A_569], %swap3A_572 {strides = array<i32>} : memref<3x384x16xf32, #tpu.memory_space<vmem>>, vector<1x1x16xf32>,
        %slice3A_573 = vector.extract_strided_slice %get3A_328 {offsets = [13], sizes = [1], strides = [1]} : vector<16xf32> to vector<1xf32>
        %squeeze3A_574 = vector.extract %slice3A_573[0] : f32 from vector<1xf32>
        %mul3A_575 = arith.constant 16 : i32
        %mul3A_576 = arith.muli %mul3A_575, %scan3A_323 : i32
        %add3A_577 = arith.constant 13 : i32
        %add3A_578 = arith.addi %mul3A_576, %add3A_577 : i32
        %get3A_579 = arith.index_cast %select_n3A_234 : i32 to index
        %get3A_580 = arith.index_cast %add3A_578 : i32 to index
        %get3A_581 = arith.constant 0 : index
        %get3A_582 = tpu.vector_load %arg10[%get3A_579, %get3A_580, %get3A_581] {strides = array<i32>} : memref<3x384x16xf32, #tpu.memory_space<vmem>>, vector<1x1x16xf32>,
        %get3A_583 = vector.shape_cast %get3A_582 : vector<1x1x16xf32> to vector<16xf32>
        %mul3A_584 = vector.broadcast %squeeze3A_574 : f32 to vector<16xf32>
        %mul3A_585 = arith.mulf %get3A_583, %mul3A_584 : vector<16xf32>
        %swap3A_586 = arith.index_cast %select_n3A_234 : i32 to index
        %swap3A_587 = arith.index_cast %add3A_578 : i32 to index
        %swap3A_588 = arith.constant 0 : index
        %swap3A_589 = tpu.vector_load %arg10[%swap3A_586, %swap3A_587, %swap3A_588] {strides = array<i32>} : memref<3x384x16xf32, #tpu.memory_space<vmem>>, vector<1x1x16xf32>,
        %swap3A_590 = vector.shape_cast %swap3A_589 : vector<1x1x16xf32> to vector<16xf32>
        %swap3A_591 = vector.shape_cast %mul3A_585 : vector<16xf32> to vector<1x1x16xf32>
        tpu.vector_store %arg10[%swap3A_586, %swap3A_587, %swap3A_588], %swap3A_591 {strides = array<i32>} : memref<3x384x16xf32, #tpu.memory_space<vmem>>, vector<1x1x16xf32>,
        %slice3A_592 = vector.extract_strided_slice %get3A_328 {offsets = [14], sizes = [1], strides = [1]} : vector<16xf32> to vector<1xf32>
        %squeeze3A_593 = vector.extract %slice3A_592[0] : f32 from vector<1xf32>
        %mul3A_594 = arith.constant 16 : i32
        %mul3A_595 = arith.muli %mul3A_594, %scan3A_323 : i32
        %add3A_596 = arith.constant 14 : i32
        %add3A_597 = arith.addi %mul3A_595, %add3A_596 : i32
        %get3A_598 = arith.index_cast %select_n3A_234 : i32 to index
        %get3A_599 = arith.index_cast %add3A_597 : i32 to index
        %get3A_600 = arith.constant 0 : index
        %get3A_601 = tpu.vector_load %arg10[%get3A_598, %get3A_599, %get3A_600] {strides = array<i32>} : memref<3x384x16xf32, #tpu.memory_space<vmem>>, vector<1x1x16xf32>,
        %get3A_602 = vector.shape_cast %get3A_601 : vector<1x1x16xf32> to vector<16xf32>
        %mul3A_603 = vector.broadcast %squeeze3A_593 : f32 to vector<16xf32>
        %mul3A_604 = arith.mulf %get3A_602, %mul3A_603 : vector<16xf32>
        %swap3A_605 = arith.index_cast %select_n3A_234 : i32 to index
        %swap3A_606 = arith.index_cast %add3A_597 : i32 to index
        %swap3A_607 = arith.constant 0 : index
        %swap3A_608 = tpu.vector_load %arg10[%swap3A_605, %swap3A_606, %swap3A_607] {strides = array<i32>} : memref<3x384x16xf32, #tpu.memory_space<vmem>>, vector<1x1x16xf32>,
        %swap3A_609 = vector.shape_cast %swap3A_608 : vector<1x1x16xf32> to vector<16xf32>
        %swap3A_610 = vector.shape_cast %mul3A_604 : vector<16xf32> to vector<1x1x16xf32>
        tpu.vector_store %arg10[%swap3A_605, %swap3A_606, %swap3A_607], %swap3A_610 {strides = array<i32>} : memref<3x384x16xf32, #tpu.memory_space<vmem>>, vector<1x1x16xf32>,
        %slice3A_611 = vector.extract_strided_slice %get3A_328 {offsets = [15], sizes = [1], strides = [1]} : vector<16xf32> to vector<1xf32>
        %squeeze3A_612 = vector.extract %slice3A_611[0] : f32 from vector<1xf32>
        %mul3A_613 = arith.constant 16 : i32
        %mul3A_614 = arith.muli %mul3A_613, %scan3A_323 : i32
        %add3A_615 = arith.constant 15 : i32
        %add3A_616 = arith.addi %mul3A_614, %add3A_615 : i32
        %get3A_617 = arith.index_cast %select_n3A_234 : i32 to index
        %get3A_618 = arith.index_cast %add3A_616 : i32 to index
        %get3A_619 = arith.constant 0 : index
        %get3A_620 = tpu.vector_load %arg10[%get3A_617, %get3A_618, %get3A_619] {strides = array<i32>} : memref<3x384x16xf32, #tpu.memory_space<vmem>>, vector<1x1x16xf32>,
        %get3A_621 = vector.shape_cast %get3A_620 : vector<1x1x16xf32> to vector<16xf32>
        %mul3A_622 = vector.broadcast %squeeze3A_612 : f32 to vector<16xf32>
        %mul3A_623 = arith.mulf %get3A_621, %mul3A_622 : vector<16xf32>
        %swap3A_624 = arith.index_cast %select_n3A_234 : i32 to index
        %swap3A_625 = arith.index_cast %add3A_616 : i32 to index
        %swap3A_626 = arith.constant 0 : index
        %swap3A_627 = tpu.vector_load %arg10[%swap3A_624, %swap3A_625, %swap3A_626] {strides = array<i32>} : memref<3x384x16xf32, #tpu.memory_space<vmem>>, vector<1x1x16xf32>,
        %swap3A_628 = vector.shape_cast %swap3A_627 : vector<1x1x16xf32> to vector<16xf32>
        %swap3A_629 = vector.shape_cast %mul3A_623 : vector<16xf32> to vector<1x1x16xf32>
        tpu.vector_store %arg10[%swap3A_624, %swap3A_625, %swap3A_626], %swap3A_629 {strides = array<i32>} : memref<3x384x16xf32, #tpu.memory_space<vmem>>, vector<1x1x16xf32>,
      }
      %scan3A_289 = arith.constant 24 : i32
      %dma_start3A_290 = arith.constant 0 : i32
      %dma_start3A_291 = arith.constant 0 : i32
      %dma_start3A_292 = arith.constant 0 : i32
      %dma_start3A_293 = tpu.memref_slice %arg10[%select_n3A_234, %dma_start3A_291, %dma_start3A_292] : memref<3x384x16xf32, #tpu.memory_space<vmem>> -> memref<1x128x16xf32, #tpu.memory_space<vmem>>
      %dma_start3A_294 = tpu.memref_squeeze %dma_start3A_293 : memref<1x128x16xf32, #tpu.memory_space<vmem>> -> memref<128x16xf32, #tpu.memory_space<vmem>>
      %dma_start3A_295 = arith.constant 0 : i32
      %dma_start3A_296 = tpu.memref_slice %arg8[%select_n3A_234, %dma_start3A_290, %dma_start3A_295] : memref<3x3x128xi32, #tpu.memory_space<vmem>> -> memref<1x1x128xi32, #tpu.memory_space<vmem>>
      %dma_start3A_297 = tpu.memref_squeeze %dma_start3A_296 : memref<1x1x128xi32, #tpu.memory_space<vmem>> -> memref<128xi32, #tpu.memory_space<vmem>>
      %dma_start3A_298 = arith.constant 0 : i32
      %dma_start3A_299 = arith.constant 0 : i32
      %dma_start3A_300 = tpu.memref_slice %arg11[%dma_start3A_298, %dma_start3A_299] : memref<10240x16xf32, #tpu.memory_space<vmem_shared>> -> memref<10240x16xf32, #tpu.memory_space<vmem_shared>>
      tpu.enqueue_indirect_dma source(%dma_start3A_294 : memref<128x16xf32, #tpu.memory_space<vmem>>) target(%dma_start3A_300 : memref<10240x16xf32, #tpu.memory_space<vmem_shared>>) offsets(%dma_start3A_297 : memref<128xi32, #tpu.memory_space<vmem>>) semaphore(%arg14 : memref<!tpu.dma_semaphore, #tpu.memory_space<semaphore_mem>>) {add = true}
      %dma_start3A_301 = arith.constant 1 : i32
      %dma_start3A_302 = arith.constant 128 : i32
      %dma_start3A_303 = arith.constant 0 : i32
      %dma_start3A_304 = tpu.memref_slice %arg10[%select_n3A_234, %dma_start3A_302, %dma_start3A_303] : memref<3x384x16xf32, #tpu.memory_space<vmem>> -> memref<1x128x16xf32, #tpu.memory_space<vmem>>
      %dma_start3A_305 = tpu.memref_squeeze %dma_start3A_304 : memref<1x128x16xf32, #tpu.memory_space<vmem>> -> memref<128x16xf32, #tpu.memory_space<vmem>>
      %dma_start3A_306 = arith.constant 0 : i32
      %dma_start3A_307 = tpu.memref_slice %arg8[%select_n3A_234, %dma_start3A_301, %dma_start3A_306] : memref<3x3x128xi32, #tpu.memory_space<vmem>> -> memref<1x1x128xi32, #tpu.memory_space<vmem>>
      %dma_start3A_308 = tpu.memref_squeeze %dma_start3A_307 : memref<1x1x128xi32, #tpu.memory_space<vmem>> -> memref<128xi32, #tpu.memory_space<vmem>>
      %dma_start3A_309 = arith.constant 0 : i32
      %dma_start3A_310 = arith.constant 0 : i32
      %dma_start3A_311 = tpu.memref_slice %arg11[%dma_start3A_309, %dma_start3A_310] : memref<10240x16xf32, #tpu.memory_space<vmem_shared>> -> memref<10240x16xf32, #tpu.memory_space<vmem_shared>>
      tpu.enqueue_indirect_dma source(%dma_start3A_305 : memref<128x16xf32, #tpu.memory_space<vmem>>) target(%dma_start3A_311 : memref<10240x16xf32, #tpu.memory_space<vmem_shared>>) offsets(%dma_start3A_308 : memref<128xi32, #tpu.memory_space<vmem>>) semaphore(%arg14 : memref<!tpu.dma_semaphore, #tpu.memory_space<semaphore_mem>>) {add = true}
      %dma_start3A_312 = arith.constant 2 : i32
      %dma_start3A_313 = arith.constant 256 : i32
      %dma_start3A_314 = arith.constant 0 : i32
      %dma_start3A_315 = tpu.memref_slice %arg10[%select_n3A_234, %dma_start3A_313, %dma_start3A_314] : memref<3x384x16xf32, #tpu.memory_space<vmem>> -> memref<1x128x16xf32, #tpu.memory_space<vmem>>
      %dma_start3A_316 = tpu.memref_squeeze %dma_start3A_315 : memref<1x128x16xf32, #tpu.memory_space<vmem>> -> memref<128x16xf32, #tpu.memory_space<vmem>>
      %dma_start3A_317 = arith.constant 0 : i32
      %dma_start3A_318 = tpu.memref_slice %arg8[%select_n3A_234, %dma_start3A_312, %dma_start3A_317] : memref<3x3x128xi32, #tpu.memory_space<vmem>> -> memref<1x1x128xi32, #tpu.memory_space<vmem>>
      %dma_start3A_319 = tpu.memref_squeeze %dma_start3A_318 : memref<1x1x128xi32, #tpu.memory_space<vmem>> -> memref<128xi32, #tpu.memory_space<vmem>>
      %dma_start3A_320 = arith.constant 0 : i32
      %dma_start3A_321 = arith.constant 0 : i32
      %dma_start3A_322 = tpu.memref_slice %arg11[%dma_start3A_320, %dma_start3A_321] : memref<10240x16xf32, #tpu.memory_space<vmem_shared>> -> memref<10240x16xf32, #tpu.memory_space<vmem_shared>>
      tpu.enqueue_indirect_dma source(%dma_start3A_316 : memref<128x16xf32, #tpu.memory_space<vmem>>) target(%dma_start3A_322 : memref<10240x16xf32, #tpu.memory_space<vmem_shared>>) offsets(%dma_start3A_319 : memref<128xi32, #tpu.memory_space<vmem>>) semaphore(%arg14 : memref<!tpu.dma_semaphore, #tpu.memory_space<semaphore_mem>>) {add = true}
    }
    %scan3A_145 = arith.constant 27 : i32
    %dma_wait3A_146 = arith.constant 1 : i32
    %dma_wait3A_147 = arith.constant 1 : i32
    %dma_wait3A_148 = arith.constant 0 : i32
    %dma_wait3A_149 = arith.constant 0 : i32
    %dma_wait3A_150 = arith.constant 0 : i32
    %dma_wait3A_151 = tpu.memref_slice %arg10[%dma_wait3A_146, %dma_wait3A_149, %dma_wait3A_150] : memref<3x384x16xf32, #tpu.memory_space<vmem>> -> memref<1x128x16xf32, #tpu.memory_space<vmem>>
    %dma_wait3A_152 = tpu.memref_squeeze %dma_wait3A_151 : memref<1x128x16xf32, #tpu.memory_space<vmem>> -> memref<128x16xf32, #tpu.memory_space<vmem>>
    %dma_wait3A_153 = arith.constant 0 : i32
    %dma_wait3A_154 = tpu.memref_slice %arg8[%dma_wait3A_147, %dma_wait3A_148, %dma_wait3A_153] : memref<3x3x128xi32, #tpu.memory_space<vmem>> -> memref<1x1x128xi32, #tpu.memory_space<vmem>>
    %dma_wait3A_155 = tpu.memref_squeeze %dma_wait3A_154 : memref<1x1x128xi32, #tpu.memory_space<vmem>> -> memref<128xi32, #tpu.memory_space<vmem>>
    %dma_wait3A_156 = arith.constant 0 : i32
    %dma_wait3A_157 = arith.constant 0 : i32
    %dma_wait3A_158 = tpu.memref_slice %arg11[%dma_wait3A_156, %dma_wait3A_157] : memref<10240x16xf32, #tpu.memory_space<vmem_shared>> -> memref<10240x16xf32, #tpu.memory_space<vmem_shared>>
    tpu.wait_indirect_dma semaphore(%arg14 : memref<!tpu.dma_semaphore, #tpu.memory_space<semaphore_mem>>) src(%dma_wait3A_152 : memref<128x16xf32, #tpu.memory_space<vmem>>) dst(%dma_wait3A_158 : memref<10240x16xf32, #tpu.memory_space<vmem_shared>>)
    %dma_wait3A_159 = arith.constant 1 : i32
    %dma_wait3A_160 = arith.constant 1 : i32
    %dma_wait3A_161 = arith.constant 1 : i32
    %dma_wait3A_162 = arith.constant 128 : i32
    %dma_wait3A_163 = arith.constant 0 : i32
    %dma_wait3A_164 = tpu.memref_slice %arg10[%dma_wait3A_159, %dma_wait3A_162, %dma_wait3A_163] : memref<3x384x16xf32, #tpu.memory_space<vmem>> -> memref<1x128x16xf32, #tpu.memory_space<vmem>>
    %dma_wait3A_165 = tpu.memref_squeeze %dma_wait3A_164 : memref<1x128x16xf32, #tpu.memory_space<vmem>> -> memref<128x16xf32, #tpu.memory_space<vmem>>
    %dma_wait3A_166 = arith.constant 0 : i32
    %dma_wait3A_167 = tpu.memref_slice %arg8[%dma_wait3A_160, %dma_wait3A_161, %dma_wait3A_166] : memref<3x3x128xi32, #tpu.memory_space<vmem>> -> memref<1x1x128xi32, #tpu.memory_space<vmem>>
    %dma_wait3A_168 = tpu.memref_squeeze %dma_wait3A_167 : memref<1x1x128xi32, #tpu.memory_space<vmem>> -> memref<128xi32, #tpu.memory_space<vmem>>
    %dma_wait3A_169 = arith.constant 0 : i32
    %dma_wait3A_170 = arith.constant 0 : i32
    %dma_wait3A_171 = tpu.memref_slice %arg11[%dma_wait3A_169, %dma_wait3A_170] : memref<10240x16xf32, #tpu.memory_space<vmem_shared>> -> memref<10240x16xf32, #tpu.memory_space<vmem_shared>>
    tpu.wait_indirect_dma semaphore(%arg14 : memref<!tpu.dma_semaphore, #tpu.memory_space<semaphore_mem>>) src(%dma_wait3A_165 : memref<128x16xf32, #tpu.memory_space<vmem>>) dst(%dma_wait3A_171 : memref<10240x16xf32, #tpu.memory_space<vmem_shared>>)
    %dma_wait3A_172 = arith.constant 1 : i32
    %dma_wait3A_173 = arith.constant 1 : i32
    %dma_wait3A_174 = arith.constant 2 : i32
    %dma_wait3A_175 = arith.constant 256 : i32
    %dma_wait3A_176 = arith.constant 0 : i32
    %dma_wait3A_177 = tpu.memref_slice %arg10[%dma_wait3A_172, %dma_wait3A_175, %dma_wait3A_176] : memref<3x384x16xf32, #tpu.memory_space<vmem>> -> memref<1x128x16xf32, #tpu.memory_space<vmem>>
    %dma_wait3A_178 = tpu.memref_squeeze %dma_wait3A_177 : memref<1x128x16xf32, #tpu.memory_space<vmem>> -> memref<128x16xf32, #tpu.memory_space<vmem>>
    %dma_wait3A_179 = arith.constant 0 : i32
    %dma_wait3A_180 = tpu.memref_slice %arg8[%dma_wait3A_173, %dma_wait3A_174, %dma_wait3A_179] : memref<3x3x128xi32, #tpu.memory_space<vmem>> -> memref<1x1x128xi32, #tpu.memory_space<vmem>>
    %dma_wait3A_181 = tpu.memref_squeeze %dma_wait3A_180 : memref<1x1x128xi32, #tpu.memory_space<vmem>> -> memref<128xi32, #tpu.memory_space<vmem>>
    %dma_wait3A_182 = arith.constant 0 : i32
    %dma_wait3A_183 = arith.constant 0 : i32
    %dma_wait3A_184 = tpu.memref_slice %arg11[%dma_wait3A_182, %dma_wait3A_183] : memref<10240x16xf32, #tpu.memory_space<vmem_shared>> -> memref<10240x16xf32, #tpu.memory_space<vmem_shared>>
    tpu.wait_indirect_dma semaphore(%arg14 : memref<!tpu.dma_semaphore, #tpu.memory_space<semaphore_mem>>) src(%dma_wait3A_178 : memref<128x16xf32, #tpu.memory_space<vmem>>) dst(%dma_wait3A_184 : memref<10240x16xf32, #tpu.memory_space<vmem_shared>>)
    %dma_wait3A_185 = arith.constant 2 : i32
    %dma_wait3A_186 = arith.constant 2 : i32
    %dma_wait3A_187 = arith.constant 0 : i32
    %dma_wait3A_188 = arith.constant 0 : i32
    %dma_wait3A_189 = arith.constant 0 : i32
    %dma_wait3A_190 = tpu.memref_slice %arg10[%dma_wait3A_185, %dma_wait3A_188, %dma_wait3A_189] : memref<3x384x16xf32, #tpu.memory_space<vmem>> -> memref<1x128x16xf32, #tpu.memory_space<vmem>>
    %dma_wait3A_191 = tpu.memref_squeeze %dma_wait3A_190 : memref<1x128x16xf32, #tpu.memory_space<vmem>> -> memref<128x16xf32, #tpu.memory_space<vmem>>
    %dma_wait3A_192 = arith.constant 0 : i32
    %dma_wait3A_193 = tpu.memref_slice %arg8[%dma_wait3A_186, %dma_wait3A_187, %dma_wait3A_192] : memref<3x3x128xi32, #tpu.memory_space<vmem>> -> memref<1x1x128xi32, #tpu.memory_space<vmem>>
    %dma_wait3A_194 = tpu.memref_squeeze %dma_wait3A_193 : memref<1x1x128xi32, #tpu.memory_space<vmem>> -> memref<128xi32, #tpu.memory_space<vmem>>
    %dma_wait3A_195 = arith.constant 0 : i32
    %dma_wait3A_196 = arith.constant 0 : i32
    %dma_wait3A_197 = tpu.memref_slice %arg11[%dma_wait3A_195, %dma_wait3A_196] : memref<10240x16xf32, #tpu.memory_space<vmem_shared>> -> memref<10240x16xf32, #tpu.memory_space<vmem_shared>>
    tpu.wait_indirect_dma semaphore(%arg14 : memref<!tpu.dma_semaphore, #tpu.memory_space<semaphore_mem>>) src(%dma_wait3A_191 : memref<128x16xf32, #tpu.memory_space<vmem>>) dst(%dma_wait3A_197 : memref<10240x16xf32, #tpu.memory_space<vmem_shared>>)
    %dma_wait3A_198 = arith.constant 2 : i32
    %dma_wait3A_199 = arith.constant 2 : i32
    %dma_wait3A_200 = arith.constant 1 : i32
    %dma_wait3A_201 = arith.constant 128 : i32
    %dma_wait3A_202 = arith.constant 0 : i32
    %dma_wait3A_203 = tpu.memref_slice %arg10[%dma_wait3A_198, %dma_wait3A_201, %dma_wait3A_202] : memref<3x384x16xf32, #tpu.memory_space<vmem>> -> memref<1x128x16xf32, #tpu.memory_space<vmem>>
    %dma_wait3A_204 = tpu.memref_squeeze %dma_wait3A_203 : memref<1x128x16xf32, #tpu.memory_space<vmem>> -> memref<128x16xf32, #tpu.memory_space<vmem>>
    %dma_wait3A_205 = arith.constant 0 : i32
    %dma_wait3A_206 = tpu.memref_slice %arg8[%dma_wait3A_199, %dma_wait3A_200, %dma_wait3A_205] : memref<3x3x128xi32, #tpu.memory_space<vmem>> -> memref<1x1x128xi32, #tpu.memory_space<vmem>>
    %dma_wait3A_207 = tpu.memref_squeeze %dma_wait3A_206 : memref<1x1x128xi32, #tpu.memory_space<vmem>> -> memref<128xi32, #tpu.memory_space<vmem>>
    %dma_wait3A_208 = arith.constant 0 : i32
    %dma_wait3A_209 = arith.constant 0 : i32
    %dma_wait3A_210 = tpu.memref_slice %arg11[%dma_wait3A_208, %dma_wait3A_209] : memref<10240x16xf32, #tpu.memory_space<vmem_shared>> -> memref<10240x16xf32, #tpu.memory_space<vmem_shared>>
    tpu.wait_indirect_dma semaphore(%arg14 : memref<!tpu.dma_semaphore, #tpu.memory_space<semaphore_mem>>) src(%dma_wait3A_204 : memref<128x16xf32, #tpu.memory_space<vmem>>) dst(%dma_wait3A_210 : memref<10240x16xf32, #tpu.memory_space<vmem_shared>>)
    %dma_wait3A_211 = arith.constant 2 : i32
    %dma_wait3A_212 = arith.constant 2 : i32
    %dma_wait3A_213 = arith.constant 2 : i32
    %dma_wait3A_214 = arith.constant 256 : i32
    %dma_wait3A_215 = arith.constant 0 : i32
    %dma_wait3A_216 = tpu.memref_slice %arg10[%dma_wait3A_211, %dma_wait3A_214, %dma_wait3A_215] : memref<3x384x16xf32, #tpu.memory_space<vmem>> -> memref<1x128x16xf32, #tpu.memory_space<vmem>>
    %dma_wait3A_217 = tpu.memref_squeeze %dma_wait3A_216 : memref<1x128x16xf32, #tpu.memory_space<vmem>> -> memref<128x16xf32, #tpu.memory_space<vmem>>
    %dma_wait3A_218 = arith.constant 0 : i32
    %dma_wait3A_219 = tpu.memref_slice %arg8[%dma_wait3A_212, %dma_wait3A_213, %dma_wait3A_218] : memref<3x3x128xi32, #tpu.memory_space<vmem>> -> memref<1x1x128xi32, #tpu.memory_space<vmem>>
    %dma_wait3A_220 = tpu.memref_squeeze %dma_wait3A_219 : memref<1x1x128xi32, #tpu.memory_space<vmem>> -> memref<128xi32, #tpu.memory_space<vmem>>
    %dma_wait3A_221 = arith.constant 0 : i32
    %dma_wait3A_222 = arith.constant 0 : i32
    %dma_wait3A_223 = tpu.memref_slice %arg11[%dma_wait3A_221, %dma_wait3A_222] : memref<10240x16xf32, #tpu.memory_space<vmem_shared>> -> memref<10240x16xf32, #tpu.memory_space<vmem_shared>>
    tpu.wait_indirect_dma semaphore(%arg14 : memref<!tpu.dma_semaphore, #tpu.memory_space<semaphore_mem>>) src(%dma_wait3A_217 : memref<128x16xf32, #tpu.memory_space<vmem>>) dst(%dma_wait3A_223 : memref<10240x16xf32, #tpu.memory_space<vmem_shared>>)
    %barrier3A_224 = arith.constant 0 : index
    tpu.barrier barrier_id(%barrier3A_224)
    "tpu.region"() ({
      %run_scoped3A_225 = tpu.sem_alloc : memref<!tpu.dma_semaphore, #tpu.memory_space<semaphore_mem>>
      %dma_start3A_226 = arith.constant 0 : i32
      %dma_start3A_227 = tpu.memref_slice %arg6[%arg0, %mul3A_9, %dma_start3A_226] : memref<2x10240x16xf32, #tpu.memory_space<hbm>> -> memref<1x640x16xf32, #tpu.memory_space<hbm>>
      %dma_start3A_228 = tpu.memref_squeeze %dma_start3A_227 : memref<1x640x16xf32, #tpu.memory_space<hbm>> -> memref<640x16xf32, #tpu.memory_space<hbm>>
      %dma_start3A_229 = arith.constant 0 : i32
      %dma_start3A_230 = tpu.memref_slice %arg11[%mul3A_9, %dma_start3A_229] : memref<10240x16xf32, #tpu.memory_space<vmem_shared>> -> memref<640x16xf32, #tpu.memory_space<vmem_shared>>
      tpu.enqueue_dma source(%dma_start3A_230 : memref<640x16xf32, #tpu.memory_space<vmem_shared>>) target(%dma_start3A_228 : memref<640x16xf32, #tpu.memory_space<hbm>>) target_semaphore(%run_scoped3A_225 : memref<!tpu.dma_semaphore, #tpu.memory_space<semaphore_mem>>)
      %dma_wait3A_231 = arith.constant 0 : i32
      %dma_wait3A_232 = tpu.memref_slice %arg6[%arg0, %mul3A_9, %dma_wait3A_231] : memref<2x10240x16xf32, #tpu.memory_space<hbm>> -> memref<1x640x16xf32, #tpu.memory_space<hbm>>
      %dma_wait3A_233 = tpu.memref_squeeze %dma_wait3A_232 : memref<1x640x16xf32, #tpu.memory_space<hbm>> -> memref<640x16xf32, #tpu.memory_space<hbm>>
      %dma_wait3A_234 = arith.constant 0 : i32
      %dma_wait3A_235 = tpu.memref_slice %arg11[%mul3A_9, %dma_wait3A_234] : memref<10240x16xf32, #tpu.memory_space<vmem_shared>> -> memref<640x16xf32, #tpu.memory_space<vmem_shared>>
      tpu.wait_dma2 semaphore(%run_scoped3A_225 : memref<!tpu.dma_semaphore, #tpu.memory_space<semaphore_mem>>) src(%dma_wait3A_235 : memref<640x16xf32, #tpu.memory_space<vmem_shared>>) dst(%dma_wait3A_233 : memref<640x16xf32, #tpu.memory_space<hbm>>)
      tpu.yield
    }) : () -> ()
    return
  }
}

#map = affine_map<(d0, d1) -> (0, 0)>
#map1 = affine_map<(d0, d1) -> (0, 0, 0)>
module attributes {stable_mosaic.version = 14 : i64} {
  func.func @edge_pass(%arg0: i32, %arg1: i32, %arg2: memref<10000x64xf32, #tpu.memory_space<hbm>>, %arg3: memref<2592x128xi32, #tpu.memory_space<hbm>>, %arg4: memref<2592x128xi32, #tpu.memory_space<hbm>>, %arg5: memref<864x384xf32, #tpu.memory_space<hbm>>, %arg6: memref<2x10240x64xf32, #tpu.memory_space<hbm>>, %arg7: memref<3x3x128xi32, #tpu.memory_space<vmem>>, %arg8: memref<3x3x128xi32, #tpu.memory_space<vmem>>, %arg9: memref<3x384xf32, #tpu.memory_space<vmem>>, %arg10: memref<3x384x64xf32, #tpu.memory_space<vmem>>, %arg11: memref<10240x64xf32, #tpu.memory_space<vmem_shared>>, %arg12: memref<!tpu.dma_semaphore, #tpu.memory_space<semaphore_mem>>, %arg13: memref<!tpu.dma_semaphore, #tpu.memory_space<semaphore_mem>>, %arg14: memref<!tpu.dma_semaphore, #tpu.memory_space<semaphore_mem>>) attributes {dimension_semantics = [#tpu.dimension_semantics<core_parallel>, #tpu.dimension_semantics<subcore_parallel>], iteration_bounds = array<i64: 2, 16>, scalar_prefetch = 0 : i64, scratch_operands = 8 : i64, tpu.core_type = #tpu.core_type<sc_vector_subcore>, window_params = [{transform_indices = #map}, {transform_indices = #map}, {transform_indices = #map}, {transform_indices = #map}, {transform_indices = #map1}]} {
    %mul3A = arith.constant 2 : i32
    %mul3A_0 = arith.muli %arg1, %mul3A : i32
    %add3A = arith.addi %mul3A_0, %arg0 : i32
    %mul3A_1 = arith.constant 81 : i32
    %mul3A_2 = arith.muli %add3A, %mul3A_1 : i32
    %scan3A = arith.constant 0 : i32
    %scan3A_3 = arith.constant 0 : i32
    %scan3A_4 = arith.constant 384 : i32
    %scan3A_5 = arith.addi %scan3A_3, %scan3A_4 : i32
    %scan3A_6 = arith.constant 1 : i32
    scf.for %scan3A_225 = %scan3A_3 to %scan3A_5 step %scan3A_6  : i32 {
      %broadcast_in_dim3A = arith.constant 0.000000e+00 : f32
      %broadcast_in_dim3A_226 = vector.broadcast %broadcast_in_dim3A : f32 to vector<16xf32>
      %swap3A = arith.constant 0 : i32
      %swap3A_227 = arith.index_cast %swap3A : i32 to index
      %swap3A_228 = arith.index_cast %scan3A_225 : i32 to index
      %swap3A_229 = arith.constant 0 : index
      %swap3A_230 = tpu.vector_load %arg10[%swap3A_227, %swap3A_228, %swap3A_229] {strides = array<i32>} : memref<3x384x64xf32, #tpu.memory_space<vmem>>, vector<1x1x16xf32>,
      %swap3A_231 = vector.shape_cast %swap3A_230 : vector<1x1x16xf32> to vector<16xf32>
      %swap3A_232 = vector.shape_cast %broadcast_in_dim3A_226 : vector<16xf32> to vector<1x1x16xf32>
      tpu.vector_store %arg10[%swap3A_227, %swap3A_228, %swap3A_229], %swap3A_232 {strides = array<i32>} : memref<3x384x64xf32, #tpu.memory_space<vmem>>, vector<1x1x16xf32>,
      %broadcast_in_dim3A_233 = arith.constant 0.000000e+00 : f32
      %broadcast_in_dim3A_234 = vector.broadcast %broadcast_in_dim3A_233 : f32 to vector<16xf32>
      %swap3A_235 = arith.constant 0 : i32
      %swap3A_236 = arith.index_cast %swap3A_235 : i32 to index
      %swap3A_237 = arith.index_cast %scan3A_225 : i32 to index
      %swap3A_238 = arith.constant 16 : index
      %swap3A_239 = tpu.vector_load %arg10[%swap3A_236, %swap3A_237, %swap3A_238] {strides = array<i32>} : memref<3x384x64xf32, #tpu.memory_space<vmem>>, vector<1x1x16xf32>,
      %swap3A_240 = vector.shape_cast %swap3A_239 : vector<1x1x16xf32> to vector<16xf32>
      %swap3A_241 = vector.shape_cast %broadcast_in_dim3A_234 : vector<16xf32> to vector<1x1x16xf32>
      tpu.vector_store %arg10[%swap3A_236, %swap3A_237, %swap3A_238], %swap3A_241 {strides = array<i32>} : memref<3x384x64xf32, #tpu.memory_space<vmem>>, vector<1x1x16xf32>,
      %broadcast_in_dim3A_242 = arith.constant 0.000000e+00 : f32
      %broadcast_in_dim3A_243 = vector.broadcast %broadcast_in_dim3A_242 : f32 to vector<16xf32>
      %swap3A_244 = arith.constant 0 : i32
      %swap3A_245 = arith.index_cast %swap3A_244 : i32 to index
      %swap3A_246 = arith.index_cast %scan3A_225 : i32 to index
      %swap3A_247 = arith.constant 32 : index
      %swap3A_248 = tpu.vector_load %arg10[%swap3A_245, %swap3A_246, %swap3A_247] {strides = array<i32>} : memref<3x384x64xf32, #tpu.memory_space<vmem>>, vector<1x1x16xf32>,
      %swap3A_249 = vector.shape_cast %swap3A_248 : vector<1x1x16xf32> to vector<16xf32>
      %swap3A_250 = vector.shape_cast %broadcast_in_dim3A_243 : vector<16xf32> to vector<1x1x16xf32>
      tpu.vector_store %arg10[%swap3A_245, %swap3A_246, %swap3A_247], %swap3A_250 {strides = array<i32>} : memref<3x384x64xf32, #tpu.memory_space<vmem>>, vector<1x1x16xf32>,
      %broadcast_in_dim3A_251 = arith.constant 0.000000e+00 : f32
      %broadcast_in_dim3A_252 = vector.broadcast %broadcast_in_dim3A_251 : f32 to vector<16xf32>
      %swap3A_253 = arith.constant 0 : i32
      %swap3A_254 = arith.index_cast %swap3A_253 : i32 to index
      %swap3A_255 = arith.index_cast %scan3A_225 : i32 to index
      %swap3A_256 = arith.constant 48 : index
      %swap3A_257 = tpu.vector_load %arg10[%swap3A_254, %swap3A_255, %swap3A_256] {strides = array<i32>} : memref<3x384x64xf32, #tpu.memory_space<vmem>>, vector<1x1x16xf32>,
      %swap3A_258 = vector.shape_cast %swap3A_257 : vector<1x1x16xf32> to vector<16xf32>
      %swap3A_259 = vector.shape_cast %broadcast_in_dim3A_252 : vector<16xf32> to vector<1x1x16xf32>
      tpu.vector_store %arg10[%swap3A_254, %swap3A_255, %swap3A_256], %swap3A_259 {strides = array<i32>} : memref<3x384x64xf32, #tpu.memory_space<vmem>>, vector<1x1x16xf32>,
    }
    %scan3A_7 = arith.constant 384 : i32
    %mul3A_8 = arith.constant 640 : i32
    %mul3A_9 = arith.muli %arg1, %mul3A_8 : i32
    %run_scoped3A = arith.constant 0 : i32
    "tpu.region"() ({
      %run_scoped3A_225 = tpu.sem_alloc : memref<!tpu.dma_semaphore, #tpu.memory_space<semaphore_mem>>
      %dma_start3A_226 = arith.constant 0 : i32
      %dma_start3A_227 = arith.constant 0 : i32
      %dma_start3A_228 = tpu.memref_slice %arg10[%run_scoped3A, %dma_start3A_226, %dma_start3A_227] : memref<3x384x64xf32, #tpu.memory_space<vmem>> -> memref<1x384x64xf32, #tpu.memory_space<vmem>>
      %dma_start3A_229 = tpu.memref_squeeze %dma_start3A_228 : memref<1x384x64xf32, #tpu.memory_space<vmem>> -> memref<384x64xf32, #tpu.memory_space<vmem>>
      %dma_start3A_230 = arith.constant 0 : i32
      %dma_start3A_231 = tpu.memref_slice %arg11[%mul3A_9, %dma_start3A_230] : memref<10240x64xf32, #tpu.memory_space<vmem_shared>> -> memref<384x64xf32, #tpu.memory_space<vmem_shared>>
      %dma_start3A_232 = arith.constant 0 : i32
      %dma_start3A_233 = tpu.memref_slice %arg11[%mul3A_9, %dma_start3A_232] : memref<10240x64xf32, #tpu.memory_space<vmem_shared>> -> memref<384x64xf32, #tpu.memory_space<vmem_shared>>
      %dma_start3A_234 = arith.constant 0 : i32
      %dma_start3A_235 = arith.constant 0 : i32
      %dma_start3A_236 = tpu.memref_slice %arg10[%run_scoped3A, %dma_start3A_234, %dma_start3A_235] : memref<3x384x64xf32, #tpu.memory_space<vmem>> -> memref<1x384x64xf32, #tpu.memory_space<vmem>>
      %dma_start3A_237 = tpu.memref_squeeze %dma_start3A_236 : memref<1x384x64xf32, #tpu.memory_space<vmem>> -> memref<384x64xf32, #tpu.memory_space<vmem>>
      tpu.enqueue_dma source(%dma_start3A_237 : memref<384x64xf32, #tpu.memory_space<vmem>>) target(%dma_start3A_233 : memref<384x64xf32, #tpu.memory_space<vmem_shared>>) target_semaphore(%run_scoped3A_225 : memref<!tpu.dma_semaphore, #tpu.memory_space<semaphore_mem>>)
      %dma_wait3A_238 = arith.constant 0 : i32
      %dma_wait3A_239 = arith.constant 0 : i32
      %dma_wait3A_240 = tpu.memref_slice %arg10[%run_scoped3A, %dma_wait3A_238, %dma_wait3A_239] : memref<3x384x64xf32, #tpu.memory_space<vmem>> -> memref<1x384x64xf32, #tpu.memory_space<vmem>>
      %dma_wait3A_241 = tpu.memref_squeeze %dma_wait3A_240 : memref<1x384x64xf32, #tpu.memory_space<vmem>> -> memref<384x64xf32, #tpu.memory_space<vmem>>
      %dma_wait3A_242 = arith.constant 0 : i32
      %dma_wait3A_243 = tpu.memref_slice %arg11[%mul3A_9, %dma_wait3A_242] : memref<10240x64xf32, #tpu.memory_space<vmem_shared>> -> memref<384x64xf32, #tpu.memory_space<vmem_shared>>
      %dma_wait3A_244 = arith.constant 0 : i32
      %dma_wait3A_245 = tpu.memref_slice %arg11[%mul3A_9, %dma_wait3A_244] : memref<10240x64xf32, #tpu.memory_space<vmem_shared>> -> memref<384x64xf32, #tpu.memory_space<vmem_shared>>
      %dma_wait3A_246 = arith.constant 0 : i32
      %dma_wait3A_247 = arith.constant 0 : i32
      %dma_wait3A_248 = tpu.memref_slice %arg10[%run_scoped3A, %dma_wait3A_246, %dma_wait3A_247] : memref<3x384x64xf32, #tpu.memory_space<vmem>> -> memref<1x384x64xf32, #tpu.memory_space<vmem>>
      %dma_wait3A_249 = tpu.memref_squeeze %dma_wait3A_248 : memref<1x384x64xf32, #tpu.memory_space<vmem>> -> memref<384x64xf32, #tpu.memory_space<vmem>>
      tpu.wait_dma2 semaphore(%run_scoped3A_225 : memref<!tpu.dma_semaphore, #tpu.memory_space<semaphore_mem>>) src(%dma_wait3A_249 : memref<384x64xf32, #tpu.memory_space<vmem>>) dst(%dma_wait3A_245 : memref<384x64xf32, #tpu.memory_space<vmem_shared>>)
      tpu.yield
    }) : () -> ()
    %add3A_10 = arith.constant 384 : i32
    %add3A_11 = arith.addi %mul3A_9, %add3A_10 : i32
    %run_scoped3A_12 = arith.constant 0 : i32
    "tpu.region"() ({
      %run_scoped3A_225 = tpu.sem_alloc : memref<!tpu.dma_semaphore, #tpu.memory_space<semaphore_mem>>
      %dma_start3A_226 = arith.constant 0 : i32
      %dma_start3A_227 = arith.constant 0 : i32
      %dma_start3A_228 = tpu.memref_slice %arg10[%run_scoped3A_12, %dma_start3A_226, %dma_start3A_227] : memref<3x384x64xf32, #tpu.memory_space<vmem>> -> memref<1x256x64xf32, #tpu.memory_space<vmem>>
      %dma_start3A_229 = tpu.memref_squeeze %dma_start3A_228 : memref<1x256x64xf32, #tpu.memory_space<vmem>> -> memref<256x64xf32, #tpu.memory_space<vmem>>
      %dma_start3A_230 = arith.constant 0 : i32
      %dma_start3A_231 = tpu.memref_slice %arg11[%add3A_11, %dma_start3A_230] : memref<10240x64xf32, #tpu.memory_space<vmem_shared>> -> memref<256x64xf32, #tpu.memory_space<vmem_shared>>
      %dma_start3A_232 = arith.constant 0 : i32
      %dma_start3A_233 = tpu.memref_slice %arg11[%add3A_11, %dma_start3A_232] : memref<10240x64xf32, #tpu.memory_space<vmem_shared>> -> memref<256x64xf32, #tpu.memory_space<vmem_shared>>
      %dma_start3A_234 = arith.constant 0 : i32
      %dma_start3A_235 = arith.constant 0 : i32
      %dma_start3A_236 = tpu.memref_slice %arg10[%run_scoped3A_12, %dma_start3A_234, %dma_start3A_235] : memref<3x384x64xf32, #tpu.memory_space<vmem>> -> memref<1x256x64xf32, #tpu.memory_space<vmem>>
      %dma_start3A_237 = tpu.memref_squeeze %dma_start3A_236 : memref<1x256x64xf32, #tpu.memory_space<vmem>> -> memref<256x64xf32, #tpu.memory_space<vmem>>
      tpu.enqueue_dma source(%dma_start3A_237 : memref<256x64xf32, #tpu.memory_space<vmem>>) target(%dma_start3A_233 : memref<256x64xf32, #tpu.memory_space<vmem_shared>>) target_semaphore(%run_scoped3A_225 : memref<!tpu.dma_semaphore, #tpu.memory_space<semaphore_mem>>)
      %dma_wait3A_238 = arith.constant 0 : i32
      %dma_wait3A_239 = arith.constant 0 : i32
      %dma_wait3A_240 = tpu.memref_slice %arg10[%run_scoped3A_12, %dma_wait3A_238, %dma_wait3A_239] : memref<3x384x64xf32, #tpu.memory_space<vmem>> -> memref<1x256x64xf32, #tpu.memory_space<vmem>>
      %dma_wait3A_241 = tpu.memref_squeeze %dma_wait3A_240 : memref<1x256x64xf32, #tpu.memory_space<vmem>> -> memref<256x64xf32, #tpu.memory_space<vmem>>
      %dma_wait3A_242 = arith.constant 0 : i32
      %dma_wait3A_243 = tpu.memref_slice %arg11[%add3A_11, %dma_wait3A_242] : memref<10240x64xf32, #tpu.memory_space<vmem_shared>> -> memref<256x64xf32, #tpu.memory_space<vmem_shared>>
      %dma_wait3A_244 = arith.constant 0 : i32
      %dma_wait3A_245 = tpu.memref_slice %arg11[%add3A_11, %dma_wait3A_244] : memref<10240x64xf32, #tpu.memory_space<vmem_shared>> -> memref<256x64xf32, #tpu.memory_space<vmem_shared>>
      %dma_wait3A_246 = arith.constant 0 : i32
      %dma_wait3A_247 = arith.constant 0 : i32
      %dma_wait3A_248 = tpu.memref_slice %arg10[%run_scoped3A_12, %dma_wait3A_246, %dma_wait3A_247] : memref<3x384x64xf32, #tpu.memory_space<vmem>> -> memref<1x256x64xf32, #tpu.memory_space<vmem>>
      %dma_wait3A_249 = tpu.memref_squeeze %dma_wait3A_248 : memref<1x256x64xf32, #tpu.memory_space<vmem>> -> memref<256x64xf32, #tpu.memory_space<vmem>>
      tpu.wait_dma2 semaphore(%run_scoped3A_225 : memref<!tpu.dma_semaphore, #tpu.memory_space<semaphore_mem>>) src(%dma_wait3A_249 : memref<256x64xf32, #tpu.memory_space<vmem>>) dst(%dma_wait3A_245 : memref<256x64xf32, #tpu.memory_space<vmem_shared>>)
      tpu.yield
    }) : () -> ()
    %barrier3A = arith.constant 0 : index
    tpu.barrier barrier_id(%barrier3A)
    %add3A_13 = arith.constant 0 : i32
    %add3A_14 = arith.addi %mul3A_2, %add3A_13 : i32
    %dma_start3A = arith.constant 0 : i32
    %dma_start3A_15 = arith.constant 0 : i32
    %dma_start3A_16 = arith.constant 0 : i32
    %dma_start3A_17 = tpu.memref_slice %arg7[%dma_start3A, %dma_start3A_15, %dma_start3A_16] : memref<3x3x128xi32, #tpu.memory_space<vmem>> -> memref<1x3x128xi32, #tpu.memory_space<vmem>>
    %dma_start3A_18 = tpu.memref_squeeze %dma_start3A_17 : memref<1x3x128xi32, #tpu.memory_space<vmem>> -> memref<3x128xi32, #tpu.memory_space<vmem>>
    %dma_start3A_19 = arith.constant 0 : i32
    %dma_start3A_20 = tpu.memref_slice %arg3[%add3A_14, %dma_start3A_19] : memref<2592x128xi32, #tpu.memory_space<hbm>> -> memref<3x128xi32, #tpu.memory_space<hbm>>
    %dma_start3A_21 = arith.constant 0 : i32
    %dma_start3A_22 = arith.constant 0 : i32
    %dma_start3A_23 = tpu.memref_slice %arg7[%dma_start3A, %dma_start3A_21, %dma_start3A_22] : memref<3x3x128xi32, #tpu.memory_space<vmem>> -> memref<1x3x128xi32, #tpu.memory_space<vmem>>
    %dma_start3A_24 = tpu.memref_squeeze %dma_start3A_23 : memref<1x3x128xi32, #tpu.memory_space<vmem>> -> memref<3x128xi32, #tpu.memory_space<vmem>>
    %dma_start3A_25 = arith.constant 0 : i32
    %dma_start3A_26 = tpu.memref_slice %arg3[%add3A_14, %dma_start3A_25] : memref<2592x128xi32, #tpu.memory_space<hbm>> -> memref<3x128xi32, #tpu.memory_space<hbm>>
    tpu.enqueue_dma source(%dma_start3A_26 : memref<3x128xi32, #tpu.memory_space<hbm>>) target(%dma_start3A_24 : memref<3x128xi32, #tpu.memory_space<vmem>>) target_semaphore(%arg12 : memref<!tpu.dma_semaphore, #tpu.memory_space<semaphore_mem>>)
    %dma_start3A_27 = arith.constant 0 : i32
    %dma_start3A_28 = arith.constant 0 : i32
    %dma_start3A_29 = arith.constant 0 : i32
    %dma_start3A_30 = tpu.memref_slice %arg8[%dma_start3A_27, %dma_start3A_28, %dma_start3A_29] : memref<3x3x128xi32, #tpu.memory_space<vmem>> -> memref<1x3x128xi32, #tpu.memory_space<vmem>>
    %dma_start3A_31 = tpu.memref_squeeze %dma_start3A_30 : memref<1x3x128xi32, #tpu.memory_space<vmem>> -> memref<3x128xi32, #tpu.memory_space<vmem>>
    %dma_start3A_32 = arith.constant 0 : i32
    %dma_start3A_33 = tpu.memref_slice %arg4[%add3A_14, %dma_start3A_32] : memref<2592x128xi32, #tpu.memory_space<hbm>> -> memref<3x128xi32, #tpu.memory_space<hbm>>
    %dma_start3A_34 = arith.constant 0 : i32
    %dma_start3A_35 = arith.constant 0 : i32
    %dma_start3A_36 = tpu.memref_slice %arg8[%dma_start3A_27, %dma_start3A_34, %dma_start3A_35] : memref<3x3x128xi32, #tpu.memory_space<vmem>> -> memref<1x3x128xi32, #tpu.memory_space<vmem>>
    %dma_start3A_37 = tpu.memref_squeeze %dma_start3A_36 : memref<1x3x128xi32, #tpu.memory_space<vmem>> -> memref<3x128xi32, #tpu.memory_space<vmem>>
    %dma_start3A_38 = arith.constant 0 : i32
    %dma_start3A_39 = tpu.memref_slice %arg4[%add3A_14, %dma_start3A_38] : memref<2592x128xi32, #tpu.memory_space<hbm>> -> memref<3x128xi32, #tpu.memory_space<hbm>>
    tpu.enqueue_dma source(%dma_start3A_39 : memref<3x128xi32, #tpu.memory_space<hbm>>) target(%dma_start3A_37 : memref<3x128xi32, #tpu.memory_space<vmem>>) target_semaphore(%arg12 : memref<!tpu.dma_semaphore, #tpu.memory_space<semaphore_mem>>)
    %mul3A_40 = arith.constant 27 : i32
    %mul3A_41 = arith.muli %add3A, %mul3A_40 : i32
    %add3A_42 = arith.constant 0 : i32
    %add3A_43 = arith.addi %mul3A_41, %add3A_42 : i32
    %dma_start3A_44 = arith.constant 0 : i32
    %dma_start3A_45 = arith.constant 0 : i32
    %dma_start3A_46 = tpu.memref_slice %arg9[%dma_start3A_44, %dma_start3A_45] : memref<3x384xf32, #tpu.memory_space<vmem>> -> memref<1x384xf32, #tpu.memory_space<vmem>>
    %dma_start3A_47 = tpu.memref_squeeze %dma_start3A_46 : memref<1x384xf32, #tpu.memory_space<vmem>> -> memref<384xf32, #tpu.memory_space<vmem>>
    %dma_start3A_48 = arith.constant 0 : i32
    %dma_start3A_49 = tpu.memref_slice %arg5[%add3A_43, %dma_start3A_48] : memref<864x384xf32, #tpu.memory_space<hbm>> -> memref<1x384xf32, #tpu.memory_space<hbm>>
    %dma_start3A_50 = tpu.memref_squeeze %dma_start3A_49 : memref<1x384xf32, #tpu.memory_space<hbm>> -> memref<384xf32, #tpu.memory_space<hbm>>
    %dma_start3A_51 = arith.constant 0 : i32
    %dma_start3A_52 = tpu.memref_slice %arg9[%dma_start3A_44, %dma_start3A_51] : memref<3x384xf32, #tpu.memory_space<vmem>> -> memref<1x384xf32, #tpu.memory_space<vmem>>
    %dma_start3A_53 = tpu.memref_squeeze %dma_start3A_52 : memref<1x384xf32, #tpu.memory_space<vmem>> -> memref<384xf32, #tpu.memory_space<vmem>>
    %dma_start3A_54 = arith.constant 0 : i32
    %dma_start3A_55 = tpu.memref_slice %arg5[%add3A_43, %dma_start3A_54] : memref<864x384xf32, #tpu.memory_space<hbm>> -> memref<1x384xf32, #tpu.memory_space<hbm>>
    %dma_start3A_56 = tpu.memref_squeeze %dma_start3A_55 : memref<1x384xf32, #tpu.memory_space<hbm>> -> memref<384xf32, #tpu.memory_space<hbm>>
    tpu.enqueue_dma source(%dma_start3A_56 : memref<384xf32, #tpu.memory_space<hbm>>) target(%dma_start3A_53 : memref<384xf32, #tpu.memory_space<vmem>>) target_semaphore(%arg12 : memref<!tpu.dma_semaphore, #tpu.memory_space<semaphore_mem>>)
    %add3A_57 = arith.constant 0 : i32
    %add3A_58 = arith.addi %mul3A_2, %add3A_57 : i32
    %dma_wait3A = arith.constant 0 : i32
    %dma_wait3A_59 = arith.constant 0 : i32
    %dma_wait3A_60 = arith.constant 0 : i32
    %dma_wait3A_61 = tpu.memref_slice %arg7[%dma_wait3A, %dma_wait3A_59, %dma_wait3A_60] : memref<3x3x128xi32, #tpu.memory_space<vmem>> -> memref<1x3x128xi32, #tpu.memory_space<vmem>>
    %dma_wait3A_62 = tpu.memref_squeeze %dma_wait3A_61 : memref<1x3x128xi32, #tpu.memory_space<vmem>> -> memref<3x128xi32, #tpu.memory_space<vmem>>
    %dma_wait3A_63 = arith.constant 0 : i32
    %dma_wait3A_64 = tpu.memref_slice %arg3[%add3A_58, %dma_wait3A_63] : memref<2592x128xi32, #tpu.memory_space<hbm>> -> memref<3x128xi32, #tpu.memory_space<hbm>>
    %dma_wait3A_65 = arith.constant 0 : i32
    %dma_wait3A_66 = arith.constant 0 : i32
    %dma_wait3A_67 = tpu.memref_slice %arg7[%dma_wait3A, %dma_wait3A_65, %dma_wait3A_66] : memref<3x3x128xi32, #tpu.memory_space<vmem>> -> memref<1x3x128xi32, #tpu.memory_space<vmem>>
    %dma_wait3A_68 = tpu.memref_squeeze %dma_wait3A_67 : memref<1x3x128xi32, #tpu.memory_space<vmem>> -> memref<3x128xi32, #tpu.memory_space<vmem>>
    %dma_wait3A_69 = arith.constant 0 : i32
    %dma_wait3A_70 = tpu.memref_slice %arg3[%add3A_58, %dma_wait3A_69] : memref<2592x128xi32, #tpu.memory_space<hbm>> -> memref<3x128xi32, #tpu.memory_space<hbm>>
    tpu.wait_dma2 semaphore(%arg12 : memref<!tpu.dma_semaphore, #tpu.memory_space<semaphore_mem>>) src(%dma_wait3A_70 : memref<3x128xi32, #tpu.memory_space<hbm>>) dst(%dma_wait3A_68 : memref<3x128xi32, #tpu.memory_space<vmem>>)
    %dma_wait3A_71 = arith.constant 0 : i32
    %dma_wait3A_72 = arith.constant 0 : i32
    %dma_wait3A_73 = arith.constant 0 : i32
    %dma_wait3A_74 = tpu.memref_slice %arg8[%dma_wait3A_71, %dma_wait3A_72, %dma_wait3A_73] : memref<3x3x128xi32, #tpu.memory_space<vmem>> -> memref<1x3x128xi32, #tpu.memory_space<vmem>>
    %dma_wait3A_75 = tpu.memref_squeeze %dma_wait3A_74 : memref<1x3x128xi32, #tpu.memory_space<vmem>> -> memref<3x128xi32, #tpu.memory_space<vmem>>
    %dma_wait3A_76 = arith.constant 0 : i32
    %dma_wait3A_77 = tpu.memref_slice %arg4[%add3A_58, %dma_wait3A_76] : memref<2592x128xi32, #tpu.memory_space<hbm>> -> memref<3x128xi32, #tpu.memory_space<hbm>>
    %dma_wait3A_78 = arith.constant 0 : i32
    %dma_wait3A_79 = arith.constant 0 : i32
    %dma_wait3A_80 = tpu.memref_slice %arg8[%dma_wait3A_71, %dma_wait3A_78, %dma_wait3A_79] : memref<3x3x128xi32, #tpu.memory_space<vmem>> -> memref<1x3x128xi32, #tpu.memory_space<vmem>>
    %dma_wait3A_81 = tpu.memref_squeeze %dma_wait3A_80 : memref<1x3x128xi32, #tpu.memory_space<vmem>> -> memref<3x128xi32, #tpu.memory_space<vmem>>
    %dma_wait3A_82 = arith.constant 0 : i32
    %dma_wait3A_83 = tpu.memref_slice %arg4[%add3A_58, %dma_wait3A_82] : memref<2592x128xi32, #tpu.memory_space<hbm>> -> memref<3x128xi32, #tpu.memory_space<hbm>>
    tpu.wait_dma2 semaphore(%arg12 : memref<!tpu.dma_semaphore, #tpu.memory_space<semaphore_mem>>) src(%dma_wait3A_83 : memref<3x128xi32, #tpu.memory_space<hbm>>) dst(%dma_wait3A_81 : memref<3x128xi32, #tpu.memory_space<vmem>>)
    %mul3A_84 = arith.constant 27 : i32
    %mul3A_85 = arith.muli %add3A, %mul3A_84 : i32
    %add3A_86 = arith.constant 0 : i32
    %add3A_87 = arith.addi %mul3A_85, %add3A_86 : i32
    %dma_wait3A_88 = arith.constant 0 : i32
    %dma_wait3A_89 = arith.constant 0 : i32
    %dma_wait3A_90 = tpu.memref_slice %arg9[%dma_wait3A_88, %dma_wait3A_89] : memref<3x384xf32, #tpu.memory_space<vmem>> -> memref<1x384xf32, #tpu.memory_space<vmem>>
    %dma_wait3A_91 = tpu.memref_squeeze %dma_wait3A_90 : memref<1x384xf32, #tpu.memory_space<vmem>> -> memref<384xf32, #tpu.memory_space<vmem>>
    %dma_wait3A_92 = arith.constant 0 : i32
    %dma_wait3A_93 = tpu.memref_slice %arg5[%add3A_87, %dma_wait3A_92] : memref<864x384xf32, #tpu.memory_space<hbm>> -> memref<1x384xf32, #tpu.memory_space<hbm>>
    %dma_wait3A_94 = tpu.memref_squeeze %dma_wait3A_93 : memref<1x384xf32, #tpu.memory_space<hbm>> -> memref<384xf32, #tpu.memory_space<hbm>>
    %dma_wait3A_95 = arith.constant 0 : i32
    %dma_wait3A_96 = tpu.memref_slice %arg9[%dma_wait3A_88, %dma_wait3A_95] : memref<3x384xf32, #tpu.memory_space<vmem>> -> memref<1x384xf32, #tpu.memory_space<vmem>>
    %dma_wait3A_97 = tpu.memref_squeeze %dma_wait3A_96 : memref<1x384xf32, #tpu.memory_space<vmem>> -> memref<384xf32, #tpu.memory_space<vmem>>
    %dma_wait3A_98 = arith.constant 0 : i32
    %dma_wait3A_99 = tpu.memref_slice %arg5[%add3A_87, %dma_wait3A_98] : memref<864x384xf32, #tpu.memory_space<hbm>> -> memref<1x384xf32, #tpu.memory_space<hbm>>
    %dma_wait3A_100 = tpu.memref_squeeze %dma_wait3A_99 : memref<1x384xf32, #tpu.memory_space<hbm>> -> memref<384xf32, #tpu.memory_space<hbm>>
    tpu.wait_dma2 semaphore(%arg12 : memref<!tpu.dma_semaphore, #tpu.memory_space<semaphore_mem>>) src(%dma_wait3A_100 : memref<384xf32, #tpu.memory_space<hbm>>) dst(%dma_wait3A_97 : memref<384xf32, #tpu.memory_space<vmem>>)
    %dma_start3A_101 = arith.constant 0 : i32
    %dma_start3A_102 = arith.constant 0 : i32
    %dma_start3A_103 = arith.constant 0 : i32
    %dma_start3A_104 = arith.constant 0 : i32
    %dma_start3A_105 = arith.constant 0 : i32
    %dma_start3A_106 = tpu.memref_slice %arg10[%dma_start3A_103, %dma_start3A_104, %dma_start3A_105] : memref<3x384x64xf32, #tpu.memory_space<vmem>> -> memref<1x128x64xf32, #tpu.memory_space<vmem>>
    %dma_start3A_107 = tpu.memref_squeeze %dma_start3A_106 : memref<1x128x64xf32, #tpu.memory_space<vmem>> -> memref<128x64xf32, #tpu.memory_space<vmem>>
    %dma_start3A_108 = arith.constant 0 : i32
    %dma_start3A_109 = tpu.memref_slice %arg7[%dma_start3A_101, %dma_start3A_102, %dma_start3A_108] : memref<3x3x128xi32, #tpu.memory_space<vmem>> -> memref<1x1x128xi32, #tpu.memory_space<vmem>>
    %dma_start3A_110 = tpu.memref_squeeze %dma_start3A_109 : memref<1x1x128xi32, #tpu.memory_space<vmem>> -> memref<128xi32, #tpu.memory_space<vmem>>
    %dma_start3A_111 = arith.constant 0 : i32
    %dma_start3A_112 = arith.constant 0 : i32
    %dma_start3A_113 = tpu.memref_slice %arg2[%dma_start3A_111, %dma_start3A_112] : memref<10000x64xf32, #tpu.memory_space<hbm>> -> memref<10000x64xf32, #tpu.memory_space<hbm>>
    tpu.enqueue_indirect_dma source(%dma_start3A_113 : memref<10000x64xf32, #tpu.memory_space<hbm>>) target(%dma_start3A_107 : memref<128x64xf32, #tpu.memory_space<vmem>>) offsets(%dma_start3A_110 : memref<128xi32, #tpu.memory_space<vmem>>) semaphore(%arg13 : memref<!tpu.dma_semaphore, #tpu.memory_space<semaphore_mem>>)
    %dma_start3A_114 = arith.constant 0 : i32
    %dma_start3A_115 = arith.constant 1 : i32
    %dma_start3A_116 = arith.constant 0 : i32
    %dma_start3A_117 = arith.constant 128 : i32
    %dma_start3A_118 = arith.constant 0 : i32
    %dma_start3A_119 = tpu.memref_slice %arg10[%dma_start3A_116, %dma_start3A_117, %dma_start3A_118] : memref<3x384x64xf32, #tpu.memory_space<vmem>> -> memref<1x128x64xf32, #tpu.memory_space<vmem>>
    %dma_start3A_120 = tpu.memref_squeeze %dma_start3A_119 : memref<1x128x64xf32, #tpu.memory_space<vmem>> -> memref<128x64xf32, #tpu.memory_space<vmem>>
    %dma_start3A_121 = arith.constant 0 : i32
    %dma_start3A_122 = tpu.memref_slice %arg7[%dma_start3A_114, %dma_start3A_115, %dma_start3A_121] : memref<3x3x128xi32, #tpu.memory_space<vmem>> -> memref<1x1x128xi32, #tpu.memory_space<vmem>>
    %dma_start3A_123 = tpu.memref_squeeze %dma_start3A_122 : memref<1x1x128xi32, #tpu.memory_space<vmem>> -> memref<128xi32, #tpu.memory_space<vmem>>
    %dma_start3A_124 = arith.constant 0 : i32
    %dma_start3A_125 = arith.constant 0 : i32
    %dma_start3A_126 = tpu.memref_slice %arg2[%dma_start3A_124, %dma_start3A_125] : memref<10000x64xf32, #tpu.memory_space<hbm>> -> memref<10000x64xf32, #tpu.memory_space<hbm>>
    tpu.enqueue_indirect_dma source(%dma_start3A_126 : memref<10000x64xf32, #tpu.memory_space<hbm>>) target(%dma_start3A_120 : memref<128x64xf32, #tpu.memory_space<vmem>>) offsets(%dma_start3A_123 : memref<128xi32, #tpu.memory_space<vmem>>) semaphore(%arg13 : memref<!tpu.dma_semaphore, #tpu.memory_space<semaphore_mem>>)
    %dma_start3A_127 = arith.constant 0 : i32
    %dma_start3A_128 = arith.constant 2 : i32
    %dma_start3A_129 = arith.constant 0 : i32
    %dma_start3A_130 = arith.constant 256 : i32
    %dma_start3A_131 = arith.constant 0 : i32
    %dma_start3A_132 = tpu.memref_slice %arg10[%dma_start3A_129, %dma_start3A_130, %dma_start3A_131] : memref<3x384x64xf32, #tpu.memory_space<vmem>> -> memref<1x128x64xf32, #tpu.memory_space<vmem>>
    %dma_start3A_133 = tpu.memref_squeeze %dma_start3A_132 : memref<1x128x64xf32, #tpu.memory_space<vmem>> -> memref<128x64xf32, #tpu.memory_space<vmem>>
    %dma_start3A_134 = arith.constant 0 : i32
    %dma_start3A_135 = tpu.memref_slice %arg7[%dma_start3A_127, %dma_start3A_128, %dma_start3A_134] : memref<3x3x128xi32, #tpu.memory_space<vmem>> -> memref<1x1x128xi32, #tpu.memory_space<vmem>>
    %dma_start3A_136 = tpu.memref_squeeze %dma_start3A_135 : memref<1x1x128xi32, #tpu.memory_space<vmem>> -> memref<128xi32, #tpu.memory_space<vmem>>
    %dma_start3A_137 = arith.constant 0 : i32
    %dma_start3A_138 = arith.constant 0 : i32
    %dma_start3A_139 = tpu.memref_slice %arg2[%dma_start3A_137, %dma_start3A_138] : memref<10000x64xf32, #tpu.memory_space<hbm>> -> memref<10000x64xf32, #tpu.memory_space<hbm>>
    tpu.enqueue_indirect_dma source(%dma_start3A_139 : memref<10000x64xf32, #tpu.memory_space<hbm>>) target(%dma_start3A_133 : memref<128x64xf32, #tpu.memory_space<vmem>>) offsets(%dma_start3A_136 : memref<128xi32, #tpu.memory_space<vmem>>) semaphore(%arg13 : memref<!tpu.dma_semaphore, #tpu.memory_space<semaphore_mem>>)
    %scan3A_140 = arith.constant 0 : i32
    %scan3A_141 = arith.constant 0 : i32
    %scan3A_142 = arith.constant 27 : i32
    %scan3A_143 = arith.addi %scan3A_141, %scan3A_142 : i32
    %scan3A_144 = arith.constant 1 : i32
    scf.for %scan3A_225 = %scan3A_141 to %scan3A_143 step %scan3A_144  : i32 {
      %jit3A = arith.constant 3 : i32
      %eq3A = arith.constant 0 : i32
      %eq3A_226 = arith.cmpi eq, %jit3A, %eq3A : i32
      %jit3A_227 = arith.constant 1 : i32
      %select_n3A = arith.select %eq3A_226, %jit3A_227, %jit3A : i32
      %rem3A = arith.remsi %scan3A_225, %select_n3A : i32
      %ne3A = arith.constant 0 : i32
      %ne3A_228 = arith.cmpi ne, %rem3A, %ne3A : i32
      %lt3A = arith.constant 0 : i32
      %lt3A_229 = arith.cmpi slt, %rem3A, %lt3A : i32
      %lt3A_230 = arith.constant 0 : i32
      %lt3A_231 = arith.cmpi slt, %select_n3A, %lt3A_230 : i32
      %ne3A_232 = arith.xori %lt3A_229, %lt3A_231 : i1
      %and3A = arith.andi %ne3A_232, %ne3A_228 : i1
      %add3A_233 = arith.addi %rem3A, %select_n3A : i32
      %select_n3A_234 = arith.select %and3A, %add3A_233, %rem3A : i32
      %ge3A = arith.constant 2 : i32
      %ge3A_235 = arith.cmpi sge, %scan3A_225, %ge3A : i32
      %convert_element_type3A = arith.extui %ge3A_235 : i1 to i32
      %cond3A = arith.constant 0 : i32
      %cond3A_236 = arith.cmpi ne, %convert_element_type3A, %cond3A : i32
      scf.if %cond3A_236 {
        %sub3A = arith.constant 2 : i32
        %sub3A_323 = arith.subi %scan3A_225, %sub3A : i32
        %jit3A_324 = arith.constant 3 : i32
        %eq3A_325 = arith.constant 0 : i32
        %eq3A_326 = arith.cmpi eq, %jit3A_324, %eq3A_325 : i32
        %jit3A_327 = arith.constant 1 : i32
        %select_n3A_328 = arith.select %eq3A_326, %jit3A_327, %jit3A_324 : i32
        %rem3A_329 = arith.remsi %sub3A_323, %select_n3A_328 : i32
        %ne3A_330 = arith.constant 0 : i32
        %ne3A_331 = arith.cmpi ne, %rem3A_329, %ne3A_330 : i32
        %lt3A_332 = arith.constant 0 : i32
        %lt3A_333 = arith.cmpi slt, %rem3A_329, %lt3A_332 : i32
        %lt3A_334 = arith.constant 0 : i32
        %lt3A_335 = arith.cmpi slt, %select_n3A_328, %lt3A_334 : i32
        %ne3A_336 = arith.xori %lt3A_333, %lt3A_335 : i1
        %and3A_337 = arith.andi %ne3A_336, %ne3A_331 : i1
        %add3A_338 = arith.addi %rem3A_329, %select_n3A_328 : i32
        %select_n3A_339 = arith.select %and3A_337, %add3A_338, %rem3A_329 : i32
        %dma_wait3A_340 = arith.constant 0 : i32
        %dma_wait3A_341 = arith.constant 0 : i32
        %dma_wait3A_342 = arith.constant 0 : i32
        %dma_wait3A_343 = tpu.memref_slice %arg10[%select_n3A_339, %dma_wait3A_341, %dma_wait3A_342] : memref<3x384x64xf32, #tpu.memory_space<vmem>> -> memref<1x128x64xf32, #tpu.memory_space<vmem>>
        %dma_wait3A_344 = tpu.memref_squeeze %dma_wait3A_343 : memref<1x128x64xf32, #tpu.memory_space<vmem>> -> memref<128x64xf32, #tpu.memory_space<vmem>>
        %dma_wait3A_345 = arith.constant 0 : i32
        %dma_wait3A_346 = tpu.memref_slice %arg8[%select_n3A_339, %dma_wait3A_340, %dma_wait3A_345] : memref<3x3x128xi32, #tpu.memory_space<vmem>> -> memref<1x1x128xi32, #tpu.memory_space<vmem>>
        %dma_wait3A_347 = tpu.memref_squeeze %dma_wait3A_346 : memref<1x1x128xi32, #tpu.memory_space<vmem>> -> memref<128xi32, #tpu.memory_space<vmem>>
        %dma_wait3A_348 = arith.constant 0 : i32
        %dma_wait3A_349 = arith.constant 0 : i32
        %dma_wait3A_350 = tpu.memref_slice %arg11[%dma_wait3A_348, %dma_wait3A_349] : memref<10240x64xf32, #tpu.memory_space<vmem_shared>> -> memref<10240x64xf32, #tpu.memory_space<vmem_shared>>
        tpu.wait_indirect_dma semaphore(%arg14 : memref<!tpu.dma_semaphore, #tpu.memory_space<semaphore_mem>>) src(%dma_wait3A_344 : memref<128x64xf32, #tpu.memory_space<vmem>>) dst(%dma_wait3A_350 : memref<10240x64xf32, #tpu.memory_space<vmem_shared>>)
        %dma_wait3A_351 = arith.constant 1 : i32
        %dma_wait3A_352 = arith.constant 128 : i32
        %dma_wait3A_353 = arith.constant 0 : i32
        %dma_wait3A_354 = tpu.memref_slice %arg10[%select_n3A_339, %dma_wait3A_352, %dma_wait3A_353] : memref<3x384x64xf32, #tpu.memory_space<vmem>> -> memref<1x128x64xf32, #tpu.memory_space<vmem>>
        %dma_wait3A_355 = tpu.memref_squeeze %dma_wait3A_354 : memref<1x128x64xf32, #tpu.memory_space<vmem>> -> memref<128x64xf32, #tpu.memory_space<vmem>>
        %dma_wait3A_356 = arith.constant 0 : i32
        %dma_wait3A_357 = tpu.memref_slice %arg8[%select_n3A_339, %dma_wait3A_351, %dma_wait3A_356] : memref<3x3x128xi32, #tpu.memory_space<vmem>> -> memref<1x1x128xi32, #tpu.memory_space<vmem>>
        %dma_wait3A_358 = tpu.memref_squeeze %dma_wait3A_357 : memref<1x1x128xi32, #tpu.memory_space<vmem>> -> memref<128xi32, #tpu.memory_space<vmem>>
        %dma_wait3A_359 = arith.constant 0 : i32
        %dma_wait3A_360 = arith.constant 0 : i32
        %dma_wait3A_361 = tpu.memref_slice %arg11[%dma_wait3A_359, %dma_wait3A_360] : memref<10240x64xf32, #tpu.memory_space<vmem_shared>> -> memref<10240x64xf32, #tpu.memory_space<vmem_shared>>
        tpu.wait_indirect_dma semaphore(%arg14 : memref<!tpu.dma_semaphore, #tpu.memory_space<semaphore_mem>>) src(%dma_wait3A_355 : memref<128x64xf32, #tpu.memory_space<vmem>>) dst(%dma_wait3A_361 : memref<10240x64xf32, #tpu.memory_space<vmem_shared>>)
        %dma_wait3A_362 = arith.constant 2 : i32
        %dma_wait3A_363 = arith.constant 256 : i32
        %dma_wait3A_364 = arith.constant 0 : i32
        %dma_wait3A_365 = tpu.memref_slice %arg10[%select_n3A_339, %dma_wait3A_363, %dma_wait3A_364] : memref<3x384x64xf32, #tpu.memory_space<vmem>> -> memref<1x128x64xf32, #tpu.memory_space<vmem>>
        %dma_wait3A_366 = tpu.memref_squeeze %dma_wait3A_365 : memref<1x128x64xf32, #tpu.memory_space<vmem>> -> memref<128x64xf32, #tpu.memory_space<vmem>>
        %dma_wait3A_367 = arith.constant 0 : i32
        %dma_wait3A_368 = tpu.memref_slice %arg8[%select_n3A_339, %dma_wait3A_362, %dma_wait3A_367] : memref<3x3x128xi32, #tpu.memory_space<vmem>> -> memref<1x1x128xi32, #tpu.memory_space<vmem>>
        %dma_wait3A_369 = tpu.memref_squeeze %dma_wait3A_368 : memref<1x1x128xi32, #tpu.memory_space<vmem>> -> memref<128xi32, #tpu.memory_space<vmem>>
        %dma_wait3A_370 = arith.constant 0 : i32
        %dma_wait3A_371 = arith.constant 0 : i32
        %dma_wait3A_372 = tpu.memref_slice %arg11[%dma_wait3A_370, %dma_wait3A_371] : memref<10240x64xf32, #tpu.memory_space<vmem_shared>> -> memref<10240x64xf32, #tpu.memory_space<vmem_shared>>
        tpu.wait_indirect_dma semaphore(%arg14 : memref<!tpu.dma_semaphore, #tpu.memory_space<semaphore_mem>>) src(%dma_wait3A_366 : memref<128x64xf32, #tpu.memory_space<vmem>>) dst(%dma_wait3A_372 : memref<10240x64xf32, #tpu.memory_space<vmem_shared>>)
      } else {
      }
      %add3A_237 = arith.constant 1 : i32
      %add3A_238 = arith.addi %scan3A_225, %add3A_237 : i32
      %lt3A_239 = arith.constant 27 : i32
      %lt3A_240 = arith.cmpi slt, %add3A_238, %lt3A_239 : i32
      %convert_element_type3A_241 = arith.extui %lt3A_240 : i1 to i32
      %cond3A_242 = arith.constant 0 : i32
      %cond3A_243 = arith.cmpi ne, %convert_element_type3A_241, %cond3A_242 : i32
      scf.if %cond3A_243 {
        %add3A_323 = arith.constant 1 : i32
        %add3A_324 = arith.addi %scan3A_225, %add3A_323 : i32
        %add3A_325 = arith.constant 1 : i32
        %add3A_326 = arith.addi %scan3A_225, %add3A_325 : i32
        %jit3A_327 = arith.constant 3 : i32
        %eq3A_328 = arith.constant 0 : i32
        %eq3A_329 = arith.cmpi eq, %jit3A_327, %eq3A_328 : i32
        %jit3A_330 = arith.constant 1 : i32
        %select_n3A_331 = arith.select %eq3A_329, %jit3A_330, %jit3A_327 : i32
        %rem3A_332 = arith.remsi %add3A_326, %select_n3A_331 : i32
        %ne3A_333 = arith.constant 0 : i32
        %ne3A_334 = arith.cmpi ne, %rem3A_332, %ne3A_333 : i32
        %lt3A_335 = arith.constant 0 : i32
        %lt3A_336 = arith.cmpi slt, %rem3A_332, %lt3A_335 : i32
        %lt3A_337 = arith.constant 0 : i32
        %lt3A_338 = arith.cmpi slt, %select_n3A_331, %lt3A_337 : i32
        %ne3A_339 = arith.xori %lt3A_336, %lt3A_338 : i1
        %and3A_340 = arith.andi %ne3A_339, %ne3A_334 : i1
        %add3A_341 = arith.addi %rem3A_332, %select_n3A_331 : i32
        %select_n3A_342 = arith.select %and3A_340, %add3A_341, %rem3A_332 : i32
        %mul3A_343 = arith.constant 3 : i32
        %mul3A_344 = arith.muli %add3A_324, %mul3A_343 : i32
        %add3A_345 = arith.addi %mul3A_2, %mul3A_344 : i32
        %dma_start3A_346 = arith.constant 0 : i32
        %dma_start3A_347 = arith.constant 0 : i32
        %dma_start3A_348 = tpu.memref_slice %arg7[%select_n3A_342, %dma_start3A_346, %dma_start3A_347] : memref<3x3x128xi32, #tpu.memory_space<vmem>> -> memref<1x3x128xi32, #tpu.memory_space<vmem>>
        %dma_start3A_349 = tpu.memref_squeeze %dma_start3A_348 : memref<1x3x128xi32, #tpu.memory_space<vmem>> -> memref<3x128xi32, #tpu.memory_space<vmem>>
        %dma_start3A_350 = arith.constant 0 : i32
        %dma_start3A_351 = tpu.memref_slice %arg3[%add3A_345, %dma_start3A_350] : memref<2592x128xi32, #tpu.memory_space<hbm>> -> memref<3x128xi32, #tpu.memory_space<hbm>>
        %dma_start3A_352 = arith.constant 0 : i32
        %dma_start3A_353 = arith.constant 0 : i32
        %dma_start3A_354 = tpu.memref_slice %arg7[%select_n3A_342, %dma_start3A_352, %dma_start3A_353] : memref<3x3x128xi32, #tpu.memory_space<vmem>> -> memref<1x3x128xi32, #tpu.memory_space<vmem>>
        %dma_start3A_355 = tpu.memref_squeeze %dma_start3A_354 : memref<1x3x128xi32, #tpu.memory_space<vmem>> -> memref<3x128xi32, #tpu.memory_space<vmem>>
        %dma_start3A_356 = arith.constant 0 : i32
        %dma_start3A_357 = tpu.memref_slice %arg3[%add3A_345, %dma_start3A_356] : memref<2592x128xi32, #tpu.memory_space<hbm>> -> memref<3x128xi32, #tpu.memory_space<hbm>>
        tpu.enqueue_dma source(%dma_start3A_357 : memref<3x128xi32, #tpu.memory_space<hbm>>) target(%dma_start3A_355 : memref<3x128xi32, #tpu.memory_space<vmem>>) target_semaphore(%arg12 : memref<!tpu.dma_semaphore, #tpu.memory_space<semaphore_mem>>)
        %dma_start3A_358 = arith.constant 0 : i32
        %dma_start3A_359 = arith.constant 0 : i32
        %dma_start3A_360 = tpu.memref_slice %arg8[%select_n3A_342, %dma_start3A_358, %dma_start3A_359] : memref<3x3x128xi32, #tpu.memory_space<vmem>> -> memref<1x3x128xi32, #tpu.memory_space<vmem>>
        %dma_start3A_361 = tpu.memref_squeeze %dma_start3A_360 : memref<1x3x128xi32, #tpu.memory_space<vmem>> -> memref<3x128xi32, #tpu.memory_space<vmem>>
        %dma_start3A_362 = arith.constant 0 : i32
        %dma_start3A_363 = tpu.memref_slice %arg4[%add3A_345, %dma_start3A_362] : memref<2592x128xi32, #tpu.memory_space<hbm>> -> memref<3x128xi32, #tpu.memory_space<hbm>>
        %dma_start3A_364 = arith.constant 0 : i32
        %dma_start3A_365 = arith.constant 0 : i32
        %dma_start3A_366 = tpu.memref_slice %arg8[%select_n3A_342, %dma_start3A_364, %dma_start3A_365] : memref<3x3x128xi32, #tpu.memory_space<vmem>> -> memref<1x3x128xi32, #tpu.memory_space<vmem>>
        %dma_start3A_367 = tpu.memref_squeeze %dma_start3A_366 : memref<1x3x128xi32, #tpu.memory_space<vmem>> -> memref<3x128xi32, #tpu.memory_space<vmem>>
        %dma_start3A_368 = arith.constant 0 : i32
        %dma_start3A_369 = tpu.memref_slice %arg4[%add3A_345, %dma_start3A_368] : memref<2592x128xi32, #tpu.memory_space<hbm>> -> memref<3x128xi32, #tpu.memory_space<hbm>>
        tpu.enqueue_dma source(%dma_start3A_369 : memref<3x128xi32, #tpu.memory_space<hbm>>) target(%dma_start3A_367 : memref<3x128xi32, #tpu.memory_space<vmem>>) target_semaphore(%arg12 : memref<!tpu.dma_semaphore, #tpu.memory_space<semaphore_mem>>)
        %mul3A_370 = arith.constant 27 : i32
        %mul3A_371 = arith.muli %add3A, %mul3A_370 : i32
        %add3A_372 = arith.addi %mul3A_371, %add3A_324 : i32
        %dma_start3A_373 = arith.constant 0 : i32
        %dma_start3A_374 = tpu.memref_slice %arg9[%select_n3A_342, %dma_start3A_373] : memref<3x384xf32, #tpu.memory_space<vmem>> -> memref<1x384xf32, #tpu.memory_space<vmem>>
        %dma_start3A_375 = tpu.memref_squeeze %dma_start3A_374 : memref<1x384xf32, #tpu.memory_space<vmem>> -> memref<384xf32, #tpu.memory_space<vmem>>
        %dma_start3A_376 = arith.constant 0 : i32
        %dma_start3A_377 = tpu.memref_slice %arg5[%add3A_372, %dma_start3A_376] : memref<864x384xf32, #tpu.memory_space<hbm>> -> memref<1x384xf32, #tpu.memory_space<hbm>>
        %dma_start3A_378 = tpu.memref_squeeze %dma_start3A_377 : memref<1x384xf32, #tpu.memory_space<hbm>> -> memref<384xf32, #tpu.memory_space<hbm>>
        %dma_start3A_379 = arith.constant 0 : i32
        %dma_start3A_380 = tpu.memref_slice %arg9[%select_n3A_342, %dma_start3A_379] : memref<3x384xf32, #tpu.memory_space<vmem>> -> memref<1x384xf32, #tpu.memory_space<vmem>>
        %dma_start3A_381 = tpu.memref_squeeze %dma_start3A_380 : memref<1x384xf32, #tpu.memory_space<vmem>> -> memref<384xf32, #tpu.memory_space<vmem>>
        %dma_start3A_382 = arith.constant 0 : i32
        %dma_start3A_383 = tpu.memref_slice %arg5[%add3A_372, %dma_start3A_382] : memref<864x384xf32, #tpu.memory_space<hbm>> -> memref<1x384xf32, #tpu.memory_space<hbm>>
        %dma_start3A_384 = tpu.memref_squeeze %dma_start3A_383 : memref<1x384xf32, #tpu.memory_space<hbm>> -> memref<384xf32, #tpu.memory_space<hbm>>
        tpu.enqueue_dma source(%dma_start3A_384 : memref<384xf32, #tpu.memory_space<hbm>>) target(%dma_start3A_381 : memref<384xf32, #tpu.memory_space<vmem>>) target_semaphore(%arg12 : memref<!tpu.dma_semaphore, #tpu.memory_space<semaphore_mem>>)
      } else {
      }
      %dma_wait3A_244 = arith.constant 0 : i32
      %dma_wait3A_245 = arith.constant 0 : i32
      %dma_wait3A_246 = arith.constant 0 : i32
      %dma_wait3A_247 = tpu.memref_slice %arg10[%select_n3A_234, %dma_wait3A_245, %dma_wait3A_246] : memref<3x384x64xf32, #tpu.memory_space<vmem>> -> memref<1x128x64xf32, #tpu.memory_space<vmem>>
      %dma_wait3A_248 = tpu.memref_squeeze %dma_wait3A_247 : memref<1x128x64xf32, #tpu.memory_space<vmem>> -> memref<128x64xf32, #tpu.memory_space<vmem>>
      %dma_wait3A_249 = arith.constant 0 : i32
      %dma_wait3A_250 = tpu.memref_slice %arg7[%select_n3A_234, %dma_wait3A_244, %dma_wait3A_249] : memref<3x3x128xi32, #tpu.memory_space<vmem>> -> memref<1x1x128xi32, #tpu.memory_space<vmem>>
      %dma_wait3A_251 = tpu.memref_squeeze %dma_wait3A_250 : memref<1x1x128xi32, #tpu.memory_space<vmem>> -> memref<128xi32, #tpu.memory_space<vmem>>
      %dma_wait3A_252 = arith.constant 0 : i32
      %dma_wait3A_253 = arith.constant 0 : i32
      %dma_wait3A_254 = tpu.memref_slice %arg2[%dma_wait3A_252, %dma_wait3A_253] : memref<10000x64xf32, #tpu.memory_space<hbm>> -> memref<10000x64xf32, #tpu.memory_space<hbm>>
      tpu.wait_indirect_dma semaphore(%arg13 : memref<!tpu.dma_semaphore, #tpu.memory_space<semaphore_mem>>) src(%dma_wait3A_254 : memref<10000x64xf32, #tpu.memory_space<hbm>>) dst(%dma_wait3A_248 : memref<128x64xf32, #tpu.memory_space<vmem>>)
      %dma_wait3A_255 = arith.constant 1 : i32
      %dma_wait3A_256 = arith.constant 128 : i32
      %dma_wait3A_257 = arith.constant 0 : i32
      %dma_wait3A_258 = tpu.memref_slice %arg10[%select_n3A_234, %dma_wait3A_256, %dma_wait3A_257] : memref<3x384x64xf32, #tpu.memory_space<vmem>> -> memref<1x128x64xf32, #tpu.memory_space<vmem>>
      %dma_wait3A_259 = tpu.memref_squeeze %dma_wait3A_258 : memref<1x128x64xf32, #tpu.memory_space<vmem>> -> memref<128x64xf32, #tpu.memory_space<vmem>>
      %dma_wait3A_260 = arith.constant 0 : i32
      %dma_wait3A_261 = tpu.memref_slice %arg7[%select_n3A_234, %dma_wait3A_255, %dma_wait3A_260] : memref<3x3x128xi32, #tpu.memory_space<vmem>> -> memref<1x1x128xi32, #tpu.memory_space<vmem>>
      %dma_wait3A_262 = tpu.memref_squeeze %dma_wait3A_261 : memref<1x1x128xi32, #tpu.memory_space<vmem>> -> memref<128xi32, #tpu.memory_space<vmem>>
      %dma_wait3A_263 = arith.constant 0 : i32
      %dma_wait3A_264 = arith.constant 0 : i32
      %dma_wait3A_265 = tpu.memref_slice %arg2[%dma_wait3A_263, %dma_wait3A_264] : memref<10000x64xf32, #tpu.memory_space<hbm>> -> memref<10000x64xf32, #tpu.memory_space<hbm>>
      tpu.wait_indirect_dma semaphore(%arg13 : memref<!tpu.dma_semaphore, #tpu.memory_space<semaphore_mem>>) src(%dma_wait3A_265 : memref<10000x64xf32, #tpu.memory_space<hbm>>) dst(%dma_wait3A_259 : memref<128x64xf32, #tpu.memory_space<vmem>>)
      %dma_wait3A_266 = arith.constant 2 : i32
      %dma_wait3A_267 = arith.constant 256 : i32
      %dma_wait3A_268 = arith.constant 0 : i32
      %dma_wait3A_269 = tpu.memref_slice %arg10[%select_n3A_234, %dma_wait3A_267, %dma_wait3A_268] : memref<3x384x64xf32, #tpu.memory_space<vmem>> -> memref<1x128x64xf32, #tpu.memory_space<vmem>>
      %dma_wait3A_270 = tpu.memref_squeeze %dma_wait3A_269 : memref<1x128x64xf32, #tpu.memory_space<vmem>> -> memref<128x64xf32, #tpu.memory_space<vmem>>
      %dma_wait3A_271 = arith.constant 0 : i32
      %dma_wait3A_272 = tpu.memref_slice %arg7[%select_n3A_234, %dma_wait3A_266, %dma_wait3A_271] : memref<3x3x128xi32, #tpu.memory_space<vmem>> -> memref<1x1x128xi32, #tpu.memory_space<vmem>>
      %dma_wait3A_273 = tpu.memref_squeeze %dma_wait3A_272 : memref<1x1x128xi32, #tpu.memory_space<vmem>> -> memref<128xi32, #tpu.memory_space<vmem>>
      %dma_wait3A_274 = arith.constant 0 : i32
      %dma_wait3A_275 = arith.constant 0 : i32
      %dma_wait3A_276 = tpu.memref_slice %arg2[%dma_wait3A_274, %dma_wait3A_275] : memref<10000x64xf32, #tpu.memory_space<hbm>> -> memref<10000x64xf32, #tpu.memory_space<hbm>>
      tpu.wait_indirect_dma semaphore(%arg13 : memref<!tpu.dma_semaphore, #tpu.memory_space<semaphore_mem>>) src(%dma_wait3A_276 : memref<10000x64xf32, #tpu.memory_space<hbm>>) dst(%dma_wait3A_270 : memref<128x64xf32, #tpu.memory_space<vmem>>)
      %add3A_277 = arith.constant 1 : i32
      %add3A_278 = arith.addi %scan3A_225, %add3A_277 : i32
      %lt3A_279 = arith.constant 27 : i32
      %lt3A_280 = arith.cmpi slt, %add3A_278, %lt3A_279 : i32
      %convert_element_type3A_281 = arith.extui %lt3A_280 : i1 to i32
      %cond3A_282 = arith.constant 0 : i32
      %cond3A_283 = arith.cmpi ne, %convert_element_type3A_281, %cond3A_282 : i32
      scf.if %cond3A_283 {
        %add3A_323 = arith.constant 1 : i32
        %add3A_324 = arith.addi %scan3A_225, %add3A_323 : i32
        %add3A_325 = arith.constant 1 : i32
        %add3A_326 = arith.addi %scan3A_225, %add3A_325 : i32
        %jit3A_327 = arith.constant 3 : i32
        %eq3A_328 = arith.constant 0 : i32
        %eq3A_329 = arith.cmpi eq, %jit3A_327, %eq3A_328 : i32
        %jit3A_330 = arith.constant 1 : i32
        %select_n3A_331 = arith.select %eq3A_329, %jit3A_330, %jit3A_327 : i32
        %rem3A_332 = arith.remsi %add3A_326, %select_n3A_331 : i32
        %ne3A_333 = arith.constant 0 : i32
        %ne3A_334 = arith.cmpi ne, %rem3A_332, %ne3A_333 : i32
        %lt3A_335 = arith.constant 0 : i32
        %lt3A_336 = arith.cmpi slt, %rem3A_332, %lt3A_335 : i32
        %lt3A_337 = arith.constant 0 : i32
        %lt3A_338 = arith.cmpi slt, %select_n3A_331, %lt3A_337 : i32
        %ne3A_339 = arith.xori %lt3A_336, %lt3A_338 : i1
        %and3A_340 = arith.andi %ne3A_339, %ne3A_334 : i1
        %add3A_341 = arith.addi %rem3A_332, %select_n3A_331 : i32
        %select_n3A_342 = arith.select %and3A_340, %add3A_341, %rem3A_332 : i32
        %mul3A_343 = arith.constant 3 : i32
        %mul3A_344 = arith.muli %add3A_324, %mul3A_343 : i32
        %add3A_345 = arith.addi %mul3A_2, %mul3A_344 : i32
        %dma_wait3A_346 = arith.constant 0 : i32
        %dma_wait3A_347 = arith.constant 0 : i32
        %dma_wait3A_348 = tpu.memref_slice %arg7[%select_n3A_342, %dma_wait3A_346, %dma_wait3A_347] : memref<3x3x128xi32, #tpu.memory_space<vmem>> -> memref<1x3x128xi32, #tpu.memory_space<vmem>>
        %dma_wait3A_349 = tpu.memref_squeeze %dma_wait3A_348 : memref<1x3x128xi32, #tpu.memory_space<vmem>> -> memref<3x128xi32, #tpu.memory_space<vmem>>
        %dma_wait3A_350 = arith.constant 0 : i32
        %dma_wait3A_351 = tpu.memref_slice %arg3[%add3A_345, %dma_wait3A_350] : memref<2592x128xi32, #tpu.memory_space<hbm>> -> memref<3x128xi32, #tpu.memory_space<hbm>>
        %dma_wait3A_352 = arith.constant 0 : i32
        %dma_wait3A_353 = arith.constant 0 : i32
        %dma_wait3A_354 = tpu.memref_slice %arg7[%select_n3A_342, %dma_wait3A_352, %dma_wait3A_353] : memref<3x3x128xi32, #tpu.memory_space<vmem>> -> memref<1x3x128xi32, #tpu.memory_space<vmem>>
        %dma_wait3A_355 = tpu.memref_squeeze %dma_wait3A_354 : memref<1x3x128xi32, #tpu.memory_space<vmem>> -> memref<3x128xi32, #tpu.memory_space<vmem>>
        %dma_wait3A_356 = arith.constant 0 : i32
        %dma_wait3A_357 = tpu.memref_slice %arg3[%add3A_345, %dma_wait3A_356] : memref<2592x128xi32, #tpu.memory_space<hbm>> -> memref<3x128xi32, #tpu.memory_space<hbm>>
        tpu.wait_dma2 semaphore(%arg12 : memref<!tpu.dma_semaphore, #tpu.memory_space<semaphore_mem>>) src(%dma_wait3A_357 : memref<3x128xi32, #tpu.memory_space<hbm>>) dst(%dma_wait3A_355 : memref<3x128xi32, #tpu.memory_space<vmem>>)
        %dma_wait3A_358 = arith.constant 0 : i32
        %dma_wait3A_359 = arith.constant 0 : i32
        %dma_wait3A_360 = tpu.memref_slice %arg8[%select_n3A_342, %dma_wait3A_358, %dma_wait3A_359] : memref<3x3x128xi32, #tpu.memory_space<vmem>> -> memref<1x3x128xi32, #tpu.memory_space<vmem>>
        %dma_wait3A_361 = tpu.memref_squeeze %dma_wait3A_360 : memref<1x3x128xi32, #tpu.memory_space<vmem>> -> memref<3x128xi32, #tpu.memory_space<vmem>>
        %dma_wait3A_362 = arith.constant 0 : i32
        %dma_wait3A_363 = tpu.memref_slice %arg4[%add3A_345, %dma_wait3A_362] : memref<2592x128xi32, #tpu.memory_space<hbm>> -> memref<3x128xi32, #tpu.memory_space<hbm>>
        %dma_wait3A_364 = arith.constant 0 : i32
        %dma_wait3A_365 = arith.constant 0 : i32
        %dma_wait3A_366 = tpu.memref_slice %arg8[%select_n3A_342, %dma_wait3A_364, %dma_wait3A_365] : memref<3x3x128xi32, #tpu.memory_space<vmem>> -> memref<1x3x128xi32, #tpu.memory_space<vmem>>
        %dma_wait3A_367 = tpu.memref_squeeze %dma_wait3A_366 : memref<1x3x128xi32, #tpu.memory_space<vmem>> -> memref<3x128xi32, #tpu.memory_space<vmem>>
        %dma_wait3A_368 = arith.constant 0 : i32
        %dma_wait3A_369 = tpu.memref_slice %arg4[%add3A_345, %dma_wait3A_368] : memref<2592x128xi32, #tpu.memory_space<hbm>> -> memref<3x128xi32, #tpu.memory_space<hbm>>
        tpu.wait_dma2 semaphore(%arg12 : memref<!tpu.dma_semaphore, #tpu.memory_space<semaphore_mem>>) src(%dma_wait3A_369 : memref<3x128xi32, #tpu.memory_space<hbm>>) dst(%dma_wait3A_367 : memref<3x128xi32, #tpu.memory_space<vmem>>)
        %mul3A_370 = arith.constant 27 : i32
        %mul3A_371 = arith.muli %add3A, %mul3A_370 : i32
        %add3A_372 = arith.addi %mul3A_371, %add3A_324 : i32
        %dma_wait3A_373 = arith.constant 0 : i32
        %dma_wait3A_374 = tpu.memref_slice %arg9[%select_n3A_342, %dma_wait3A_373] : memref<3x384xf32, #tpu.memory_space<vmem>> -> memref<1x384xf32, #tpu.memory_space<vmem>>
        %dma_wait3A_375 = tpu.memref_squeeze %dma_wait3A_374 : memref<1x384xf32, #tpu.memory_space<vmem>> -> memref<384xf32, #tpu.memory_space<vmem>>
        %dma_wait3A_376 = arith.constant 0 : i32
        %dma_wait3A_377 = tpu.memref_slice %arg5[%add3A_372, %dma_wait3A_376] : memref<864x384xf32, #tpu.memory_space<hbm>> -> memref<1x384xf32, #tpu.memory_space<hbm>>
        %dma_wait3A_378 = tpu.memref_squeeze %dma_wait3A_377 : memref<1x384xf32, #tpu.memory_space<hbm>> -> memref<384xf32, #tpu.memory_space<hbm>>
        %dma_wait3A_379 = arith.constant 0 : i32
        %dma_wait3A_380 = tpu.memref_slice %arg9[%select_n3A_342, %dma_wait3A_379] : memref<3x384xf32, #tpu.memory_space<vmem>> -> memref<1x384xf32, #tpu.memory_space<vmem>>
        %dma_wait3A_381 = tpu.memref_squeeze %dma_wait3A_380 : memref<1x384xf32, #tpu.memory_space<vmem>> -> memref<384xf32, #tpu.memory_space<vmem>>
        %dma_wait3A_382 = arith.constant 0 : i32
        %dma_wait3A_383 = tpu.memref_slice %arg5[%add3A_372, %dma_wait3A_382] : memref<864x384xf32, #tpu.memory_space<hbm>> -> memref<1x384xf32, #tpu.memory_space<hbm>>
        %dma_wait3A_384 = tpu.memref_squeeze %dma_wait3A_383 : memref<1x384xf32, #tpu.memory_space<hbm>> -> memref<384xf32, #tpu.memory_space<hbm>>
        tpu.wait_dma2 semaphore(%arg12 : memref<!tpu.dma_semaphore, #tpu.memory_space<semaphore_mem>>) src(%dma_wait3A_384 : memref<384xf32, #tpu.memory_space<hbm>>) dst(%dma_wait3A_381 : memref<384xf32, #tpu.memory_space<vmem>>)
        %add3A_385 = arith.constant 1 : i32
        %add3A_386 = arith.addi %scan3A_225, %add3A_385 : i32
        %jit3A_387 = arith.constant 3 : i32
        %eq3A_388 = arith.constant 0 : i32
        %eq3A_389 = arith.cmpi eq, %jit3A_387, %eq3A_388 : i32
        %jit3A_390 = arith.constant 1 : i32
        %select_n3A_391 = arith.select %eq3A_389, %jit3A_390, %jit3A_387 : i32
        %rem3A_392 = arith.remsi %add3A_386, %select_n3A_391 : i32
        %ne3A_393 = arith.constant 0 : i32
        %ne3A_394 = arith.cmpi ne, %rem3A_392, %ne3A_393 : i32
        %lt3A_395 = arith.constant 0 : i32
        %lt3A_396 = arith.cmpi slt, %rem3A_392, %lt3A_395 : i32
        %lt3A_397 = arith.constant 0 : i32
        %lt3A_398 = arith.cmpi slt, %select_n3A_391, %lt3A_397 : i32
        %ne3A_399 = arith.xori %lt3A_396, %lt3A_398 : i1
        %and3A_400 = arith.andi %ne3A_399, %ne3A_394 : i1
        %add3A_401 = arith.addi %rem3A_392, %select_n3A_391 : i32
        %select_n3A_402 = arith.select %and3A_400, %add3A_401, %rem3A_392 : i32
        %dma_start3A_403 = arith.constant 0 : i32
        %dma_start3A_404 = arith.constant 0 : i32
        %dma_start3A_405 = arith.constant 0 : i32
        %dma_start3A_406 = tpu.memref_slice %arg10[%select_n3A_402, %dma_start3A_404, %dma_start3A_405] : memref<3x384x64xf32, #tpu.memory_space<vmem>> -> memref<1x128x64xf32, #tpu.memory_space<vmem>>
        %dma_start3A_407 = tpu.memref_squeeze %dma_start3A_406 : memref<1x128x64xf32, #tpu.memory_space<vmem>> -> memref<128x64xf32, #tpu.memory_space<vmem>>
        %dma_start3A_408 = arith.constant 0 : i32
        %dma_start3A_409 = tpu.memref_slice %arg7[%select_n3A_402, %dma_start3A_403, %dma_start3A_408] : memref<3x3x128xi32, #tpu.memory_space<vmem>> -> memref<1x1x128xi32, #tpu.memory_space<vmem>>
        %dma_start3A_410 = tpu.memref_squeeze %dma_start3A_409 : memref<1x1x128xi32, #tpu.memory_space<vmem>> -> memref<128xi32, #tpu.memory_space<vmem>>
        %dma_start3A_411 = arith.constant 0 : i32
        %dma_start3A_412 = arith.constant 0 : i32
        %dma_start3A_413 = tpu.memref_slice %arg2[%dma_start3A_411, %dma_start3A_412] : memref<10000x64xf32, #tpu.memory_space<hbm>> -> memref<10000x64xf32, #tpu.memory_space<hbm>>
        tpu.enqueue_indirect_dma source(%dma_start3A_413 : memref<10000x64xf32, #tpu.memory_space<hbm>>) target(%dma_start3A_407 : memref<128x64xf32, #tpu.memory_space<vmem>>) offsets(%dma_start3A_410 : memref<128xi32, #tpu.memory_space<vmem>>) semaphore(%arg13 : memref<!tpu.dma_semaphore, #tpu.memory_space<semaphore_mem>>)
        %dma_start3A_414 = arith.constant 1 : i32
        %dma_start3A_415 = arith.constant 128 : i32
        %dma_start3A_416 = arith.constant 0 : i32
        %dma_start3A_417 = tpu.memref_slice %arg10[%select_n3A_402, %dma_start3A_415, %dma_start3A_416] : memref<3x384x64xf32, #tpu.memory_space<vmem>> -> memref<1x128x64xf32, #tpu.memory_space<vmem>>
        %dma_start3A_418 = tpu.memref_squeeze %dma_start3A_417 : memref<1x128x64xf32, #tpu.memory_space<vmem>> -> memref<128x64xf32, #tpu.memory_space<vmem>>
        %dma_start3A_419 = arith.constant 0 : i32
        %dma_start3A_420 = tpu.memref_slice %arg7[%select_n3A_402, %dma_start3A_414, %dma_start3A_419] : memref<3x3x128xi32, #tpu.memory_space<vmem>> -> memref<1x1x128xi32, #tpu.memory_space<vmem>>
        %dma_start3A_421 = tpu.memref_squeeze %dma_start3A_420 : memref<1x1x128xi32, #tpu.memory_space<vmem>> -> memref<128xi32, #tpu.memory_space<vmem>>
        %dma_start3A_422 = arith.constant 0 : i32
        %dma_start3A_423 = arith.constant 0 : i32
        %dma_start3A_424 = tpu.memref_slice %arg2[%dma_start3A_422, %dma_start3A_423] : memref<10000x64xf32, #tpu.memory_space<hbm>> -> memref<10000x64xf32, #tpu.memory_space<hbm>>
        tpu.enqueue_indirect_dma source(%dma_start3A_424 : memref<10000x64xf32, #tpu.memory_space<hbm>>) target(%dma_start3A_418 : memref<128x64xf32, #tpu.memory_space<vmem>>) offsets(%dma_start3A_421 : memref<128xi32, #tpu.memory_space<vmem>>) semaphore(%arg13 : memref<!tpu.dma_semaphore, #tpu.memory_space<semaphore_mem>>)
        %dma_start3A_425 = arith.constant 2 : i32
        %dma_start3A_426 = arith.constant 256 : i32
        %dma_start3A_427 = arith.constant 0 : i32
        %dma_start3A_428 = tpu.memref_slice %arg10[%select_n3A_402, %dma_start3A_426, %dma_start3A_427] : memref<3x384x64xf32, #tpu.memory_space<vmem>> -> memref<1x128x64xf32, #tpu.memory_space<vmem>>
        %dma_start3A_429 = tpu.memref_squeeze %dma_start3A_428 : memref<1x128x64xf32, #tpu.memory_space<vmem>> -> memref<128x64xf32, #tpu.memory_space<vmem>>
        %dma_start3A_430 = arith.constant 0 : i32
        %dma_start3A_431 = tpu.memref_slice %arg7[%select_n3A_402, %dma_start3A_425, %dma_start3A_430] : memref<3x3x128xi32, #tpu.memory_space<vmem>> -> memref<1x1x128xi32, #tpu.memory_space<vmem>>
        %dma_start3A_432 = tpu.memref_squeeze %dma_start3A_431 : memref<1x1x128xi32, #tpu.memory_space<vmem>> -> memref<128xi32, #tpu.memory_space<vmem>>
        %dma_start3A_433 = arith.constant 0 : i32
        %dma_start3A_434 = arith.constant 0 : i32
        %dma_start3A_435 = tpu.memref_slice %arg2[%dma_start3A_433, %dma_start3A_434] : memref<10000x64xf32, #tpu.memory_space<hbm>> -> memref<10000x64xf32, #tpu.memory_space<hbm>>
        tpu.enqueue_indirect_dma source(%dma_start3A_435 : memref<10000x64xf32, #tpu.memory_space<hbm>>) target(%dma_start3A_429 : memref<128x64xf32, #tpu.memory_space<vmem>>) offsets(%dma_start3A_432 : memref<128xi32, #tpu.memory_space<vmem>>) semaphore(%arg13 : memref<!tpu.dma_semaphore, #tpu.memory_space<semaphore_mem>>)
      } else {
      }
      %scan3A_284 = arith.constant 0 : i32
      %scan3A_285 = arith.constant 0 : i32
      %scan3A_286 = arith.constant 24 : i32
      %scan3A_287 = arith.addi %scan3A_285, %scan3A_286 : i32
      %scan3A_288 = arith.constant 1 : i32
      scf.for %scan3A_323 = %scan3A_285 to %scan3A_287 step %scan3A_288  : i32 {
        %mul3A_324 = arith.constant 16 : i32
        %mul3A_325 = arith.muli %mul3A_324, %scan3A_323 : i32
        %get3A = arith.index_cast %select_n3A_234 : i32 to index
        %get3A_326 = arith.index_cast %mul3A_325 : i32 to index
        %get3A_327 = tpu.vector_load %arg9[%get3A, %get3A_326] {strides = array<i32>} : memref<3x384xf32, #tpu.memory_space<vmem>>, vector<1x16xf32>,
        %get3A_328 = vector.shape_cast %get3A_327 : vector<1x16xf32> to vector<16xf32>
        %slice3A = vector.extract_strided_slice %get3A_328 {offsets = [0], sizes = [1], strides = [1]} : vector<16xf32> to vector<1xf32>
        %squeeze3A = vector.extract %slice3A[0] : f32 from vector<1xf32>
        %mul3A_329 = arith.constant 16 : i32
        %mul3A_330 = arith.muli %mul3A_329, %scan3A_323 : i32
        %add3A_331 = arith.constant 0 : i32
        %add3A_332 = arith.addi %mul3A_330, %add3A_331 : i32
        %get3A_333 = arith.index_cast %select_n3A_234 : i32 to index
        %get3A_334 = arith.index_cast %add3A_332 : i32 to index
        %get3A_335 = arith.constant 0 : index
        %get3A_336 = tpu.vector_load %arg10[%get3A_333, %get3A_334, %get3A_335] {strides = array<i32>} : memref<3x384x64xf32, #tpu.memory_space<vmem>>, vector<1x1x16xf32>,
        %get3A_337 = vector.shape_cast %get3A_336 : vector<1x1x16xf32> to vector<16xf32>
        %mul3A_338 = vector.broadcast %squeeze3A : f32 to vector<16xf32>
        %mul3A_339 = arith.mulf %get3A_337, %mul3A_338 : vector<16xf32>
        %swap3A = arith.index_cast %select_n3A_234 : i32 to index
        %swap3A_340 = arith.index_cast %add3A_332 : i32 to index
        %swap3A_341 = arith.constant 0 : index
        %swap3A_342 = tpu.vector_load %arg10[%swap3A, %swap3A_340, %swap3A_341] {strides = array<i32>} : memref<3x384x64xf32, #tpu.memory_space<vmem>>, vector<1x1x16xf32>,
        %swap3A_343 = vector.shape_cast %swap3A_342 : vector<1x1x16xf32> to vector<16xf32>
        %swap3A_344 = vector.shape_cast %mul3A_339 : vector<16xf32> to vector<1x1x16xf32>
        tpu.vector_store %arg10[%swap3A, %swap3A_340, %swap3A_341], %swap3A_344 {strides = array<i32>} : memref<3x384x64xf32, #tpu.memory_space<vmem>>, vector<1x1x16xf32>,
        %get3A_345 = arith.index_cast %select_n3A_234 : i32 to index
        %get3A_346 = arith.index_cast %add3A_332 : i32 to index
        %get3A_347 = arith.constant 16 : index
        %get3A_348 = tpu.vector_load %arg10[%get3A_345, %get3A_346, %get3A_347] {strides = array<i32>} : memref<3x384x64xf32, #tpu.memory_space<vmem>>, vector<1x1x16xf32>,
        %get3A_349 = vector.shape_cast %get3A_348 : vector<1x1x16xf32> to vector<16xf32>
        %mul3A_350 = vector.broadcast %squeeze3A : f32 to vector<16xf32>
        %mul3A_351 = arith.mulf %get3A_349, %mul3A_350 : vector<16xf32>
        %swap3A_352 = arith.index_cast %select_n3A_234 : i32 to index
        %swap3A_353 = arith.index_cast %add3A_332 : i32 to index
        %swap3A_354 = arith.constant 16 : index
        %swap3A_355 = tpu.vector_load %arg10[%swap3A_352, %swap3A_353, %swap3A_354] {strides = array<i32>} : memref<3x384x64xf32, #tpu.memory_space<vmem>>, vector<1x1x16xf32>,
        %swap3A_356 = vector.shape_cast %swap3A_355 : vector<1x1x16xf32> to vector<16xf32>
        %swap3A_357 = vector.shape_cast %mul3A_351 : vector<16xf32> to vector<1x1x16xf32>
        tpu.vector_store %arg10[%swap3A_352, %swap3A_353, %swap3A_354], %swap3A_357 {strides = array<i32>} : memref<3x384x64xf32, #tpu.memory_space<vmem>>, vector<1x1x16xf32>,
        %get3A_358 = arith.index_cast %select_n3A_234 : i32 to index
        %get3A_359 = arith.index_cast %add3A_332 : i32 to index
        %get3A_360 = arith.constant 32 : index
        %get3A_361 = tpu.vector_load %arg10[%get3A_358, %get3A_359, %get3A_360] {strides = array<i32>} : memref<3x384x64xf32, #tpu.memory_space<vmem>>, vector<1x1x16xf32>,
        %get3A_362 = vector.shape_cast %get3A_361 : vector<1x1x16xf32> to vector<16xf32>
        %mul3A_363 = vector.broadcast %squeeze3A : f32 to vector<16xf32>
        %mul3A_364 = arith.mulf %get3A_362, %mul3A_363 : vector<16xf32>
        %swap3A_365 = arith.index_cast %select_n3A_234 : i32 to index
        %swap3A_366 = arith.index_cast %add3A_332 : i32 to index
        %swap3A_367 = arith.constant 32 : index
        %swap3A_368 = tpu.vector_load %arg10[%swap3A_365, %swap3A_366, %swap3A_367] {strides = array<i32>} : memref<3x384x64xf32, #tpu.memory_space<vmem>>, vector<1x1x16xf32>,
        %swap3A_369 = vector.shape_cast %swap3A_368 : vector<1x1x16xf32> to vector<16xf32>
        %swap3A_370 = vector.shape_cast %mul3A_364 : vector<16xf32> to vector<1x1x16xf32>
        tpu.vector_store %arg10[%swap3A_365, %swap3A_366, %swap3A_367], %swap3A_370 {strides = array<i32>} : memref<3x384x64xf32, #tpu.memory_space<vmem>>, vector<1x1x16xf32>,
        %get3A_371 = arith.index_cast %select_n3A_234 : i32 to index
        %get3A_372 = arith.index_cast %add3A_332 : i32 to index
        %get3A_373 = arith.constant 48 : index
        %get3A_374 = tpu.vector_load %arg10[%get3A_371, %get3A_372, %get3A_373] {strides = array<i32>} : memref<3x384x64xf32, #tpu.memory_space<vmem>>, vector<1x1x16xf32>,
        %get3A_375 = vector.shape_cast %get3A_374 : vector<1x1x16xf32> to vector<16xf32>
        %mul3A_376 = vector.broadcast %squeeze3A : f32 to vector<16xf32>
        %mul3A_377 = arith.mulf %get3A_375, %mul3A_376 : vector<16xf32>
        %swap3A_378 = arith.index_cast %select_n3A_234 : i32 to index
        %swap3A_379 = arith.index_cast %add3A_332 : i32 to index
        %swap3A_380 = arith.constant 48 : index
        %swap3A_381 = tpu.vector_load %arg10[%swap3A_378, %swap3A_379, %swap3A_380] {strides = array<i32>} : memref<3x384x64xf32, #tpu.memory_space<vmem>>, vector<1x1x16xf32>,
        %swap3A_382 = vector.shape_cast %swap3A_381 : vector<1x1x16xf32> to vector<16xf32>
        %swap3A_383 = vector.shape_cast %mul3A_377 : vector<16xf32> to vector<1x1x16xf32>
        tpu.vector_store %arg10[%swap3A_378, %swap3A_379, %swap3A_380], %swap3A_383 {strides = array<i32>} : memref<3x384x64xf32, #tpu.memory_space<vmem>>, vector<1x1x16xf32>,
        %slice3A_384 = vector.extract_strided_slice %get3A_328 {offsets = [1], sizes = [1], strides = [1]} : vector<16xf32> to vector<1xf32>
        %squeeze3A_385 = vector.extract %slice3A_384[0] : f32 from vector<1xf32>
        %mul3A_386 = arith.constant 16 : i32
        %mul3A_387 = arith.muli %mul3A_386, %scan3A_323 : i32
        %add3A_388 = arith.constant 1 : i32
        %add3A_389 = arith.addi %mul3A_387, %add3A_388 : i32
        %get3A_390 = arith.index_cast %select_n3A_234 : i32 to index
        %get3A_391 = arith.index_cast %add3A_389 : i32 to index
        %get3A_392 = arith.constant 0 : index
        %get3A_393 = tpu.vector_load %arg10[%get3A_390, %get3A_391, %get3A_392] {strides = array<i32>} : memref<3x384x64xf32, #tpu.memory_space<vmem>>, vector<1x1x16xf32>,
        %get3A_394 = vector.shape_cast %get3A_393 : vector<1x1x16xf32> to vector<16xf32>
        %mul3A_395 = vector.broadcast %squeeze3A_385 : f32 to vector<16xf32>
        %mul3A_396 = arith.mulf %get3A_394, %mul3A_395 : vector<16xf32>
        %swap3A_397 = arith.index_cast %select_n3A_234 : i32 to index
        %swap3A_398 = arith.index_cast %add3A_389 : i32 to index
        %swap3A_399 = arith.constant 0 : index
        %swap3A_400 = tpu.vector_load %arg10[%swap3A_397, %swap3A_398, %swap3A_399] {strides = array<i32>} : memref<3x384x64xf32, #tpu.memory_space<vmem>>, vector<1x1x16xf32>,
        %swap3A_401 = vector.shape_cast %swap3A_400 : vector<1x1x16xf32> to vector<16xf32>
        %swap3A_402 = vector.shape_cast %mul3A_396 : vector<16xf32> to vector<1x1x16xf32>
        tpu.vector_store %arg10[%swap3A_397, %swap3A_398, %swap3A_399], %swap3A_402 {strides = array<i32>} : memref<3x384x64xf32, #tpu.memory_space<vmem>>, vector<1x1x16xf32>,
        %get3A_403 = arith.index_cast %select_n3A_234 : i32 to index
        %get3A_404 = arith.index_cast %add3A_389 : i32 to index
        %get3A_405 = arith.constant 16 : index
        %get3A_406 = tpu.vector_load %arg10[%get3A_403, %get3A_404, %get3A_405] {strides = array<i32>} : memref<3x384x64xf32, #tpu.memory_space<vmem>>, vector<1x1x16xf32>,
        %get3A_407 = vector.shape_cast %get3A_406 : vector<1x1x16xf32> to vector<16xf32>
        %mul3A_408 = vector.broadcast %squeeze3A_385 : f32 to vector<16xf32>
        %mul3A_409 = arith.mulf %get3A_407, %mul3A_408 : vector<16xf32>
        %swap3A_410 = arith.index_cast %select_n3A_234 : i32 to index
        %swap3A_411 = arith.index_cast %add3A_389 : i32 to index
        %swap3A_412 = arith.constant 16 : index
        %swap3A_413 = tpu.vector_load %arg10[%swap3A_410, %swap3A_411, %swap3A_412] {strides = array<i32>} : memref<3x384x64xf32, #tpu.memory_space<vmem>>, vector<1x1x16xf32>,
        %swap3A_414 = vector.shape_cast %swap3A_413 : vector<1x1x16xf32> to vector<16xf32>
        %swap3A_415 = vector.shape_cast %mul3A_409 : vector<16xf32> to vector<1x1x16xf32>
        tpu.vector_store %arg10[%swap3A_410, %swap3A_411, %swap3A_412], %swap3A_415 {strides = array<i32>} : memref<3x384x64xf32, #tpu.memory_space<vmem>>, vector<1x1x16xf32>,
        %get3A_416 = arith.index_cast %select_n3A_234 : i32 to index
        %get3A_417 = arith.index_cast %add3A_389 : i32 to index
        %get3A_418 = arith.constant 32 : index
        %get3A_419 = tpu.vector_load %arg10[%get3A_416, %get3A_417, %get3A_418] {strides = array<i32>} : memref<3x384x64xf32, #tpu.memory_space<vmem>>, vector<1x1x16xf32>,
        %get3A_420 = vector.shape_cast %get3A_419 : vector<1x1x16xf32> to vector<16xf32>
        %mul3A_421 = vector.broadcast %squeeze3A_385 : f32 to vector<16xf32>
        %mul3A_422 = arith.mulf %get3A_420, %mul3A_421 : vector<16xf32>
        %swap3A_423 = arith.index_cast %select_n3A_234 : i32 to index
        %swap3A_424 = arith.index_cast %add3A_389 : i32 to index
        %swap3A_425 = arith.constant 32 : index
        %swap3A_426 = tpu.vector_load %arg10[%swap3A_423, %swap3A_424, %swap3A_425] {strides = array<i32>} : memref<3x384x64xf32, #tpu.memory_space<vmem>>, vector<1x1x16xf32>,
        %swap3A_427 = vector.shape_cast %swap3A_426 : vector<1x1x16xf32> to vector<16xf32>
        %swap3A_428 = vector.shape_cast %mul3A_422 : vector<16xf32> to vector<1x1x16xf32>
        tpu.vector_store %arg10[%swap3A_423, %swap3A_424, %swap3A_425], %swap3A_428 {strides = array<i32>} : memref<3x384x64xf32, #tpu.memory_space<vmem>>, vector<1x1x16xf32>,
        %get3A_429 = arith.index_cast %select_n3A_234 : i32 to index
        %get3A_430 = arith.index_cast %add3A_389 : i32 to index
        %get3A_431 = arith.constant 48 : index
        %get3A_432 = tpu.vector_load %arg10[%get3A_429, %get3A_430, %get3A_431] {strides = array<i32>} : memref<3x384x64xf32, #tpu.memory_space<vmem>>, vector<1x1x16xf32>,
        %get3A_433 = vector.shape_cast %get3A_432 : vector<1x1x16xf32> to vector<16xf32>
        %mul3A_434 = vector.broadcast %squeeze3A_385 : f32 to vector<16xf32>
        %mul3A_435 = arith.mulf %get3A_433, %mul3A_434 : vector<16xf32>
        %swap3A_436 = arith.index_cast %select_n3A_234 : i32 to index
        %swap3A_437 = arith.index_cast %add3A_389 : i32 to index
        %swap3A_438 = arith.constant 48 : index
        %swap3A_439 = tpu.vector_load %arg10[%swap3A_436, %swap3A_437, %swap3A_438] {strides = array<i32>} : memref<3x384x64xf32, #tpu.memory_space<vmem>>, vector<1x1x16xf32>,
        %swap3A_440 = vector.shape_cast %swap3A_439 : vector<1x1x16xf32> to vector<16xf32>
        %swap3A_441 = vector.shape_cast %mul3A_435 : vector<16xf32> to vector<1x1x16xf32>
        tpu.vector_store %arg10[%swap3A_436, %swap3A_437, %swap3A_438], %swap3A_441 {strides = array<i32>} : memref<3x384x64xf32, #tpu.memory_space<vmem>>, vector<1x1x16xf32>,
        %slice3A_442 = vector.extract_strided_slice %get3A_328 {offsets = [2], sizes = [1], strides = [1]} : vector<16xf32> to vector<1xf32>
        %squeeze3A_443 = vector.extract %slice3A_442[0] : f32 from vector<1xf32>
        %mul3A_444 = arith.constant 16 : i32
        %mul3A_445 = arith.muli %mul3A_444, %scan3A_323 : i32
        %add3A_446 = arith.constant 2 : i32
        %add3A_447 = arith.addi %mul3A_445, %add3A_446 : i32
        %get3A_448 = arith.index_cast %select_n3A_234 : i32 to index
        %get3A_449 = arith.index_cast %add3A_447 : i32 to index
        %get3A_450 = arith.constant 0 : index
        %get3A_451 = tpu.vector_load %arg10[%get3A_448, %get3A_449, %get3A_450] {strides = array<i32>} : memref<3x384x64xf32, #tpu.memory_space<vmem>>, vector<1x1x16xf32>,
        %get3A_452 = vector.shape_cast %get3A_451 : vector<1x1x16xf32> to vector<16xf32>
        %mul3A_453 = vector.broadcast %squeeze3A_443 : f32 to vector<16xf32>
        %mul3A_454 = arith.mulf %get3A_452, %mul3A_453 : vector<16xf32>
        %swap3A_455 = arith.index_cast %select_n3A_234 : i32 to index
        %swap3A_456 = arith.index_cast %add3A_447 : i32 to index
        %swap3A_457 = arith.constant 0 : index
        %swap3A_458 = tpu.vector_load %arg10[%swap3A_455, %swap3A_456, %swap3A_457] {strides = array<i32>} : memref<3x384x64xf32, #tpu.memory_space<vmem>>, vector<1x1x16xf32>,
        %swap3A_459 = vector.shape_cast %swap3A_458 : vector<1x1x16xf32> to vector<16xf32>
        %swap3A_460 = vector.shape_cast %mul3A_454 : vector<16xf32> to vector<1x1x16xf32>
        tpu.vector_store %arg10[%swap3A_455, %swap3A_456, %swap3A_457], %swap3A_460 {strides = array<i32>} : memref<3x384x64xf32, #tpu.memory_space<vmem>>, vector<1x1x16xf32>,
        %get3A_461 = arith.index_cast %select_n3A_234 : i32 to index
        %get3A_462 = arith.index_cast %add3A_447 : i32 to index
        %get3A_463 = arith.constant 16 : index
        %get3A_464 = tpu.vector_load %arg10[%get3A_461, %get3A_462, %get3A_463] {strides = array<i32>} : memref<3x384x64xf32, #tpu.memory_space<vmem>>, vector<1x1x16xf32>,
        %get3A_465 = vector.shape_cast %get3A_464 : vector<1x1x16xf32> to vector<16xf32>
        %mul3A_466 = vector.broadcast %squeeze3A_443 : f32 to vector<16xf32>
        %mul3A_467 = arith.mulf %get3A_465, %mul3A_466 : vector<16xf32>
        %swap3A_468 = arith.index_cast %select_n3A_234 : i32 to index
        %swap3A_469 = arith.index_cast %add3A_447 : i32 to index
        %swap3A_470 = arith.constant 16 : index
        %swap3A_471 = tpu.vector_load %arg10[%swap3A_468, %swap3A_469, %swap3A_470] {strides = array<i32>} : memref<3x384x64xf32, #tpu.memory_space<vmem>>, vector<1x1x16xf32>,
        %swap3A_472 = vector.shape_cast %swap3A_471 : vector<1x1x16xf32> to vector<16xf32>
        %swap3A_473 = vector.shape_cast %mul3A_467 : vector<16xf32> to vector<1x1x16xf32>
        tpu.vector_store %arg10[%swap3A_468, %swap3A_469, %swap3A_470], %swap3A_473 {strides = array<i32>} : memref<3x384x64xf32, #tpu.memory_space<vmem>>, vector<1x1x16xf32>,
        %get3A_474 = arith.index_cast %select_n3A_234 : i32 to index
        %get3A_475 = arith.index_cast %add3A_447 : i32 to index
        %get3A_476 = arith.constant 32 : index
        %get3A_477 = tpu.vector_load %arg10[%get3A_474, %get3A_475, %get3A_476] {strides = array<i32>} : memref<3x384x64xf32, #tpu.memory_space<vmem>>, vector<1x1x16xf32>,
        %get3A_478 = vector.shape_cast %get3A_477 : vector<1x1x16xf32> to vector<16xf32>
        %mul3A_479 = vector.broadcast %squeeze3A_443 : f32 to vector<16xf32>
        %mul3A_480 = arith.mulf %get3A_478, %mul3A_479 : vector<16xf32>
        %swap3A_481 = arith.index_cast %select_n3A_234 : i32 to index
        %swap3A_482 = arith.index_cast %add3A_447 : i32 to index
        %swap3A_483 = arith.constant 32 : index
        %swap3A_484 = tpu.vector_load %arg10[%swap3A_481, %swap3A_482, %swap3A_483] {strides = array<i32>} : memref<3x384x64xf32, #tpu.memory_space<vmem>>, vector<1x1x16xf32>,
        %swap3A_485 = vector.shape_cast %swap3A_484 : vector<1x1x16xf32> to vector<16xf32>
        %swap3A_486 = vector.shape_cast %mul3A_480 : vector<16xf32> to vector<1x1x16xf32>
        tpu.vector_store %arg10[%swap3A_481, %swap3A_482, %swap3A_483], %swap3A_486 {strides = array<i32>} : memref<3x384x64xf32, #tpu.memory_space<vmem>>, vector<1x1x16xf32>,
        %get3A_487 = arith.index_cast %select_n3A_234 : i32 to index
        %get3A_488 = arith.index_cast %add3A_447 : i32 to index
        %get3A_489 = arith.constant 48 : index
        %get3A_490 = tpu.vector_load %arg10[%get3A_487, %get3A_488, %get3A_489] {strides = array<i32>} : memref<3x384x64xf32, #tpu.memory_space<vmem>>, vector<1x1x16xf32>,
        %get3A_491 = vector.shape_cast %get3A_490 : vector<1x1x16xf32> to vector<16xf32>
        %mul3A_492 = vector.broadcast %squeeze3A_443 : f32 to vector<16xf32>
        %mul3A_493 = arith.mulf %get3A_491, %mul3A_492 : vector<16xf32>
        %swap3A_494 = arith.index_cast %select_n3A_234 : i32 to index
        %swap3A_495 = arith.index_cast %add3A_447 : i32 to index
        %swap3A_496 = arith.constant 48 : index
        %swap3A_497 = tpu.vector_load %arg10[%swap3A_494, %swap3A_495, %swap3A_496] {strides = array<i32>} : memref<3x384x64xf32, #tpu.memory_space<vmem>>, vector<1x1x16xf32>,
        %swap3A_498 = vector.shape_cast %swap3A_497 : vector<1x1x16xf32> to vector<16xf32>
        %swap3A_499 = vector.shape_cast %mul3A_493 : vector<16xf32> to vector<1x1x16xf32>
        tpu.vector_store %arg10[%swap3A_494, %swap3A_495, %swap3A_496], %swap3A_499 {strides = array<i32>} : memref<3x384x64xf32, #tpu.memory_space<vmem>>, vector<1x1x16xf32>,
        %slice3A_500 = vector.extract_strided_slice %get3A_328 {offsets = [3], sizes = [1], strides = [1]} : vector<16xf32> to vector<1xf32>
        %squeeze3A_501 = vector.extract %slice3A_500[0] : f32 from vector<1xf32>
        %mul3A_502 = arith.constant 16 : i32
        %mul3A_503 = arith.muli %mul3A_502, %scan3A_323 : i32
        %add3A_504 = arith.constant 3 : i32
        %add3A_505 = arith.addi %mul3A_503, %add3A_504 : i32
        %get3A_506 = arith.index_cast %select_n3A_234 : i32 to index
        %get3A_507 = arith.index_cast %add3A_505 : i32 to index
        %get3A_508 = arith.constant 0 : index
        %get3A_509 = tpu.vector_load %arg10[%get3A_506, %get3A_507, %get3A_508] {strides = array<i32>} : memref<3x384x64xf32, #tpu.memory_space<vmem>>, vector<1x1x16xf32>,
        %get3A_510 = vector.shape_cast %get3A_509 : vector<1x1x16xf32> to vector<16xf32>
        %mul3A_511 = vector.broadcast %squeeze3A_501 : f32 to vector<16xf32>
        %mul3A_512 = arith.mulf %get3A_510, %mul3A_511 : vector<16xf32>
        %swap3A_513 = arith.index_cast %select_n3A_234 : i32 to index
        %swap3A_514 = arith.index_cast %add3A_505 : i32 to index
        %swap3A_515 = arith.constant 0 : index
        %swap3A_516 = tpu.vector_load %arg10[%swap3A_513, %swap3A_514, %swap3A_515] {strides = array<i32>} : memref<3x384x64xf32, #tpu.memory_space<vmem>>, vector<1x1x16xf32>,
        %swap3A_517 = vector.shape_cast %swap3A_516 : vector<1x1x16xf32> to vector<16xf32>
        %swap3A_518 = vector.shape_cast %mul3A_512 : vector<16xf32> to vector<1x1x16xf32>
        tpu.vector_store %arg10[%swap3A_513, %swap3A_514, %swap3A_515], %swap3A_518 {strides = array<i32>} : memref<3x384x64xf32, #tpu.memory_space<vmem>>, vector<1x1x16xf32>,
        %get3A_519 = arith.index_cast %select_n3A_234 : i32 to index
        %get3A_520 = arith.index_cast %add3A_505 : i32 to index
        %get3A_521 = arith.constant 16 : index
        %get3A_522 = tpu.vector_load %arg10[%get3A_519, %get3A_520, %get3A_521] {strides = array<i32>} : memref<3x384x64xf32, #tpu.memory_space<vmem>>, vector<1x1x16xf32>,
        %get3A_523 = vector.shape_cast %get3A_522 : vector<1x1x16xf32> to vector<16xf32>
        %mul3A_524 = vector.broadcast %squeeze3A_501 : f32 to vector<16xf32>
        %mul3A_525 = arith.mulf %get3A_523, %mul3A_524 : vector<16xf32>
        %swap3A_526 = arith.index_cast %select_n3A_234 : i32 to index
        %swap3A_527 = arith.index_cast %add3A_505 : i32 to index
        %swap3A_528 = arith.constant 16 : index
        %swap3A_529 = tpu.vector_load %arg10[%swap3A_526, %swap3A_527, %swap3A_528] {strides = array<i32>} : memref<3x384x64xf32, #tpu.memory_space<vmem>>, vector<1x1x16xf32>,
        %swap3A_530 = vector.shape_cast %swap3A_529 : vector<1x1x16xf32> to vector<16xf32>
        %swap3A_531 = vector.shape_cast %mul3A_525 : vector<16xf32> to vector<1x1x16xf32>
        tpu.vector_store %arg10[%swap3A_526, %swap3A_527, %swap3A_528], %swap3A_531 {strides = array<i32>} : memref<3x384x64xf32, #tpu.memory_space<vmem>>, vector<1x1x16xf32>,
        %get3A_532 = arith.index_cast %select_n3A_234 : i32 to index
        %get3A_533 = arith.index_cast %add3A_505 : i32 to index
        %get3A_534 = arith.constant 32 : index
        %get3A_535 = tpu.vector_load %arg10[%get3A_532, %get3A_533, %get3A_534] {strides = array<i32>} : memref<3x384x64xf32, #tpu.memory_space<vmem>>, vector<1x1x16xf32>,
        %get3A_536 = vector.shape_cast %get3A_535 : vector<1x1x16xf32> to vector<16xf32>
        %mul3A_537 = vector.broadcast %squeeze3A_501 : f32 to vector<16xf32>
        %mul3A_538 = arith.mulf %get3A_536, %mul3A_537 : vector<16xf32>
        %swap3A_539 = arith.index_cast %select_n3A_234 : i32 to index
        %swap3A_540 = arith.index_cast %add3A_505 : i32 to index
        %swap3A_541 = arith.constant 32 : index
        %swap3A_542 = tpu.vector_load %arg10[%swap3A_539, %swap3A_540, %swap3A_541] {strides = array<i32>} : memref<3x384x64xf32, #tpu.memory_space<vmem>>, vector<1x1x16xf32>,
        %swap3A_543 = vector.shape_cast %swap3A_542 : vector<1x1x16xf32> to vector<16xf32>
        %swap3A_544 = vector.shape_cast %mul3A_538 : vector<16xf32> to vector<1x1x16xf32>
        tpu.vector_store %arg10[%swap3A_539, %swap3A_540, %swap3A_541], %swap3A_544 {strides = array<i32>} : memref<3x384x64xf32, #tpu.memory_space<vmem>>, vector<1x1x16xf32>,
        %get3A_545 = arith.index_cast %select_n3A_234 : i32 to index
        %get3A_546 = arith.index_cast %add3A_505 : i32 to index
        %get3A_547 = arith.constant 48 : index
        %get3A_548 = tpu.vector_load %arg10[%get3A_545, %get3A_546, %get3A_547] {strides = array<i32>} : memref<3x384x64xf32, #tpu.memory_space<vmem>>, vector<1x1x16xf32>,
        %get3A_549 = vector.shape_cast %get3A_548 : vector<1x1x16xf32> to vector<16xf32>
        %mul3A_550 = vector.broadcast %squeeze3A_501 : f32 to vector<16xf32>
        %mul3A_551 = arith.mulf %get3A_549, %mul3A_550 : vector<16xf32>
        %swap3A_552 = arith.index_cast %select_n3A_234 : i32 to index
        %swap3A_553 = arith.index_cast %add3A_505 : i32 to index
        %swap3A_554 = arith.constant 48 : index
        %swap3A_555 = tpu.vector_load %arg10[%swap3A_552, %swap3A_553, %swap3A_554] {strides = array<i32>} : memref<3x384x64xf32, #tpu.memory_space<vmem>>, vector<1x1x16xf32>,
        %swap3A_556 = vector.shape_cast %swap3A_555 : vector<1x1x16xf32> to vector<16xf32>
        %swap3A_557 = vector.shape_cast %mul3A_551 : vector<16xf32> to vector<1x1x16xf32>
        tpu.vector_store %arg10[%swap3A_552, %swap3A_553, %swap3A_554], %swap3A_557 {strides = array<i32>} : memref<3x384x64xf32, #tpu.memory_space<vmem>>, vector<1x1x16xf32>,
        %slice3A_558 = vector.extract_strided_slice %get3A_328 {offsets = [4], sizes = [1], strides = [1]} : vector<16xf32> to vector<1xf32>
        %squeeze3A_559 = vector.extract %slice3A_558[0] : f32 from vector<1xf32>
        %mul3A_560 = arith.constant 16 : i32
        %mul3A_561 = arith.muli %mul3A_560, %scan3A_323 : i32
        %add3A_562 = arith.constant 4 : i32
        %add3A_563 = arith.addi %mul3A_561, %add3A_562 : i32
        %get3A_564 = arith.index_cast %select_n3A_234 : i32 to index
        %get3A_565 = arith.index_cast %add3A_563 : i32 to index
        %get3A_566 = arith.constant 0 : index
        %get3A_567 = tpu.vector_load %arg10[%get3A_564, %get3A_565, %get3A_566] {strides = array<i32>} : memref<3x384x64xf32, #tpu.memory_space<vmem>>, vector<1x1x16xf32>,
        %get3A_568 = vector.shape_cast %get3A_567 : vector<1x1x16xf32> to vector<16xf32>
        %mul3A_569 = vector.broadcast %squeeze3A_559 : f32 to vector<16xf32>
        %mul3A_570 = arith.mulf %get3A_568, %mul3A_569 : vector<16xf32>
        %swap3A_571 = arith.index_cast %select_n3A_234 : i32 to index
        %swap3A_572 = arith.index_cast %add3A_563 : i32 to index
        %swap3A_573 = arith.constant 0 : index
        %swap3A_574 = tpu.vector_load %arg10[%swap3A_571, %swap3A_572, %swap3A_573] {strides = array<i32>} : memref<3x384x64xf32, #tpu.memory_space<vmem>>, vector<1x1x16xf32>,
        %swap3A_575 = vector.shape_cast %swap3A_574 : vector<1x1x16xf32> to vector<16xf32>
        %swap3A_576 = vector.shape_cast %mul3A_570 : vector<16xf32> to vector<1x1x16xf32>
        tpu.vector_store %arg10[%swap3A_571, %swap3A_572, %swap3A_573], %swap3A_576 {strides = array<i32>} : memref<3x384x64xf32, #tpu.memory_space<vmem>>, vector<1x1x16xf32>,
        %get3A_577 = arith.index_cast %select_n3A_234 : i32 to index
        %get3A_578 = arith.index_cast %add3A_563 : i32 to index
        %get3A_579 = arith.constant 16 : index
        %get3A_580 = tpu.vector_load %arg10[%get3A_577, %get3A_578, %get3A_579] {strides = array<i32>} : memref<3x384x64xf32, #tpu.memory_space<vmem>>, vector<1x1x16xf32>,
        %get3A_581 = vector.shape_cast %get3A_580 : vector<1x1x16xf32> to vector<16xf32>
        %mul3A_582 = vector.broadcast %squeeze3A_559 : f32 to vector<16xf32>
        %mul3A_583 = arith.mulf %get3A_581, %mul3A_582 : vector<16xf32>
        %swap3A_584 = arith.index_cast %select_n3A_234 : i32 to index
        %swap3A_585 = arith.index_cast %add3A_563 : i32 to index
        %swap3A_586 = arith.constant 16 : index
        %swap3A_587 = tpu.vector_load %arg10[%swap3A_584, %swap3A_585, %swap3A_586] {strides = array<i32>} : memref<3x384x64xf32, #tpu.memory_space<vmem>>, vector<1x1x16xf32>,
        %swap3A_588 = vector.shape_cast %swap3A_587 : vector<1x1x16xf32> to vector<16xf32>
        %swap3A_589 = vector.shape_cast %mul3A_583 : vector<16xf32> to vector<1x1x16xf32>
        tpu.vector_store %arg10[%swap3A_584, %swap3A_585, %swap3A_586], %swap3A_589 {strides = array<i32>} : memref<3x384x64xf32, #tpu.memory_space<vmem>>, vector<1x1x16xf32>,
        %get3A_590 = arith.index_cast %select_n3A_234 : i32 to index
        %get3A_591 = arith.index_cast %add3A_563 : i32 to index
        %get3A_592 = arith.constant 32 : index
        %get3A_593 = tpu.vector_load %arg10[%get3A_590, %get3A_591, %get3A_592] {strides = array<i32>} : memref<3x384x64xf32, #tpu.memory_space<vmem>>, vector<1x1x16xf32>,
        %get3A_594 = vector.shape_cast %get3A_593 : vector<1x1x16xf32> to vector<16xf32>
        %mul3A_595 = vector.broadcast %squeeze3A_559 : f32 to vector<16xf32>
        %mul3A_596 = arith.mulf %get3A_594, %mul3A_595 : vector<16xf32>
        %swap3A_597 = arith.index_cast %select_n3A_234 : i32 to index
        %swap3A_598 = arith.index_cast %add3A_563 : i32 to index
        %swap3A_599 = arith.constant 32 : index
        %swap3A_600 = tpu.vector_load %arg10[%swap3A_597, %swap3A_598, %swap3A_599] {strides = array<i32>} : memref<3x384x64xf32, #tpu.memory_space<vmem>>, vector<1x1x16xf32>,
        %swap3A_601 = vector.shape_cast %swap3A_600 : vector<1x1x16xf32> to vector<16xf32>
        %swap3A_602 = vector.shape_cast %mul3A_596 : vector<16xf32> to vector<1x1x16xf32>
        tpu.vector_store %arg10[%swap3A_597, %swap3A_598, %swap3A_599], %swap3A_602 {strides = array<i32>} : memref<3x384x64xf32, #tpu.memory_space<vmem>>, vector<1x1x16xf32>,
        %get3A_603 = arith.index_cast %select_n3A_234 : i32 to index
        %get3A_604 = arith.index_cast %add3A_563 : i32 to index
        %get3A_605 = arith.constant 48 : index
        %get3A_606 = tpu.vector_load %arg10[%get3A_603, %get3A_604, %get3A_605] {strides = array<i32>} : memref<3x384x64xf32, #tpu.memory_space<vmem>>, vector<1x1x16xf32>,
        %get3A_607 = vector.shape_cast %get3A_606 : vector<1x1x16xf32> to vector<16xf32>
        %mul3A_608 = vector.broadcast %squeeze3A_559 : f32 to vector<16xf32>
        %mul3A_609 = arith.mulf %get3A_607, %mul3A_608 : vector<16xf32>
        %swap3A_610 = arith.index_cast %select_n3A_234 : i32 to index
        %swap3A_611 = arith.index_cast %add3A_563 : i32 to index
        %swap3A_612 = arith.constant 48 : index
        %swap3A_613 = tpu.vector_load %arg10[%swap3A_610, %swap3A_611, %swap3A_612] {strides = array<i32>} : memref<3x384x64xf32, #tpu.memory_space<vmem>>, vector<1x1x16xf32>,
        %swap3A_614 = vector.shape_cast %swap3A_613 : vector<1x1x16xf32> to vector<16xf32>
        %swap3A_615 = vector.shape_cast %mul3A_609 : vector<16xf32> to vector<1x1x16xf32>
        tpu.vector_store %arg10[%swap3A_610, %swap3A_611, %swap3A_612], %swap3A_615 {strides = array<i32>} : memref<3x384x64xf32, #tpu.memory_space<vmem>>, vector<1x1x16xf32>,
        %slice3A_616 = vector.extract_strided_slice %get3A_328 {offsets = [5], sizes = [1], strides = [1]} : vector<16xf32> to vector<1xf32>
        %squeeze3A_617 = vector.extract %slice3A_616[0] : f32 from vector<1xf32>
        %mul3A_618 = arith.constant 16 : i32
        %mul3A_619 = arith.muli %mul3A_618, %scan3A_323 : i32
        %add3A_620 = arith.constant 5 : i32
        %add3A_621 = arith.addi %mul3A_619, %add3A_620 : i32
        %get3A_622 = arith.index_cast %select_n3A_234 : i32 to index
        %get3A_623 = arith.index_cast %add3A_621 : i32 to index
        %get3A_624 = arith.constant 0 : index
        %get3A_625 = tpu.vector_load %arg10[%get3A_622, %get3A_623, %get3A_624] {strides = array<i32>} : memref<3x384x64xf32, #tpu.memory_space<vmem>>, vector<1x1x16xf32>,
        %get3A_626 = vector.shape_cast %get3A_625 : vector<1x1x16xf32> to vector<16xf32>
        %mul3A_627 = vector.broadcast %squeeze3A_617 : f32 to vector<16xf32>
        %mul3A_628 = arith.mulf %get3A_626, %mul3A_627 : vector<16xf32>
        %swap3A_629 = arith.index_cast %select_n3A_234 : i32 to index
        %swap3A_630 = arith.index_cast %add3A_621 : i32 to index
        %swap3A_631 = arith.constant 0 : index
        %swap3A_632 = tpu.vector_load %arg10[%swap3A_629, %swap3A_630, %swap3A_631] {strides = array<i32>} : memref<3x384x64xf32, #tpu.memory_space<vmem>>, vector<1x1x16xf32>,
        %swap3A_633 = vector.shape_cast %swap3A_632 : vector<1x1x16xf32> to vector<16xf32>
        %swap3A_634 = vector.shape_cast %mul3A_628 : vector<16xf32> to vector<1x1x16xf32>
        tpu.vector_store %arg10[%swap3A_629, %swap3A_630, %swap3A_631], %swap3A_634 {strides = array<i32>} : memref<3x384x64xf32, #tpu.memory_space<vmem>>, vector<1x1x16xf32>,
        %get3A_635 = arith.index_cast %select_n3A_234 : i32 to index
        %get3A_636 = arith.index_cast %add3A_621 : i32 to index
        %get3A_637 = arith.constant 16 : index
        %get3A_638 = tpu.vector_load %arg10[%get3A_635, %get3A_636, %get3A_637] {strides = array<i32>} : memref<3x384x64xf32, #tpu.memory_space<vmem>>, vector<1x1x16xf32>,
        %get3A_639 = vector.shape_cast %get3A_638 : vector<1x1x16xf32> to vector<16xf32>
        %mul3A_640 = vector.broadcast %squeeze3A_617 : f32 to vector<16xf32>
        %mul3A_641 = arith.mulf %get3A_639, %mul3A_640 : vector<16xf32>
        %swap3A_642 = arith.index_cast %select_n3A_234 : i32 to index
        %swap3A_643 = arith.index_cast %add3A_621 : i32 to index
        %swap3A_644 = arith.constant 16 : index
        %swap3A_645 = tpu.vector_load %arg10[%swap3A_642, %swap3A_643, %swap3A_644] {strides = array<i32>} : memref<3x384x64xf32, #tpu.memory_space<vmem>>, vector<1x1x16xf32>,
        %swap3A_646 = vector.shape_cast %swap3A_645 : vector<1x1x16xf32> to vector<16xf32>
        %swap3A_647 = vector.shape_cast %mul3A_641 : vector<16xf32> to vector<1x1x16xf32>
        tpu.vector_store %arg10[%swap3A_642, %swap3A_643, %swap3A_644], %swap3A_647 {strides = array<i32>} : memref<3x384x64xf32, #tpu.memory_space<vmem>>, vector<1x1x16xf32>,
        %get3A_648 = arith.index_cast %select_n3A_234 : i32 to index
        %get3A_649 = arith.index_cast %add3A_621 : i32 to index
        %get3A_650 = arith.constant 32 : index
        %get3A_651 = tpu.vector_load %arg10[%get3A_648, %get3A_649, %get3A_650] {strides = array<i32>} : memref<3x384x64xf32, #tpu.memory_space<vmem>>, vector<1x1x16xf32>,
        %get3A_652 = vector.shape_cast %get3A_651 : vector<1x1x16xf32> to vector<16xf32>
        %mul3A_653 = vector.broadcast %squeeze3A_617 : f32 to vector<16xf32>
        %mul3A_654 = arith.mulf %get3A_652, %mul3A_653 : vector<16xf32>
        %swap3A_655 = arith.index_cast %select_n3A_234 : i32 to index
        %swap3A_656 = arith.index_cast %add3A_621 : i32 to index
        %swap3A_657 = arith.constant 32 : index
        %swap3A_658 = tpu.vector_load %arg10[%swap3A_655, %swap3A_656, %swap3A_657] {strides = array<i32>} : memref<3x384x64xf32, #tpu.memory_space<vmem>>, vector<1x1x16xf32>,
        %swap3A_659 = vector.shape_cast %swap3A_658 : vector<1x1x16xf32> to vector<16xf32>
        %swap3A_660 = vector.shape_cast %mul3A_654 : vector<16xf32> to vector<1x1x16xf32>
        tpu.vector_store %arg10[%swap3A_655, %swap3A_656, %swap3A_657], %swap3A_660 {strides = array<i32>} : memref<3x384x64xf32, #tpu.memory_space<vmem>>, vector<1x1x16xf32>,
        %get3A_661 = arith.index_cast %select_n3A_234 : i32 to index
        %get3A_662 = arith.index_cast %add3A_621 : i32 to index
        %get3A_663 = arith.constant 48 : index
        %get3A_664 = tpu.vector_load %arg10[%get3A_661, %get3A_662, %get3A_663] {strides = array<i32>} : memref<3x384x64xf32, #tpu.memory_space<vmem>>, vector<1x1x16xf32>,
        %get3A_665 = vector.shape_cast %get3A_664 : vector<1x1x16xf32> to vector<16xf32>
        %mul3A_666 = vector.broadcast %squeeze3A_617 : f32 to vector<16xf32>
        %mul3A_667 = arith.mulf %get3A_665, %mul3A_666 : vector<16xf32>
        %swap3A_668 = arith.index_cast %select_n3A_234 : i32 to index
        %swap3A_669 = arith.index_cast %add3A_621 : i32 to index
        %swap3A_670 = arith.constant 48 : index
        %swap3A_671 = tpu.vector_load %arg10[%swap3A_668, %swap3A_669, %swap3A_670] {strides = array<i32>} : memref<3x384x64xf32, #tpu.memory_space<vmem>>, vector<1x1x16xf32>,
        %swap3A_672 = vector.shape_cast %swap3A_671 : vector<1x1x16xf32> to vector<16xf32>
        %swap3A_673 = vector.shape_cast %mul3A_667 : vector<16xf32> to vector<1x1x16xf32>
        tpu.vector_store %arg10[%swap3A_668, %swap3A_669, %swap3A_670], %swap3A_673 {strides = array<i32>} : memref<3x384x64xf32, #tpu.memory_space<vmem>>, vector<1x1x16xf32>,
        %slice3A_674 = vector.extract_strided_slice %get3A_328 {offsets = [6], sizes = [1], strides = [1]} : vector<16xf32> to vector<1xf32>
        %squeeze3A_675 = vector.extract %slice3A_674[0] : f32 from vector<1xf32>
        %mul3A_676 = arith.constant 16 : i32
        %mul3A_677 = arith.muli %mul3A_676, %scan3A_323 : i32
        %add3A_678 = arith.constant 6 : i32
        %add3A_679 = arith.addi %mul3A_677, %add3A_678 : i32
        %get3A_680 = arith.index_cast %select_n3A_234 : i32 to index
        %get3A_681 = arith.index_cast %add3A_679 : i32 to index
        %get3A_682 = arith.constant 0 : index
        %get3A_683 = tpu.vector_load %arg10[%get3A_680, %get3A_681, %get3A_682] {strides = array<i32>} : memref<3x384x64xf32, #tpu.memory_space<vmem>>, vector<1x1x16xf32>,
        %get3A_684 = vector.shape_cast %get3A_683 : vector<1x1x16xf32> to vector<16xf32>
        %mul3A_685 = vector.broadcast %squeeze3A_675 : f32 to vector<16xf32>
        %mul3A_686 = arith.mulf %get3A_684, %mul3A_685 : vector<16xf32>
        %swap3A_687 = arith.index_cast %select_n3A_234 : i32 to index
        %swap3A_688 = arith.index_cast %add3A_679 : i32 to index
        %swap3A_689 = arith.constant 0 : index
        %swap3A_690 = tpu.vector_load %arg10[%swap3A_687, %swap3A_688, %swap3A_689] {strides = array<i32>} : memref<3x384x64xf32, #tpu.memory_space<vmem>>, vector<1x1x16xf32>,
        %swap3A_691 = vector.shape_cast %swap3A_690 : vector<1x1x16xf32> to vector<16xf32>
        %swap3A_692 = vector.shape_cast %mul3A_686 : vector<16xf32> to vector<1x1x16xf32>
        tpu.vector_store %arg10[%swap3A_687, %swap3A_688, %swap3A_689], %swap3A_692 {strides = array<i32>} : memref<3x384x64xf32, #tpu.memory_space<vmem>>, vector<1x1x16xf32>,
        %get3A_693 = arith.index_cast %select_n3A_234 : i32 to index
        %get3A_694 = arith.index_cast %add3A_679 : i32 to index
        %get3A_695 = arith.constant 16 : index
        %get3A_696 = tpu.vector_load %arg10[%get3A_693, %get3A_694, %get3A_695] {strides = array<i32>} : memref<3x384x64xf32, #tpu.memory_space<vmem>>, vector<1x1x16xf32>,
        %get3A_697 = vector.shape_cast %get3A_696 : vector<1x1x16xf32> to vector<16xf32>
        %mul3A_698 = vector.broadcast %squeeze3A_675 : f32 to vector<16xf32>
        %mul3A_699 = arith.mulf %get3A_697, %mul3A_698 : vector<16xf32>
        %swap3A_700 = arith.index_cast %select_n3A_234 : i32 to index
        %swap3A_701 = arith.index_cast %add3A_679 : i32 to index
        %swap3A_702 = arith.constant 16 : index
        %swap3A_703 = tpu.vector_load %arg10[%swap3A_700, %swap3A_701, %swap3A_702] {strides = array<i32>} : memref<3x384x64xf32, #tpu.memory_space<vmem>>, vector<1x1x16xf32>,
        %swap3A_704 = vector.shape_cast %swap3A_703 : vector<1x1x16xf32> to vector<16xf32>
        %swap3A_705 = vector.shape_cast %mul3A_699 : vector<16xf32> to vector<1x1x16xf32>
        tpu.vector_store %arg10[%swap3A_700, %swap3A_701, %swap3A_702], %swap3A_705 {strides = array<i32>} : memref<3x384x64xf32, #tpu.memory_space<vmem>>, vector<1x1x16xf32>,
        %get3A_706 = arith.index_cast %select_n3A_234 : i32 to index
        %get3A_707 = arith.index_cast %add3A_679 : i32 to index
        %get3A_708 = arith.constant 32 : index
        %get3A_709 = tpu.vector_load %arg10[%get3A_706, %get3A_707, %get3A_708] {strides = array<i32>} : memref<3x384x64xf32, #tpu.memory_space<vmem>>, vector<1x1x16xf32>,
        %get3A_710 = vector.shape_cast %get3A_709 : vector<1x1x16xf32> to vector<16xf32>
        %mul3A_711 = vector.broadcast %squeeze3A_675 : f32 to vector<16xf32>
        %mul3A_712 = arith.mulf %get3A_710, %mul3A_711 : vector<16xf32>
        %swap3A_713 = arith.index_cast %select_n3A_234 : i32 to index
        %swap3A_714 = arith.index_cast %add3A_679 : i32 to index
        %swap3A_715 = arith.constant 32 : index
        %swap3A_716 = tpu.vector_load %arg10[%swap3A_713, %swap3A_714, %swap3A_715] {strides = array<i32>} : memref<3x384x64xf32, #tpu.memory_space<vmem>>, vector<1x1x16xf32>,
        %swap3A_717 = vector.shape_cast %swap3A_716 : vector<1x1x16xf32> to vector<16xf32>
        %swap3A_718 = vector.shape_cast %mul3A_712 : vector<16xf32> to vector<1x1x16xf32>
        tpu.vector_store %arg10[%swap3A_713, %swap3A_714, %swap3A_715], %swap3A_718 {strides = array<i32>} : memref<3x384x64xf32, #tpu.memory_space<vmem>>, vector<1x1x16xf32>,
        %get3A_719 = arith.index_cast %select_n3A_234 : i32 to index
        %get3A_720 = arith.index_cast %add3A_679 : i32 to index
        %get3A_721 = arith.constant 48 : index
        %get3A_722 = tpu.vector_load %arg10[%get3A_719, %get3A_720, %get3A_721] {strides = array<i32>} : memref<3x384x64xf32, #tpu.memory_space<vmem>>, vector<1x1x16xf32>,
        %get3A_723 = vector.shape_cast %get3A_722 : vector<1x1x16xf32> to vector<16xf32>
        %mul3A_724 = vector.broadcast %squeeze3A_675 : f32 to vector<16xf32>
        %mul3A_725 = arith.mulf %get3A_723, %mul3A_724 : vector<16xf32>
        %swap3A_726 = arith.index_cast %select_n3A_234 : i32 to index
        %swap3A_727 = arith.index_cast %add3A_679 : i32 to index
        %swap3A_728 = arith.constant 48 : index
        %swap3A_729 = tpu.vector_load %arg10[%swap3A_726, %swap3A_727, %swap3A_728] {strides = array<i32>} : memref<3x384x64xf32, #tpu.memory_space<vmem>>, vector<1x1x16xf32>,
        %swap3A_730 = vector.shape_cast %swap3A_729 : vector<1x1x16xf32> to vector<16xf32>
        %swap3A_731 = vector.shape_cast %mul3A_725 : vector<16xf32> to vector<1x1x16xf32>
        tpu.vector_store %arg10[%swap3A_726, %swap3A_727, %swap3A_728], %swap3A_731 {strides = array<i32>} : memref<3x384x64xf32, #tpu.memory_space<vmem>>, vector<1x1x16xf32>,
        %slice3A_732 = vector.extract_strided_slice %get3A_328 {offsets = [7], sizes = [1], strides = [1]} : vector<16xf32> to vector<1xf32>
        %squeeze3A_733 = vector.extract %slice3A_732[0] : f32 from vector<1xf32>
        %mul3A_734 = arith.constant 16 : i32
        %mul3A_735 = arith.muli %mul3A_734, %scan3A_323 : i32
        %add3A_736 = arith.constant 7 : i32
        %add3A_737 = arith.addi %mul3A_735, %add3A_736 : i32
        %get3A_738 = arith.index_cast %select_n3A_234 : i32 to index
        %get3A_739 = arith.index_cast %add3A_737 : i32 to index
        %get3A_740 = arith.constant 0 : index
        %get3A_741 = tpu.vector_load %arg10[%get3A_738, %get3A_739, %get3A_740] {strides = array<i32>} : memref<3x384x64xf32, #tpu.memory_space<vmem>>, vector<1x1x16xf32>,
        %get3A_742 = vector.shape_cast %get3A_741 : vector<1x1x16xf32> to vector<16xf32>
        %mul3A_743 = vector.broadcast %squeeze3A_733 : f32 to vector<16xf32>
        %mul3A_744 = arith.mulf %get3A_742, %mul3A_743 : vector<16xf32>
        %swap3A_745 = arith.index_cast %select_n3A_234 : i32 to index
        %swap3A_746 = arith.index_cast %add3A_737 : i32 to index
        %swap3A_747 = arith.constant 0 : index
        %swap3A_748 = tpu.vector_load %arg10[%swap3A_745, %swap3A_746, %swap3A_747] {strides = array<i32>} : memref<3x384x64xf32, #tpu.memory_space<vmem>>, vector<1x1x16xf32>,
        %swap3A_749 = vector.shape_cast %swap3A_748 : vector<1x1x16xf32> to vector<16xf32>
        %swap3A_750 = vector.shape_cast %mul3A_744 : vector<16xf32> to vector<1x1x16xf32>
        tpu.vector_store %arg10[%swap3A_745, %swap3A_746, %swap3A_747], %swap3A_750 {strides = array<i32>} : memref<3x384x64xf32, #tpu.memory_space<vmem>>, vector<1x1x16xf32>,
        %get3A_751 = arith.index_cast %select_n3A_234 : i32 to index
        %get3A_752 = arith.index_cast %add3A_737 : i32 to index
        %get3A_753 = arith.constant 16 : index
        %get3A_754 = tpu.vector_load %arg10[%get3A_751, %get3A_752, %get3A_753] {strides = array<i32>} : memref<3x384x64xf32, #tpu.memory_space<vmem>>, vector<1x1x16xf32>,
        %get3A_755 = vector.shape_cast %get3A_754 : vector<1x1x16xf32> to vector<16xf32>
        %mul3A_756 = vector.broadcast %squeeze3A_733 : f32 to vector<16xf32>
        %mul3A_757 = arith.mulf %get3A_755, %mul3A_756 : vector<16xf32>
        %swap3A_758 = arith.index_cast %select_n3A_234 : i32 to index
        %swap3A_759 = arith.index_cast %add3A_737 : i32 to index
        %swap3A_760 = arith.constant 16 : index
        %swap3A_761 = tpu.vector_load %arg10[%swap3A_758, %swap3A_759, %swap3A_760] {strides = array<i32>} : memref<3x384x64xf32, #tpu.memory_space<vmem>>, vector<1x1x16xf32>,
        %swap3A_762 = vector.shape_cast %swap3A_761 : vector<1x1x16xf32> to vector<16xf32>
        %swap3A_763 = vector.shape_cast %mul3A_757 : vector<16xf32> to vector<1x1x16xf32>
        tpu.vector_store %arg10[%swap3A_758, %swap3A_759, %swap3A_760], %swap3A_763 {strides = array<i32>} : memref<3x384x64xf32, #tpu.memory_space<vmem>>, vector<1x1x16xf32>,
        %get3A_764 = arith.index_cast %select_n3A_234 : i32 to index
        %get3A_765 = arith.index_cast %add3A_737 : i32 to index
        %get3A_766 = arith.constant 32 : index
        %get3A_767 = tpu.vector_load %arg10[%get3A_764, %get3A_765, %get3A_766] {strides = array<i32>} : memref<3x384x64xf32, #tpu.memory_space<vmem>>, vector<1x1x16xf32>,
        %get3A_768 = vector.shape_cast %get3A_767 : vector<1x1x16xf32> to vector<16xf32>
        %mul3A_769 = vector.broadcast %squeeze3A_733 : f32 to vector<16xf32>
        %mul3A_770 = arith.mulf %get3A_768, %mul3A_769 : vector<16xf32>
        %swap3A_771 = arith.index_cast %select_n3A_234 : i32 to index
        %swap3A_772 = arith.index_cast %add3A_737 : i32 to index
        %swap3A_773 = arith.constant 32 : index
        %swap3A_774 = tpu.vector_load %arg10[%swap3A_771, %swap3A_772, %swap3A_773] {strides = array<i32>} : memref<3x384x64xf32, #tpu.memory_space<vmem>>, vector<1x1x16xf32>,
        %swap3A_775 = vector.shape_cast %swap3A_774 : vector<1x1x16xf32> to vector<16xf32>
        %swap3A_776 = vector.shape_cast %mul3A_770 : vector<16xf32> to vector<1x1x16xf32>
        tpu.vector_store %arg10[%swap3A_771, %swap3A_772, %swap3A_773], %swap3A_776 {strides = array<i32>} : memref<3x384x64xf32, #tpu.memory_space<vmem>>, vector<1x1x16xf32>,
        %get3A_777 = arith.index_cast %select_n3A_234 : i32 to index
        %get3A_778 = arith.index_cast %add3A_737 : i32 to index
        %get3A_779 = arith.constant 48 : index
        %get3A_780 = tpu.vector_load %arg10[%get3A_777, %get3A_778, %get3A_779] {strides = array<i32>} : memref<3x384x64xf32, #tpu.memory_space<vmem>>, vector<1x1x16xf32>,
        %get3A_781 = vector.shape_cast %get3A_780 : vector<1x1x16xf32> to vector<16xf32>
        %mul3A_782 = vector.broadcast %squeeze3A_733 : f32 to vector<16xf32>
        %mul3A_783 = arith.mulf %get3A_781, %mul3A_782 : vector<16xf32>
        %swap3A_784 = arith.index_cast %select_n3A_234 : i32 to index
        %swap3A_785 = arith.index_cast %add3A_737 : i32 to index
        %swap3A_786 = arith.constant 48 : index
        %swap3A_787 = tpu.vector_load %arg10[%swap3A_784, %swap3A_785, %swap3A_786] {strides = array<i32>} : memref<3x384x64xf32, #tpu.memory_space<vmem>>, vector<1x1x16xf32>,
        %swap3A_788 = vector.shape_cast %swap3A_787 : vector<1x1x16xf32> to vector<16xf32>
        %swap3A_789 = vector.shape_cast %mul3A_783 : vector<16xf32> to vector<1x1x16xf32>
        tpu.vector_store %arg10[%swap3A_784, %swap3A_785, %swap3A_786], %swap3A_789 {strides = array<i32>} : memref<3x384x64xf32, #tpu.memory_space<vmem>>, vector<1x1x16xf32>,
        %slice3A_790 = vector.extract_strided_slice %get3A_328 {offsets = [8], sizes = [1], strides = [1]} : vector<16xf32> to vector<1xf32>
        %squeeze3A_791 = vector.extract %slice3A_790[0] : f32 from vector<1xf32>
        %mul3A_792 = arith.constant 16 : i32
        %mul3A_793 = arith.muli %mul3A_792, %scan3A_323 : i32
        %add3A_794 = arith.constant 8 : i32
        %add3A_795 = arith.addi %mul3A_793, %add3A_794 : i32
        %get3A_796 = arith.index_cast %select_n3A_234 : i32 to index
        %get3A_797 = arith.index_cast %add3A_795 : i32 to index
        %get3A_798 = arith.constant 0 : index
        %get3A_799 = tpu.vector_load %arg10[%get3A_796, %get3A_797, %get3A_798] {strides = array<i32>} : memref<3x384x64xf32, #tpu.memory_space<vmem>>, vector<1x1x16xf32>,
        %get3A_800 = vector.shape_cast %get3A_799 : vector<1x1x16xf32> to vector<16xf32>
        %mul3A_801 = vector.broadcast %squeeze3A_791 : f32 to vector<16xf32>
        %mul3A_802 = arith.mulf %get3A_800, %mul3A_801 : vector<16xf32>
        %swap3A_803 = arith.index_cast %select_n3A_234 : i32 to index
        %swap3A_804 = arith.index_cast %add3A_795 : i32 to index
        %swap3A_805 = arith.constant 0 : index
        %swap3A_806 = tpu.vector_load %arg10[%swap3A_803, %swap3A_804, %swap3A_805] {strides = array<i32>} : memref<3x384x64xf32, #tpu.memory_space<vmem>>, vector<1x1x16xf32>,
        %swap3A_807 = vector.shape_cast %swap3A_806 : vector<1x1x16xf32> to vector<16xf32>
        %swap3A_808 = vector.shape_cast %mul3A_802 : vector<16xf32> to vector<1x1x16xf32>
        tpu.vector_store %arg10[%swap3A_803, %swap3A_804, %swap3A_805], %swap3A_808 {strides = array<i32>} : memref<3x384x64xf32, #tpu.memory_space<vmem>>, vector<1x1x16xf32>,
        %get3A_809 = arith.index_cast %select_n3A_234 : i32 to index
        %get3A_810 = arith.index_cast %add3A_795 : i32 to index
        %get3A_811 = arith.constant 16 : index
        %get3A_812 = tpu.vector_load %arg10[%get3A_809, %get3A_810, %get3A_811] {strides = array<i32>} : memref<3x384x64xf32, #tpu.memory_space<vmem>>, vector<1x1x16xf32>,
        %get3A_813 = vector.shape_cast %get3A_812 : vector<1x1x16xf32> to vector<16xf32>
        %mul3A_814 = vector.broadcast %squeeze3A_791 : f32 to vector<16xf32>
        %mul3A_815 = arith.mulf %get3A_813, %mul3A_814 : vector<16xf32>
        %swap3A_816 = arith.index_cast %select_n3A_234 : i32 to index
        %swap3A_817 = arith.index_cast %add3A_795 : i32 to index
        %swap3A_818 = arith.constant 16 : index
        %swap3A_819 = tpu.vector_load %arg10[%swap3A_816, %swap3A_817, %swap3A_818] {strides = array<i32>} : memref<3x384x64xf32, #tpu.memory_space<vmem>>, vector<1x1x16xf32>,
        %swap3A_820 = vector.shape_cast %swap3A_819 : vector<1x1x16xf32> to vector<16xf32>
        %swap3A_821 = vector.shape_cast %mul3A_815 : vector<16xf32> to vector<1x1x16xf32>
        tpu.vector_store %arg10[%swap3A_816, %swap3A_817, %swap3A_818], %swap3A_821 {strides = array<i32>} : memref<3x384x64xf32, #tpu.memory_space<vmem>>, vector<1x1x16xf32>,
        %get3A_822 = arith.index_cast %select_n3A_234 : i32 to index
        %get3A_823 = arith.index_cast %add3A_795 : i32 to index
        %get3A_824 = arith.constant 32 : index
        %get3A_825 = tpu.vector_load %arg10[%get3A_822, %get3A_823, %get3A_824] {strides = array<i32>} : memref<3x384x64xf32, #tpu.memory_space<vmem>>, vector<1x1x16xf32>,
        %get3A_826 = vector.shape_cast %get3A_825 : vector<1x1x16xf32> to vector<16xf32>
        %mul3A_827 = vector.broadcast %squeeze3A_791 : f32 to vector<16xf32>
        %mul3A_828 = arith.mulf %get3A_826, %mul3A_827 : vector<16xf32>
        %swap3A_829 = arith.index_cast %select_n3A_234 : i32 to index
        %swap3A_830 = arith.index_cast %add3A_795 : i32 to index
        %swap3A_831 = arith.constant 32 : index
        %swap3A_832 = tpu.vector_load %arg10[%swap3A_829, %swap3A_830, %swap3A_831] {strides = array<i32>} : memref<3x384x64xf32, #tpu.memory_space<vmem>>, vector<1x1x16xf32>,
        %swap3A_833 = vector.shape_cast %swap3A_832 : vector<1x1x16xf32> to vector<16xf32>
        %swap3A_834 = vector.shape_cast %mul3A_828 : vector<16xf32> to vector<1x1x16xf32>
        tpu.vector_store %arg10[%swap3A_829, %swap3A_830, %swap3A_831], %swap3A_834 {strides = array<i32>} : memref<3x384x64xf32, #tpu.memory_space<vmem>>, vector<1x1x16xf32>,
        %get3A_835 = arith.index_cast %select_n3A_234 : i32 to index
        %get3A_836 = arith.index_cast %add3A_795 : i32 to index
        %get3A_837 = arith.constant 48 : index
        %get3A_838 = tpu.vector_load %arg10[%get3A_835, %get3A_836, %get3A_837] {strides = array<i32>} : memref<3x384x64xf32, #tpu.memory_space<vmem>>, vector<1x1x16xf32>,
        %get3A_839 = vector.shape_cast %get3A_838 : vector<1x1x16xf32> to vector<16xf32>
        %mul3A_840 = vector.broadcast %squeeze3A_791 : f32 to vector<16xf32>
        %mul3A_841 = arith.mulf %get3A_839, %mul3A_840 : vector<16xf32>
        %swap3A_842 = arith.index_cast %select_n3A_234 : i32 to index
        %swap3A_843 = arith.index_cast %add3A_795 : i32 to index
        %swap3A_844 = arith.constant 48 : index
        %swap3A_845 = tpu.vector_load %arg10[%swap3A_842, %swap3A_843, %swap3A_844] {strides = array<i32>} : memref<3x384x64xf32, #tpu.memory_space<vmem>>, vector<1x1x16xf32>,
        %swap3A_846 = vector.shape_cast %swap3A_845 : vector<1x1x16xf32> to vector<16xf32>
        %swap3A_847 = vector.shape_cast %mul3A_841 : vector<16xf32> to vector<1x1x16xf32>
        tpu.vector_store %arg10[%swap3A_842, %swap3A_843, %swap3A_844], %swap3A_847 {strides = array<i32>} : memref<3x384x64xf32, #tpu.memory_space<vmem>>, vector<1x1x16xf32>,
        %slice3A_848 = vector.extract_strided_slice %get3A_328 {offsets = [9], sizes = [1], strides = [1]} : vector<16xf32> to vector<1xf32>
        %squeeze3A_849 = vector.extract %slice3A_848[0] : f32 from vector<1xf32>
        %mul3A_850 = arith.constant 16 : i32
        %mul3A_851 = arith.muli %mul3A_850, %scan3A_323 : i32
        %add3A_852 = arith.constant 9 : i32
        %add3A_853 = arith.addi %mul3A_851, %add3A_852 : i32
        %get3A_854 = arith.index_cast %select_n3A_234 : i32 to index
        %get3A_855 = arith.index_cast %add3A_853 : i32 to index
        %get3A_856 = arith.constant 0 : index
        %get3A_857 = tpu.vector_load %arg10[%get3A_854, %get3A_855, %get3A_856] {strides = array<i32>} : memref<3x384x64xf32, #tpu.memory_space<vmem>>, vector<1x1x16xf32>,
        %get3A_858 = vector.shape_cast %get3A_857 : vector<1x1x16xf32> to vector<16xf32>
        %mul3A_859 = vector.broadcast %squeeze3A_849 : f32 to vector<16xf32>
        %mul3A_860 = arith.mulf %get3A_858, %mul3A_859 : vector<16xf32>
        %swap3A_861 = arith.index_cast %select_n3A_234 : i32 to index
        %swap3A_862 = arith.index_cast %add3A_853 : i32 to index
        %swap3A_863 = arith.constant 0 : index
        %swap3A_864 = tpu.vector_load %arg10[%swap3A_861, %swap3A_862, %swap3A_863] {strides = array<i32>} : memref<3x384x64xf32, #tpu.memory_space<vmem>>, vector<1x1x16xf32>,
        %swap3A_865 = vector.shape_cast %swap3A_864 : vector<1x1x16xf32> to vector<16xf32>
        %swap3A_866 = vector.shape_cast %mul3A_860 : vector<16xf32> to vector<1x1x16xf32>
        tpu.vector_store %arg10[%swap3A_861, %swap3A_862, %swap3A_863], %swap3A_866 {strides = array<i32>} : memref<3x384x64xf32, #tpu.memory_space<vmem>>, vector<1x1x16xf32>,
        %get3A_867 = arith.index_cast %select_n3A_234 : i32 to index
        %get3A_868 = arith.index_cast %add3A_853 : i32 to index
        %get3A_869 = arith.constant 16 : index
        %get3A_870 = tpu.vector_load %arg10[%get3A_867, %get3A_868, %get3A_869] {strides = array<i32>} : memref<3x384x64xf32, #tpu.memory_space<vmem>>, vector<1x1x16xf32>,
        %get3A_871 = vector.shape_cast %get3A_870 : vector<1x1x16xf32> to vector<16xf32>
        %mul3A_872 = vector.broadcast %squeeze3A_849 : f32 to vector<16xf32>
        %mul3A_873 = arith.mulf %get3A_871, %mul3A_872 : vector<16xf32>
        %swap3A_874 = arith.index_cast %select_n3A_234 : i32 to index
        %swap3A_875 = arith.index_cast %add3A_853 : i32 to index
        %swap3A_876 = arith.constant 16 : index
        %swap3A_877 = tpu.vector_load %arg10[%swap3A_874, %swap3A_875, %swap3A_876] {strides = array<i32>} : memref<3x384x64xf32, #tpu.memory_space<vmem>>, vector<1x1x16xf32>,
        %swap3A_878 = vector.shape_cast %swap3A_877 : vector<1x1x16xf32> to vector<16xf32>
        %swap3A_879 = vector.shape_cast %mul3A_873 : vector<16xf32> to vector<1x1x16xf32>
        tpu.vector_store %arg10[%swap3A_874, %swap3A_875, %swap3A_876], %swap3A_879 {strides = array<i32>} : memref<3x384x64xf32, #tpu.memory_space<vmem>>, vector<1x1x16xf32>,
        %get3A_880 = arith.index_cast %select_n3A_234 : i32 to index
        %get3A_881 = arith.index_cast %add3A_853 : i32 to index
        %get3A_882 = arith.constant 32 : index
        %get3A_883 = tpu.vector_load %arg10[%get3A_880, %get3A_881, %get3A_882] {strides = array<i32>} : memref<3x384x64xf32, #tpu.memory_space<vmem>>, vector<1x1x16xf32>,
        %get3A_884 = vector.shape_cast %get3A_883 : vector<1x1x16xf32> to vector<16xf32>
        %mul3A_885 = vector.broadcast %squeeze3A_849 : f32 to vector<16xf32>
        %mul3A_886 = arith.mulf %get3A_884, %mul3A_885 : vector<16xf32>
        %swap3A_887 = arith.index_cast %select_n3A_234 : i32 to index
        %swap3A_888 = arith.index_cast %add3A_853 : i32 to index
        %swap3A_889 = arith.constant 32 : index
        %swap3A_890 = tpu.vector_load %arg10[%swap3A_887, %swap3A_888, %swap3A_889] {strides = array<i32>} : memref<3x384x64xf32, #tpu.memory_space<vmem>>, vector<1x1x16xf32>,
        %swap3A_891 = vector.shape_cast %swap3A_890 : vector<1x1x16xf32> to vector<16xf32>
        %swap3A_892 = vector.shape_cast %mul3A_886 : vector<16xf32> to vector<1x1x16xf32>
        tpu.vector_store %arg10[%swap3A_887, %swap3A_888, %swap3A_889], %swap3A_892 {strides = array<i32>} : memref<3x384x64xf32, #tpu.memory_space<vmem>>, vector<1x1x16xf32>,
        %get3A_893 = arith.index_cast %select_n3A_234 : i32 to index
        %get3A_894 = arith.index_cast %add3A_853 : i32 to index
        %get3A_895 = arith.constant 48 : index
        %get3A_896 = tpu.vector_load %arg10[%get3A_893, %get3A_894, %get3A_895] {strides = array<i32>} : memref<3x384x64xf32, #tpu.memory_space<vmem>>, vector<1x1x16xf32>,
        %get3A_897 = vector.shape_cast %get3A_896 : vector<1x1x16xf32> to vector<16xf32>
        %mul3A_898 = vector.broadcast %squeeze3A_849 : f32 to vector<16xf32>
        %mul3A_899 = arith.mulf %get3A_897, %mul3A_898 : vector<16xf32>
        %swap3A_900 = arith.index_cast %select_n3A_234 : i32 to index
        %swap3A_901 = arith.index_cast %add3A_853 : i32 to index
        %swap3A_902 = arith.constant 48 : index
        %swap3A_903 = tpu.vector_load %arg10[%swap3A_900, %swap3A_901, %swap3A_902] {strides = array<i32>} : memref<3x384x64xf32, #tpu.memory_space<vmem>>, vector<1x1x16xf32>,
        %swap3A_904 = vector.shape_cast %swap3A_903 : vector<1x1x16xf32> to vector<16xf32>
        %swap3A_905 = vector.shape_cast %mul3A_899 : vector<16xf32> to vector<1x1x16xf32>
        tpu.vector_store %arg10[%swap3A_900, %swap3A_901, %swap3A_902], %swap3A_905 {strides = array<i32>} : memref<3x384x64xf32, #tpu.memory_space<vmem>>, vector<1x1x16xf32>,
        %slice3A_906 = vector.extract_strided_slice %get3A_328 {offsets = [10], sizes = [1], strides = [1]} : vector<16xf32> to vector<1xf32>
        %squeeze3A_907 = vector.extract %slice3A_906[0] : f32 from vector<1xf32>
        %mul3A_908 = arith.constant 16 : i32
        %mul3A_909 = arith.muli %mul3A_908, %scan3A_323 : i32
        %add3A_910 = arith.constant 10 : i32
        %add3A_911 = arith.addi %mul3A_909, %add3A_910 : i32
        %get3A_912 = arith.index_cast %select_n3A_234 : i32 to index
        %get3A_913 = arith.index_cast %add3A_911 : i32 to index
        %get3A_914 = arith.constant 0 : index
        %get3A_915 = tpu.vector_load %arg10[%get3A_912, %get3A_913, %get3A_914] {strides = array<i32>} : memref<3x384x64xf32, #tpu.memory_space<vmem>>, vector<1x1x16xf32>,
        %get3A_916 = vector.shape_cast %get3A_915 : vector<1x1x16xf32> to vector<16xf32>
        %mul3A_917 = vector.broadcast %squeeze3A_907 : f32 to vector<16xf32>
        %mul3A_918 = arith.mulf %get3A_916, %mul3A_917 : vector<16xf32>
        %swap3A_919 = arith.index_cast %select_n3A_234 : i32 to index
        %swap3A_920 = arith.index_cast %add3A_911 : i32 to index
        %swap3A_921 = arith.constant 0 : index
        %swap3A_922 = tpu.vector_load %arg10[%swap3A_919, %swap3A_920, %swap3A_921] {strides = array<i32>} : memref<3x384x64xf32, #tpu.memory_space<vmem>>, vector<1x1x16xf32>,
        %swap3A_923 = vector.shape_cast %swap3A_922 : vector<1x1x16xf32> to vector<16xf32>
        %swap3A_924 = vector.shape_cast %mul3A_918 : vector<16xf32> to vector<1x1x16xf32>
        tpu.vector_store %arg10[%swap3A_919, %swap3A_920, %swap3A_921], %swap3A_924 {strides = array<i32>} : memref<3x384x64xf32, #tpu.memory_space<vmem>>, vector<1x1x16xf32>,
        %get3A_925 = arith.index_cast %select_n3A_234 : i32 to index
        %get3A_926 = arith.index_cast %add3A_911 : i32 to index
        %get3A_927 = arith.constant 16 : index
        %get3A_928 = tpu.vector_load %arg10[%get3A_925, %get3A_926, %get3A_927] {strides = array<i32>} : memref<3x384x64xf32, #tpu.memory_space<vmem>>, vector<1x1x16xf32>,
        %get3A_929 = vector.shape_cast %get3A_928 : vector<1x1x16xf32> to vector<16xf32>
        %mul3A_930 = vector.broadcast %squeeze3A_907 : f32 to vector<16xf32>
        %mul3A_931 = arith.mulf %get3A_929, %mul3A_930 : vector<16xf32>
        %swap3A_932 = arith.index_cast %select_n3A_234 : i32 to index
        %swap3A_933 = arith.index_cast %add3A_911 : i32 to index
        %swap3A_934 = arith.constant 16 : index
        %swap3A_935 = tpu.vector_load %arg10[%swap3A_932, %swap3A_933, %swap3A_934] {strides = array<i32>} : memref<3x384x64xf32, #tpu.memory_space<vmem>>, vector<1x1x16xf32>,
        %swap3A_936 = vector.shape_cast %swap3A_935 : vector<1x1x16xf32> to vector<16xf32>
        %swap3A_937 = vector.shape_cast %mul3A_931 : vector<16xf32> to vector<1x1x16xf32>
        tpu.vector_store %arg10[%swap3A_932, %swap3A_933, %swap3A_934], %swap3A_937 {strides = array<i32>} : memref<3x384x64xf32, #tpu.memory_space<vmem>>, vector<1x1x16xf32>,
        %get3A_938 = arith.index_cast %select_n3A_234 : i32 to index
        %get3A_939 = arith.index_cast %add3A_911 : i32 to index
        %get3A_940 = arith.constant 32 : index
        %get3A_941 = tpu.vector_load %arg10[%get3A_938, %get3A_939, %get3A_940] {strides = array<i32>} : memref<3x384x64xf32, #tpu.memory_space<vmem>>, vector<1x1x16xf32>,
        %get3A_942 = vector.shape_cast %get3A_941 : vector<1x1x16xf32> to vector<16xf32>
        %mul3A_943 = vector.broadcast %squeeze3A_907 : f32 to vector<16xf32>
        %mul3A_944 = arith.mulf %get3A_942, %mul3A_943 : vector<16xf32>
        %swap3A_945 = arith.index_cast %select_n3A_234 : i32 to index
        %swap3A_946 = arith.index_cast %add3A_911 : i32 to index
        %swap3A_947 = arith.constant 32 : index
        %swap3A_948 = tpu.vector_load %arg10[%swap3A_945, %swap3A_946, %swap3A_947] {strides = array<i32>} : memref<3x384x64xf32, #tpu.memory_space<vmem>>, vector<1x1x16xf32>,
        %swap3A_949 = vector.shape_cast %swap3A_948 : vector<1x1x16xf32> to vector<16xf32>
        %swap3A_950 = vector.shape_cast %mul3A_944 : vector<16xf32> to vector<1x1x16xf32>
        tpu.vector_store %arg10[%swap3A_945, %swap3A_946, %swap3A_947], %swap3A_950 {strides = array<i32>} : memref<3x384x64xf32, #tpu.memory_space<vmem>>, vector<1x1x16xf32>,
        %get3A_951 = arith.index_cast %select_n3A_234 : i32 to index
        %get3A_952 = arith.index_cast %add3A_911 : i32 to index
        %get3A_953 = arith.constant 48 : index
        %get3A_954 = tpu.vector_load %arg10[%get3A_951, %get3A_952, %get3A_953] {strides = array<i32>} : memref<3x384x64xf32, #tpu.memory_space<vmem>>, vector<1x1x16xf32>,
        %get3A_955 = vector.shape_cast %get3A_954 : vector<1x1x16xf32> to vector<16xf32>
        %mul3A_956 = vector.broadcast %squeeze3A_907 : f32 to vector<16xf32>
        %mul3A_957 = arith.mulf %get3A_955, %mul3A_956 : vector<16xf32>
        %swap3A_958 = arith.index_cast %select_n3A_234 : i32 to index
        %swap3A_959 = arith.index_cast %add3A_911 : i32 to index
        %swap3A_960 = arith.constant 48 : index
        %swap3A_961 = tpu.vector_load %arg10[%swap3A_958, %swap3A_959, %swap3A_960] {strides = array<i32>} : memref<3x384x64xf32, #tpu.memory_space<vmem>>, vector<1x1x16xf32>,
        %swap3A_962 = vector.shape_cast %swap3A_961 : vector<1x1x16xf32> to vector<16xf32>
        %swap3A_963 = vector.shape_cast %mul3A_957 : vector<16xf32> to vector<1x1x16xf32>
        tpu.vector_store %arg10[%swap3A_958, %swap3A_959, %swap3A_960], %swap3A_963 {strides = array<i32>} : memref<3x384x64xf32, #tpu.memory_space<vmem>>, vector<1x1x16xf32>,
        %slice3A_964 = vector.extract_strided_slice %get3A_328 {offsets = [11], sizes = [1], strides = [1]} : vector<16xf32> to vector<1xf32>
        %squeeze3A_965 = vector.extract %slice3A_964[0] : f32 from vector<1xf32>
        %mul3A_966 = arith.constant 16 : i32
        %mul3A_967 = arith.muli %mul3A_966, %scan3A_323 : i32
        %add3A_968 = arith.constant 11 : i32
        %add3A_969 = arith.addi %mul3A_967, %add3A_968 : i32
        %get3A_970 = arith.index_cast %select_n3A_234 : i32 to index
        %get3A_971 = arith.index_cast %add3A_969 : i32 to index
        %get3A_972 = arith.constant 0 : index
        %get3A_973 = tpu.vector_load %arg10[%get3A_970, %get3A_971, %get3A_972] {strides = array<i32>} : memref<3x384x64xf32, #tpu.memory_space<vmem>>, vector<1x1x16xf32>,
        %get3A_974 = vector.shape_cast %get3A_973 : vector<1x1x16xf32> to vector<16xf32>
        %mul3A_975 = vector.broadcast %squeeze3A_965 : f32 to vector<16xf32>
        %mul3A_976 = arith.mulf %get3A_974, %mul3A_975 : vector<16xf32>
        %swap3A_977 = arith.index_cast %select_n3A_234 : i32 to index
        %swap3A_978 = arith.index_cast %add3A_969 : i32 to index
        %swap3A_979 = arith.constant 0 : index
        %swap3A_980 = tpu.vector_load %arg10[%swap3A_977, %swap3A_978, %swap3A_979] {strides = array<i32>} : memref<3x384x64xf32, #tpu.memory_space<vmem>>, vector<1x1x16xf32>,
        %swap3A_981 = vector.shape_cast %swap3A_980 : vector<1x1x16xf32> to vector<16xf32>
        %swap3A_982 = vector.shape_cast %mul3A_976 : vector<16xf32> to vector<1x1x16xf32>
        tpu.vector_store %arg10[%swap3A_977, %swap3A_978, %swap3A_979], %swap3A_982 {strides = array<i32>} : memref<3x384x64xf32, #tpu.memory_space<vmem>>, vector<1x1x16xf32>,
        %get3A_983 = arith.index_cast %select_n3A_234 : i32 to index
        %get3A_984 = arith.index_cast %add3A_969 : i32 to index
        %get3A_985 = arith.constant 16 : index
        %get3A_986 = tpu.vector_load %arg10[%get3A_983, %get3A_984, %get3A_985] {strides = array<i32>} : memref<3x384x64xf32, #tpu.memory_space<vmem>>, vector<1x1x16xf32>,
        %get3A_987 = vector.shape_cast %get3A_986 : vector<1x1x16xf32> to vector<16xf32>
        %mul3A_988 = vector.broadcast %squeeze3A_965 : f32 to vector<16xf32>
        %mul3A_989 = arith.mulf %get3A_987, %mul3A_988 : vector<16xf32>
        %swap3A_990 = arith.index_cast %select_n3A_234 : i32 to index
        %swap3A_991 = arith.index_cast %add3A_969 : i32 to index
        %swap3A_992 = arith.constant 16 : index
        %swap3A_993 = tpu.vector_load %arg10[%swap3A_990, %swap3A_991, %swap3A_992] {strides = array<i32>} : memref<3x384x64xf32, #tpu.memory_space<vmem>>, vector<1x1x16xf32>,
        %swap3A_994 = vector.shape_cast %swap3A_993 : vector<1x1x16xf32> to vector<16xf32>
        %swap3A_995 = vector.shape_cast %mul3A_989 : vector<16xf32> to vector<1x1x16xf32>
        tpu.vector_store %arg10[%swap3A_990, %swap3A_991, %swap3A_992], %swap3A_995 {strides = array<i32>} : memref<3x384x64xf32, #tpu.memory_space<vmem>>, vector<1x1x16xf32>,
        %get3A_996 = arith.index_cast %select_n3A_234 : i32 to index
        %get3A_997 = arith.index_cast %add3A_969 : i32 to index
        %get3A_998 = arith.constant 32 : index
        %get3A_999 = tpu.vector_load %arg10[%get3A_996, %get3A_997, %get3A_998] {strides = array<i32>} : memref<3x384x64xf32, #tpu.memory_space<vmem>>, vector<1x1x16xf32>,
        %get3A_1000 = vector.shape_cast %get3A_999 : vector<1x1x16xf32> to vector<16xf32>
        %mul3A_1001 = vector.broadcast %squeeze3A_965 : f32 to vector<16xf32>
        %mul3A_1002 = arith.mulf %get3A_1000, %mul3A_1001 : vector<16xf32>
        %swap3A_1003 = arith.index_cast %select_n3A_234 : i32 to index
        %swap3A_1004 = arith.index_cast %add3A_969 : i32 to index
        %swap3A_1005 = arith.constant 32 : index
        %swap3A_1006 = tpu.vector_load %arg10[%swap3A_1003, %swap3A_1004, %swap3A_1005] {strides = array<i32>} : memref<3x384x64xf32, #tpu.memory_space<vmem>>, vector<1x1x16xf32>,
        %swap3A_1007 = vector.shape_cast %swap3A_1006 : vector<1x1x16xf32> to vector<16xf32>
        %swap3A_1008 = vector.shape_cast %mul3A_1002 : vector<16xf32> to vector<1x1x16xf32>
        tpu.vector_store %arg10[%swap3A_1003, %swap3A_1004, %swap3A_1005], %swap3A_1008 {strides = array<i32>} : memref<3x384x64xf32, #tpu.memory_space<vmem>>, vector<1x1x16xf32>,
        %get3A_1009 = arith.index_cast %select_n3A_234 : i32 to index
        %get3A_1010 = arith.index_cast %add3A_969 : i32 to index
        %get3A_1011 = arith.constant 48 : index
        %get3A_1012 = tpu.vector_load %arg10[%get3A_1009, %get3A_1010, %get3A_1011] {strides = array<i32>} : memref<3x384x64xf32, #tpu.memory_space<vmem>>, vector<1x1x16xf32>,
        %get3A_1013 = vector.shape_cast %get3A_1012 : vector<1x1x16xf32> to vector<16xf32>
        %mul3A_1014 = vector.broadcast %squeeze3A_965 : f32 to vector<16xf32>
        %mul3A_1015 = arith.mulf %get3A_1013, %mul3A_1014 : vector<16xf32>
        %swap3A_1016 = arith.index_cast %select_n3A_234 : i32 to index
        %swap3A_1017 = arith.index_cast %add3A_969 : i32 to index
        %swap3A_1018 = arith.constant 48 : index
        %swap3A_1019 = tpu.vector_load %arg10[%swap3A_1016, %swap3A_1017, %swap3A_1018] {strides = array<i32>} : memref<3x384x64xf32, #tpu.memory_space<vmem>>, vector<1x1x16xf32>,
        %swap3A_1020 = vector.shape_cast %swap3A_1019 : vector<1x1x16xf32> to vector<16xf32>
        %swap3A_1021 = vector.shape_cast %mul3A_1015 : vector<16xf32> to vector<1x1x16xf32>
        tpu.vector_store %arg10[%swap3A_1016, %swap3A_1017, %swap3A_1018], %swap3A_1021 {strides = array<i32>} : memref<3x384x64xf32, #tpu.memory_space<vmem>>, vector<1x1x16xf32>,
        %slice3A_1022 = vector.extract_strided_slice %get3A_328 {offsets = [12], sizes = [1], strides = [1]} : vector<16xf32> to vector<1xf32>
        %squeeze3A_1023 = vector.extract %slice3A_1022[0] : f32 from vector<1xf32>
        %mul3A_1024 = arith.constant 16 : i32
        %mul3A_1025 = arith.muli %mul3A_1024, %scan3A_323 : i32
        %add3A_1026 = arith.constant 12 : i32
        %add3A_1027 = arith.addi %mul3A_1025, %add3A_1026 : i32
        %get3A_1028 = arith.index_cast %select_n3A_234 : i32 to index
        %get3A_1029 = arith.index_cast %add3A_1027 : i32 to index
        %get3A_1030 = arith.constant 0 : index
        %get3A_1031 = tpu.vector_load %arg10[%get3A_1028, %get3A_1029, %get3A_1030] {strides = array<i32>} : memref<3x384x64xf32, #tpu.memory_space<vmem>>, vector<1x1x16xf32>,
        %get3A_1032 = vector.shape_cast %get3A_1031 : vector<1x1x16xf32> to vector<16xf32>
        %mul3A_1033 = vector.broadcast %squeeze3A_1023 : f32 to vector<16xf32>
        %mul3A_1034 = arith.mulf %get3A_1032, %mul3A_1033 : vector<16xf32>
        %swap3A_1035 = arith.index_cast %select_n3A_234 : i32 to index
        %swap3A_1036 = arith.index_cast %add3A_1027 : i32 to index
        %swap3A_1037 = arith.constant 0 : index
        %swap3A_1038 = tpu.vector_load %arg10[%swap3A_1035, %swap3A_1036, %swap3A_1037] {strides = array<i32>} : memref<3x384x64xf32, #tpu.memory_space<vmem>>, vector<1x1x16xf32>,
        %swap3A_1039 = vector.shape_cast %swap3A_1038 : vector<1x1x16xf32> to vector<16xf32>
        %swap3A_1040 = vector.shape_cast %mul3A_1034 : vector<16xf32> to vector<1x1x16xf32>
        tpu.vector_store %arg10[%swap3A_1035, %swap3A_1036, %swap3A_1037], %swap3A_1040 {strides = array<i32>} : memref<3x384x64xf32, #tpu.memory_space<vmem>>, vector<1x1x16xf32>,
        %get3A_1041 = arith.index_cast %select_n3A_234 : i32 to index
        %get3A_1042 = arith.index_cast %add3A_1027 : i32 to index
        %get3A_1043 = arith.constant 16 : index
        %get3A_1044 = tpu.vector_load %arg10[%get3A_1041, %get3A_1042, %get3A_1043] {strides = array<i32>} : memref<3x384x64xf32, #tpu.memory_space<vmem>>, vector<1x1x16xf32>,
        %get3A_1045 = vector.shape_cast %get3A_1044 : vector<1x1x16xf32> to vector<16xf32>
        %mul3A_1046 = vector.broadcast %squeeze3A_1023 : f32 to vector<16xf32>
        %mul3A_1047 = arith.mulf %get3A_1045, %mul3A_1046 : vector<16xf32>
        %swap3A_1048 = arith.index_cast %select_n3A_234 : i32 to index
        %swap3A_1049 = arith.index_cast %add3A_1027 : i32 to index
        %swap3A_1050 = arith.constant 16 : index
        %swap3A_1051 = tpu.vector_load %arg10[%swap3A_1048, %swap3A_1049, %swap3A_1050] {strides = array<i32>} : memref<3x384x64xf32, #tpu.memory_space<vmem>>, vector<1x1x16xf32>,
        %swap3A_1052 = vector.shape_cast %swap3A_1051 : vector<1x1x16xf32> to vector<16xf32>
        %swap3A_1053 = vector.shape_cast %mul3A_1047 : vector<16xf32> to vector<1x1x16xf32>
        tpu.vector_store %arg10[%swap3A_1048, %swap3A_1049, %swap3A_1050], %swap3A_1053 {strides = array<i32>} : memref<3x384x64xf32, #tpu.memory_space<vmem>>, vector<1x1x16xf32>,
        %get3A_1054 = arith.index_cast %select_n3A_234 : i32 to index
        %get3A_1055 = arith.index_cast %add3A_1027 : i32 to index
        %get3A_1056 = arith.constant 32 : index
        %get3A_1057 = tpu.vector_load %arg10[%get3A_1054, %get3A_1055, %get3A_1056] {strides = array<i32>} : memref<3x384x64xf32, #tpu.memory_space<vmem>>, vector<1x1x16xf32>,
        %get3A_1058 = vector.shape_cast %get3A_1057 : vector<1x1x16xf32> to vector<16xf32>
        %mul3A_1059 = vector.broadcast %squeeze3A_1023 : f32 to vector<16xf32>
        %mul3A_1060 = arith.mulf %get3A_1058, %mul3A_1059 : vector<16xf32>
        %swap3A_1061 = arith.index_cast %select_n3A_234 : i32 to index
        %swap3A_1062 = arith.index_cast %add3A_1027 : i32 to index
        %swap3A_1063 = arith.constant 32 : index
        %swap3A_1064 = tpu.vector_load %arg10[%swap3A_1061, %swap3A_1062, %swap3A_1063] {strides = array<i32>} : memref<3x384x64xf32, #tpu.memory_space<vmem>>, vector<1x1x16xf32>,
        %swap3A_1065 = vector.shape_cast %swap3A_1064 : vector<1x1x16xf32> to vector<16xf32>
        %swap3A_1066 = vector.shape_cast %mul3A_1060 : vector<16xf32> to vector<1x1x16xf32>
        tpu.vector_store %arg10[%swap3A_1061, %swap3A_1062, %swap3A_1063], %swap3A_1066 {strides = array<i32>} : memref<3x384x64xf32, #tpu.memory_space<vmem>>, vector<1x1x16xf32>,
        %get3A_1067 = arith.index_cast %select_n3A_234 : i32 to index
        %get3A_1068 = arith.index_cast %add3A_1027 : i32 to index
        %get3A_1069 = arith.constant 48 : index
        %get3A_1070 = tpu.vector_load %arg10[%get3A_1067, %get3A_1068, %get3A_1069] {strides = array<i32>} : memref<3x384x64xf32, #tpu.memory_space<vmem>>, vector<1x1x16xf32>,
        %get3A_1071 = vector.shape_cast %get3A_1070 : vector<1x1x16xf32> to vector<16xf32>
        %mul3A_1072 = vector.broadcast %squeeze3A_1023 : f32 to vector<16xf32>
        %mul3A_1073 = arith.mulf %get3A_1071, %mul3A_1072 : vector<16xf32>
        %swap3A_1074 = arith.index_cast %select_n3A_234 : i32 to index
        %swap3A_1075 = arith.index_cast %add3A_1027 : i32 to index
        %swap3A_1076 = arith.constant 48 : index
        %swap3A_1077 = tpu.vector_load %arg10[%swap3A_1074, %swap3A_1075, %swap3A_1076] {strides = array<i32>} : memref<3x384x64xf32, #tpu.memory_space<vmem>>, vector<1x1x16xf32>,
        %swap3A_1078 = vector.shape_cast %swap3A_1077 : vector<1x1x16xf32> to vector<16xf32>
        %swap3A_1079 = vector.shape_cast %mul3A_1073 : vector<16xf32> to vector<1x1x16xf32>
        tpu.vector_store %arg10[%swap3A_1074, %swap3A_1075, %swap3A_1076], %swap3A_1079 {strides = array<i32>} : memref<3x384x64xf32, #tpu.memory_space<vmem>>, vector<1x1x16xf32>,
        %slice3A_1080 = vector.extract_strided_slice %get3A_328 {offsets = [13], sizes = [1], strides = [1]} : vector<16xf32> to vector<1xf32>
        %squeeze3A_1081 = vector.extract %slice3A_1080[0] : f32 from vector<1xf32>
        %mul3A_1082 = arith.constant 16 : i32
        %mul3A_1083 = arith.muli %mul3A_1082, %scan3A_323 : i32
        %add3A_1084 = arith.constant 13 : i32
        %add3A_1085 = arith.addi %mul3A_1083, %add3A_1084 : i32
        %get3A_1086 = arith.index_cast %select_n3A_234 : i32 to index
        %get3A_1087 = arith.index_cast %add3A_1085 : i32 to index
        %get3A_1088 = arith.constant 0 : index
        %get3A_1089 = tpu.vector_load %arg10[%get3A_1086, %get3A_1087, %get3A_1088] {strides = array<i32>} : memref<3x384x64xf32, #tpu.memory_space<vmem>>, vector<1x1x16xf32>,
        %get3A_1090 = vector.shape_cast %get3A_1089 : vector<1x1x16xf32> to vector<16xf32>
        %mul3A_1091 = vector.broadcast %squeeze3A_1081 : f32 to vector<16xf32>
        %mul3A_1092 = arith.mulf %get3A_1090, %mul3A_1091 : vector<16xf32>
        %swap3A_1093 = arith.index_cast %select_n3A_234 : i32 to index
        %swap3A_1094 = arith.index_cast %add3A_1085 : i32 to index
        %swap3A_1095 = arith.constant 0 : index
        %swap3A_1096 = tpu.vector_load %arg10[%swap3A_1093, %swap3A_1094, %swap3A_1095] {strides = array<i32>} : memref<3x384x64xf32, #tpu.memory_space<vmem>>, vector<1x1x16xf32>,
        %swap3A_1097 = vector.shape_cast %swap3A_1096 : vector<1x1x16xf32> to vector<16xf32>
        %swap3A_1098 = vector.shape_cast %mul3A_1092 : vector<16xf32> to vector<1x1x16xf32>
        tpu.vector_store %arg10[%swap3A_1093, %swap3A_1094, %swap3A_1095], %swap3A_1098 {strides = array<i32>} : memref<3x384x64xf32, #tpu.memory_space<vmem>>, vector<1x1x16xf32>,
        %get3A_1099 = arith.index_cast %select_n3A_234 : i32 to index
        %get3A_1100 = arith.index_cast %add3A_1085 : i32 to index
        %get3A_1101 = arith.constant 16 : index
        %get3A_1102 = tpu.vector_load %arg10[%get3A_1099, %get3A_1100, %get3A_1101] {strides = array<i32>} : memref<3x384x64xf32, #tpu.memory_space<vmem>>, vector<1x1x16xf32>,
        %get3A_1103 = vector.shape_cast %get3A_1102 : vector<1x1x16xf32> to vector<16xf32>
        %mul3A_1104 = vector.broadcast %squeeze3A_1081 : f32 to vector<16xf32>
        %mul3A_1105 = arith.mulf %get3A_1103, %mul3A_1104 : vector<16xf32>
        %swap3A_1106 = arith.index_cast %select_n3A_234 : i32 to index
        %swap3A_1107 = arith.index_cast %add3A_1085 : i32 to index
        %swap3A_1108 = arith.constant 16 : index
        %swap3A_1109 = tpu.vector_load %arg10[%swap3A_1106, %swap3A_1107, %swap3A_1108] {strides = array<i32>} : memref<3x384x64xf32, #tpu.memory_space<vmem>>, vector<1x1x16xf32>,
        %swap3A_1110 = vector.shape_cast %swap3A_1109 : vector<1x1x16xf32> to vector<16xf32>
        %swap3A_1111 = vector.shape_cast %mul3A_1105 : vector<16xf32> to vector<1x1x16xf32>
        tpu.vector_store %arg10[%swap3A_1106, %swap3A_1107, %swap3A_1108], %swap3A_1111 {strides = array<i32>} : memref<3x384x64xf32, #tpu.memory_space<vmem>>, vector<1x1x16xf32>,
        %get3A_1112 = arith.index_cast %select_n3A_234 : i32 to index
        %get3A_1113 = arith.index_cast %add3A_1085 : i32 to index
        %get3A_1114 = arith.constant 32 : index
        %get3A_1115 = tpu.vector_load %arg10[%get3A_1112, %get3A_1113, %get3A_1114] {strides = array<i32>} : memref<3x384x64xf32, #tpu.memory_space<vmem>>, vector<1x1x16xf32>,
        %get3A_1116 = vector.shape_cast %get3A_1115 : vector<1x1x16xf32> to vector<16xf32>
        %mul3A_1117 = vector.broadcast %squeeze3A_1081 : f32 to vector<16xf32>
        %mul3A_1118 = arith.mulf %get3A_1116, %mul3A_1117 : vector<16xf32>
        %swap3A_1119 = arith.index_cast %select_n3A_234 : i32 to index
        %swap3A_1120 = arith.index_cast %add3A_1085 : i32 to index
        %swap3A_1121 = arith.constant 32 : index
        %swap3A_1122 = tpu.vector_load %arg10[%swap3A_1119, %swap3A_1120, %swap3A_1121] {strides = array<i32>} : memref<3x384x64xf32, #tpu.memory_space<vmem>>, vector<1x1x16xf32>,
        %swap3A_1123 = vector.shape_cast %swap3A_1122 : vector<1x1x16xf32> to vector<16xf32>
        %swap3A_1124 = vector.shape_cast %mul3A_1118 : vector<16xf32> to vector<1x1x16xf32>
        tpu.vector_store %arg10[%swap3A_1119, %swap3A_1120, %swap3A_1121], %swap3A_1124 {strides = array<i32>} : memref<3x384x64xf32, #tpu.memory_space<vmem>>, vector<1x1x16xf32>,
        %get3A_1125 = arith.index_cast %select_n3A_234 : i32 to index
        %get3A_1126 = arith.index_cast %add3A_1085 : i32 to index
        %get3A_1127 = arith.constant 48 : index
        %get3A_1128 = tpu.vector_load %arg10[%get3A_1125, %get3A_1126, %get3A_1127] {strides = array<i32>} : memref<3x384x64xf32, #tpu.memory_space<vmem>>, vector<1x1x16xf32>,
        %get3A_1129 = vector.shape_cast %get3A_1128 : vector<1x1x16xf32> to vector<16xf32>
        %mul3A_1130 = vector.broadcast %squeeze3A_1081 : f32 to vector<16xf32>
        %mul3A_1131 = arith.mulf %get3A_1129, %mul3A_1130 : vector<16xf32>
        %swap3A_1132 = arith.index_cast %select_n3A_234 : i32 to index
        %swap3A_1133 = arith.index_cast %add3A_1085 : i32 to index
        %swap3A_1134 = arith.constant 48 : index
        %swap3A_1135 = tpu.vector_load %arg10[%swap3A_1132, %swap3A_1133, %swap3A_1134] {strides = array<i32>} : memref<3x384x64xf32, #tpu.memory_space<vmem>>, vector<1x1x16xf32>,
        %swap3A_1136 = vector.shape_cast %swap3A_1135 : vector<1x1x16xf32> to vector<16xf32>
        %swap3A_1137 = vector.shape_cast %mul3A_1131 : vector<16xf32> to vector<1x1x16xf32>
        tpu.vector_store %arg10[%swap3A_1132, %swap3A_1133, %swap3A_1134], %swap3A_1137 {strides = array<i32>} : memref<3x384x64xf32, #tpu.memory_space<vmem>>, vector<1x1x16xf32>,
        %slice3A_1138 = vector.extract_strided_slice %get3A_328 {offsets = [14], sizes = [1], strides = [1]} : vector<16xf32> to vector<1xf32>
        %squeeze3A_1139 = vector.extract %slice3A_1138[0] : f32 from vector<1xf32>
        %mul3A_1140 = arith.constant 16 : i32
        %mul3A_1141 = arith.muli %mul3A_1140, %scan3A_323 : i32
        %add3A_1142 = arith.constant 14 : i32
        %add3A_1143 = arith.addi %mul3A_1141, %add3A_1142 : i32
        %get3A_1144 = arith.index_cast %select_n3A_234 : i32 to index
        %get3A_1145 = arith.index_cast %add3A_1143 : i32 to index
        %get3A_1146 = arith.constant 0 : index
        %get3A_1147 = tpu.vector_load %arg10[%get3A_1144, %get3A_1145, %get3A_1146] {strides = array<i32>} : memref<3x384x64xf32, #tpu.memory_space<vmem>>, vector<1x1x16xf32>,
        %get3A_1148 = vector.shape_cast %get3A_1147 : vector<1x1x16xf32> to vector<16xf32>
        %mul3A_1149 = vector.broadcast %squeeze3A_1139 : f32 to vector<16xf32>
        %mul3A_1150 = arith.mulf %get3A_1148, %mul3A_1149 : vector<16xf32>
        %swap3A_1151 = arith.index_cast %select_n3A_234 : i32 to index
        %swap3A_1152 = arith.index_cast %add3A_1143 : i32 to index
        %swap3A_1153 = arith.constant 0 : index
        %swap3A_1154 = tpu.vector_load %arg10[%swap3A_1151, %swap3A_1152, %swap3A_1153] {strides = array<i32>} : memref<3x384x64xf32, #tpu.memory_space<vmem>>, vector<1x1x16xf32>,
        %swap3A_1155 = vector.shape_cast %swap3A_1154 : vector<1x1x16xf32> to vector<16xf32>
        %swap3A_1156 = vector.shape_cast %mul3A_1150 : vector<16xf32> to vector<1x1x16xf32>
        tpu.vector_store %arg10[%swap3A_1151, %swap3A_1152, %swap3A_1153], %swap3A_1156 {strides = array<i32>} : memref<3x384x64xf32, #tpu.memory_space<vmem>>, vector<1x1x16xf32>,
        %get3A_1157 = arith.index_cast %select_n3A_234 : i32 to index
        %get3A_1158 = arith.index_cast %add3A_1143 : i32 to index
        %get3A_1159 = arith.constant 16 : index
        %get3A_1160 = tpu.vector_load %arg10[%get3A_1157, %get3A_1158, %get3A_1159] {strides = array<i32>} : memref<3x384x64xf32, #tpu.memory_space<vmem>>, vector<1x1x16xf32>,
        %get3A_1161 = vector.shape_cast %get3A_1160 : vector<1x1x16xf32> to vector<16xf32>
        %mul3A_1162 = vector.broadcast %squeeze3A_1139 : f32 to vector<16xf32>
        %mul3A_1163 = arith.mulf %get3A_1161, %mul3A_1162 : vector<16xf32>
        %swap3A_1164 = arith.index_cast %select_n3A_234 : i32 to index
        %swap3A_1165 = arith.index_cast %add3A_1143 : i32 to index
        %swap3A_1166 = arith.constant 16 : index
        %swap3A_1167 = tpu.vector_load %arg10[%swap3A_1164, %swap3A_1165, %swap3A_1166] {strides = array<i32>} : memref<3x384x64xf32, #tpu.memory_space<vmem>>, vector<1x1x16xf32>,
        %swap3A_1168 = vector.shape_cast %swap3A_1167 : vector<1x1x16xf32> to vector<16xf32>
        %swap3A_1169 = vector.shape_cast %mul3A_1163 : vector<16xf32> to vector<1x1x16xf32>
        tpu.vector_store %arg10[%swap3A_1164, %swap3A_1165, %swap3A_1166], %swap3A_1169 {strides = array<i32>} : memref<3x384x64xf32, #tpu.memory_space<vmem>>, vector<1x1x16xf32>,
        %get3A_1170 = arith.index_cast %select_n3A_234 : i32 to index
        %get3A_1171 = arith.index_cast %add3A_1143 : i32 to index
        %get3A_1172 = arith.constant 32 : index
        %get3A_1173 = tpu.vector_load %arg10[%get3A_1170, %get3A_1171, %get3A_1172] {strides = array<i32>} : memref<3x384x64xf32, #tpu.memory_space<vmem>>, vector<1x1x16xf32>,
        %get3A_1174 = vector.shape_cast %get3A_1173 : vector<1x1x16xf32> to vector<16xf32>
        %mul3A_1175 = vector.broadcast %squeeze3A_1139 : f32 to vector<16xf32>
        %mul3A_1176 = arith.mulf %get3A_1174, %mul3A_1175 : vector<16xf32>
        %swap3A_1177 = arith.index_cast %select_n3A_234 : i32 to index
        %swap3A_1178 = arith.index_cast %add3A_1143 : i32 to index
        %swap3A_1179 = arith.constant 32 : index
        %swap3A_1180 = tpu.vector_load %arg10[%swap3A_1177, %swap3A_1178, %swap3A_1179] {strides = array<i32>} : memref<3x384x64xf32, #tpu.memory_space<vmem>>, vector<1x1x16xf32>,
        %swap3A_1181 = vector.shape_cast %swap3A_1180 : vector<1x1x16xf32> to vector<16xf32>
        %swap3A_1182 = vector.shape_cast %mul3A_1176 : vector<16xf32> to vector<1x1x16xf32>
        tpu.vector_store %arg10[%swap3A_1177, %swap3A_1178, %swap3A_1179], %swap3A_1182 {strides = array<i32>} : memref<3x384x64xf32, #tpu.memory_space<vmem>>, vector<1x1x16xf32>,
        %get3A_1183 = arith.index_cast %select_n3A_234 : i32 to index
        %get3A_1184 = arith.index_cast %add3A_1143 : i32 to index
        %get3A_1185 = arith.constant 48 : index
        %get3A_1186 = tpu.vector_load %arg10[%get3A_1183, %get3A_1184, %get3A_1185] {strides = array<i32>} : memref<3x384x64xf32, #tpu.memory_space<vmem>>, vector<1x1x16xf32>,
        %get3A_1187 = vector.shape_cast %get3A_1186 : vector<1x1x16xf32> to vector<16xf32>
        %mul3A_1188 = vector.broadcast %squeeze3A_1139 : f32 to vector<16xf32>
        %mul3A_1189 = arith.mulf %get3A_1187, %mul3A_1188 : vector<16xf32>
        %swap3A_1190 = arith.index_cast %select_n3A_234 : i32 to index
        %swap3A_1191 = arith.index_cast %add3A_1143 : i32 to index
        %swap3A_1192 = arith.constant 48 : index
        %swap3A_1193 = tpu.vector_load %arg10[%swap3A_1190, %swap3A_1191, %swap3A_1192] {strides = array<i32>} : memref<3x384x64xf32, #tpu.memory_space<vmem>>, vector<1x1x16xf32>,
        %swap3A_1194 = vector.shape_cast %swap3A_1193 : vector<1x1x16xf32> to vector<16xf32>
        %swap3A_1195 = vector.shape_cast %mul3A_1189 : vector<16xf32> to vector<1x1x16xf32>
        tpu.vector_store %arg10[%swap3A_1190, %swap3A_1191, %swap3A_1192], %swap3A_1195 {strides = array<i32>} : memref<3x384x64xf32, #tpu.memory_space<vmem>>, vector<1x1x16xf32>,
        %slice3A_1196 = vector.extract_strided_slice %get3A_328 {offsets = [15], sizes = [1], strides = [1]} : vector<16xf32> to vector<1xf32>
        %squeeze3A_1197 = vector.extract %slice3A_1196[0] : f32 from vector<1xf32>
        %mul3A_1198 = arith.constant 16 : i32
        %mul3A_1199 = arith.muli %mul3A_1198, %scan3A_323 : i32
        %add3A_1200 = arith.constant 15 : i32
        %add3A_1201 = arith.addi %mul3A_1199, %add3A_1200 : i32
        %get3A_1202 = arith.index_cast %select_n3A_234 : i32 to index
        %get3A_1203 = arith.index_cast %add3A_1201 : i32 to index
        %get3A_1204 = arith.constant 0 : index
        %get3A_1205 = tpu.vector_load %arg10[%get3A_1202, %get3A_1203, %get3A_1204] {strides = array<i32>} : memref<3x384x64xf32, #tpu.memory_space<vmem>>, vector<1x1x16xf32>,
        %get3A_1206 = vector.shape_cast %get3A_1205 : vector<1x1x16xf32> to vector<16xf32>
        %mul3A_1207 = vector.broadcast %squeeze3A_1197 : f32 to vector<16xf32>
        %mul3A_1208 = arith.mulf %get3A_1206, %mul3A_1207 : vector<16xf32>
        %swap3A_1209 = arith.index_cast %select_n3A_234 : i32 to index
        %swap3A_1210 = arith.index_cast %add3A_1201 : i32 to index
        %swap3A_1211 = arith.constant 0 : index
        %swap3A_1212 = tpu.vector_load %arg10[%swap3A_1209, %swap3A_1210, %swap3A_1211] {strides = array<i32>} : memref<3x384x64xf32, #tpu.memory_space<vmem>>, vector<1x1x16xf32>,
        %swap3A_1213 = vector.shape_cast %swap3A_1212 : vector<1x1x16xf32> to vector<16xf32>
        %swap3A_1214 = vector.shape_cast %mul3A_1208 : vector<16xf32> to vector<1x1x16xf32>
        tpu.vector_store %arg10[%swap3A_1209, %swap3A_1210, %swap3A_1211], %swap3A_1214 {strides = array<i32>} : memref<3x384x64xf32, #tpu.memory_space<vmem>>, vector<1x1x16xf32>,
        %get3A_1215 = arith.index_cast %select_n3A_234 : i32 to index
        %get3A_1216 = arith.index_cast %add3A_1201 : i32 to index
        %get3A_1217 = arith.constant 16 : index
        %get3A_1218 = tpu.vector_load %arg10[%get3A_1215, %get3A_1216, %get3A_1217] {strides = array<i32>} : memref<3x384x64xf32, #tpu.memory_space<vmem>>, vector<1x1x16xf32>,
        %get3A_1219 = vector.shape_cast %get3A_1218 : vector<1x1x16xf32> to vector<16xf32>
        %mul3A_1220 = vector.broadcast %squeeze3A_1197 : f32 to vector<16xf32>
        %mul3A_1221 = arith.mulf %get3A_1219, %mul3A_1220 : vector<16xf32>
        %swap3A_1222 = arith.index_cast %select_n3A_234 : i32 to index
        %swap3A_1223 = arith.index_cast %add3A_1201 : i32 to index
        %swap3A_1224 = arith.constant 16 : index
        %swap3A_1225 = tpu.vector_load %arg10[%swap3A_1222, %swap3A_1223, %swap3A_1224] {strides = array<i32>} : memref<3x384x64xf32, #tpu.memory_space<vmem>>, vector<1x1x16xf32>,
        %swap3A_1226 = vector.shape_cast %swap3A_1225 : vector<1x1x16xf32> to vector<16xf32>
        %swap3A_1227 = vector.shape_cast %mul3A_1221 : vector<16xf32> to vector<1x1x16xf32>
        tpu.vector_store %arg10[%swap3A_1222, %swap3A_1223, %swap3A_1224], %swap3A_1227 {strides = array<i32>} : memref<3x384x64xf32, #tpu.memory_space<vmem>>, vector<1x1x16xf32>,
        %get3A_1228 = arith.index_cast %select_n3A_234 : i32 to index
        %get3A_1229 = arith.index_cast %add3A_1201 : i32 to index
        %get3A_1230 = arith.constant 32 : index
        %get3A_1231 = tpu.vector_load %arg10[%get3A_1228, %get3A_1229, %get3A_1230] {strides = array<i32>} : memref<3x384x64xf32, #tpu.memory_space<vmem>>, vector<1x1x16xf32>,
        %get3A_1232 = vector.shape_cast %get3A_1231 : vector<1x1x16xf32> to vector<16xf32>
        %mul3A_1233 = vector.broadcast %squeeze3A_1197 : f32 to vector<16xf32>
        %mul3A_1234 = arith.mulf %get3A_1232, %mul3A_1233 : vector<16xf32>
        %swap3A_1235 = arith.index_cast %select_n3A_234 : i32 to index
        %swap3A_1236 = arith.index_cast %add3A_1201 : i32 to index
        %swap3A_1237 = arith.constant 32 : index
        %swap3A_1238 = tpu.vector_load %arg10[%swap3A_1235, %swap3A_1236, %swap3A_1237] {strides = array<i32>} : memref<3x384x64xf32, #tpu.memory_space<vmem>>, vector<1x1x16xf32>,
        %swap3A_1239 = vector.shape_cast %swap3A_1238 : vector<1x1x16xf32> to vector<16xf32>
        %swap3A_1240 = vector.shape_cast %mul3A_1234 : vector<16xf32> to vector<1x1x16xf32>
        tpu.vector_store %arg10[%swap3A_1235, %swap3A_1236, %swap3A_1237], %swap3A_1240 {strides = array<i32>} : memref<3x384x64xf32, #tpu.memory_space<vmem>>, vector<1x1x16xf32>,
        %get3A_1241 = arith.index_cast %select_n3A_234 : i32 to index
        %get3A_1242 = arith.index_cast %add3A_1201 : i32 to index
        %get3A_1243 = arith.constant 48 : index
        %get3A_1244 = tpu.vector_load %arg10[%get3A_1241, %get3A_1242, %get3A_1243] {strides = array<i32>} : memref<3x384x64xf32, #tpu.memory_space<vmem>>, vector<1x1x16xf32>,
        %get3A_1245 = vector.shape_cast %get3A_1244 : vector<1x1x16xf32> to vector<16xf32>
        %mul3A_1246 = vector.broadcast %squeeze3A_1197 : f32 to vector<16xf32>
        %mul3A_1247 = arith.mulf %get3A_1245, %mul3A_1246 : vector<16xf32>
        %swap3A_1248 = arith.index_cast %select_n3A_234 : i32 to index
        %swap3A_1249 = arith.index_cast %add3A_1201 : i32 to index
        %swap3A_1250 = arith.constant 48 : index
        %swap3A_1251 = tpu.vector_load %arg10[%swap3A_1248, %swap3A_1249, %swap3A_1250] {strides = array<i32>} : memref<3x384x64xf32, #tpu.memory_space<vmem>>, vector<1x1x16xf32>,
        %swap3A_1252 = vector.shape_cast %swap3A_1251 : vector<1x1x16xf32> to vector<16xf32>
        %swap3A_1253 = vector.shape_cast %mul3A_1247 : vector<16xf32> to vector<1x1x16xf32>
        tpu.vector_store %arg10[%swap3A_1248, %swap3A_1249, %swap3A_1250], %swap3A_1253 {strides = array<i32>} : memref<3x384x64xf32, #tpu.memory_space<vmem>>, vector<1x1x16xf32>,
      }
      %scan3A_289 = arith.constant 24 : i32
      %dma_start3A_290 = arith.constant 0 : i32
      %dma_start3A_291 = arith.constant 0 : i32
      %dma_start3A_292 = arith.constant 0 : i32
      %dma_start3A_293 = tpu.memref_slice %arg10[%select_n3A_234, %dma_start3A_291, %dma_start3A_292] : memref<3x384x64xf32, #tpu.memory_space<vmem>> -> memref<1x128x64xf32, #tpu.memory_space<vmem>>
      %dma_start3A_294 = tpu.memref_squeeze %dma_start3A_293 : memref<1x128x64xf32, #tpu.memory_space<vmem>> -> memref<128x64xf32, #tpu.memory_space<vmem>>
      %dma_start3A_295 = arith.constant 0 : i32
      %dma_start3A_296 = tpu.memref_slice %arg8[%select_n3A_234, %dma_start3A_290, %dma_start3A_295] : memref<3x3x128xi32, #tpu.memory_space<vmem>> -> memref<1x1x128xi32, #tpu.memory_space<vmem>>
      %dma_start3A_297 = tpu.memref_squeeze %dma_start3A_296 : memref<1x1x128xi32, #tpu.memory_space<vmem>> -> memref<128xi32, #tpu.memory_space<vmem>>
      %dma_start3A_298 = arith.constant 0 : i32
      %dma_start3A_299 = arith.constant 0 : i32
      %dma_start3A_300 = tpu.memref_slice %arg11[%dma_start3A_298, %dma_start3A_299] : memref<10240x64xf32, #tpu.memory_space<vmem_shared>> -> memref<10240x64xf32, #tpu.memory_space<vmem_shared>>
      tpu.enqueue_indirect_dma source(%dma_start3A_294 : memref<128x64xf32, #tpu.memory_space<vmem>>) target(%dma_start3A_300 : memref<10240x64xf32, #tpu.memory_space<vmem_shared>>) offsets(%dma_start3A_297 : memref<128xi32, #tpu.memory_space<vmem>>) semaphore(%arg14 : memref<!tpu.dma_semaphore, #tpu.memory_space<semaphore_mem>>) {add = true}
      %dma_start3A_301 = arith.constant 1 : i32
      %dma_start3A_302 = arith.constant 128 : i32
      %dma_start3A_303 = arith.constant 0 : i32
      %dma_start3A_304 = tpu.memref_slice %arg10[%select_n3A_234, %dma_start3A_302, %dma_start3A_303] : memref<3x384x64xf32, #tpu.memory_space<vmem>> -> memref<1x128x64xf32, #tpu.memory_space<vmem>>
      %dma_start3A_305 = tpu.memref_squeeze %dma_start3A_304 : memref<1x128x64xf32, #tpu.memory_space<vmem>> -> memref<128x64xf32, #tpu.memory_space<vmem>>
      %dma_start3A_306 = arith.constant 0 : i32
      %dma_start3A_307 = tpu.memref_slice %arg8[%select_n3A_234, %dma_start3A_301, %dma_start3A_306] : memref<3x3x128xi32, #tpu.memory_space<vmem>> -> memref<1x1x128xi32, #tpu.memory_space<vmem>>
      %dma_start3A_308 = tpu.memref_squeeze %dma_start3A_307 : memref<1x1x128xi32, #tpu.memory_space<vmem>> -> memref<128xi32, #tpu.memory_space<vmem>>
      %dma_start3A_309 = arith.constant 0 : i32
      %dma_start3A_310 = arith.constant 0 : i32
      %dma_start3A_311 = tpu.memref_slice %arg11[%dma_start3A_309, %dma_start3A_310] : memref<10240x64xf32, #tpu.memory_space<vmem_shared>> -> memref<10240x64xf32, #tpu.memory_space<vmem_shared>>
      tpu.enqueue_indirect_dma source(%dma_start3A_305 : memref<128x64xf32, #tpu.memory_space<vmem>>) target(%dma_start3A_311 : memref<10240x64xf32, #tpu.memory_space<vmem_shared>>) offsets(%dma_start3A_308 : memref<128xi32, #tpu.memory_space<vmem>>) semaphore(%arg14 : memref<!tpu.dma_semaphore, #tpu.memory_space<semaphore_mem>>) {add = true}
      %dma_start3A_312 = arith.constant 2 : i32
      %dma_start3A_313 = arith.constant 256 : i32
      %dma_start3A_314 = arith.constant 0 : i32
      %dma_start3A_315 = tpu.memref_slice %arg10[%select_n3A_234, %dma_start3A_313, %dma_start3A_314] : memref<3x384x64xf32, #tpu.memory_space<vmem>> -> memref<1x128x64xf32, #tpu.memory_space<vmem>>
      %dma_start3A_316 = tpu.memref_squeeze %dma_start3A_315 : memref<1x128x64xf32, #tpu.memory_space<vmem>> -> memref<128x64xf32, #tpu.memory_space<vmem>>
      %dma_start3A_317 = arith.constant 0 : i32
      %dma_start3A_318 = tpu.memref_slice %arg8[%select_n3A_234, %dma_start3A_312, %dma_start3A_317] : memref<3x3x128xi32, #tpu.memory_space<vmem>> -> memref<1x1x128xi32, #tpu.memory_space<vmem>>
      %dma_start3A_319 = tpu.memref_squeeze %dma_start3A_318 : memref<1x1x128xi32, #tpu.memory_space<vmem>> -> memref<128xi32, #tpu.memory_space<vmem>>
      %dma_start3A_320 = arith.constant 0 : i32
      %dma_start3A_321 = arith.constant 0 : i32
      %dma_start3A_322 = tpu.memref_slice %arg11[%dma_start3A_320, %dma_start3A_321] : memref<10240x64xf32, #tpu.memory_space<vmem_shared>> -> memref<10240x64xf32, #tpu.memory_space<vmem_shared>>
      tpu.enqueue_indirect_dma source(%dma_start3A_316 : memref<128x64xf32, #tpu.memory_space<vmem>>) target(%dma_start3A_322 : memref<10240x64xf32, #tpu.memory_space<vmem_shared>>) offsets(%dma_start3A_319 : memref<128xi32, #tpu.memory_space<vmem>>) semaphore(%arg14 : memref<!tpu.dma_semaphore, #tpu.memory_space<semaphore_mem>>) {add = true}
    }
    %scan3A_145 = arith.constant 27 : i32
    %dma_wait3A_146 = arith.constant 1 : i32
    %dma_wait3A_147 = arith.constant 1 : i32
    %dma_wait3A_148 = arith.constant 0 : i32
    %dma_wait3A_149 = arith.constant 0 : i32
    %dma_wait3A_150 = arith.constant 0 : i32
    %dma_wait3A_151 = tpu.memref_slice %arg10[%dma_wait3A_146, %dma_wait3A_149, %dma_wait3A_150] : memref<3x384x64xf32, #tpu.memory_space<vmem>> -> memref<1x128x64xf32, #tpu.memory_space<vmem>>
    %dma_wait3A_152 = tpu.memref_squeeze %dma_wait3A_151 : memref<1x128x64xf32, #tpu.memory_space<vmem>> -> memref<128x64xf32, #tpu.memory_space<vmem>>
    %dma_wait3A_153 = arith.constant 0 : i32
    %dma_wait3A_154 = tpu.memref_slice %arg8[%dma_wait3A_147, %dma_wait3A_148, %dma_wait3A_153] : memref<3x3x128xi32, #tpu.memory_space<vmem>> -> memref<1x1x128xi32, #tpu.memory_space<vmem>>
    %dma_wait3A_155 = tpu.memref_squeeze %dma_wait3A_154 : memref<1x1x128xi32, #tpu.memory_space<vmem>> -> memref<128xi32, #tpu.memory_space<vmem>>
    %dma_wait3A_156 = arith.constant 0 : i32
    %dma_wait3A_157 = arith.constant 0 : i32
    %dma_wait3A_158 = tpu.memref_slice %arg11[%dma_wait3A_156, %dma_wait3A_157] : memref<10240x64xf32, #tpu.memory_space<vmem_shared>> -> memref<10240x64xf32, #tpu.memory_space<vmem_shared>>
    tpu.wait_indirect_dma semaphore(%arg14 : memref<!tpu.dma_semaphore, #tpu.memory_space<semaphore_mem>>) src(%dma_wait3A_152 : memref<128x64xf32, #tpu.memory_space<vmem>>) dst(%dma_wait3A_158 : memref<10240x64xf32, #tpu.memory_space<vmem_shared>>)
    %dma_wait3A_159 = arith.constant 1 : i32
    %dma_wait3A_160 = arith.constant 1 : i32
    %dma_wait3A_161 = arith.constant 1 : i32
    %dma_wait3A_162 = arith.constant 128 : i32
    %dma_wait3A_163 = arith.constant 0 : i32
    %dma_wait3A_164 = tpu.memref_slice %arg10[%dma_wait3A_159, %dma_wait3A_162, %dma_wait3A_163] : memref<3x384x64xf32, #tpu.memory_space<vmem>> -> memref<1x128x64xf32, #tpu.memory_space<vmem>>
    %dma_wait3A_165 = tpu.memref_squeeze %dma_wait3A_164 : memref<1x128x64xf32, #tpu.memory_space<vmem>> -> memref<128x64xf32, #tpu.memory_space<vmem>>
    %dma_wait3A_166 = arith.constant 0 : i32
    %dma_wait3A_167 = tpu.memref_slice %arg8[%dma_wait3A_160, %dma_wait3A_161, %dma_wait3A_166] : memref<3x3x128xi32, #tpu.memory_space<vmem>> -> memref<1x1x128xi32, #tpu.memory_space<vmem>>
    %dma_wait3A_168 = tpu.memref_squeeze %dma_wait3A_167 : memref<1x1x128xi32, #tpu.memory_space<vmem>> -> memref<128xi32, #tpu.memory_space<vmem>>
    %dma_wait3A_169 = arith.constant 0 : i32
    %dma_wait3A_170 = arith.constant 0 : i32
    %dma_wait3A_171 = tpu.memref_slice %arg11[%dma_wait3A_169, %dma_wait3A_170] : memref<10240x64xf32, #tpu.memory_space<vmem_shared>> -> memref<10240x64xf32, #tpu.memory_space<vmem_shared>>
    tpu.wait_indirect_dma semaphore(%arg14 : memref<!tpu.dma_semaphore, #tpu.memory_space<semaphore_mem>>) src(%dma_wait3A_165 : memref<128x64xf32, #tpu.memory_space<vmem>>) dst(%dma_wait3A_171 : memref<10240x64xf32, #tpu.memory_space<vmem_shared>>)
    %dma_wait3A_172 = arith.constant 1 : i32
    %dma_wait3A_173 = arith.constant 1 : i32
    %dma_wait3A_174 = arith.constant 2 : i32
    %dma_wait3A_175 = arith.constant 256 : i32
    %dma_wait3A_176 = arith.constant 0 : i32
    %dma_wait3A_177 = tpu.memref_slice %arg10[%dma_wait3A_172, %dma_wait3A_175, %dma_wait3A_176] : memref<3x384x64xf32, #tpu.memory_space<vmem>> -> memref<1x128x64xf32, #tpu.memory_space<vmem>>
    %dma_wait3A_178 = tpu.memref_squeeze %dma_wait3A_177 : memref<1x128x64xf32, #tpu.memory_space<vmem>> -> memref<128x64xf32, #tpu.memory_space<vmem>>
    %dma_wait3A_179 = arith.constant 0 : i32
    %dma_wait3A_180 = tpu.memref_slice %arg8[%dma_wait3A_173, %dma_wait3A_174, %dma_wait3A_179] : memref<3x3x128xi32, #tpu.memory_space<vmem>> -> memref<1x1x128xi32, #tpu.memory_space<vmem>>
    %dma_wait3A_181 = tpu.memref_squeeze %dma_wait3A_180 : memref<1x1x128xi32, #tpu.memory_space<vmem>> -> memref<128xi32, #tpu.memory_space<vmem>>
    %dma_wait3A_182 = arith.constant 0 : i32
    %dma_wait3A_183 = arith.constant 0 : i32
    %dma_wait3A_184 = tpu.memref_slice %arg11[%dma_wait3A_182, %dma_wait3A_183] : memref<10240x64xf32, #tpu.memory_space<vmem_shared>> -> memref<10240x64xf32, #tpu.memory_space<vmem_shared>>
    tpu.wait_indirect_dma semaphore(%arg14 : memref<!tpu.dma_semaphore, #tpu.memory_space<semaphore_mem>>) src(%dma_wait3A_178 : memref<128x64xf32, #tpu.memory_space<vmem>>) dst(%dma_wait3A_184 : memref<10240x64xf32, #tpu.memory_space<vmem_shared>>)
    %dma_wait3A_185 = arith.constant 2 : i32
    %dma_wait3A_186 = arith.constant 2 : i32
    %dma_wait3A_187 = arith.constant 0 : i32
    %dma_wait3A_188 = arith.constant 0 : i32
    %dma_wait3A_189 = arith.constant 0 : i32
    %dma_wait3A_190 = tpu.memref_slice %arg10[%dma_wait3A_185, %dma_wait3A_188, %dma_wait3A_189] : memref<3x384x64xf32, #tpu.memory_space<vmem>> -> memref<1x128x64xf32, #tpu.memory_space<vmem>>
    %dma_wait3A_191 = tpu.memref_squeeze %dma_wait3A_190 : memref<1x128x64xf32, #tpu.memory_space<vmem>> -> memref<128x64xf32, #tpu.memory_space<vmem>>
    %dma_wait3A_192 = arith.constant 0 : i32
    %dma_wait3A_193 = tpu.memref_slice %arg8[%dma_wait3A_186, %dma_wait3A_187, %dma_wait3A_192] : memref<3x3x128xi32, #tpu.memory_space<vmem>> -> memref<1x1x128xi32, #tpu.memory_space<vmem>>
    %dma_wait3A_194 = tpu.memref_squeeze %dma_wait3A_193 : memref<1x1x128xi32, #tpu.memory_space<vmem>> -> memref<128xi32, #tpu.memory_space<vmem>>
    %dma_wait3A_195 = arith.constant 0 : i32
    %dma_wait3A_196 = arith.constant 0 : i32
    %dma_wait3A_197 = tpu.memref_slice %arg11[%dma_wait3A_195, %dma_wait3A_196] : memref<10240x64xf32, #tpu.memory_space<vmem_shared>> -> memref<10240x64xf32, #tpu.memory_space<vmem_shared>>
    tpu.wait_indirect_dma semaphore(%arg14 : memref<!tpu.dma_semaphore, #tpu.memory_space<semaphore_mem>>) src(%dma_wait3A_191 : memref<128x64xf32, #tpu.memory_space<vmem>>) dst(%dma_wait3A_197 : memref<10240x64xf32, #tpu.memory_space<vmem_shared>>)
    %dma_wait3A_198 = arith.constant 2 : i32
    %dma_wait3A_199 = arith.constant 2 : i32
    %dma_wait3A_200 = arith.constant 1 : i32
    %dma_wait3A_201 = arith.constant 128 : i32
    %dma_wait3A_202 = arith.constant 0 : i32
    %dma_wait3A_203 = tpu.memref_slice %arg10[%dma_wait3A_198, %dma_wait3A_201, %dma_wait3A_202] : memref<3x384x64xf32, #tpu.memory_space<vmem>> -> memref<1x128x64xf32, #tpu.memory_space<vmem>>
    %dma_wait3A_204 = tpu.memref_squeeze %dma_wait3A_203 : memref<1x128x64xf32, #tpu.memory_space<vmem>> -> memref<128x64xf32, #tpu.memory_space<vmem>>
    %dma_wait3A_205 = arith.constant 0 : i32
    %dma_wait3A_206 = tpu.memref_slice %arg8[%dma_wait3A_199, %dma_wait3A_200, %dma_wait3A_205] : memref<3x3x128xi32, #tpu.memory_space<vmem>> -> memref<1x1x128xi32, #tpu.memory_space<vmem>>
    %dma_wait3A_207 = tpu.memref_squeeze %dma_wait3A_206 : memref<1x1x128xi32, #tpu.memory_space<vmem>> -> memref<128xi32, #tpu.memory_space<vmem>>
    %dma_wait3A_208 = arith.constant 0 : i32
    %dma_wait3A_209 = arith.constant 0 : i32
    %dma_wait3A_210 = tpu.memref_slice %arg11[%dma_wait3A_208, %dma_wait3A_209] : memref<10240x64xf32, #tpu.memory_space<vmem_shared>> -> memref<10240x64xf32, #tpu.memory_space<vmem_shared>>
    tpu.wait_indirect_dma semaphore(%arg14 : memref<!tpu.dma_semaphore, #tpu.memory_space<semaphore_mem>>) src(%dma_wait3A_204 : memref<128x64xf32, #tpu.memory_space<vmem>>) dst(%dma_wait3A_210 : memref<10240x64xf32, #tpu.memory_space<vmem_shared>>)
    %dma_wait3A_211 = arith.constant 2 : i32
    %dma_wait3A_212 = arith.constant 2 : i32
    %dma_wait3A_213 = arith.constant 2 : i32
    %dma_wait3A_214 = arith.constant 256 : i32
    %dma_wait3A_215 = arith.constant 0 : i32
    %dma_wait3A_216 = tpu.memref_slice %arg10[%dma_wait3A_211, %dma_wait3A_214, %dma_wait3A_215] : memref<3x384x64xf32, #tpu.memory_space<vmem>> -> memref<1x128x64xf32, #tpu.memory_space<vmem>>
    %dma_wait3A_217 = tpu.memref_squeeze %dma_wait3A_216 : memref<1x128x64xf32, #tpu.memory_space<vmem>> -> memref<128x64xf32, #tpu.memory_space<vmem>>
    %dma_wait3A_218 = arith.constant 0 : i32
    %dma_wait3A_219 = tpu.memref_slice %arg8[%dma_wait3A_212, %dma_wait3A_213, %dma_wait3A_218] : memref<3x3x128xi32, #tpu.memory_space<vmem>> -> memref<1x1x128xi32, #tpu.memory_space<vmem>>
    %dma_wait3A_220 = tpu.memref_squeeze %dma_wait3A_219 : memref<1x1x128xi32, #tpu.memory_space<vmem>> -> memref<128xi32, #tpu.memory_space<vmem>>
    %dma_wait3A_221 = arith.constant 0 : i32
    %dma_wait3A_222 = arith.constant 0 : i32
    %dma_wait3A_223 = tpu.memref_slice %arg11[%dma_wait3A_221, %dma_wait3A_222] : memref<10240x64xf32, #tpu.memory_space<vmem_shared>> -> memref<10240x64xf32, #tpu.memory_space<vmem_shared>>
    tpu.wait_indirect_dma semaphore(%arg14 : memref<!tpu.dma_semaphore, #tpu.memory_space<semaphore_mem>>) src(%dma_wait3A_217 : memref<128x64xf32, #tpu.memory_space<vmem>>) dst(%dma_wait3A_223 : memref<10240x64xf32, #tpu.memory_space<vmem_shared>>)
    %barrier3A_224 = arith.constant 0 : index
    tpu.barrier barrier_id(%barrier3A_224)
    "tpu.region"() ({
      %run_scoped3A_225 = tpu.sem_alloc : memref<!tpu.dma_semaphore, #tpu.memory_space<semaphore_mem>>
      %dma_start3A_226 = arith.constant 0 : i32
      %dma_start3A_227 = tpu.memref_slice %arg6[%arg0, %mul3A_9, %dma_start3A_226] : memref<2x10240x64xf32, #tpu.memory_space<hbm>> -> memref<1x640x64xf32, #tpu.memory_space<hbm>>
      %dma_start3A_228 = tpu.memref_squeeze %dma_start3A_227 : memref<1x640x64xf32, #tpu.memory_space<hbm>> -> memref<640x64xf32, #tpu.memory_space<hbm>>
      %dma_start3A_229 = arith.constant 0 : i32
      %dma_start3A_230 = tpu.memref_slice %arg11[%mul3A_9, %dma_start3A_229] : memref<10240x64xf32, #tpu.memory_space<vmem_shared>> -> memref<640x64xf32, #tpu.memory_space<vmem_shared>>
      tpu.enqueue_dma source(%dma_start3A_230 : memref<640x64xf32, #tpu.memory_space<vmem_shared>>) target(%dma_start3A_228 : memref<640x64xf32, #tpu.memory_space<hbm>>) target_semaphore(%run_scoped3A_225 : memref<!tpu.dma_semaphore, #tpu.memory_space<semaphore_mem>>)
      %dma_wait3A_231 = arith.constant 0 : i32
      %dma_wait3A_232 = tpu.memref_slice %arg6[%arg0, %mul3A_9, %dma_wait3A_231] : memref<2x10240x64xf32, #tpu.memory_space<hbm>> -> memref<1x640x64xf32, #tpu.memory_space<hbm>>
      %dma_wait3A_233 = tpu.memref_squeeze %dma_wait3A_232 : memref<1x640x64xf32, #tpu.memory_space<hbm>> -> memref<640x64xf32, #tpu.memory_space<hbm>>
      %dma_wait3A_234 = arith.constant 0 : i32
      %dma_wait3A_235 = tpu.memref_slice %arg11[%mul3A_9, %dma_wait3A_234] : memref<10240x64xf32, #tpu.memory_space<vmem_shared>> -> memref<640x64xf32, #tpu.memory_space<vmem_shared>>
      tpu.wait_dma2 semaphore(%run_scoped3A_225 : memref<!tpu.dma_semaphore, #tpu.memory_space<semaphore_mem>>) src(%dma_wait3A_235 : memref<640x64xf32, #tpu.memory_space<vmem_shared>>) dst(%dma_wait3A_233 : memref<640x64xf32, #tpu.memory_space<hbm>>)
      tpu.yield
    }) : () -> ()
    return
  }
}

module attributes {stable_mosaic.version = 14 : i64} {
  func.func @_tc1_body(%arg0: i32, %arg1: memref<1000x1xf32, #tpu.memory_space<vmem>>, %arg2: memref<2x1000x16xf32, #tpu.memory_space<vmem>>, %arg3: memref<2x64xf32, #tpu.memory_space<vmem>>, %arg4: memref<2x64xf32, #tpu.memory_space<vmem>>, %arg5: memref<1x64xf32, #tpu.memory_space<vmem>>, %arg6: memref<64x64xf32, #tpu.memory_space<vmem>>, %arg7: memref<1000x64xf32, #tpu.memory_space<vmem>>, %arg8: memref<1000x64xf32, #tpu.memory_space<vmem>>) attributes {dimension_semantics = [#tpu.dimension_semantics<arbitrary>], iteration_bounds = array<i64: 10>, scalar_prefetch = 0 : i64, scratch_operands = 0 : i64, tpu.core_type = #tpu.core_type<tc>, window_params = [{transform_indices = @transform_0, window_bounds = array<i64: 1000, 1>}, {transform_indices = @transform_1, window_bounds = array<i64: 2, 1000, 16>}, {pipeline_mode = #tpu.pipeline_mode<synchronous>, transform_indices = @transform_2, window_bounds = array<i64: 2, 64>}, {pipeline_mode = #tpu.pipeline_mode<synchronous>, transform_indices = @transform_3, window_bounds = array<i64: 2, 64>}, {pipeline_mode = #tpu.pipeline_mode<synchronous>, transform_indices = @transform_4, window_bounds = array<i64: 1, 64>}, {pipeline_mode = #tpu.pipeline_mode<synchronous>, transform_indices = @transform_5, window_bounds = array<i64: 64, 64>}, {transform_indices = @transform_6, window_bounds = array<i64: 1000, 64>}, {transform_indices = @transform_7, window_bounds = array<i64: 1000, 64>}]} {
    %get3A = arith.constant 0 : index
    %get3A_0 = arith.constant 0 : index
    %get3A_1 = vector.load %arg1[%get3A, %get3A_0] : memref<1000x1xf32, #tpu.memory_space<vmem>>, vector<1000x1xf32>
    %iota3A = tpu.iota {dimensions = array<i32: 0>} : vector<1000x2xi32>
    %iota3A_2 = tpu.iota {dimensions = array<i32: 1>} : vector<1000x2xi32>
    %lt3A = arith.constant 500 : i32
    %lt3A_3 = vector.broadcast %lt3A : i32 to vector<1000x2xi32>
    %lt3A_4 = arith.cmpi slt, %iota3A, %lt3A_3 : vector<1000x2xi32>
    %jit3A = arith.constant 1.000000e+00 : f32
    %jit3A_5 = arith.constant 0.000000e+00 : f32
    %broadcast_in_dim3A = vector.broadcast %jit3A : f32 to vector<1000x2xf32>
    %broadcast_in_dim3A_6 = vector.broadcast %jit3A_5 : f32 to vector<1000x2xf32>
    %select_n3A = arith.select %lt3A_4, %broadcast_in_dim3A, %broadcast_in_dim3A_6 : vector<1000x2xi1>, vector<1000x2xf32>
    %eq3A = arith.constant 0 : i32
    %eq3A_7 = vector.broadcast %eq3A : i32 to vector<1000x2xi32>
    %eq3A_8 = arith.cmpi eq, %iota3A_2, %eq3A_7 : vector<1000x2xi32>
    %broadcast_in_dim3A_9 = vector.shape_cast %get3A_1 : vector<1000x1xf32> to vector<1000x1xf32>
    %broadcast_in_dim3A_10 = vector.broadcast %broadcast_in_dim3A_9 : vector<1000x1xf32> to vector<1000x2xf32>
    %select_n3A_11 = arith.select %eq3A_8, %broadcast_in_dim3A_10, %select_n3A : vector<1000x2xi1>, vector<1000x2xf32>
    %get3A_12 = arith.constant 0 : index
    %get3A_13 = arith.constant 0 : index
    %get3A_14 = arith.constant 0 : index
    %get3A_15 = vector.load %arg2[%get3A_12, %get3A_13, %get3A_14] : memref<2x1000x16xf32, #tpu.memory_space<vmem>>, vector<1x1000x16xf32>
    %get3A_16 = vector.shape_cast %get3A_15 : vector<1x1000x16xf32> to vector<1000x16xf32>
    %get3A_17 = arith.constant 1 : index
    %get3A_18 = arith.constant 0 : index
    %get3A_19 = arith.constant 0 : index
    %get3A_20 = vector.load %arg2[%get3A_17, %get3A_18, %get3A_19] : memref<2x1000x16xf32, #tpu.memory_space<vmem>>, vector<1x1000x16xf32>
    %get3A_21 = vector.shape_cast %get3A_20 : vector<1x1000x16xf32> to vector<1000x16xf32>
    %add3A = arith.addf %get3A_16, %get3A_21 : vector<1000x16xf32>
    %get3A_22 = arith.constant 0 : index
    %get3A_23 = arith.constant 0 : index
    %get3A_24 = vector.load %arg3[%get3A_22, %get3A_23] : memref<2x64xf32, #tpu.memory_space<vmem>>, vector<2x64xf32>
    %dot_general3A = arith.constant dense<0.000000e+00> : vector<1000x64xf32>
    %dot_general3A_25 = tpu.matmul %select_n3A_11, %get3A_24, %dot_general3A {dimension_numbers = #tpu.dot_dimension_numbers<[1], [0], [0], [1], [0, 0, 1, 1], [], []>, transpose_lhs_hint = false} : vector<1000x2xf32>, vector<2x64xf32>, vector<1000x64xf32> -> vector<1000x64xf32>
    %slice3A = vector.extract_strided_slice %add3A {offsets = [0, 0], sizes = [1000, 2], strides = [1, 1]} : vector<1000x16xf32> to vector<1000x2xf32>
    %get3A_26 = arith.constant 0 : index
    %get3A_27 = arith.constant 0 : index
    %get3A_28 = vector.load %arg4[%get3A_26, %get3A_27] : memref<2x64xf32, #tpu.memory_space<vmem>>, vector<2x64xf32>
    %dot_general3A_29 = arith.constant dense<0.000000e+00> : vector<1000x64xf32>
    %dot_general3A_30 = tpu.matmul %slice3A, %get3A_28, %dot_general3A_29 {dimension_numbers = #tpu.dot_dimension_numbers<[1], [0], [0], [1], [0, 0, 1, 1], [], []>, transpose_lhs_hint = false} : vector<1000x2xf32>, vector<2x64xf32>, vector<1000x64xf32> -> vector<1000x64xf32>
    %add3A_31 = arith.addf %dot_general3A_25, %dot_general3A_30 : vector<1000x64xf32>
    %get3A_32 = arith.constant 0 : index
    %get3A_33 = arith.constant 0 : index
    %get3A_34 = vector.load %arg5[%get3A_32, %get3A_33] : memref<1x64xf32, #tpu.memory_space<vmem>>, vector<1x64xf32>
    %add3A_35 = vector.broadcast %get3A_34 : vector<1x64xf32> to vector<1000x64xf32>
    %add3A_36 = arith.addf %add3A_31, %add3A_35 : vector<1000x64xf32>
    %max3A = arith.constant 0.000000e+00 : f32
    %max3A_37 = vector.broadcast %max3A : f32 to vector<1000x64xf32>
    %max3A_38 = arith.maximumf %add3A_36, %max3A_37 : vector<1000x64xf32>
    %swap3A = arith.constant 0 : index
    %swap3A_39 = arith.constant 0 : index
    %swap3A_40 = vector.load %arg7[%swap3A, %swap3A_39] : memref<1000x64xf32, #tpu.memory_space<vmem>>, vector<1000x64xf32>
    tpu.vector_store %arg7[%swap3A, %swap3A_39], %max3A_38 {strides = array<i32>} : memref<1000x64xf32, #tpu.memory_space<vmem>>, vector<1000x64xf32>,
    %get3A_41 = arith.constant 0 : index
    %get3A_42 = arith.constant 0 : index
    %get3A_43 = vector.load %arg6[%get3A_41, %get3A_42] : memref<64x64xf32, #tpu.memory_space<vmem>>, vector<64x64xf32>
    %dot_general3A_44 = arith.constant dense<0.000000e+00> : vector<1000x64xf32>
    %dot_general3A_45 = tpu.matmul %max3A_38, %get3A_43, %dot_general3A_44 {dimension_numbers = #tpu.dot_dimension_numbers<[1], [0], [0], [1], [0, 0, 1, 1], [], []>, transpose_lhs_hint = false} : vector<1000x64xf32>, vector<64x64xf32>, vector<1000x64xf32> -> vector<1000x64xf32>
    %swap3A_46 = arith.constant 0 : index
    %swap3A_47 = arith.constant 0 : index
    %swap3A_48 = vector.load %arg8[%swap3A_46, %swap3A_47] : memref<1000x64xf32, #tpu.memory_space<vmem>>, vector<1000x64xf32>
    tpu.vector_store %arg8[%swap3A_46, %swap3A_47], %dot_general3A_45 {strides = array<i32>} : memref<1000x64xf32, #tpu.memory_space<vmem>>, vector<1000x64xf32>,
    return
  }
  func.func @transform_0(%arg0: i32) -> (i32, i32) {
    %c0_i32 = arith.constant 0 : i32
    %c0_i32_0 = arith.constant 0 : i32
    return %arg0, %c0_i32 : i32, i32
  }
  func.func @transform_1(%arg0: i32) -> (i32, i32, i32) {
    %c0_i32 = arith.constant 0 : i32
    %c0_i32_0 = arith.constant 0 : i32
    %c0_i32_1 = arith.constant 0 : i32
    return %c0_i32, %arg0, %c0_i32_0 : i32, i32, i32
  }
  func.func @transform_2(%arg0: i32) -> (i32, i32) {
    %c0_i32 = arith.constant 0 : i32
    %c0_i32_0 = arith.constant 0 : i32
    %c0_i32_1 = arith.constant 0 : i32
    return %c0_i32, %c0_i32_0 : i32, i32
  }
  func.func @transform_3(%arg0: i32) -> (i32, i32) {
    %c0_i32 = arith.constant 0 : i32
    %c0_i32_0 = arith.constant 0 : i32
    %c0_i32_1 = arith.constant 0 : i32
    return %c0_i32, %c0_i32_0 : i32, i32
  }
  func.func @transform_4(%arg0: i32) -> (i32, i32) {
    %c0_i32 = arith.constant 0 : i32
    %c0_i32_0 = arith.constant 0 : i32
    %c0_i32_1 = arith.constant 0 : i32
    return %c0_i32, %c0_i32_0 : i32, i32
  }
  func.func @transform_5(%arg0: i32) -> (i32, i32) {
    %c0_i32 = arith.constant 0 : i32
    %c0_i32_0 = arith.constant 0 : i32
    %c0_i32_1 = arith.constant 0 : i32
    return %c0_i32, %c0_i32_0 : i32, i32
  }
  func.func @transform_6(%arg0: i32) -> (i32, i32) {
    %c0_i32 = arith.constant 0 : i32
    %c0_i32_0 = arith.constant 0 : i32
    return %arg0, %c0_i32 : i32, i32
  }
  func.func @transform_7(%arg0: i32) -> (i32, i32) {
    %c0_i32 = arith.constant 0 : i32
    %c0_i32_0 = arith.constant 0 : i32
    return %arg0, %c0_i32 : i32, i32
  }
}

module attributes {stable_mosaic.version = 14 : i64} {
  func.func @_tc2_body(%arg0: i32, %arg1: memref<1000x64xf32, #tpu.memory_space<vmem>>, %arg2: memref<2x1000x64xf32, #tpu.memory_space<vmem>>, %arg3: memref<64x64xf32, #tpu.memory_space<vmem>>, %arg4: memref<1x64xf32, #tpu.memory_space<vmem>>, %arg5: memref<64x1xf32, #tpu.memory_space<vmem>>, %arg6: memref<1x1xf32, #tpu.memory_space<vmem>>, %arg7: memref<1000x16xf32, #tpu.memory_space<vmem>>) attributes {dimension_semantics = [#tpu.dimension_semantics<arbitrary>], iteration_bounds = array<i64: 10>, scalar_prefetch = 0 : i64, scratch_operands = 0 : i64, tpu.core_type = #tpu.core_type<tc>, window_params = [{transform_indices = @transform_0, window_bounds = array<i64: 1000, 64>}, {transform_indices = @transform_1, window_bounds = array<i64: 2, 1000, 64>}, {pipeline_mode = #tpu.pipeline_mode<synchronous>, transform_indices = @transform_2, window_bounds = array<i64: 64, 64>}, {pipeline_mode = #tpu.pipeline_mode<synchronous>, transform_indices = @transform_3, window_bounds = array<i64: 1, 64>}, {pipeline_mode = #tpu.pipeline_mode<synchronous>, transform_indices = @transform_4, window_bounds = array<i64: 64, 1>}, {pipeline_mode = #tpu.pipeline_mode<synchronous>, transform_indices = @transform_5, window_bounds = array<i64: 1, 1>}, {transform_indices = @transform_6, window_bounds = array<i64: 1000, 16>}]} {
    %get3A = arith.constant 0 : index
    %get3A_0 = arith.constant 0 : index
    %get3A_1 = arith.constant 0 : index
    %get3A_2 = vector.load %arg2[%get3A, %get3A_0, %get3A_1] : memref<2x1000x64xf32, #tpu.memory_space<vmem>>, vector<1x1000x64xf32>
    %get3A_3 = vector.shape_cast %get3A_2 : vector<1x1000x64xf32> to vector<1000x64xf32>
    %get3A_4 = arith.constant 1 : index
    %get3A_5 = arith.constant 0 : index
    %get3A_6 = arith.constant 0 : index
    %get3A_7 = vector.load %arg2[%get3A_4, %get3A_5, %get3A_6] : memref<2x1000x64xf32, #tpu.memory_space<vmem>>, vector<1x1000x64xf32>
    %get3A_8 = vector.shape_cast %get3A_7 : vector<1x1000x64xf32> to vector<1000x64xf32>
    %add3A = arith.addf %get3A_3, %get3A_8 : vector<1000x64xf32>
    %get3A_9 = arith.constant 0 : index
    %get3A_10 = arith.constant 0 : index
    %get3A_11 = vector.load %arg1[%get3A_9, %get3A_10] : memref<1000x64xf32, #tpu.memory_space<vmem>>, vector<1000x64xf32>
    %get3A_12 = arith.constant 0 : index
    %get3A_13 = arith.constant 0 : index
    %get3A_14 = vector.load %arg3[%get3A_12, %get3A_13] : memref<64x64xf32, #tpu.memory_space<vmem>>, vector<64x64xf32>
    %dot_general3A = arith.constant dense<0.000000e+00> : vector<1000x64xf32>
    %dot_general3A_15 = tpu.matmul %add3A, %get3A_14, %dot_general3A {dimension_numbers = #tpu.dot_dimension_numbers<[1], [0], [0], [1], [0, 0, 1, 1], [], []>, transpose_lhs_hint = false} : vector<1000x64xf32>, vector<64x64xf32>, vector<1000x64xf32> -> vector<1000x64xf32>
    %add3A_16 = arith.addf %get3A_11, %dot_general3A_15 : vector<1000x64xf32>
    %get3A_17 = arith.constant 0 : index
    %get3A_18 = arith.constant 0 : index
    %get3A_19 = vector.load %arg4[%get3A_17, %get3A_18] : memref<1x64xf32, #tpu.memory_space<vmem>>, vector<1x64xf32>
    %add3A_20 = vector.broadcast %get3A_19 : vector<1x64xf32> to vector<1000x64xf32>
    %add3A_21 = arith.addf %add3A_16, %add3A_20 : vector<1000x64xf32>
    %max3A = arith.constant 0.000000e+00 : f32
    %max3A_22 = vector.broadcast %max3A : f32 to vector<1000x64xf32>
    %max3A_23 = arith.maximumf %add3A_21, %max3A_22 : vector<1000x64xf32>
    %get3A_24 = arith.constant 0 : index
    %get3A_25 = arith.constant 0 : index
    %get3A_26 = vector.load %arg5[%get3A_24, %get3A_25] : memref<64x1xf32, #tpu.memory_space<vmem>>, vector<64x1xf32>
    %dot_general3A_27 = arith.constant dense<0.000000e+00> : vector<1000x1xf32>
    %dot_general3A_28 = tpu.matmul %max3A_23, %get3A_26, %dot_general3A_27 {dimension_numbers = #tpu.dot_dimension_numbers<[1], [0], [0], [1], [0, 0, 1, 1], [], []>, transpose_lhs_hint = false} : vector<1000x64xf32>, vector<64x1xf32>, vector<1000x1xf32> -> vector<1000x1xf32>
    %get3A_29 = arith.constant 0 : index
    %get3A_30 = arith.constant 0 : index
    %get3A_31 = vector.load %arg6[%get3A_29, %get3A_30] : memref<1x1xf32, #tpu.memory_space<vmem>>, vector<1x1xf32>
    %add3A_32 = vector.broadcast %get3A_31 : vector<1x1xf32> to vector<1000x1xf32>
    %add3A_33 = arith.addf %dot_general3A_28, %add3A_32 : vector<1000x1xf32>
    %neg3A = arith.constant 0.000000e+00 : f32
    %neg3A_34 = vector.broadcast %neg3A : f32 to vector<1000x1xf32>
    %neg3A_35 = arith.subf %neg3A_34, %add3A_33 : vector<1000x1xf32>
    %exp3A = math.exp %neg3A_35 : vector<1000x1xf32>
    %add3A_36 = arith.constant 1.000000e+00 : f32
    %add3A_37 = vector.broadcast %add3A_36 : f32 to vector<1000x1xf32>
    %add3A_38 = arith.addf %add3A_37, %exp3A : vector<1000x1xf32>
    %div3A = arith.constant 1.000000e+00 : f32
    %div3A_39 = vector.broadcast %div3A : f32 to vector<1000x1xf32>
    %div3A_40 = arith.divf %div3A_39, %add3A_38 : vector<1000x1xf32>
    %mul3A = arith.constant 1.000000e+00 : f32
    %mul3A_41 = vector.broadcast %mul3A : f32 to vector<1000x1xf32>
    %mul3A_42 = arith.mulf %mul3A_41, %div3A_40 : vector<1000x1xf32>
    %broadcast_in_dim3A = vector.shape_cast %mul3A_42 : vector<1000x1xf32> to vector<1000x1xf32>
    %broadcast_in_dim3A_43 = vector.broadcast %broadcast_in_dim3A : vector<1000x1xf32> to vector<1000x16xf32>
    %swap3A = arith.constant 0 : index
    %swap3A_44 = arith.constant 0 : index
    %swap3A_45 = vector.load %arg7[%swap3A, %swap3A_44] : memref<1000x16xf32, #tpu.memory_space<vmem>>, vector<1000x16xf32>
    tpu.vector_store %arg7[%swap3A, %swap3A_44], %broadcast_in_dim3A_43 {strides = array<i32>} : memref<1000x16xf32, #tpu.memory_space<vmem>>, vector<1000x16xf32>,
    return
  }
  func.func @transform_0(%arg0: i32) -> (i32, i32) {
    %c0_i32 = arith.constant 0 : i32
    %c0_i32_0 = arith.constant 0 : i32
    return %arg0, %c0_i32 : i32, i32
  }
  func.func @transform_1(%arg0: i32) -> (i32, i32, i32) {
    %c0_i32 = arith.constant 0 : i32
    %c0_i32_0 = arith.constant 0 : i32
    %c0_i32_1 = arith.constant 0 : i32
    return %c0_i32, %arg0, %c0_i32_0 : i32, i32, i32
  }
  func.func @transform_2(%arg0: i32) -> (i32, i32) {
    %c0_i32 = arith.constant 0 : i32
    %c0_i32_0 = arith.constant 0 : i32
    %c0_i32_1 = arith.constant 0 : i32
    return %c0_i32, %c0_i32_0 : i32, i32
  }
  func.func @transform_3(%arg0: i32) -> (i32, i32) {
    %c0_i32 = arith.constant 0 : i32
    %c0_i32_0 = arith.constant 0 : i32
    %c0_i32_1 = arith.constant 0 : i32
    return %c0_i32, %c0_i32_0 : i32, i32
  }
  func.func @transform_4(%arg0: i32) -> (i32, i32) {
    %c0_i32 = arith.constant 0 : i32
    %c0_i32_0 = arith.constant 0 : i32
    %c0_i32_1 = arith.constant 0 : i32
    return %c0_i32, %c0_i32_0 : i32, i32
  }
  func.func @transform_5(%arg0: i32) -> (i32, i32) {
    %c0_i32 = arith.constant 0 : i32
    %c0_i32_0 = arith.constant 0 : i32
    %c0_i32_1 = arith.constant 0 : i32
    return %c0_i32, %c0_i32_0 : i32, i32
  }
  func.func @transform_6(%arg0: i32) -> (i32, i32) {
    %c0_i32 = arith.constant 0 : i32
    %c0_i32_0 = arith.constant 0 : i32
    return %arg0, %c0_i32 : i32, i32
  }
}

</mosaic_0001>

<sc_bundles>
// kernel: kernel.10.cloned.1.call-start
scs
__scs_entry_jumppad:
0x0: {  	(pc) =	sbr.rel $0x88, $3  }
0x1: {  	(tag) =	ssettag $0x0;
	lr =	simm.s32 $0x1  }
0x2: {  	[smem:$0x3F95] =	sst lr;
	_ =	strace $0xD0000000  }
0x3: {  	_ = 	snop  }
0x4: {  	_ = 	snop  }
0x5: {  	_ = 	snop  }
0x6: {  	_ = 	snop  }
0x7: {  	_ = 	snop  }
__scs_overlays_trampoline_lowered:
0x8: {  	[smem:$0x3FA4] =	sst s0  }
0x9: {  	[smem:$0x3FA5] =	sst s1  }
0xa: {  	[smem:$0x3FA6] =	sst s2  }
0xb: {  	[smem:$0x3FA7] =	sst s3  }
0xc: {  	[smem:$0x3FA8] =	sst s4  }
0xd: {  	[smem:$0x3FA9] =	sst s5  }
0xe: {  	[smem:$0x3FAA] =	sst s6  }
0xf: {  	[smem:$0x3FAB] =	sst s7  }
0x10: {  	[smem:$0x3FAC] =	sst s8  }
0x11: {  	[smem:$0x3FAD] =	sst s9;
	s0 =	simm.s32 @!p0 $0x0  }
0x12: {  	s1 =	sld [smem:$0x3F93];
	s0 =	simm.s32 @p0 $0x1  }
0x13: {  	[smem:$0x3FAE] =	sst s0;
	s0 =	simm.s32 @!p1 $0x0  }
0x14: {  	s2 =	sld [smem:$0x3F92];
	s0 =	simm.s32 @p1 $0x1  }
0x15: {  	[smem:$0x3FAF] =	sst s0;
	s0 =	simm.s32 @!p2 $0x0  }
0x16: {  	s3 =	sld [smem:$0x3FDB];
	s0 =	simm.s32 @p2 $0x1  }
0x17: {  	s4 =	simm.s32 $0x1BF5;
	[smem:$0x3FB1] =	sst s0  }
0x18: {  	s0 =	sld [smem:$0x3F94];
	_ =	swait.ge [sflag:s4], $0x0  }
0x19: {  	s7 =	sld [smem:$0x3F95]  }
0x1a: {  	s8 =	sadd.s32 $0xFFFFE003, lr  }
0x1b: {  	s9 =	sadd.s32 $0xFFFFFEF7, lr;
	s5 =	simm.s32 $0xFFFFFFFF;
	p2 =	slt.u32 s8, $0xFFFFF086  }
0x1c: {  	p1 =	slt.u32 s9, $0xF7A;
	s5 =	simm.s32 @!p2 $0x0  }
0x1d: {  	s5 =	simm.s32 @p1 $0x1;
	p0 =	seq.s32 s7, s2  }
0x1e: {  	s7 =	smul.u32 @!p0 $0xF7A, s2;
	p2 =	seq.s32 @!p0 s5, $0x0  }
0x1f: {  	s9 =	smul.u32 $0xF7A, s1;
	s8 =	simm.s32 @!p0 $0x1BF5;
	p2 =	por !p2, p0  }
0x20: {  	[sflag:s8] =	ssyncset.s32 @!p0 $0xFFFFF086;
	s6 =	sadd.s32 @!p0 s3, s7;
	s7 =	simm.s32 @!p0 $0x108  }
0x21: {  	s3 =	sadd.s32 s3, s9;
	s6 =	sadd.s32 @!p0 $0x88, s6;
	s7 =	simm.s32 @p2 $0x1082  }
0x22: {  	[simem:s7], [sflag:s8] =	dma.local @!p0 [hbm:s6], $0xF7A  }
0x23: {  	s9 =	sor.u32 $0xD0000000, s2;
	s6 =	simm.s32 $0x108;
	_ =	swait.ge @!p0 [sflag:s8], $0x0  }
0x24: {  	s3 =	sadd.s32 $0x88, s3;
	s6 =	simm.s32 @!p1 $0x1082;
	[sflag:s4] =	ssyncset.s32 $0xFFFFF086  }
0x25: {  	[simem:s6], [sflag:s4] =	dma.local [hbm:s3], $0xF7A  }
0x26: {  	[smem:$0x3F95] =	sst s1;
	(tag) =	ssettag s2;
	_ =	strace s9  }
0x27: {  	s1 =	sld [smem:$0x3FA5]  }
0x28: {  	s2 =	sld [smem:$0x3FA6]  }
0x29: {  	s4 =	sld [smem:$0x3FA8]  }
0x2a: {  	p0 =	seq.s32 s5, $0x0;
	s5 =	sld [smem:$0x3FA9]  }
0x2b: {  	s6 =	sld [smem:$0x3FAA]  }
0x2c: {  	s7 =	sld [smem:$0x3FAB]  }
0x2d: {  	s3 =	simm.s32 $0x108;
	s8 =	sld [smem:$0x3FAC]  }
0x2e: {  	s3 =	simm.s32 @!p0 $0x1082;
	s9 =	sld [smem:$0x3FAD]  }
0x2f: {  	lr =	sadd.s32 s0, s3;
	s0 =	sld [smem:$0x3FA4]  }
0x30: {  	s3 =	sld [smem:$0x3FA7]  }
0x31: {  	[smem:$0x3FB0] =	sst s10  }
0x32: {  	s10 =	sld [smem:$0x3FAE];
	_ =	sdelay $0x3  }
0x33: {  	p0 =	seq.s32 s10, $0x1;
	s10 =	sld [smem:$0x3FB0];
	_ =	sdelay $0x3  }
0x34: {  	[smem:$0x3FB0] =	sst s10  }
0x35: {  	s10 =	sld [smem:$0x3FAF];
	_ =	sdelay $0x3  }
0x36: {  	p1 =	seq.s32 s10, $0x1;
	s10 =	sld [smem:$0x3FB0];
	_ =	sdelay $0x3  }
0x37: {  	[smem:$0x3FB0] =	sst s10  }
0x38: {  	s10 =	sld [smem:$0x3FB1]  }
0x39: {  	_ = 	snop;
	(pc) =	sbr.ind lr, $3  }
0x3a: {  	_ = 	snop  }
0x3b: {  	_ = 	snop  }
0x3c: {  	p2 =	seq.s32 s10, $0x1;
	s10 =	sld [smem:$0x3FB0]  }
0x3d: {  	_ =	shalt  }
0x3e: {  	_ =	shalt  }
0x3f: {  	_ =	shalt  }
0x40: {  	_ =	shalt  }
0x41: {  	_ =	shalt  }
0x42: {  	_ =	shalt  }
0x43: {  	_ =	shalt  }
0x44: {  	_ =	shalt  }
0x45: {  	_ =	shalt  }
0x46: {  	_ =	shalt  }
0x47: {  	_ =	shalt  }
0x48: {  	_ =	shalt  }
0x49: {  	_ =	shalt  }
0x4a: {  	_ =	shalt  }
0x4b: {  	_ =	shalt  }
0x4c: {  	_ =	shalt  }
0x4d: {  	_ =	shalt  }
0x4e: {  	_ =	shalt  }
0x4f: {  	_ =	shalt  }
0x50: {  	_ =	shalt  }
0x51: {  	_ =	shalt  }
0x52: {  	_ =	shalt  }
0x53: {  	_ =	shalt  }
0x54: {  	_ =	shalt  }
0x55: {  	_ =	shalt  }
0x56: {  	_ =	shalt  }
0x57: {  	_ =	shalt  }
0x58: {  	_ =	shalt  }
0x59: {  	_ =	shalt  }
0x5a: {  	_ =	shalt  }
0x5b: {  	_ =	shalt  }
0x5c: {  	_ =	shalt  }
0x5d: {  	_ =	shalt  }
0x5e: {  	_ =	shalt  }
0x5f: {  	_ =	shalt  }
0x60: {  	_ =	shalt  }
0x61: {  	_ =	shalt  }
0x62: {  	_ =	shalt  }
0x63: {  	_ =	shalt  }
0x64: {  	_ =	shalt  }
0x65: {  	_ =	shalt  }
0x66: {  	_ =	shalt  }
0x67: {  	_ =	shalt  }
0x68: {  	_ =	shalt  }
0x69: {  	_ =	shalt  }
0x6a: {  	_ =	shalt  }
0x6b: {  	_ =	shalt  }
0x6c: {  	_ =	shalt  }
0x6d: {  	_ =	shalt  }
0x6e: {  	_ =	shalt  }
0x6f: {  	_ =	shalt  }
0x70: {  	_ =	shalt  }
0x71: {  	_ =	shalt  }
0x72: {  	_ =	shalt  }
0x73: {  	_ =	shalt  }
0x74: {  	_ =	shalt  }
0x75: {  	_ =	shalt  }
0x76: {  	_ =	shalt  }
0x77: {  	_ =	shalt  }
0x78: {  	_ =	shalt  }
0x79: {  	_ =	shalt  }
0x7a: {  	_ =	shalt  }
0x7b: {  	_ =	shalt  }
0x7c: {  	_ =	shalt  }
0x7d: {  	_ =	shalt  }
0x7e: {  	_ =	shalt  }
0x7f: {  	_ =	shalt  }
0x80: {  	_ =	shalt  }
0x81: {  	_ =	shalt  }
0x82: {  	_ =	shalt  }
0x83: {  	_ =	shalt  }
0x84: {  	_ =	shalt  }
0x85: {  	_ =	shalt  }
0x86: {  	_ =	shalt  }
0x87: {  	_ =	shalt  }
.Lfunc_end0:
.L_simem_size_0:
called_computation.1_lowered:
.L_overlay_start_0:
0x88: {  	s2 =	sld [smem:$0x3FD9]  }
0x89: {  	s3 =	sld [smem:$0x3FFE];
	_ =	sdelay $0x1  }
0x8a: {  	s1 =	srdreg.scid  }
0x8b: {  	s0 =	sand.u32 $0x1, s1  }
0x8c: {  	s16 =	sshll.u32 s0, $0xA;
	s2 =	sadd.s32 s3, s2  }
0x8d: {  	s2 =	sadd.s32 s2, s16  }
0x8e: {  	[smem:$0x3FBC] =	sst s2  }
0x8f: {  	_ = 	snop  }
0x90: {  	(tm) =	ssettm $0x1  }
0x91: {  	s17 =	sld [smem:$0x3FFB];
	_ =	sdelay $0x3  }
0x92: {  	_ =	strace s17  }
0x93: {  	s2 =	sld [smem:$0x3FFC];
	_ =	sdelay $0x3  }
0x94: {  	_ =	strace s2  }
0x95: {  	s2 =	sld [smem:$0x3FFD];
	_ =	sdelay $0x3  }
0x96: {  	_ =	strace s2  }
0x97: {  	_ =	strace $0x8FFFFFFF  }
0x98: {  	s18 =	sld [smem:$0x3FDB];
	_ =	sdelay $0x1  }
0x99: {  	s19 =	simm.s32 $_scs_section_size  }
0x9a: {  	s4 =	simm.s32 $_size__tile_overlayer_lowered;
	s5 =	simm.s32 $_tile_overlayer_lowered  }
0x9b: {  	s22 =	simm.s32 $0x1BFF;
	s21 =	sshll.u32 s5, $0x1;
	s2 =	sadd.s32 s19, s18  }
0x9c: {  	s6 =	simm.s32 $0x0;
	s20 =	sshll.u32 s4, $0x1;
	s4 =	sadd.s32 s21, s2  }
0x9d: {  	[timem:s6], [sflag:s22] =	dma.local [hbm:s4], s20  }
0x9e: {  	_ =	swait.ge [sflag:s22], s20  }
0x9f: {  	s3 =	ssub.s32 $0x0, s20;
	[sflag:s22] =	ssyncset.done $0x0  }
0xa0: {  	[sflag:s22] =	ssyncadd.s32 s3;
	_ =	sdelay $0x1  }
0xa1: {  	s23 =	simm.s32 $0x1B8B  }
0xa2: {  	_ =	swait.ge [sflag:s23], $0x1  }
0xa3: {  	[sflag:s23] =	ssyncset.done $0x0  }
0xa4: {  	s25 =	simm.s32 $0x1B8E;
	s24 =	sld [smem:$0x3FFE];
	[sflag:s23] =	ssyncadd.s32 $0xFFFFFFFF  }
0xa5: {  	s26 =	simm.s32 $execute0_lowered;
	[smem:$0x3FD2] =	sst s25  }
0xa6: {  	s4 =	sshll.u32 s26, $0x1;
	_ =	strace $0x80000049;
	[dreg:$0x1] =	wrdreg $0xFFFFFFFF  }
0xa7: {  	s28 =	simm.s32 $_size_execute0_lowered;
	s2 =	sadd.s32 s2, s4;
	[dreg:$0x0] =	wrdreg $0x0  }
0xa8: {  	s4 =	sshll.u32 s28, $0x1;
	[dreg:$0x2] =	wrdreg s2  }
0xa9: {  	[dreg:$0x3] =	wrdreg s4  }
0xaa: {  	[dreg:$0x4] =	wrdreg $0xC0  }
0xab: {  	_ =	task [dreg:s6], $0x5FFFF  }
0xac: {  	[dreg:$0x1] =	wrdreg $0xFFFFFFFF  }
0xad: {  	[dreg:$0x0] =	wrdreg $0x60  }
0xae: {  	[dreg:$0x2] =	wrdreg s24  }
0xaf: {  	[dreg:$0x3] =	wrdreg $0x12D800  }
0xb0: {  	[dreg:$0x4] =	wrdreg $0x9  }
0xb1: {  	_ =	task.clear_ibuf [dreg:s6], $0x5FFFF;
	_ =	strace $0x90000049  }
0xb2: {  	s29 =	simm.s32 $0x9;
	_ =	strace $0x8000004B  }
0xb3: {  	_ =	swait.ge [sflag:s29], $0x1  }
0xb4: {  	[sflag:s29] =	ssyncadd.s32 $0xFFFFFFFF  }
0xb5: {  	_ =	strace $0x9000004B  }
0xb6: {  	_ =	sfence  }
0xb7: {  	s30 =	sld [smem:$0x0];
	_ =	sdelay $0x2  }
0xb8: {  	s31 =	sshll.u32 s1, $0xD;
	s1 =	sshrl.u32 s1, $0x2  }
0xb9: {  	s3 =	sand.u32 $0x4000, s31;
	s1 =	sadd.s32 s1, s30  }
0xba: {  	s0 =	sor.u32 s3, s0;
	s1 =	sshll.u32 s1, $0x11  }
0xbb: {  	s0 =	sor.u32 s1, s0  }
0xbc: {  	s0 =	sadd.s32 $0x8F2B, s0  }
0xbd: {  	[sflag:s0] =	ssyncadd.remote.s32 $0x1  }
0xbe: {  	_ =	sfence.sel $0xFFFF  }
0xbf: {  	[dreg:$0x0] =	wrdreg $0xFFFFFFFF;
	(pc) =	sbr.abs _section_cstart, $3  }
0xc0: {  	[dreg:$0x1] =	wrdreg $0xFFFFFFFF  }
0xc1: {  	_ =	task.clear_ibuf [dreg:s6], $0x2FFFF;
	_ =	strace $0x9FFFFFFF  }
0xc2: {  	(tm) =	ssettm $0x7FFFFFFF  }
0xc3: {  	_ =	shalt  }
tec
execute0_lowered:
.L_overlay_start_1:
0x0: {  	(tag) =	ssettag $0x1  }
0x1: {  	s0 =	rddreg [dreg:$0x0]  }
0x2: {  	s2 =	rddreg [dreg:$0x1];
	s4 =	srdreg.scid  }
0x3: {  	s1 =	stileid.u32;
	s3 =	simm.s32 $0x0;
	s17 =	simm.s32 $0xD80  }
0x4: {  	s18 =	simm.s32 $0x4;
	s21 =	simm.s32 $0x1;
	s22 =	simm.s32 $0x80  }
0x5: {  	s28 =	simm.s32 $0x3;
	s29 =	simm.s32 $0x0;
	s8 =	sand.u32 $0x1, s4  }
0x6: {  	s9 =	smul.u32 $0xA000, s1;
	[smem:$0x7FF] =	sst s3;
	s4 =	sadd.s32 $0x20000, s0  }
0x7: {  	s5 =	sadd.s32 $0xBC00, s0;
	s11 =	smul.u32 $0x28000, s1;
	s12 =	sshll.u32 s1, $0x1  }
0x8: {  	s6 =	sadd.s32 $0x1A00, s0;
	s7 =	smul.u32 $0xA0000, s8;
	s14 =	sor.u32 s8, s12  }
0x9: {  	_ =	strace $0x8000004A;
	s26 =	ssub.s32 $0x2, s8;
	s15 =	smul.u32 $0x510, s14  }
0xa: {  	s13 =	sshrl.u32 s26, $0x1;
	s30 =	sshrl.u32 s11, $0x2;
	s8 =	smul.u32 $0x51, s14  }
0xb: {  	s10 =	sadd.s32 s9, s7;
	s7 =	sadd.s32 $0x15E00, s0;
	s16 =	ssub.s32 s26, s13  }
0xc: {  	s31 =	sadd.s32 s30, s2;
	s9 =	sadd.s32 s9, s2;
	s13 =	smul.u32 $0x1B, s14  }
0xd: {  	s26 =	simm.s32 $0x2;
	s10 =	sshrl.u32 s10, $0x3;
	s11 =	sadd.s32 s5, s15  }
0xe: {  	s12 =	sadd.s32 s6, s15;
	s14 =	sadd.s32 s7, s15;
	s0 =	sadd.s32 s10, s0  }
0xf: {  	v0 =	vimm.f32 $0.0e+00;
	s16 =	smax.u32 s16, $0x1;
	s10 =	sadd.s32 $0x6000, s31;
	s15 =	sadd.s32 $0x33A00, s0  }
.LBB2_1:
0x10: {  	s19 =	simm.s32 $0x100;
	s0 =	simm.s32 $0x0  }
.LBB2_2:
0x11: {  	p0 =	sne.s32 s19, $0x17F00;
	[tilespmem:s0+$0xDB0] =	vst v0;
	s20 =	smov.u32 s19;
	s19 =	sadd.s32 $0x100, s19  }
.Ltmp0:
0x12: {  	[tilespmem:s0+$0xDA0] =	vst v0;
	(pc) =	sbr.rel @p0 .LBB2_2-.Ltmp0, $3  }
0x13: {  	[tilespmem:s0+$0xD80] =	vst v0  }
0x14: {  	[tilespmem:s0+$0xD90] =	vst v0;
	_ =	sdelay $0x1  }
0x15: {  	s0 =	sshra.s32 s20, $0x2  }
0x16: {  	[tilespmem:s0+$0xDB0] =	vst v0  }
0x17: {  	[tilespmem:s0+$0xDA0] =	vst v0  }
0x18: {  	[tilespmem:s0+$0xD80] =	vst v0  }
0x19: {  	[tilespmem:s0+$0xD90] =	vst v0  }
0x1a: {  	[spmem:s9] =	stream.linear.scatter [tilespmem:s17], [sflag:$0x4], $0x6000, $0x38;
	[tilespmem:$0x1CD80] =	vst v63  }
0x1b: {  	_ =	swait.ge [sflag:s18], $0x6000  }
0x1c: {  	[sflag:s18] =	ssyncset.done $0x0  }
0x1d: {  	[sflag:s18] =	ssyncadd.s32 $0xFFFFA000  }
0x1e: {  	[spmem:s10] =	stream.linear.scatter [tilespmem:s17], [sflag:$0x4], $0x4000, $0x38;
	[tilespmem:$0x1CD80] =	vst v63  }
0x1f: {  	_ =	swait.ge [sflag:s18], $0x4000  }
0x20: {  	[sflag:s18] =	ssyncset.done $0x0  }
0x21: {  	[sflag:s18] =	ssyncadd.s32 $0xFFFFC000  }
0x22: {  	s0 =	simm.s32 $0x0;
	[bflag:$0x0] =	sbarrier.arrive $0xFFFF  }
0x23: {  	[tilespmem:s0], [sflag:$0x1] =	stream.linear.gather [hbm4b:s11+s0], $0x180, $0x38;
	[tilespmem:$0x1CD80] =	vst v63  }
0x24: {  	s19 =	simm.s32 $0x480  }
0x25: {  	[tilespmem:s19], [sflag:$0x1] =	stream.linear.gather [hbm4b:s12+s0], $0x180, $0x38;
	[tilespmem:$0x1CD80] =	vst v63  }
0x26: {  	s25 =	simm.s32 $0x900  }
0x27: {  	[tilespmem:s25], [sflag:$0x1] =	stream.linear.gather [hbm4b:s14+s0], $0x180, $0x38;
	[tilespmem:$0x1CD80] =	vst v63  }
0x28: {  	_ =	swait.ge [sflag:s21], $0x180  }
0x29: {  	[sflag:s21] =	ssyncset.done $0x0  }
0x2a: {  	[sflag:s21] =	ssyncadd.s32 $0xFFFFFE80  }
0x2b: {  	_ =	swait.ge [sflag:s21], $0x180  }
0x2c: {  	[sflag:s21] =	ssyncset.done $0x0  }
0x2d: {  	[sflag:s21] =	ssyncadd.s32 $0xFFFFFE80  }
0x2e: {  	_ =	swait.ge [sflag:s21], $0x180  }
0x2f: {  	[sflag:s21] =	ssyncset.done $0x0  }
0x30: {  	[sflag:s21] =	ssyncadd.s32 $0xFFFFFE80  }
0x31: {  	[tilespmem:s17], [sflag:$0x2] =	stream.indirect.gather [hbm4b:s4+s22], $0x40, s0, s22, $0xb8;
	[tilespmem:$0x1CD80] =	vst v63  }
0x32: {  	s30 =	simm.s32 $0x2D80  }
0x33: {  	[tilespmem:s30], [sflag:$0x2] =	stream.indirect.gather [hbm4b:s4+s22], $0x40, s22, s22, $0xb8;
	[tilespmem:$0x1CD80] =	vst v63  }
0x34: {  	s31 =	simm.s32 $0x100;
	s20 =	simm.s32 $0x4D80  }
0x35: {  	[tilespmem:s20], [sflag:$0x2] =	stream.indirect.gather [hbm4b:s4+s22], $0x40, s31, s22, $0xb8;
	[tilespmem:$0x1CD80] =	vst v63  }
.LBB2_4:
0x36: {  	p0 =	slt.u32 s0, $0x2  }
0x37: {  	s19 =	simm.s32 @!p0 $0x3  }
0x38: {  	_ =	swait.ge @!p0 [sflag:s19], $0x2000  }
0x39: {  	[sflag:s19] =	ssyncset.done @!p0 $0x0  }
0x3a: {  	p1 =	seq.s32 @!p0 s0, $0x1A;
	[sflag:s19] =	ssyncadd.s32 @!p0 $0xFFFFE000  }
0x3b: {  	p1 =	por p0, !p1;
	_ =	swait.ge @!p0 [sflag:s19], $0x2000  }
.Ltmp1:
0x3c: {  	[sflag:s19] =	ssyncset.done @!p0 $0x0;
	(pc) =	sbr.rel @p1 .LBB2_6-.Ltmp1, $4  }
0x3d: {  	[sflag:s19] =	ssyncadd.s32 @!p0 $0xFFFFE000  }
0x3e: {  	_ =	swait.ge @!p0 [sflag:s19], $0x2000  }
0x3f: {  	[sflag:s19] =	ssyncset.done @!p0 $0x0  }
0x40: {  	[sflag:s19] =	ssyncadd.s32 @!p0 $0xFFFFE000  }
.Ltmp2:
0x41: {  	(pc) =	sbr.rel .LBB2_7-.Ltmp2, $2  }
0x42: {  	_ =	sdelay $0x2  }
0x43: {  	s30 =	simm.s32 @!p0 $0x1B;
	p0 =	por @!p0 $0x1, $0x1  }
.LBB2_6:
0x44: {  	s30 =	sadd.s32 $0x1, s0  }
0x45: {  	s19 =	smul.u32 $0xAB, s30;
	_ =	sdelay $0x1  }
0x46: {  	s19 =	sshrl.u32 s19, $0x9  }
0x47: {  	s20 =	smul.u32 $0x3, s30;
	s19 =	sand.u32 $0x7F, s19  }
0x48: {  	s19 =	smul.u32 $0x3, s19;
	_ =	sdelay $0x1  }
0x49: {  	s20 =	sadd.s32 s8, s20;
	s19 =	ssub.s32 s30, s19  }
0x4a: {  	s20 =	sshll.u32 s20, $0x4;
	s19 =	sand.u32 $0xFF, s19  }
0x4b: {  	s20 =	sand.u32 $0x1FFFFFF0, s20;
	s19 =	smul.u32 $0x180, s19  }
0x4c: {  	s25 =	sadd.s32 s13, s30;
	s23 =	sadd.s32 s5, s20  }
0x4d: {  	[tilespmem:s19], [sflag:$0x1] =	stream.linear.gather [hbm4b:s23+s3], $0x180, $0x38;
	[tilespmem:$0x1CD80] =	vst v63  }
0x4e: {  	s20 =	sadd.s32 s6, s20;
	s24 =	sadd.s32 $0x480, s19;
	s23 =	smul.u32 $0x30, s25  }
0x4f: {  	[tilespmem:s24], [sflag:$0x1] =	stream.linear.gather [hbm4b:s20+s3], $0x180, $0x38;
	[tilespmem:$0x1CD80] =	vst v63  }
0x50: {  	p0 =	por $0x0, $0x0;
	s19 =	sadd.s32 $0x900, s19;
	s31 =	sadd.s32 s7, s23  }
0x51: {  	[tilespmem:s19], [sflag:$0x1] =	stream.linear.gather [hbm4b:s31+s3], $0x180, $0x38;
	[tilespmem:$0x1CD80] =	vst v63  }
.LBB2_7:
0x52: {  	_ =	swait.ge [sflag:s26], $0x2000  }
0x53: {  	[sflag:s26] =	ssyncset.done $0x0  }
0x54: {  	[sflag:s26] =	ssyncadd.s32 $0xFFFFE000  }
0x55: {  	_ =	swait.ge [sflag:s26], $0x2000  }
0x56: {  	[sflag:s26] =	ssyncset.done $0x0  }
0x57: {  	[sflag:s26] =	ssyncadd.s32 $0xFFFFE000  }
0x58: {  	_ =	swait.ge [sflag:s26], $0x2000  }
0x59: {  	s19 =	smul.u32 @!p0 $0xAB, s30;
	[sflag:s26] =	ssyncset.done $0x0  }
0x5a: {  	s20 =	simm.s32 @!p0 $0x1;
	[sflag:s26] =	ssyncadd.s32 $0xFFFFE000  }
0x5b: {  	s23 =	sand.u32 $0xFF, s0;
	s19 =	sshrl.u32 @!p0 s19, $0x9;
	_ =	swait.ge @!p0 [sflag:s20], $0x180  }
0x5c: {  	s23 =	smul.u32 $0xAB, s23;
	s19 =	sand.u32 @!p0 $0x7F, s19;
	[sflag:s20] =	ssyncset.done @!p0 $0x0  }
0x5d: {  	s19 =	smul.u32 @!p0 $0x3, s19;
	[sflag:s20] =	ssyncadd.s32 @!p0 $0xFFFFFE80  }
0x5e: {  	_ =	swait.ge @!p0 [sflag:s20], $0x180  }
0x5f: {  	s23 =	sshrl.u32 s23, $0x9;
	s19 =	ssub.s32 @!p0 s30, s19;
	[sflag:s20] =	ssyncset.done @!p0 $0x0  }
0x60: {  	s23 =	smul.u32 $0x3, s23;
	s19 =	sand.u32 @!p0 $0xFF, s19;
	[sflag:s20] =	ssyncadd.s32 @!p0 $0xFFFFFE80  }
0x61: {  	s24 =	smul.u32 @!p0 $0x18000, s19;
	_ =	swait.ge @!p0 [sflag:s20], $0x180  }
0x62: {  	s25 =	ssub.s32 s0, s23;
	s19 =	smul.u32 @!p0 $0x600, s19;
	[sflag:s20] =	ssyncset.done @!p0 $0x0  }
0x63: {  	s0 =	sand.u32 $0xFF, s25;
	[sflag:s20] =	ssyncadd.s32 @!p0 $0xFFFFFE80;
	s20 =	sshrl.u32 @!p0 s24, $0x2  }
0x64: {  	s19 =	sshrl.u32 @!p0 s19, $0x2;
	s24 =	simm.s32 @!p0 $0x80;
	s23 =	sor.u32 @!p0 $0xD80, s20  }
0x65: {  	[tilespmem:s23], [sflag:$0x2] =	stream.indirect.gather @!p0 [hbm4b:s4+s24], $0x40, s19, s24, $0xb8;
	[tilespmem:$0x1CD80] =	vst v63  }
0x66: {  	s23 =	smul.u32 $0x18000, s0  }
0x67: {  	s25 =	sadd.s32 @!p0 $0x80, s19;
	s31 =	sadd.s32 @!p0 $0x2D80, s20;
	s0 =	smul.u32 $0x600, s0  }
0x68: {  	[tilespmem:s31], [sflag:$0x2] =	stream.indirect.gather @!p0 [hbm4b:s4+s24], $0x40, s25, s24, $0xb8;
	[tilespmem:$0x1CD80] =	vst v63  }
0x69: {  	s31 =	sshrl.u32 s0, $0x2  }
0x6a: {  	s25 =	sadd.s32 $0x900, s31  }
0x6b: {  	s20 =	sadd.s32 @!p0 $0x4D80, s20;
	s19 =	sadd.s32 @!p0 $0x100, s19;
	s23 =	sshrl.u32 s23, $0x2;
	v1 =	vmov s25  }
0x6c: {  	[tilespmem:s20], [sflag:$0x2] =	stream.indirect.gather @!p0 [hbm4b:s4+s24], $0x40, s19, s24, $0xb8;
	[tilespmem:$0x1CD80] =	vst v63  }
0x6d: {  	s0 =	sadd.s32 $0x2D80, s23;
	s20 =	sor.u32 $0xD80, s23  }
0x6e: {  	s19 =	sadd.s32 $0x4D80, s23;
	s23 =	sadd.s32 $0xF80, s23;
	s24 =	simm.s32 $0x0  }
.LBB2_8:
0x6f: {  	s25 =	sshra.s32 s24, $0x2  }
0x70: {  	v2 =	vld.idx.msk [tilespmem:v1+s25+$0x0 ss:$0x1], $0xffff;
	_ =	sdelay $0x1  }
0x71: {  	v3 =	vld [tilespmem:s23+$0xFFFFFE00];
	_ =	sdelay $0x2  }
0x72: {  	v4 =	vbroadcast v2, $0x0;
	_ =	sdelay $0x1  }
0x73: {  	v3 =	vmul.f32 v4, v3;
	_ =	sdelay $0x1  }
0x74: {  	[tilespmem:s23+$0xFFFFFE00] =	vst v3;
	v3 =	vld [tilespmem:s23+$0xFFFFFE10];
	_ =	sdelay $0x4  }
0x75: {  	v3 =	vmul.f32 v3, v4;
	_ =	sdelay $0x1  }
0x76: {  	[tilespmem:s23+$0xFFFFFE10] =	vst v3;
	v3 =	vld [tilespmem:s23+$0xFFFFFE20];
	_ =	sdelay $0x4  }
0x77: {  	v3 =	vmul.f32 v3, v4;
	_ =	sdelay $0x1  }
0x78: {  	[tilespmem:s23+$0xFFFFFE20] =	vst v3;
	v3 =	vld [tilespmem:s23+$0xFFFFFE30];
	_ =	sdelay $0x4  }
0x79: {  	v3 =	vmul.f32 v3, v4;
	_ =	sdelay $0x1  }
0x7a: {  	[tilespmem:s23+$0xFFFFFE30] =	vst v3;
	v3 =	vld [tilespmem:s23+$0xFFFFFE40];
	_ =	sdelay $0x2  }
0x7b: {  	v50 =	vbroadcast v2, $0x1;
	_ =	sdelay $0x1  }
0x7c: {  	v3 =	vmul.f32 v3, v50;
	_ =	sdelay $0x1  }
0x7d: {  	[tilespmem:s23+$0xFFFFFE40] =	vst v3;
	v3 =	vld [tilespmem:s23+$0xFFFFFE50];
	_ =	sdelay $0x4  }
0x7e: {  	v3 =	vmul.f32 v3, v50;
	_ =	sdelay $0x1  }
0x7f: {  	[tilespmem:s23+$0xFFFFFE50] =	vst v3;
	v3 =	vld [tilespmem:s23+$0xFFFFFE60];
	_ =	sdelay $0x4  }
0x80: {  	v3 =	vmul.f32 v3, v50;
	_ =	sdelay $0x1  }
0x81: {  	[tilespmem:s23+$0xFFFFFE60] =	vst v3;
	v3 =	vld [tilespmem:s23+$0xFFFFFE70];
	_ =	sdelay $0x4  }
0x82: {  	v3 =	vmul.f32 v3, v50;
	_ =	sdelay $0x1  }
0x83: {  	[tilespmem:s23+$0xFFFFFE70] =	vst v3;
	v3 =	vld [tilespmem:s23+$0xFFFFFE80];
	_ =	sdelay $0x2  }
0x84: {  	v51 =	vbroadcast v2, $0x2;
	_ =	sdelay $0x1  }
0x85: {  	v3 =	vmul.f32 v3, v51;
	_ =	sdelay $0x1  }
0x86: {  	[tilespmem:s23+$0xFFFFFE80] =	vst v3;
	v3 =	vld [tilespmem:s23+$0xFFFFFE90];
	_ =	sdelay $0x4  }
0x87: {  	v3 =	vmul.f32 v3, v51;
	_ =	sdelay $0x1  }
0x88: {  	[tilespmem:s23+$0xFFFFFE90] =	vst v3;
	v3 =	vld [tilespmem:s23+$0xFFFFFEA0];
	_ =	sdelay $0x4  }
0x89: {  	v3 =	vmul.f32 v3, v51;
	_ =	sdelay $0x1  }
0x8a: {  	[tilespmem:s23+$0xFFFFFEA0] =	vst v3;
	v3 =	vld [tilespmem:s23+$0xFFFFFEB0];
	_ =	sdelay $0x4  }
0x8b: {  	v3 =	vmul.f32 v3, v51;
	_ =	sdelay $0x1  }
0x8c: {  	[tilespmem:s23+$0xFFFFFEB0] =	vst v3;
	v3 =	vld [tilespmem:s23+$0xFFFFFEC0];
	_ =	sdelay $0x2  }
0x8d: {  	v52 =	vbroadcast v2, $0x3;
	_ =	sdelay $0x1  }
0x8e: {  	v3 =	vmul.f32 v3, v52;
	_ =	sdelay $0x1  }
0x8f: {  	[tilespmem:s23+$0xFFFFFEC0] =	vst v3;
	v3 =	vld [tilespmem:s23+$0xFFFFFED0];
	_ =	sdelay $0x4  }
0x90: {  	v3 =	vmul.f32 v3, v52;
	_ =	sdelay $0x1  }
0x91: {  	[tilespmem:s23+$0xFFFFFED0] =	vst v3;
	v3 =	vld [tilespmem:s23+$0xFFFFFEE0];
	_ =	sdelay $0x4  }
0x92: {  	v3 =	vmul.f32 v3, v52;
	_ =	sdelay $0x1  }
0x93: {  	[tilespmem:s23+$0xFFFFFEE0] =	vst v3;
	v3 =	vld [tilespmem:s23+$0xFFFFFEF0];
	_ =	sdelay $0x4  }
0x94: {  	v3 =	vmul.f32 v3, v52;
	_ =	sdelay $0x1  }
0x95: {  	[tilespmem:s23+$0xFFFFFEF0] =	vst v3;
	v3 =	vld [tilespmem:s23+$0xFFFFFF00];
	_ =	sdelay $0x2  }
0x96: {  	v53 =	vbroadcast v2, $0x4;
	_ =	sdelay $0x1  }
0x97: {  	v3 =	vmul.f32 v3, v53;
	_ =	sdelay $0x1  }
0x98: {  	[tilespmem:s23+$0xFFFFFF00] =	vst v3;
	v3 =	vld [tilespmem:s23+$0xFFFFFF10];
	_ =	sdelay $0x4  }
0x99: {  	v3 =	vmul.f32 v3, v53;
	_ =	sdelay $0x1  }
0x9a: {  	[tilespmem:s23+$0xFFFFFF10] =	vst v3;
	v3 =	vld [tilespmem:s23+$0xFFFFFF20];
	_ =	sdelay $0x4  }
0x9b: {  	v3 =	vmul.f32 v3, v53;
	_ =	sdelay $0x1  }
0x9c: {  	[tilespmem:s23+$0xFFFFFF20] =	vst v3;
	v3 =	vld [tilespmem:s23+$0xFFFFFF30];
	_ =	sdelay $0x4  }
0x9d: {  	v3 =	vmul.f32 v3, v53;
	_ =	sdelay $0x1  }
0x9e: {  	[tilespmem:s23+$0xFFFFFF30] =	vst v3;
	v3 =	vld [tilespmem:s23+$0xFFFFFF40];
	_ =	sdelay $0x2  }
0x9f: {  	v54 =	vbroadcast v2, $0x5;
	_ =	sdelay $0x1  }
0xa0: {  	v3 =	vmul.f32 v3, v54;
	_ =	sdelay $0x1  }
0xa1: {  	[tilespmem:s23+$0xFFFFFF40] =	vst v3;
	v3 =	vld [tilespmem:s23+$0xFFFFFF50];
	_ =	sdelay $0x4  }
0xa2: {  	v3 =	vmul.f32 v3, v54;
	_ =	sdelay $0x1  }
0xa3: {  	[tilespmem:s23+$0xFFFFFF50] =	vst v3;
	v3 =	vld [tilespmem:s23+$0xFFFFFF60];
	_ =	sdelay $0x4  }
0xa4: {  	v3 =	vmul.f32 v3, v54;
	_ =	sdelay $0x1  }
0xa5: {  	[tilespmem:s23+$0xFFFFFF60] =	vst v3;
	v3 =	vld [tilespmem:s23+$0xFFFFFF70];
	_ =	sdelay $0x4  }
0xa6: {  	v3 =	vmul.f32 v3, v54;
	_ =	sdelay $0x1  }
0xa7: {  	[tilespmem:s23+$0xFFFFFF70] =	vst v3;
	v3 =	vld [tilespmem:s23+$0xFFFFFF80];
	_ =	sdelay $0x2  }
0xa8: {  	v55 =	vbroadcast v2, $0x6;
	_ =	sdelay $0x1  }
0xa9: {  	v3 =	vmul.f32 v3, v55;
	_ =	sdelay $0x1  }
0xaa: {  	[tilespmem:s23+$0xFFFFFF80] =	vst v3;
	v3 =	vld [tilespmem:s23+$0xFFFFFF90];
	_ =	sdelay $0x4  }
0xab: {  	v3 =	vmul.f32 v3, v55;
	_ =	sdelay $0x1  }
0xac: {  	[tilespmem:s23+$0xFFFFFF90] =	vst v3;
	v3 =	vld [tilespmem:s23+$0xFFFFFFA0];
	_ =	sdelay $0x4  }
0xad: {  	v3 =	vmul.f32 v3, v55;
	_ =	sdelay $0x1  }
0xae: {  	[tilespmem:s23+$0xFFFFFFA0] =	vst v3;
	v3 =	vld [tilespmem:s23+$0xFFFFFFB0];
	_ =	sdelay $0x4  }
0xaf: {  	v3 =	vmul.f32 v3, v55;
	_ =	sdelay $0x1  }
0xb0: {  	[tilespmem:s23+$0xFFFFFFB0] =	vst v3;
	v3 =	vld [tilespmem:s23+$0xFFFFFFC0];
	_ =	sdelay $0x2  }
0xb1: {  	v56 =	vbroadcast v2, $0x7;
	_ =	sdelay $0x1  }
0xb2: {  	v3 =	vmul.f32 v3, v56;
	_ =	sdelay $0x1  }
0xb3: {  	[tilespmem:s23+$0xFFFFFFC0] =	vst v3;
	v3 =	vld [tilespmem:s23+$0xFFFFFFD0];
	_ =	sdelay $0x4  }
0xb4: {  	v3 =	vmul.f32 v3, v56;
	_ =	sdelay $0x1  }
0xb5: {  	[tilespmem:s23+$0xFFFFFFD0] =	vst v3;
	v3 =	vld [tilespmem:s23+$0xFFFFFFE0];
	_ =	sdelay $0x4  }
0xb6: {  	v3 =	vmul.f32 v3, v56;
	_ =	sdelay $0x1  }
0xb7: {  	[tilespmem:s23+$0xFFFFFFE0] =	vst v3;
	v3 =	vld [tilespmem:s23+$0xFFFFFFF0];
	_ =	sdelay $0x4  }
0xb8: {  	v3 =	vmul.f32 v3, v56;
	_ =	sdelay $0x1  }
0xb9: {  	[tilespmem:s23+$0xFFFFFFF0] =	vst v3;
	v3 =	vld [tilespmem:s23+$0x0];
	_ =	sdelay $0x2  }
0xba: {  	v57 =	vbroadcast v2, $0x8;
	_ =	sdelay $0x1  }
0xbb: {  	v3 =	vmul.f32 v3, v57;
	_ =	sdelay $0x1  }
0xbc: {  	[tilespmem:s23+$0x0] =	vst v3;
	v3 =	vld [tilespmem:s23+$0x10];
	_ =	sdelay $0x4  }
0xbd: {  	v3 =	vmul.f32 v3, v57;
	_ =	sdelay $0x1  }
0xbe: {  	[tilespmem:s23+$0x10] =	vst v3;
	v3 =	vld [tilespmem:s23+$0x20];
	_ =	sdelay $0x4  }
0xbf: {  	v3 =	vmul.f32 v3, v57;
	_ =	sdelay $0x1  }
0xc0: {  	[tilespmem:s23+$0x20] =	vst v3;
	v3 =	vld [tilespmem:s23+$0x30];
	_ =	sdelay $0x4  }
0xc1: {  	v3 =	vmul.f32 v3, v57;
	_ =	sdelay $0x1  }
0xc2: {  	[tilespmem:s23+$0x30] =	vst v3;
	v3 =	vld [tilespmem:s23+$0x40];
	_ =	sdelay $0x2  }
0xc3: {  	v58 =	vbroadcast v2, $0x9;
	_ =	sdelay $0x1  }
0xc4: {  	v3 =	vmul.f32 v3, v58;
	_ =	sdelay $0x1  }
0xc5: {  	[tilespmem:s23+$0x40] =	vst v3;
	v3 =	vld [tilespmem:s23+$0x50];
	_ =	sdelay $0x4  }
0xc6: {  	v3 =	vmul.f32 v3, v58;
	_ =	sdelay $0x1  }
0xc7: {  	[tilespmem:s23+$0x50] =	vst v3;
	v3 =	vld [tilespmem:s23+$0x60];
	_ =	sdelay $0x4  }
0xc8: {  	v3 =	vmul.f32 v3, v58;
	_ =	sdelay $0x1  }
0xc9: {  	[tilespmem:s23+$0x60] =	vst v3;
	v3 =	vld [tilespmem:s23+$0x70];
	_ =	sdelay $0x4  }
0xca: {  	v3 =	vmul.f32 v3, v58;
	_ =	sdelay $0x1  }
0xcb: {  	[tilespmem:s23+$0x70] =	vst v3;
	v3 =	vld [tilespmem:s23+$0x80];
	_ =	sdelay $0x2  }
0xcc: {  	v59 =	vbroadcast v2, $0xA;
	_ =	sdelay $0x1  }
0xcd: {  	v3 =	vmul.f32 v3, v59;
	_ =	sdelay $0x1  }
0xce: {  	[tilespmem:s23+$0x80] =	vst v3;
	v3 =	vld [tilespmem:s23+$0x90];
	_ =	sdelay $0x4  }
0xcf: {  	v3 =	vmul.f32 v3, v59;
	_ =	sdelay $0x1  }
0xd0: {  	[tilespmem:s23+$0x90] =	vst v3;
	v3 =	vld [tilespmem:s23+$0xA0];
	_ =	sdelay $0x4  }
0xd1: {  	v3 =	vmul.f32 v3, v59;
	_ =	sdelay $0x1  }
0xd2: {  	[tilespmem:s23+$0xA0] =	vst v3;
	v3 =	vld [tilespmem:s23+$0xB0];
	_ =	sdelay $0x4  }
0xd3: {  	v3 =	vmul.f32 v3, v59;
	_ =	sdelay $0x1  }
0xd4: {  	[tilespmem:s23+$0xB0] =	vst v3;
	v3 =	vld [tilespmem:s23+$0xC0];
	_ =	sdelay $0x2  }
0xd5: {  	v60 =	vbroadcast v2, $0xB;
	_ =	sdelay $0x1  }
0xd6: {  	v3 =	vmul.f32 v3, v60;
	_ =	sdelay $0x1  }
0xd7: {  	[tilespmem:s23+$0xC0] =	vst v3;
	v3 =	vld [tilespmem:s23+$0xD0];
	_ =	sdelay $0x4  }
0xd8: {  	v3 =	vmul.f32 v3, v60;
	_ =	sdelay $0x1  }
0xd9: {  	[tilespmem:s23+$0xD0] =	vst v3;
	v3 =	vld [tilespmem:s23+$0xE0];
	_ =	sdelay $0x4  }
0xda: {  	v3 =	vmul.f32 v3, v60;
	_ =	sdelay $0x1  }
0xdb: {  	[tilespmem:s23+$0xE0] =	vst v3;
	v3 =	vld [tilespmem:s23+$0xF0];
	_ =	sdelay $0x4  }
0xdc: {  	v3 =	vmul.f32 v3, v60;
	_ =	sdelay $0x1  }
0xdd: {  	[tilespmem:s23+$0xF0] =	vst v3;
	v3 =	vld [tilespmem:s23+$0x100];
	_ =	sdelay $0x2  }
0xde: {  	v61 =	vbroadcast v2, $0xC;
	_ =	sdelay $0x1  }
0xdf: {  	v3 =	vmul.f32 v3, v61;
	_ =	sdelay $0x1  }
0xe0: {  	[tilespmem:s23+$0x100] =	vst v3;
	v3 =	vld [tilespmem:s23+$0x110];
	_ =	sdelay $0x4  }
0xe1: {  	v3 =	vmul.f32 v3, v61;
	_ =	sdelay $0x1  }
0xe2: {  	[tilespmem:s23+$0x110] =	vst v3;
	v3 =	vld [tilespmem:s23+$0x120];
	_ =	sdelay $0x4  }
0xe3: {  	v3 =	vmul.f32 v3, v61;
	_ =	sdelay $0x1  }
0xe4: {  	[tilespmem:s23+$0x120] =	vst v3;
	v3 =	vld [tilespmem:s23+$0x130];
	_ =	sdelay $0x4  }
0xe5: {  	v3 =	vmul.f32 v3, v61;
	_ =	sdelay $0x1  }
0xe6: {  	[tilespmem:s23+$0x130] =	vst v3;
	v3 =	vld [tilespmem:s23+$0x140];
	_ =	sdelay $0x2  }
0xe7: {  	v62 =	vbroadcast v2, $0xD;
	_ =	sdelay $0x1  }
0xe8: {  	v3 =	vmul.f32 v3, v62;
	_ =	sdelay $0x1  }
0xe9: {  	[tilespmem:s23+$0x140] =	vst v3;
	v3 =	vld [tilespmem:s23+$0x150];
	_ =	sdelay $0x4  }
0xea: {  	v3 =	vmul.f32 v3, v62;
	_ =	sdelay $0x1  }
0xeb: {  	[tilespmem:s23+$0x150] =	vst v3;
	v3 =	vld [tilespmem:s23+$0x160];
	_ =	sdelay $0x4  }
0xec: {  	v3 =	vmul.f32 v3, v62;
	_ =	sdelay $0x1  }
0xed: {  	[tilespmem:s23+$0x160] =	vst v3;
	v3 =	vld [tilespmem:s23+$0x170];
	_ =	sdelay $0x4  }
0xee: {  	v3 =	vmul.f32 v3, v62;
	_ =	sdelay $0x1  }
0xef: {  	[tilespmem:s23+$0x170] =	vst v3;
	v3 =	vld [tilespmem:s23+$0x180];
	_ =	sdelay $0x2  }
0xf0: {  	v63 =	vbroadcast v2, $0xE;
	_ =	sdelay $0x1  }
0xf1: {  	v3 =	vmul.f32 v3, v63;
	_ =	sdelay $0x1  }
0xf2: {  	[tilespmem:s23+$0x180] =	vst v3;
	v3 =	vld [tilespmem:s23+$0x190];
	_ =	sdelay $0x4  }
0xf3: {  	v3 =	vmul.f32 v3, v63;
	_ =	sdelay $0x1  }
0xf4: {  	[tilespmem:s23+$0x190] =	vst v3;
	v3 =	vld [tilespmem:s23+$0x1A0];
	_ =	sdelay $0x4  }
0xf5: {  	v3 =	vmul.f32 v3, v63;
	_ =	sdelay $0x1  }
0xf6: {  	[tilespmem:s23+$0x1A0] =	vst v3;
	v3 =	vld [tilespmem:s23+$0x1B0];
	_ =	sdelay $0x4  }
0xf7: {  	v3 =	vmul.f32 v3, v63;
	_ =	sdelay $0x1  }
0xf8: {  	[tilespmem:s23+$0x1B0] =	vst v3;
	v3 =	vld [tilespmem:s23+$0x1C0];
	_ =	sdelay $0x2  }
0xf9: {  	v2 =	vbroadcast v2, $0xF;
	_ =	sdelay $0x1  }
0xfa: {  	v3 =	vmul.f32 v3, v2;
	_ =	sdelay $0x1  }
0xfb: {  	[tilespmem:s23+$0x1C0] =	vst v3;
	v3 =	vld [tilespmem:s23+$0x1D0];
	_ =	sdelay $0x4  }
0xfc: {  	v3 =	vmul.f32 v3, v2;
	_ =	sdelay $0x1  }
0xfd: {  	[tilespmem:s23+$0x1D0] =	vst v3;
	v3 =	vld [tilespmem:s23+$0x1E0];
	_ =	sdelay $0x4  }
0xfe: {  	v3 =	vmul.f32 v3, v2;
	_ =	sdelay $0x1  }
0xff: {  	[tilespmem:s23+$0x1E0] =	vst v3;
	v3 =	vld [tilespmem:s23+$0x1F0];
	_ =	sdelay $0x1  }
0x100: {  	p0 =	sne.s32 s24, $0x5C0  }
.Ltmp3:
0x101: {  	_ = 	snop;
	(pc) =	sbr.rel @p0 .LBB2_8-.Ltmp3, $3  }
0x102: {  	_ = 	snop  }
0x103: {  	v2 =	vmul.f32 v3, v2;
	_ =	sdelay $0x1  }
0x104: {  	s24 =	sadd.s32 $0x40, s24;
	[tilespmem:s23+$0x1F0] =	vst v2;
	s23 =	sadd.s32 $0x400, s23  }
0x105: {  	s23 =	sadd.s32 $0x480, s31;
	p0 =	slt.u32 s30, $0x1B  }
0x106: {  	[spmem:s2] =	stream.indirect.scatter.add.f32 [tilespmem:s20], [sflag:$0x3], $0x40, s23, s22, $0xb8;
	[tilespmem:$0x1CD80] =	vst v63  }
.Ltmp4:
0x107: {  	_ = 	snop;
	(pc) =	sbr.rel @p0 .LBB2_4-.Ltmp4, $4  }
0x108: {  	s25 =	sadd.s32 $0x500, s31  }
0x109: {  	[spmem:s2] =	stream.indirect.scatter.add.f32 [tilespmem:s0], [sflag:$0x3], $0x40, s25, s22, $0xb8;
	[tilespmem:$0x1CD80] =	vst v63  }
0x10a: {  	s31 =	sadd.s32 $0x580, s31;
	s0 =	smov.u32 s30  }
0x10b: {  	[spmem:s2] =	stream.indirect.scatter.add.f32 [tilespmem:s19], [sflag:$0x3], $0x40, s31, s22, $0xb8;
	[tilespmem:$0x1CD80] =	vst v63  }
0x10c: {  	_ =	swait.ge [sflag:s28], $0x2000  }
0x10d: {  	[sflag:s28] =	ssyncset.done $0x0  }
0x10e: {  	[sflag:s28] =	ssyncadd.s32 $0xFFFFE000  }
0x10f: {  	_ =	swait.ge [sflag:s28], $0x2000  }
0x110: {  	[sflag:s28] =	ssyncset.done $0x0  }
0x111: {  	[sflag:s28] =	ssyncadd.s32 $0xFFFFE000  }
0x112: {  	_ =	swait.ge [sflag:s28], $0x2000  }
0x113: {  	[sflag:s28] =	ssyncset.done $0x0  }
0x114: {  	[sflag:s28] =	ssyncadd.s32 $0xFFFFE000  }
0x115: {  	_ =	swait.ge [sflag:s28], $0x2000  }
0x116: {  	[sflag:s28] =	ssyncset.done $0x0  }
0x117: {  	[sflag:s28] =	ssyncadd.s32 $0xFFFFE000  }
0x118: {  	_ =	swait.ge [sflag:s28], $0x2000  }
0x119: {  	[sflag:s28] =	ssyncset.done $0x0  }
0x11a: {  	[sflag:s28] =	ssyncadd.s32 $0xFFFFE000  }
0x11b: {  	_ =	swait.ge [sflag:s28], $0x2000  }
0x11c: {  	s0 =	sshll.u32 s1, $0x6;
	s29 =	sadd.s32 $0x1, s29;
	[sflag:s28] =	ssyncset.done $0x0  }
0x11d: {  	s19 =	sshrl.u32 s9, $0x3;
	p0 =	sne.s32 s29, s16;
	[sflag:s28] =	ssyncadd.s32 $0xFFFFE000  }
.Ltmp5:
0x11e: {  	s0 =	sor.u32 $0x1C04, s0;
	[bflag:$0x0] =	sbarrier.arrive $0xFFFF;
	(pc) =	sbr.rel @p0 .LBB2_1-.Ltmp5, $4  }
0x11f: {  	[hbm:s15], [sflag:s0] =	dma.local [spmem:s19], $0x1400  }
0x120: {  	_ =	swait.ge [sflag:s18], $0x1400  }
0x121: {  	[sflag:s18] =	ssyncset.done $0x0  }
0x122: {  	[sflag:s18] =	ssyncadd.s32 $0xFFFFEC00  }
0x123: {  	_ =	sfence.sel $0x180000  }
0x124: {  	[bflag:$0x0] =	sbarrier.arrive $0xFFFF  }
0x125: {  	_ =	strace $0x9000004A  }
0x126: {  	[bflag:$0x2] =	sbarrier.arrive $0xFFFF  }
0x127: {  	p0 =	sne.s32 s1, $0x0;
	s0 =	rddreg [dreg:$0x2]  }
0x128: {  	s0 =	sadd.s32 @!p0 $0x100000, s0  }
0x129: {  	[sflag:s0] =	ssyncadd.tile.s32 @!p0 $0x1;
	_ =	shalt  }
.Lfunc_end2:
_tile_overlayer_lowered:
.L_overlay_start_2:
0x12a: {  	(tag) =	ssettag $0x2  }
0x12b: {  	s0 =	rddreg [dreg:$0x0];
	s2 =	stileid.u32  }
0x12c: {  	s1 =	rddreg [dreg:$0x1];
	p0 =	sne.s32 s2, $0x0  }
0x12d: {  	s3 =	rddreg [dreg:$0x2];
	[bflag:$0x3] =	sbarrier.arrive $0xFFFF;
	s2 =	simm.s32 @!p0 $0x1C04  }
0x12e: {  	[timem:s3], [sflag:s2] =	dma.local @!p0 [hbm:s0], s1  }
0x12f: {  	s0 =	simm.s32 @!p0 $0x4  }
0x130: {  	_ =	swait.ge @!p0 [sflag:s0], s1  }
0x131: {  	s1 =	ssub.s32 @!p0 $0x0, s1;
	[sflag:s0] =	ssyncset.done @!p0 $0x0  }
0x132: {  	[sflag:s0] =	ssyncadd.s32 @!p0 s1  }
0x133: {  	[bflag:$0x3] =	sbarrier.arrive $0xFFFF  }
0x134: {  	_ =	shalt  }

// kernel: kernel.13.cloned.1.call-start
scs
__scs_entry_jumppad:
0x0: {  	(pc) =	sbr.rel $0x88, $3  }
0x1: {  	(tag) =	ssettag $0x0;
	lr =	simm.s32 $0x1  }
0x2: {  	[smem:$0x3F95] =	sst lr;
	_ =	strace $0xD0000000  }
0x3: {  	_ = 	snop  }
0x4: {  	_ = 	snop  }
0x5: {  	_ = 	snop  }
0x6: {  	_ = 	snop  }
0x7: {  	_ = 	snop  }
__scs_overlays_trampoline_lowered:
0x8: {  	[smem:$0x3FA4] =	sst s0  }
0x9: {  	[smem:$0x3FA5] =	sst s1  }
0xa: {  	[smem:$0x3FA6] =	sst s2  }
0xb: {  	[smem:$0x3FA7] =	sst s3  }
0xc: {  	[smem:$0x3FA8] =	sst s4  }
0xd: {  	[smem:$0x3FA9] =	sst s5  }
0xe: {  	[smem:$0x3FAA] =	sst s6  }
0xf: {  	[smem:$0x3FAB] =	sst s7  }
0x10: {  	[smem:$0x3FAC] =	sst s8  }
0x11: {  	[smem:$0x3FAD] =	sst s9;
	s0 =	simm.s32 @!p0 $0x0  }
0x12: {  	s1 =	sld [smem:$0x3F93];
	s0 =	simm.s32 @p0 $0x1  }
0x13: {  	[smem:$0x3FAE] =	sst s0;
	s0 =	simm.s32 @!p1 $0x0  }
0x14: {  	s2 =	sld [smem:$0x3F92];
	s0 =	simm.s32 @p1 $0x1  }
0x15: {  	[smem:$0x3FAF] =	sst s0;
	s0 =	simm.s32 @!p2 $0x0  }
0x16: {  	s3 =	sld [smem:$0x3FDB];
	s0 =	simm.s32 @p2 $0x1  }
0x17: {  	s4 =	simm.s32 $0x1BF5;
	[smem:$0x3FB1] =	sst s0  }
0x18: {  	s0 =	sld [smem:$0x3F94];
	_ =	swait.ge [sflag:s4], $0x0  }
0x19: {  	s7 =	sld [smem:$0x3F95]  }
0x1a: {  	s8 =	sadd.s32 $0xFFFFE003, lr  }
0x1b: {  	s9 =	sadd.s32 $0xFFFFFEF7, lr;
	s5 =	simm.s32 $0xFFFFFFFF;
	p2 =	slt.u32 s8, $0xFFFFF086  }
0x1c: {  	p1 =	slt.u32 s9, $0xF7A;
	s5 =	simm.s32 @!p2 $0x0  }
0x1d: {  	s5 =	simm.s32 @p1 $0x1;
	p0 =	seq.s32 s7, s2  }
0x1e: {  	s7 =	smul.u32 @!p0 $0xF7A, s2;
	p2 =	seq.s32 @!p0 s5, $0x0  }
0x1f: {  	s9 =	smul.u32 $0xF7A, s1;
	s8 =	simm.s32 @!p0 $0x1BF5;
	p2 =	por !p2, p0  }
0x20: {  	[sflag:s8] =	ssyncset.s32 @!p0 $0xFFFFF086;
	s6 =	sadd.s32 @!p0 s3, s7;
	s7 =	simm.s32 @!p0 $0x108  }
0x21: {  	s3 =	sadd.s32 s3, s9;
	s6 =	sadd.s32 @!p0 $0x88, s6;
	s7 =	simm.s32 @p2 $0x1082  }
0x22: {  	[simem:s7], [sflag:s8] =	dma.local @!p0 [hbm:s6], $0xF7A  }
0x23: {  	s9 =	sor.u32 $0xD0000000, s2;
	s6 =	simm.s32 $0x108;
	_ =	swait.ge @!p0 [sflag:s8], $0x0  }
0x24: {  	s3 =	sadd.s32 $0x88, s3;
	s6 =	simm.s32 @!p1 $0x1082;
	[sflag:s4] =	ssyncset.s32 $0xFFFFF086  }
0x25: {  	[simem:s6], [sflag:s4] =	dma.local [hbm:s3], $0xF7A  }
0x26: {  	[smem:$0x3F95] =	sst s1;
	(tag) =	ssettag s2;
	_ =	strace s9  }
0x27: {  	s1 =	sld [smem:$0x3FA5]  }
0x28: {  	s2 =	sld [smem:$0x3FA6]  }
0x29: {  	s4 =	sld [smem:$0x3FA8]  }
0x2a: {  	p0 =	seq.s32 s5, $0x0;
	s5 =	sld [smem:$0x3FA9]  }
0x2b: {  	s6 =	sld [smem:$0x3FAA]  }
0x2c: {  	s7 =	sld [smem:$0x3FAB]  }
0x2d: {  	s3 =	simm.s32 $0x108;
	s8 =	sld [smem:$0x3FAC]  }
0x2e: {  	s3 =	simm.s32 @!p0 $0x1082;
	s9 =	sld [smem:$0x3FAD]  }
0x2f: {  	lr =	sadd.s32 s0, s3;
	s0 =	sld [smem:$0x3FA4]  }
0x30: {  	s3 =	sld [smem:$0x3FA7]  }
0x31: {  	[smem:$0x3FB0] =	sst s10  }
0x32: {  	s10 =	sld [smem:$0x3FAE];
	_ =	sdelay $0x3  }
0x33: {  	p0 =	seq.s32 s10, $0x1;
	s10 =	sld [smem:$0x3FB0];
	_ =	sdelay $0x3  }
0x34: {  	[smem:$0x3FB0] =	sst s10  }
0x35: {  	s10 =	sld [smem:$0x3FAF];
	_ =	sdelay $0x3  }
0x36: {  	p1 =	seq.s32 s10, $0x1;
	s10 =	sld [smem:$0x3FB0];
	_ =	sdelay $0x3  }
0x37: {  	[smem:$0x3FB0] =	sst s10  }
0x38: {  	s10 =	sld [smem:$0x3FB1]  }
0x39: {  	_ = 	snop;
	(pc) =	sbr.ind lr, $3  }
0x3a: {  	_ = 	snop  }
0x3b: {  	_ = 	snop  }
0x3c: {  	p2 =	seq.s32 s10, $0x1;
	s10 =	sld [smem:$0x3FB0]  }
0x3d: {  	_ =	shalt  }
0x3e: {  	_ =	shalt  }
0x3f: {  	_ =	shalt  }
0x40: {  	_ =	shalt  }
0x41: {  	_ =	shalt  }
0x42: {  	_ =	shalt  }
0x43: {  	_ =	shalt  }
0x44: {  	_ =	shalt  }
0x45: {  	_ =	shalt  }
0x46: {  	_ =	shalt  }
0x47: {  	_ =	shalt  }
0x48: {  	_ =	shalt  }
0x49: {  	_ =	shalt  }
0x4a: {  	_ =	shalt  }
0x4b: {  	_ =	shalt  }
0x4c: {  	_ =	shalt  }
0x4d: {  	_ =	shalt  }
0x4e: {  	_ =	shalt  }
0x4f: {  	_ =	shalt  }
0x50: {  	_ =	shalt  }
0x51: {  	_ =	shalt  }
0x52: {  	_ =	shalt  }
0x53: {  	_ =	shalt  }
0x54: {  	_ =	shalt  }
0x55: {  	_ =	shalt  }
0x56: {  	_ =	shalt  }
0x57: {  	_ =	shalt  }
0x58: {  	_ =	shalt  }
0x59: {  	_ =	shalt  }
0x5a: {  	_ =	shalt  }
0x5b: {  	_ =	shalt  }
0x5c: {  	_ =	shalt  }
0x5d: {  	_ =	shalt  }
0x5e: {  	_ =	shalt  }
0x5f: {  	_ =	shalt  }
0x60: {  	_ =	shalt  }
0x61: {  	_ =	shalt  }
0x62: {  	_ =	shalt  }
0x63: {  	_ =	shalt  }
0x64: {  	_ =	shalt  }
0x65: {  	_ =	shalt  }
0x66: {  	_ =	shalt  }
0x67: {  	_ =	shalt  }
0x68: {  	_ =	shalt  }
0x69: {  	_ =	shalt  }
0x6a: {  	_ =	shalt  }
0x6b: {  	_ =	shalt  }
0x6c: {  	_ =	shalt  }
0x6d: {  	_ =	shalt  }
0x6e: {  	_ =	shalt  }
0x6f: {  	_ =	shalt  }
0x70: {  	_ =	shalt  }
0x71: {  	_ =	shalt  }
0x72: {  	_ =	shalt  }
0x73: {  	_ =	shalt  }
0x74: {  	_ =	shalt  }
0x75: {  	_ =	shalt  }
0x76: {  	_ =	shalt  }
0x77: {  	_ =	shalt  }
0x78: {  	_ =	shalt  }
0x79: {  	_ =	shalt  }
0x7a: {  	_ =	shalt  }
0x7b: {  	_ =	shalt  }
0x7c: {  	_ =	shalt  }
0x7d: {  	_ =	shalt  }
0x7e: {  	_ =	shalt  }
0x7f: {  	_ =	shalt  }
0x80: {  	_ =	shalt  }
0x81: {  	_ =	shalt  }
0x82: {  	_ =	shalt  }
0x83: {  	_ =	shalt  }
0x84: {  	_ =	shalt  }
0x85: {  	_ =	shalt  }
0x86: {  	_ =	shalt  }
0x87: {  	_ =	shalt  }
.Lfunc_end0:
.L_simem_size_0:
called_computation.2_lowered:
.L_overlay_start_0:
0x88: {  	s2 =	sld [smem:$0x3FD9]  }
0x89: {  	s3 =	sld [smem:$0x3FFE];
	_ =	sdelay $0x1  }
0x8a: {  	s1 =	srdreg.scid  }
0x8b: {  	s0 =	sand.u32 $0x1, s1  }
0x8c: {  	s16 =	sshll.u32 s0, $0xA;
	s2 =	sadd.s32 s3, s2  }
0x8d: {  	s2 =	sadd.s32 s2, s16  }
0x8e: {  	[smem:$0x3FBC] =	sst s2  }
0x8f: {  	_ = 	snop  }
0x90: {  	(tm) =	ssettm $0x1  }
0x91: {  	s17 =	sld [smem:$0x3FFB];
	_ =	sdelay $0x3  }
0x92: {  	_ =	strace s17  }
0x93: {  	s2 =	sld [smem:$0x3FFC];
	_ =	sdelay $0x3  }
0x94: {  	_ =	strace s2  }
0x95: {  	s2 =	sld [smem:$0x3FFD];
	_ =	sdelay $0x3  }
0x96: {  	_ =	strace s2  }
0x97: {  	_ =	strace $0x8FFFFFFF  }
0x98: {  	s18 =	sld [smem:$0x3FDB];
	_ =	sdelay $0x1  }
0x99: {  	s19 =	simm.s32 $_scs_section_size  }
0x9a: {  	s4 =	simm.s32 $_size__tile_overlayer_lowered;
	s5 =	simm.s32 $_tile_overlayer_lowered  }
0x9b: {  	s22 =	simm.s32 $0x1BFF;
	s21 =	sshll.u32 s5, $0x1;
	s2 =	sadd.s32 s19, s18  }
0x9c: {  	s6 =	simm.s32 $0x0;
	s20 =	sshll.u32 s4, $0x1;
	s4 =	sadd.s32 s21, s2  }
0x9d: {  	[timem:s6], [sflag:s22] =	dma.local [hbm:s4], s20  }
0x9e: {  	_ =	swait.ge [sflag:s22], s20  }
0x9f: {  	s3 =	ssub.s32 $0x0, s20;
	[sflag:s22] =	ssyncset.done $0x0  }
0xa0: {  	[sflag:s22] =	ssyncadd.s32 s3;
	_ =	sdelay $0x1  }
0xa1: {  	s23 =	simm.s32 $0x1B8B  }
0xa2: {  	_ =	swait.ge [sflag:s23], $0x1  }
0xa3: {  	[sflag:s23] =	ssyncset.done $0x0  }
0xa4: {  	s25 =	simm.s32 $0x1B8E;
	s24 =	sld [smem:$0x3FFE];
	[sflag:s23] =	ssyncadd.s32 $0xFFFFFFFF  }
0xa5: {  	s26 =	simm.s32 $execute0_lowered;
	[smem:$0x3FD2] =	sst s25  }
0xa6: {  	s4 =	sshll.u32 s26, $0x1;
	_ =	strace $0x8000004C;
	[dreg:$0x1] =	wrdreg $0xFFFFFFFF  }
0xa7: {  	s28 =	simm.s32 $_size_execute0_lowered;
	s2 =	sadd.s32 s2, s4;
	[dreg:$0x0] =	wrdreg $0x0  }
0xa8: {  	s4 =	sshll.u32 s28, $0x1;
	[dreg:$0x2] =	wrdreg s2  }
0xa9: {  	[dreg:$0x3] =	wrdreg s4  }
0xaa: {  	[dreg:$0x4] =	wrdreg $0xC0  }
0xab: {  	_ =	task [dreg:s6], $0x5FFFF  }
0xac: {  	[dreg:$0x1] =	wrdreg $0xFFFFFFFF  }
0xad: {  	[dreg:$0x0] =	wrdreg $0x60  }
0xae: {  	[dreg:$0x2] =	wrdreg s24  }
0xaf: {  	[dreg:$0x3] =	wrdreg $0x9  }
0xb0: {  	_ =	task.clear_ibuf [dreg:s6], $0x4FFFF;
	_ =	strace $0x9000004C  }
0xb1: {  	s29 =	simm.s32 $0x9;
	_ =	strace $0x8000004E  }
0xb2: {  	_ =	swait.ge [sflag:s29], $0x1  }
0xb3: {  	[sflag:s29] =	ssyncadd.s32 $0xFFFFFFFF  }
0xb4: {  	_ =	strace $0x9000004E  }
0xb5: {  	_ =	sfence  }
0xb6: {  	s30 =	sld [smem:$0x0];
	_ =	sdelay $0x2  }
0xb7: {  	s31 =	sshll.u32 s1, $0xD;
	s1 =	sshrl.u32 s1, $0x2  }
0xb8: {  	s3 =	sand.u32 $0x4000, s31;
	s1 =	sadd.s32 s1, s30  }
0xb9: {  	s0 =	sor.u32 s3, s0;
	s1 =	sshll.u32 s1, $0x11  }
0xba: {  	s0 =	sor.u32 s1, s0  }
0xbb: {  	s0 =	sadd.s32 $0x8F2B, s0  }
0xbc: {  	[sflag:s0] =	ssyncadd.remote.s32 $0x1  }
0xbd: {  	_ =	sfence.sel $0xFFFF  }
0xbe: {  	[dreg:$0x0] =	wrdreg $0xFFFFFFFF;
	(pc) =	sbr.abs _section_cstart, $3  }
0xbf: {  	[dreg:$0x1] =	wrdreg $0xFFFFFFFF  }
0xc0: {  	_ =	task.clear_ibuf [dreg:s6], $0x2FFFF;
	_ =	strace $0x9FFFFFFF  }
0xc1: {  	(tm) =	ssettm $0x7FFFFFFF  }
tec
execute0_lowered:
.L_overlay_start_1:
0x0: {  	(tag) =	ssettag $0x1  }
0x1: {  	s1 =	srdreg.scid;
	s0 =	stileid.u32  }
0x2: {  	s17 =	sand.u32 $0x1, s1;
	s3 =	sshll.u32 s0, $0x1  }
0x3: {  	s14 =	rddreg [dreg:$0x0];
	s15 =	sor.u32 s17, s3  }
0x4: {  	s2 =	simm.s32 $0x0;
	s1 =	rddreg [dreg:$0x1];
	s4 =	smul.u32 $0x180, s15  }
0x5: {  	[smem:$0x7FF] =	sst s2;
	s6 =	sadd.s32 $0x5BA00, s14  }
0x6: {  	_ =	strace $0x8000004D;
	s28 =	sshrl.u32 s4, $0x3;
	s16 =	sadd.s32 $0x80, s4  }
0x7: {  	s18 =	sadd.s32 $0x100, s4;
	s3 =	sadd.s32 s6, s28;
	s5 =	sshrl.u32 s16, $0x3  }
0x8: {  	[tilespmem:s2], [sflag:$0x1] =	stream.linear.gather [hbm4b:s3+s2], $0x80, $0x38;
	[tilespmem:$0x1980] =	vst v63  }
0x9: {  	s7 =	sshrl.u32 s18, $0x3;
	s4 =	sadd.s32 s6, s5;
	s5 =	simm.s32 $0x80  }
0xa: {  	[tilespmem:s5], [sflag:$0x1] =	stream.linear.gather [hbm4b:s4+s2], $0x80, $0x38;
	[tilespmem:$0x1980] =	vst v63  }
0xb: {  	s8 =	simm.s32 $0x100;
	s6 =	sadd.s32 s6, s7;
	s7 =	simm.s32 $0x1  }
0xc: {  	[tilespmem:s8], [sflag:$0x1] =	stream.linear.gather [hbm4b:s6+s2], $0x80, $0x38;
	[tilespmem:$0x1980] =	vst v63  }
0xd: {  	_ =	swait.ge [sflag:s7], $0x80  }
0xe: {  	[sflag:s7] =	ssyncset.done $0x0  }
0xf: {  	s10 =	simm.s32 $0x180;
	s9 =	sadd.s32 $0x1A00, s14;
	[sflag:s7] =	ssyncadd.s32 $0xFFFFFF80  }
0x10: {  	[tilespmem:s10], [sflag:$0x2] =	stream.indirect.gather [hbm4b:s9+s5], $0x10, s2, s5, $0xb8;
	[tilespmem:$0x1980] =	vst v63  }
0x11: {  	_ =	swait.ge [sflag:s7], $0x80  }
0x12: {  	[sflag:s7] =	ssyncset.done $0x0  }
0x13: {  	s11 =	simm.s32 $0x980;
	[sflag:s7] =	ssyncadd.s32 $0xFFFFFF80  }
0x14: {  	[tilespmem:s11], [sflag:$0x2] =	stream.indirect.gather [hbm4b:s9+s5], $0x10, s5, s5, $0xb8;
	[tilespmem:$0x1980] =	vst v63  }
0x15: {  	_ =	swait.ge [sflag:s7], $0x80  }
0x16: {  	[sflag:s7] =	ssyncset.done $0x0  }
0x17: {  	s12 =	simm.s32 $0x1180;
	s13 =	simm.s32 $0x2;
	[sflag:s7] =	ssyncadd.s32 $0xFFFFFF80  }
0x18: {  	[tilespmem:s12], [sflag:$0x2] =	stream.indirect.gather [hbm4b:s9+s5], $0x10, s8, s5, $0xb8;
	[tilespmem:$0x1980] =	vst v63  }
0x19: {  	s15 =	smul.u32 $0x300, s15;
	_ =	swait.ge [sflag:s13], $0x800  }
0x1a: {  	s19 =	sadd.s32 $0x6A00, s14;
	[sflag:s13] =	ssyncset.done $0x0  }
0x1b: {  	s14 =	sadd.s32 s19, s15;
	[sflag:s13] =	ssyncadd.s32 $0xFFFFF800  }
0x1c: {  	[hbm4b:s14+s2] =	stream.linear.scatter [tilespmem:s10], [sflag:$0x1], $0x800, $0x38;
	[tilespmem:$0x1980] =	vst v63  }
0x1d: {  	_ =	swait.ge [sflag:s13], $0x800  }
0x1e: {  	s29 =	sshll.u32 s16, $0x1;
	[sflag:s13] =	ssyncset.done $0x0  }
0x1f: {  	s15 =	sadd.s32 s19, s29;
	[sflag:s13] =	ssyncadd.s32 $0xFFFFF800  }
0x20: {  	[hbm4b:s15+s2] =	stream.linear.scatter [tilespmem:s11], [sflag:$0x1], $0x800, $0x38;
	[tilespmem:$0x1980] =	vst v63  }
0x21: {  	_ =	swait.ge [sflag:s13], $0x800  }
0x22: {  	s17 =	ssub.s32 $0x2, s17;
	s30 =	sshll.u32 s18, $0x1;
	[sflag:s13] =	ssyncset.done $0x0  }
0x23: {  	s31 =	sshrl.u32 s17, $0x1;
	s16 =	sadd.s32 s19, s30;
	[sflag:s13] =	ssyncadd.s32 $0xFFFFF800  }
0x24: {  	[hbm4b:s16+s2] =	stream.linear.scatter [tilespmem:s12], [sflag:$0x1], $0x800, $0x38;
	[tilespmem:$0x1980] =	vst v63  }
0x25: {  	s17 =	ssub.s32 s17, s31;
	_ =	swait.ge [sflag:s7], $0x800  }
0x26: {  	s17 =	smax.u32 s17, $0x1;
	[sflag:s7] =	ssyncset.done $0x0  }
0x27: {  	p0 =	sne.s32 s17, $0x1;
	[sflag:s7] =	ssyncadd.s32 $0xFFFFF800  }
.Ltmp0:
0x28: {  	_ =	swait.ge [sflag:s7], $0x800;
	(pc) =	sbr.rel @!p0 .LBB2_2-.Ltmp0, $4  }
0x29: {  	[sflag:s7] =	ssyncset.done $0x0  }
0x2a: {  	[sflag:s7] =	ssyncadd.s32 $0xFFFFF800  }
0x2b: {  	_ =	swait.ge [sflag:s7], $0x800  }
0x2c: {  	s17 =	sadd.s32 $0xFFFFFFFF, s17;
	[sflag:s7] =	ssyncset.done $0x0  }
.LBB2_1:
0x2d: {  	p0 =	sne.s32 s17, $0x1;
	s17 =	sadd.s32 $0xFFFFFFFF, s17;
	[sflag:s7] =	ssyncadd.s32 $0xFFFFF800  }
0x2e: {  	[tilespmem:s2], [sflag:$0x1] =	stream.linear.gather [hbm4b:s3+s2], $0x80, $0x38;
	[tilespmem:$0x1980] =	vst v63  }
0x2f: {  	_ = 	snop  }
0x30: {  	[tilespmem:s5], [sflag:$0x1] =	stream.linear.gather [hbm4b:s4+s2], $0x80, $0x38;
	[tilespmem:$0x1980] =	vst v63  }
0x31: {  	_ = 	snop  }
0x32: {  	[tilespmem:s8], [sflag:$0x1] =	stream.linear.gather [hbm4b:s6+s2], $0x80, $0x38;
	[tilespmem:$0x1980] =	vst v63  }
0x33: {  	_ =	swait.ge [sflag:s7], $0x80  }
0x34: {  	[sflag:s7] =	ssyncset.done $0x0  }
0x35: {  	[sflag:s7] =	ssyncadd.s32 $0xFFFFFF80  }
0x36: {  	[tilespmem:s10], [sflag:$0x2] =	stream.indirect.gather [hbm4b:s9+s5], $0x10, s2, s5, $0xb8;
	[tilespmem:$0x1980] =	vst v63  }
0x37: {  	_ =	swait.ge [sflag:s7], $0x80  }
0x38: {  	[sflag:s7] =	ssyncset.done $0x0  }
0x39: {  	[sflag:s7] =	ssyncadd.s32 $0xFFFFFF80  }
0x3a: {  	[tilespmem:s11], [sflag:$0x2] =	stream.indirect.gather [hbm4b:s9+s5], $0x10, s5, s5, $0xb8;
	[tilespmem:$0x1980] =	vst v63  }
0x3b: {  	_ =	swait.ge [sflag:s7], $0x80  }
0x3c: {  	[sflag:s7] =	ssyncset.done $0x0  }
0x3d: {  	[sflag:s7] =	ssyncadd.s32 $0xFFFFFF80  }
0x3e: {  	[tilespmem:s12], [sflag:$0x2] =	stream.indirect.gather [hbm4b:s9+s5], $0x10, s8, s5, $0xb8;
	[tilespmem:$0x1980] =	vst v63  }
0x3f: {  	_ =	swait.ge [sflag:s13], $0x800  }
0x40: {  	[sflag:s13] =	ssyncset.done $0x0  }
0x41: {  	[sflag:s13] =	ssyncadd.s32 $0xFFFFF800  }
0x42: {  	[hbm4b:s14+s2] =	stream.linear.scatter [tilespmem:s10], [sflag:$0x1], $0x800, $0x38;
	[tilespmem:$0x1980] =	vst v63  }
0x43: {  	_ =	swait.ge [sflag:s13], $0x800  }
0x44: {  	[sflag:s13] =	ssyncset.done $0x0  }
0x45: {  	[sflag:s13] =	ssyncadd.s32 $0xFFFFF800  }
0x46: {  	[hbm4b:s15+s2] =	stream.linear.scatter [tilespmem:s11], [sflag:$0x1], $0x800, $0x38;
	[tilespmem:$0x1980] =	vst v63  }
0x47: {  	_ =	swait.ge [sflag:s13], $0x800  }
0x48: {  	[sflag:s13] =	ssyncset.done $0x0  }
0x49: {  	[sflag:s13] =	ssyncadd.s32 $0xFFFFF800  }
0x4a: {  	[hbm4b:s16+s2] =	stream.linear.scatter [tilespmem:s12], [sflag:$0x1], $0x800, $0x38;
	[tilespmem:$0x1980] =	vst v63  }
0x4b: {  	_ =	swait.ge [sflag:s7], $0x800  }
0x4c: {  	[sflag:s7] =	ssyncset.done $0x0  }
0x4d: {  	[sflag:s7] =	ssyncadd.s32 $0xFFFFF800  }
.Ltmp1:
0x4e: {  	_ =	swait.ge [sflag:s7], $0x800;
	(pc) =	sbr.rel @p0 .LBB2_1-.Ltmp1, $4  }
0x4f: {  	[sflag:s7] =	ssyncset.done $0x0  }
0x50: {  	[sflag:s7] =	ssyncadd.s32 $0xFFFFF800  }
0x51: {  	_ =	swait.ge [sflag:s7], $0x800  }
0x52: {  	[sflag:s7] =	ssyncset.done $0x0  }
.LBB2_2:
0x53: {  	[sflag:s7] =	ssyncadd.s32 $0xFFFFF800  }
0x54: {  	_ =	sfence.sel $0x180000  }
0x55: {  	[bflag:$0x0] =	sbarrier.arrive $0xFFFF  }
0x56: {  	p0 =	sne.s32 s0, $0x0;
	_ =	strace $0x9000004D  }
0x57: {  	s0 =	sadd.s32 @!p0 $0x100000, s1;
	[bflag:$0x2] =	sbarrier.arrive $0xFFFF  }
0x58: {  	[sflag:s0] =	ssyncadd.tile.s32 @!p0 $0x1;
	_ =	shalt  }
.Lfunc_end2:
_tile_overlayer_lowered:
.L_overlay_start_2:
0x59: {  	(tag) =	ssettag $0x2  }
0x5a: {  	s0 =	rddreg [dreg:$0x0];
	s2 =	stileid.u32  }
0x5b: {  	s1 =	rddreg [dreg:$0x1];
	p0 =	sne.s32 s2, $0x0  }
0x5c: {  	s3 =	rddreg [dreg:$0x2];
	[bflag:$0x3] =	sbarrier.arrive $0xFFFF;
	s2 =	simm.s32 @!p0 $0x1C03  }
0x5d: {  	[timem:s3], [sflag:s2] =	dma.local @!p0 [hbm:s0], s1  }
0x5e: {  	s0 =	simm.s32 @!p0 $0x3  }
0x5f: {  	_ =	swait.ge @!p0 [sflag:s0], s1  }
0x60: {  	s1 =	ssub.s32 @!p0 $0x0, s1;
	[sflag:s0] =	ssyncset.done @!p0 $0x0  }
0x61: {  	[sflag:s0] =	ssyncadd.s32 @!p0 s1  }
0x62: {  	[bflag:$0x3] =	sbarrier.arrive $0xFFFF  }
0x63: {  	_ =	shalt  }

// kernel: kernel.7.cloned.1.call-start
scs
__scs_entry_jumppad:
0x0: {  	(pc) =	sbr.rel $0x88, $3  }
0x1: {  	(tag) =	ssettag $0x0;
	lr =	simm.s32 $0x1  }
0x2: {  	[smem:$0x3F95] =	sst lr;
	_ =	strace $0xD0000000  }
0x3: {  	_ = 	snop  }
0x4: {  	_ = 	snop  }
0x5: {  	_ = 	snop  }
0x6: {  	_ = 	snop  }
0x7: {  	_ = 	snop  }
__scs_overlays_trampoline_lowered:
0x8: {  	[smem:$0x3FA4] =	sst s0  }
0x9: {  	[smem:$0x3FA5] =	sst s1  }
0xa: {  	[smem:$0x3FA6] =	sst s2  }
0xb: {  	[smem:$0x3FA7] =	sst s3  }
0xc: {  	[smem:$0x3FA8] =	sst s4  }
0xd: {  	[smem:$0x3FA9] =	sst s5  }
0xe: {  	[smem:$0x3FAA] =	sst s6  }
0xf: {  	[smem:$0x3FAB] =	sst s7  }
0x10: {  	[smem:$0x3FAC] =	sst s8  }
0x11: {  	[smem:$0x3FAD] =	sst s9;
	s0 =	simm.s32 @!p0 $0x0  }
0x12: {  	s1 =	sld [smem:$0x3F93];
	s0 =	simm.s32 @p0 $0x1  }
0x13: {  	[smem:$0x3FAE] =	sst s0;
	s0 =	simm.s32 @!p1 $0x0  }
0x14: {  	s2 =	sld [smem:$0x3F92];
	s0 =	simm.s32 @p1 $0x1  }
0x15: {  	[smem:$0x3FAF] =	sst s0;
	s0 =	simm.s32 @!p2 $0x0  }
0x16: {  	s3 =	sld [smem:$0x3FDB];
	s0 =	simm.s32 @p2 $0x1  }
0x17: {  	s4 =	simm.s32 $0x1BF5;
	[smem:$0x3FB1] =	sst s0  }
0x18: {  	s0 =	sld [smem:$0x3F94];
	_ =	swait.ge [sflag:s4], $0x0  }
0x19: {  	s7 =	sld [smem:$0x3F95]  }
0x1a: {  	s8 =	sadd.s32 $0xFFFFE003, lr  }
0x1b: {  	s9 =	sadd.s32 $0xFFFFFEF7, lr;
	s5 =	simm.s32 $0xFFFFFFFF;
	p2 =	slt.u32 s8, $0xFFFFF086  }
0x1c: {  	p1 =	slt.u32 s9, $0xF7A;
	s5 =	simm.s32 @!p2 $0x0  }
0x1d: {  	s5 =	simm.s32 @p1 $0x1;
	p0 =	seq.s32 s7, s2  }
0x1e: {  	s7 =	smul.u32 @!p0 $0xF7A, s2;
	p2 =	seq.s32 @!p0 s5, $0x0  }
0x1f: {  	s9 =	smul.u32 $0xF7A, s1;
	s8 =	simm.s32 @!p0 $0x1BF5;
	p2 =	por !p2, p0  }
0x20: {  	[sflag:s8] =	ssyncset.s32 @!p0 $0xFFFFF086;
	s6 =	sadd.s32 @!p0 s3, s7;
	s7 =	simm.s32 @!p0 $0x108  }
0x21: {  	s3 =	sadd.s32 s3, s9;
	s6 =	sadd.s32 @!p0 $0x88, s6;
	s7 =	simm.s32 @p2 $0x1082  }
0x22: {  	[simem:s7], [sflag:s8] =	dma.local @!p0 [hbm:s6], $0xF7A  }
0x23: {  	s9 =	sor.u32 $0xD0000000, s2;
	s6 =	simm.s32 $0x108;
	_ =	swait.ge @!p0 [sflag:s8], $0x0  }
0x24: {  	s3 =	sadd.s32 $0x88, s3;
	s6 =	simm.s32 @!p1 $0x1082;
	[sflag:s4] =	ssyncset.s32 $0xFFFFF086  }
0x25: {  	[simem:s6], [sflag:s4] =	dma.local [hbm:s3], $0xF7A  }
0x26: {  	[smem:$0x3F95] =	sst s1;
	(tag) =	ssettag s2;
	_ =	strace s9  }
0x27: {  	s1 =	sld [smem:$0x3FA5]  }
0x28: {  	s2 =	sld [smem:$0x3FA6]  }
0x29: {  	s4 =	sld [smem:$0x3FA8]  }
0x2a: {  	p0 =	seq.s32 s5, $0x0;
	s5 =	sld [smem:$0x3FA9]  }
0x2b: {  	s6 =	sld [smem:$0x3FAA]  }
0x2c: {  	s7 =	sld [smem:$0x3FAB]  }
0x2d: {  	s3 =	simm.s32 $0x108;
	s8 =	sld [smem:$0x3FAC]  }
0x2e: {  	s3 =	simm.s32 @!p0 $0x1082;
	s9 =	sld [smem:$0x3FAD]  }
0x2f: {  	lr =	sadd.s32 s0, s3;
	s0 =	sld [smem:$0x3FA4]  }
0x30: {  	s3 =	sld [smem:$0x3FA7]  }
0x31: {  	[smem:$0x3FB0] =	sst s10  }
0x32: {  	s10 =	sld [smem:$0x3FAE];
	_ =	sdelay $0x3  }
0x33: {  	p0 =	seq.s32 s10, $0x1;
	s10 =	sld [smem:$0x3FB0];
	_ =	sdelay $0x3  }
0x34: {  	[smem:$0x3FB0] =	sst s10  }
0x35: {  	s10 =	sld [smem:$0x3FAF];
	_ =	sdelay $0x3  }
0x36: {  	p1 =	seq.s32 s10, $0x1;
	s10 =	sld [smem:$0x3FB0];
	_ =	sdelay $0x3  }
0x37: {  	[smem:$0x3FB0] =	sst s10  }
0x38: {  	s10 =	sld [smem:$0x3FB1]  }
0x39: {  	_ = 	snop;
	(pc) =	sbr.ind lr, $3  }
0x3a: {  	_ = 	snop  }
0x3b: {  	_ = 	snop  }
0x3c: {  	p2 =	seq.s32 s10, $0x1;
	s10 =	sld [smem:$0x3FB0]  }
0x3d: {  	_ =	shalt  }
0x3e: {  	_ =	shalt  }
0x3f: {  	_ =	shalt  }
0x40: {  	_ =	shalt  }
0x41: {  	_ =	shalt  }
0x42: {  	_ =	shalt  }
0x43: {  	_ =	shalt  }
0x44: {  	_ =	shalt  }
0x45: {  	_ =	shalt  }
0x46: {  	_ =	shalt  }
0x47: {  	_ =	shalt  }
0x48: {  	_ =	shalt  }
0x49: {  	_ =	shalt  }
0x4a: {  	_ =	shalt  }
0x4b: {  	_ =	shalt  }
0x4c: {  	_ =	shalt  }
0x4d: {  	_ =	shalt  }
0x4e: {  	_ =	shalt  }
0x4f: {  	_ =	shalt  }
0x50: {  	_ =	shalt  }
0x51: {  	_ =	shalt  }
0x52: {  	_ =	shalt  }
0x53: {  	_ =	shalt  }
0x54: {  	_ =	shalt  }
0x55: {  	_ =	shalt  }
0x56: {  	_ =	shalt  }
0x57: {  	_ =	shalt  }
0x58: {  	_ =	shalt  }
0x59: {  	_ =	shalt  }
0x5a: {  	_ =	shalt  }
0x5b: {  	_ =	shalt  }
0x5c: {  	_ =	shalt  }
0x5d: {  	_ =	shalt  }
0x5e: {  	_ =	shalt  }
0x5f: {  	_ =	shalt  }
0x60: {  	_ =	shalt  }
0x61: {  	_ =	shalt  }
0x62: {  	_ =	shalt  }
0x63: {  	_ =	shalt  }
0x64: {  	_ =	shalt  }
0x65: {  	_ =	shalt  }
0x66: {  	_ =	shalt  }
0x67: {  	_ =	shalt  }
0x68: {  	_ =	shalt  }
0x69: {  	_ =	shalt  }
0x6a: {  	_ =	shalt  }
0x6b: {  	_ =	shalt  }
0x6c: {  	_ =	shalt  }
0x6d: {  	_ =	shalt  }
0x6e: {  	_ =	shalt  }
0x6f: {  	_ =	shalt  }
0x70: {  	_ =	shalt  }
0x71: {  	_ =	shalt  }
0x72: {  	_ =	shalt  }
0x73: {  	_ =	shalt  }
0x74: {  	_ =	shalt  }
0x75: {  	_ =	shalt  }
0x76: {  	_ =	shalt  }
0x77: {  	_ =	shalt  }
0x78: {  	_ =	shalt  }
0x79: {  	_ =	shalt  }
0x7a: {  	_ =	shalt  }
0x7b: {  	_ =	shalt  }
0x7c: {  	_ =	shalt  }
0x7d: {  	_ =	shalt  }
0x7e: {  	_ =	shalt  }
0x7f: {  	_ =	shalt  }
0x80: {  	_ =	shalt  }
0x81: {  	_ =	shalt  }
0x82: {  	_ =	shalt  }
0x83: {  	_ =	shalt  }
0x84: {  	_ =	shalt  }
0x85: {  	_ =	shalt  }
0x86: {  	_ =	shalt  }
0x87: {  	_ =	shalt  }
.Lfunc_end0:
.L_simem_size_0:
called_computation_lowered:
.L_overlay_start_0:
0x88: {  	s2 =	sld [smem:$0x3FD9]  }
0x89: {  	s3 =	sld [smem:$0x3FFE];
	_ =	sdelay $0x1  }
0x8a: {  	s1 =	srdreg.scid  }
0x8b: {  	s0 =	sand.u32 $0x1, s1  }
0x8c: {  	s16 =	sshll.u32 s0, $0xA;
	s2 =	sadd.s32 s3, s2  }
0x8d: {  	s2 =	sadd.s32 s2, s16  }
0x8e: {  	[smem:$0x3FBC] =	sst s2  }
0x8f: {  	_ = 	snop  }
0x90: {  	(tm) =	ssettm $0x1  }
0x91: {  	s17 =	sld [smem:$0x3FFB];
	_ =	sdelay $0x3  }
0x92: {  	_ =	strace s17  }
0x93: {  	s2 =	sld [smem:$0x3FFC];
	_ =	sdelay $0x3  }
0x94: {  	_ =	strace s2  }
0x95: {  	s2 =	sld [smem:$0x3FFD];
	_ =	sdelay $0x3  }
0x96: {  	_ =	strace s2  }
0x97: {  	_ =	strace $0x8FFFFFFF  }
0x98: {  	s18 =	sld [smem:$0x3FDB];
	_ =	sdelay $0x1  }
0x99: {  	s19 =	simm.s32 $_scs_section_size  }
0x9a: {  	s4 =	simm.s32 $_size__tile_overlayer_lowered;
	s5 =	simm.s32 $_tile_overlayer_lowered  }
0x9b: {  	s22 =	simm.s32 $0x1BFF;
	s21 =	sshll.u32 s5, $0x1;
	s2 =	sadd.s32 s19, s18  }
0x9c: {  	s6 =	simm.s32 $0x0;
	s20 =	sshll.u32 s4, $0x1;
	s4 =	sadd.s32 s21, s2  }
0x9d: {  	[timem:s6], [sflag:s22] =	dma.local [hbm:s4], s20  }
0x9e: {  	_ =	swait.ge [sflag:s22], s20  }
0x9f: {  	s3 =	ssub.s32 $0x0, s20;
	[sflag:s22] =	ssyncset.done $0x0  }
0xa0: {  	[sflag:s22] =	ssyncadd.s32 s3;
	_ =	sdelay $0x1  }
0xa1: {  	s23 =	simm.s32 $0x1B8B  }
0xa2: {  	_ =	swait.ge [sflag:s23], $0x1  }
0xa3: {  	[sflag:s23] =	ssyncset.done $0x0  }
0xa4: {  	s25 =	simm.s32 $0x1B8E;
	s24 =	sld [smem:$0x3FFE];
	[sflag:s23] =	ssyncadd.s32 $0xFFFFFFFF  }
0xa5: {  	s26 =	simm.s32 $execute0_lowered;
	[smem:$0x3FD2] =	sst s25  }
0xa6: {  	s4 =	sshll.u32 s26, $0x1;
	_ =	strace $0x80000046;
	[dreg:$0x1] =	wrdreg $0xFFFFFFFF  }
0xa7: {  	s28 =	simm.s32 $_size_execute0_lowered;
	s2 =	sadd.s32 s2, s4;
	[dreg:$0x0] =	wrdreg $0x0  }
0xa8: {  	s4 =	sshll.u32 s28, $0x1;
	[dreg:$0x2] =	wrdreg s2  }
0xa9: {  	[dreg:$0x3] =	wrdreg s4  }
0xaa: {  	[dreg:$0x4] =	wrdreg $0xC0  }
0xab: {  	_ =	task [dreg:s6], $0x5FFFF  }
0xac: {  	[dreg:$0x1] =	wrdreg $0xFFFFFFFF  }
0xad: {  	[dreg:$0x0] =	wrdreg $0x60  }
0xae: {  	[dreg:$0x2] =	wrdreg s24  }
0xaf: {  	[dreg:$0x3] =	wrdreg $0x55800  }
0xb0: {  	[dreg:$0x4] =	wrdreg $0x9  }
0xb1: {  	_ =	task.clear_ibuf [dreg:s6], $0x5FFFF;
	_ =	strace $0x90000046  }
0xb2: {  	s29 =	simm.s32 $0x9;
	_ =	strace $0x80000048  }
0xb3: {  	_ =	swait.ge [sflag:s29], $0x1  }
0xb4: {  	[sflag:s29] =	ssyncadd.s32 $0xFFFFFFFF  }
0xb5: {  	_ =	strace $0x90000048  }
0xb6: {  	_ =	sfence  }
0xb7: {  	s30 =	sld [smem:$0x0];
	_ =	sdelay $0x2  }
0xb8: {  	s31 =	sshll.u32 s1, $0xD;
	s1 =	sshrl.u32 s1, $0x2  }
0xb9: {  	s3 =	sand.u32 $0x4000, s31;
	s1 =	sadd.s32 s1, s30  }
0xba: {  	s0 =	sor.u32 s3, s0;
	s1 =	sshll.u32 s1, $0x11  }
0xbb: {  	s0 =	sor.u32 s1, s0  }
0xbc: {  	s0 =	sadd.s32 $0x8F2B, s0  }
0xbd: {  	[sflag:s0] =	ssyncadd.remote.s32 $0x1  }
0xbe: {  	_ =	sfence.sel $0xFFFF  }
0xbf: {  	[dreg:$0x0] =	wrdreg $0xFFFFFFFF;
	(pc) =	sbr.abs _section_cstart, $3  }
0xc0: {  	[dreg:$0x1] =	wrdreg $0xFFFFFFFF  }
0xc1: {  	_ =	task.clear_ibuf [dreg:s6], $0x2FFFF;
	_ =	strace $0x9FFFFFFF  }
0xc2: {  	(tm) =	ssettm $0x7FFFFFFF  }
0xc3: {  	_ =	shalt  }
tec
execute0_lowered:
.L_overlay_start_1:
0x0: {  	(tag) =	ssettag $0x1  }
0x1: {  	s0 =	rddreg [dreg:$0x0]  }
0x2: {  	s2 =	rddreg [dreg:$0x1];
	s4 =	srdreg.scid  }
0x3: {  	s1 =	stileid.u32;
	s3 =	simm.s32 $0x0;
	s17 =	simm.s32 $0xD80  }
0x4: {  	s18 =	simm.s32 $0x4;
	s21 =	simm.s32 $0x1;
	s22 =	simm.s32 $0x80  }
0x5: {  	s28 =	simm.s32 $0x3;
	s29 =	simm.s32 $0x0;
	s8 =	sand.u32 $0x1, s4  }
0x6: {  	s9 =	smul.u32 $0x2800, s1;
	[smem:$0x7FF] =	sst s3;
	s4 =	sadd.s32 $0x20000, s0  }
0x7: {  	s5 =	sadd.s32 $0xBC00, s0;
	s11 =	smul.u32 $0xA000, s1;
	s12 =	sshll.u32 s1, $0x1  }
0x8: {  	s6 =	sadd.s32 $0x1A00, s0;
	s7 =	smul.u32 $0x28000, s8;
	s14 =	sor.u32 s8, s12  }
0x9: {  	_ =	strace $0x80000047;
	s26 =	ssub.s32 $0x2, s8;
	s15 =	smul.u32 $0x510, s14  }
0xa: {  	s13 =	sshrl.u32 s26, $0x1;
	s30 =	sshrl.u32 s11, $0x2;
	s8 =	smul.u32 $0x51, s14  }
0xb: {  	s10 =	sadd.s32 s9, s7;
	s7 =	sadd.s32 $0x15E00, s0;
	s16 =	ssub.s32 s26, s13  }
0xc: {  	s31 =	sadd.s32 s30, s2;
	s9 =	sadd.s32 s9, s2;
	s13 =	smul.u32 $0x1B, s14  }
0xd: {  	s26 =	simm.s32 $0x2;
	s10 =	sshrl.u32 s10, $0x3;
	s11 =	sadd.s32 s5, s15  }
0xe: {  	s12 =	sadd.s32 s6, s15;
	s14 =	sadd.s32 s7, s15;
	s0 =	sadd.s32 s10, s0  }
0xf: {  	v0 =	vimm.f32 $0.0e+00;
	s16 =	smax.u32 s16, $0x1;
	s10 =	sadd.s32 $0x1800, s31;
	s15 =	sadd.s32 $0x25000, s0  }
.LBB2_1:
0x10: {  	s0 =	simm.s32 $0x40;
	s19 =	simm.s32 $0x0  }
.LBB2_2:
0x11: {  	p0 =	sne.s32 s0, $0x5FC0;
	[tilespmem:s19+$0xD80] =	vst v0;
	s19 =	smov.u32 s0;
	s0 =	sadd.s32 $0x40, s0  }
.Ltmp0:
0x12: {  	(pc) =	sbr.rel @p0 .LBB2_2-.Ltmp0, $2  }
0x13: {  	_ =	sdelay $0x2  }
0x14: {  	s19 =	sshra.s32 s19, $0x2  }
0x15: {  	[tilespmem:s19+$0xD80] =	vst v0  }
0x16: {  	[spmem:s9] =	stream.linear.scatter [tilespmem:s17], [sflag:$0x4], $0x1800, $0x38;
	[tilespmem:$0x7D80] =	vst v63  }
0x17: {  	_ =	swait.ge [sflag:s18], $0x1800  }
0x18: {  	[sflag:s18] =	ssyncset.done $0x0  }
0x19: {  	[sflag:s18] =	ssyncadd.s32 $0xFFFFE800  }
0x1a: {  	[spmem:s10] =	stream.linear.scatter [tilespmem:s17], [sflag:$0x4], $0x1000, $0x38;
	[tilespmem:$0x7D80] =	vst v63  }
0x1b: {  	_ =	swait.ge [sflag:s18], $0x1000  }
0x1c: {  	[sflag:s18] =	ssyncset.done $0x0  }
0x1d: {  	[sflag:s18] =	ssyncadd.s32 $0xFFFFF000  }
0x1e: {  	s0 =	simm.s32 $0x0;
	[bflag:$0x0] =	sbarrier.arrive $0xFFFF  }
0x1f: {  	[tilespmem:s0], [sflag:$0x1] =	stream.linear.gather [hbm4b:s11+s0], $0x180, $0x38;
	[tilespmem:$0x7D80] =	vst v63  }
0x20: {  	s1 =	simm.s32 $0x480  }
0x21: {  	[tilespmem:s1], [sflag:$0x1] =	stream.linear.gather [hbm4b:s12+s0], $0x180, $0x38;
	[tilespmem:$0x7D80] =	vst v63  }
0x22: {  	s24 =	simm.s32 $0x900  }
0x23: {  	[tilespmem:s24], [sflag:$0x1] =	stream.linear.gather [hbm4b:s14+s0], $0x180, $0x38;
	[tilespmem:$0x7D80] =	vst v63  }
0x24: {  	_ =	swait.ge [sflag:s21], $0x180  }
0x25: {  	[sflag:s21] =	ssyncset.done $0x0  }
0x26: {  	[sflag:s21] =	ssyncadd.s32 $0xFFFFFE80  }
0x27: {  	_ =	swait.ge [sflag:s21], $0x180  }
0x28: {  	[sflag:s21] =	ssyncset.done $0x0  }
0x29: {  	[sflag:s21] =	ssyncadd.s32 $0xFFFFFE80  }
0x2a: {  	_ =	swait.ge [sflag:s21], $0x180  }
0x2b: {  	[sflag:s21] =	ssyncset.done $0x0  }
0x2c: {  	[sflag:s21] =	ssyncadd.s32 $0xFFFFFE80  }
0x2d: {  	[tilespmem:s17], [sflag:$0x2] =	stream.indirect.gather [hbm4b:s4+s22], $0x10, s0, s22, $0xb8;
	[tilespmem:$0x7D80] =	vst v63  }
0x2e: {  	s25 =	simm.s32 $0x1580  }
0x2f: {  	[tilespmem:s25], [sflag:$0x2] =	stream.indirect.gather [hbm4b:s4+s22], $0x10, s22, s22, $0xb8;
	[tilespmem:$0x7D80] =	vst v63  }
0x30: {  	s30 =	simm.s32 $0x100;
	s31 =	simm.s32 $0x1D80  }
0x31: {  	[tilespmem:s31], [sflag:$0x2] =	stream.indirect.gather [hbm4b:s4+s22], $0x10, s30, s22, $0xb8;
	[tilespmem:$0x7D80] =	vst v63  }
.LBB2_4:
0x32: {  	p0 =	slt.u32 s0, $0x2  }
0x33: {  	s19 =	simm.s32 @!p0 $0x3  }
0x34: {  	_ =	swait.ge @!p0 [sflag:s19], $0x800  }
0x35: {  	[sflag:s19] =	ssyncset.done @!p0 $0x0  }
0x36: {  	p1 =	seq.s32 @!p0 s0, $0x1A;
	[sflag:s19] =	ssyncadd.s32 @!p0 $0xFFFFF800  }
0x37: {  	p1 =	por p0, !p1;
	_ =	swait.ge @!p0 [sflag:s19], $0x800  }
.Ltmp1:
0x38: {  	[sflag:s19] =	ssyncset.done @!p0 $0x0;
	(pc) =	sbr.rel @p1 .LBB2_6-.Ltmp1, $4  }
0x39: {  	[sflag:s19] =	ssyncadd.s32 @!p0 $0xFFFFF800  }
0x3a: {  	_ =	swait.ge @!p0 [sflag:s19], $0x800  }
0x3b: {  	[sflag:s19] =	ssyncset.done @!p0 $0x0  }
0x3c: {  	[sflag:s19] =	ssyncadd.s32 @!p0 $0xFFFFF800  }
.Ltmp2:
0x3d: {  	(pc) =	sbr.rel .LBB2_7-.Ltmp2, $2  }
0x3e: {  	_ =	sdelay $0x2  }
0x3f: {  	s30 =	simm.s32 @!p0 $0x1B;
	p0 =	por @!p0 $0x1, $0x1  }
.LBB2_6:
0x40: {  	s30 =	sadd.s32 $0x1, s0  }
0x41: {  	s19 =	smul.u32 $0xAB, s30;
	_ =	sdelay $0x1  }
0x42: {  	s19 =	sshrl.u32 s19, $0x9  }
0x43: {  	s20 =	smul.u32 $0x3, s30;
	s19 =	sand.u32 $0x7F, s19  }
0x44: {  	s19 =	smul.u32 $0x3, s19;
	_ =	sdelay $0x1  }
0x45: {  	s20 =	sadd.s32 s8, s20;
	s19 =	ssub.s32 s30, s19  }
0x46: {  	s20 =	sshll.u32 s20, $0x4;
	s19 =	sand.u32 $0xFF, s19  }
0x47: {  	s20 =	sand.u32 $0x1FFFFFF0, s20;
	s19 =	smul.u32 $0x180, s19  }
0x48: {  	s25 =	sadd.s32 s13, s30;
	s23 =	sadd.s32 s5, s20  }
0x49: {  	[tilespmem:s19], [sflag:$0x1] =	stream.linear.gather [hbm4b:s23+s3], $0x180, $0x38;
	[tilespmem:$0x7D80] =	vst v63  }
0x4a: {  	s20 =	sadd.s32 s6, s20;
	s24 =	sadd.s32 $0x480, s19;
	s23 =	smul.u32 $0x30, s25  }
0x4b: {  	[tilespmem:s24], [sflag:$0x1] =	stream.linear.gather [hbm4b:s20+s3], $0x180, $0x38;
	[tilespmem:$0x7D80] =	vst v63  }
0x4c: {  	p0 =	por $0x0, $0x0;
	s19 =	sadd.s32 $0x900, s19;
	s31 =	sadd.s32 s7, s23  }
0x4d: {  	[tilespmem:s19], [sflag:$0x1] =	stream.linear.gather [hbm4b:s31+s3], $0x180, $0x38;
	[tilespmem:$0x7D80] =	vst v63  }
.LBB2_7:
0x4e: {  	_ =	swait.ge [sflag:s26], $0x800  }
0x4f: {  	[sflag:s26] =	ssyncset.done $0x0  }
0x50: {  	[sflag:s26] =	ssyncadd.s32 $0xFFFFF800  }
0x51: {  	_ =	swait.ge [sflag:s26], $0x800  }
0x52: {  	[sflag:s26] =	ssyncset.done $0x0  }
0x53: {  	s19 =	smul.u32 @!p0 $0xAB, s30;
	[sflag:s26] =	ssyncadd.s32 $0xFFFFF800  }
0x54: {  	s20 =	sand.u32 $0xFF, s0;
	_ =	swait.ge [sflag:s26], $0x800  }
0x55: {  	s23 =	simm.s32 @!p0 $0x1;
	s19 =	sshrl.u32 @!p0 s19, $0x9;
	[sflag:s26] =	ssyncset.done $0x0  }
0x56: {  	s20 =	smul.u32 $0xAB, s20;
	s19 =	sand.u32 @!p0 $0x7F, s19;
	[sflag:s26] =	ssyncadd.s32 $0xFFFFF800  }
0x57: {  	s19 =	smul.u32 @!p0 $0x3, s19;
	_ =	swait.ge @!p0 [sflag:s23], $0x180  }
0x58: {  	s20 =	sshrl.u32 s20, $0x9;
	[sflag:s23] =	ssyncset.done @!p0 $0x0  }
0x59: {  	s20 =	smul.u32 $0x3, s20;
	s19 =	ssub.s32 @!p0 s30, s19;
	[sflag:s23] =	ssyncadd.s32 @!p0 $0xFFFFFE80  }
0x5a: {  	s19 =	sand.u32 @!p0 $0xFF, s19;
	_ =	swait.ge @!p0 [sflag:s23], $0x180  }
0x5b: {  	s1 =	ssub.s32 s0, s20;
	s24 =	smul.u32 @!p0 $0x6000, s19;
	[sflag:s23] =	ssyncset.done @!p0 $0x0  }
0x5c: {  	s0 =	sand.u32 $0xFF, s1;
	s19 =	smul.u32 @!p0 $0x600, s19;
	[sflag:s23] =	ssyncadd.s32 @!p0 $0xFFFFFE80  }
0x5d: {  	s25 =	smul.u32 $0x600, s0;
	s20 =	sshrl.u32 @!p0 s24, $0x2;
	_ =	swait.ge @!p0 [sflag:s23], $0x180  }
0x5e: {  	s19 =	sshrl.u32 @!p0 s19, $0x2;
	s24 =	simm.s32 @!p0 $0x80;
	[sflag:s23] =	ssyncset.done @!p0 $0x0  }
0x5f: {  	s31 =	sshrl.u32 s25, $0x2;
	[sflag:s23] =	ssyncadd.s32 @!p0 $0xFFFFFE80;
	s23 =	sadd.s32 @!p0 $0xD80, s20  }
0x60: {  	[tilespmem:s23], [sflag:$0x2] =	stream.indirect.gather @!p0 [hbm4b:s4+s24], $0x10, s19, s24, $0xb8;
	[tilespmem:$0x7D80] =	vst v63  }
0x61: {  	s23 =	sadd.s32 $0x900, s31  }
0x62: {  	s25 =	sadd.s32 @!p0 $0x1580, s20;
	s1 =	sadd.s32 @!p0 $0x80, s19;
	v1 =	vmov s23  }
0x63: {  	[tilespmem:s25], [sflag:$0x2] =	stream.indirect.gather @!p0 [hbm4b:s4+s24], $0x10, s1, s24, $0xb8;
	[tilespmem:$0x7D80] =	vst v63  }
0x64: {  	s0 =	smul.u32 $0x6000, s0;
	s19 =	sadd.s32 @!p0 $0x100, s19;
	s1 =	sadd.s32 @!p0 $0x1D80, s20  }
0x65: {  	[tilespmem:s1], [sflag:$0x2] =	stream.indirect.gather @!p0 [hbm4b:s4+s24], $0x10, s19, s24, $0xb8;
	[tilespmem:$0x7D80] =	vst v63  }
0x66: {  	s24 =	simm.s32 $0x0  }
0x67: {  	s25 =	sshrl.u32 s0, $0x2;
	v2 =	vld.idx.msk [tilespmem:v1+s24+$0x0 ss:$0x1], $0xffff  }
0x68: {  	s23 =	sadd.s32 $0xE00, s25  }
0x69: {  	v3 =	vld [tilespmem:s23+$0xFFFFFF80]  }
0x6a: {  	v4 =	vld [tilespmem:s23+$0xFFFFFF90]  }
0x6b: {  	v5 =	vld [tilespmem:s23+$0xFFFFFFA0]  }
0x6c: {  	v6 =	vld [tilespmem:s23+$0xFFFFFFB0];
	v7 =	vbroadcast v2, $0x0  }
0x6d: {  	v10 =	vld [tilespmem:s23+$0xFFFFFFD0];
	v8 =	vbroadcast v2, $0x1  }
0x6e: {  	v46 =	vld [tilespmem:s23+$0xFFFFFFE0];
	v11 =	vbroadcast v2, $0x2;
	v3 =	vmul.f32 v7, v3  }
0x6f: {  	v9 =	vld [tilespmem:s23+$0xFFFFFFC0];
	v45 =	vbroadcast v2, $0x3;
	v4 =	vmul.f32 v4, v8  }
0x70: {  	v49 =	vld [tilespmem:s23+$0x10];
	v47 =	vbroadcast v2, $0x5;
	v5 =	vmul.f32 v5, v11;
	[tilespmem:s23+$0xFFFFFF80] =	vst v3  }
0x71: {  	v59 =	vld [tilespmem:s23+$0x60];
	v13 =	vbroadcast v2, $0x6;
	v6 =	vmul.f32 v6, v45;
	[tilespmem:s23+$0xFFFFFF90] =	vst v4  }
0x72: {  	v12 =	vld [tilespmem:s23+$0xFFFFFFF0];
	v7 =	vmul.f32 v10, v47;
	v3 =	vbroadcast v2, $0x4;
	[tilespmem:s23+$0xFFFFFFA0] =	vst v5  }
0x73: {  	v48 =	vld [tilespmem:s23+$0x0];
	v53 =	vbroadcast v2, $0x9;
	v8 =	vmul.f32 v46, v13;
	[tilespmem:s23+$0xFFFFFFB0] =	vst v6  }
0x74: {  	v52 =	vld [tilespmem:s23+$0x30];
	v62 =	vbroadcast v2, $0xE;
	[tilespmem:s23+$0xFFFFFFD0] =	vst v7;
	v3 =	vmul.f32 v9, v3  }
0x75: {  	v55 =	vld [tilespmem:s23+$0x50];
	v50 =	vbroadcast v2, $0x7;
	v58 =	vmul.f32 v49, v53;
	[tilespmem:s23+$0xFFFFFFE0] =	vst v8  }
0x76: {  	v51 =	vld [tilespmem:s23+$0x20];
	v63 =	vmul.f32 v59, v62;
	[tilespmem:s23+$0xFFFFFFC0] =	vst v3;
	v3 =	vbroadcast v2, $0x8  }
0x77: {  	v54 =	vld [tilespmem:s23+$0x40];
	v57 =	vbroadcast v2, $0xB;
	v5 =	vmul.f32 v12, v50;
	[tilespmem:s23+$0x10] =	vst v58  }
0x78: {  	v60 =	vld [tilespmem:s23+$0x70];
	v61 =	vbroadcast v2, $0xD;
	[tilespmem:s23+$0x60] =	vst v63;
	v3 =	vmul.f32 v48, v3  }
0x79: {  	v56 =	vbroadcast v2, $0xA;
	v4 =	vmul.f32 v52, v57;
	[tilespmem:s23+$0xFFFFFFF0] =	vst v5  }
0x7a: {  	v6 =	vmul.f32 v55, v61;
	[tilespmem:s23+$0x0] =	vst v3;
	v3 =	vbroadcast v2, $0xC  }
0x7b: {  	v9 =	vmul.f32 v51, v56;
	[tilespmem:s23+$0x30] =	vst v4;
	v2 =	vbroadcast v2, $0xF  }
0x7c: {  	[tilespmem:s23+$0x50] =	vst v6;
	v3 =	vmul.f32 v54, v3  }
0x7d: {  	[tilespmem:s23+$0x20] =	vst v9;
	v2 =	vmul.f32 v60, v2  }
0x7e: {  	s20 =	sadd.s32 $0xD80, s25;
	s0 =	sadd.s32 $0x1580, s25;
	[tilespmem:s23+$0x40] =	vst v3  }
0x7f: {  	s19 =	sadd.s32 $0x1D80, s25;
	s25 =	simm.s32 $0x10;
	s24 =	simm.s32 $0x80;
	[tilespmem:s23+$0x70] =	vst v2  }
.LBB2_8:
0x80: {  	p0 =	sne.s32 s24, $0x5C0;
	v2 =	vld.idx.msk [tilespmem:v1+s25+$0x0 ss:$0x1], $0xffff;
	s23 =	sadd.s32 $0x100, s23  }
0x81: {  	v3 =	vld [tilespmem:s23+$0xFFFFFFB0]  }
0x82: {  	v4 =	vld [tilespmem:s23+$0xFFFFFF90]  }
0x83: {  	v5 =	vld [tilespmem:s23+$0xFFFFFF80]  }
0x84: {  	v6 =	vld [tilespmem:s23+$0xFFFFFFA0]  }
0x85: {  	v7 =	vld [tilespmem:s23+$0xFFFFFFF0]  }
0x86: {  	v8 =	vbroadcast v2, $0x0;
	v9 =	vbroadcast v2, $0x1;
	v10 =	vld [tilespmem:s23+$0xFFFFFFD0]  }
0x87: {  	v11 =	vbroadcast v2, $0x2;
	v12 =	vbroadcast v2, $0x3;
	v13 =	vld [tilespmem:s23+$0xFFFFFFC0]  }
0x88: {  	v4 =	vmul.f32 v4, v9;
	v5 =	vmul.f32 v8, v5;
	v8 =	vld [tilespmem:s23+$0xFFFFFFE0]  }
0x89: {  	v3 =	vmul.f32 v3, v12;
	v6 =	vmul.f32 v6, v11;
	v9 =	vld [tilespmem:s23+$0x30]  }
0x8a: {  	v11 =	vbroadcast v2, $0x5;
	[tilespmem:s23+$0xFFFFFF80] =	vst v5;
	v5 =	vbroadcast v2, $0x4;
	v12 =	vld [tilespmem:s23+$0x10]  }
0x8b: {  	v14 =	vbroadcast v2, $0x7;
	[tilespmem:s23+$0xFFFFFF90] =	vst v4;
	v4 =	vbroadcast v2, $0x6;
	v15 =	vld [tilespmem:s23+$0x0]  }
0x8c: {  	[tilespmem:s23+$0xFFFFFFA0] =	vst v6;
	v5 =	vmul.f32 v13, v5;
	v6 =	vmul.f32 v10, v11;
	v10 =	vld [tilespmem:s23+$0x20]  }
0x8d: {  	[tilespmem:s23+$0xFFFFFFB0] =	vst v3;
	v3 =	vmul.f32 v8, v4;
	v4 =	vmul.f32 v7, v14;
	v7 =	vld [tilespmem:s23+$0x70]  }
0x8e: {  	v8 =	vbroadcast v2, $0x9;
	[tilespmem:s23+$0xFFFFFFC0] =	vst v5;
	v5 =	vbroadcast v2, $0x8;
	v11 =	vld [tilespmem:s23+$0x50]  }
0x8f: {  	v13 =	vbroadcast v2, $0xB;
	[tilespmem:s23+$0xFFFFFFD0] =	vst v6;
	v6 =	vbroadcast v2, $0xA;
	v14 =	vld [tilespmem:s23+$0x40]  }
0x90: {  	[tilespmem:s23+$0xFFFFFFE0] =	vst v3;
	v3 =	vmul.f32 v15, v5;
	v5 =	vmul.f32 v12, v8;
	v8 =	vld [tilespmem:s23+$0x60]  }
0x91: {  	[tilespmem:s23+$0xFFFFFFF0] =	vst v4;
	v4 =	vmul.f32 v10, v6;
	v6 =	vmul.f32 v9, v13  }
0x92: {  	v9 =	vbroadcast v2, $0xD;
	[tilespmem:s23+$0x0] =	vst v3;
	v3 =	vbroadcast v2, $0xC  }
0x93: {  	[tilespmem:s23+$0x10] =	vst v5;
	v5 =	vbroadcast v2, $0xE;
	v2 =	vbroadcast v2, $0xF  }
0x94: {  	[tilespmem:s23+$0x20] =	vst v4;
	v3 =	vmul.f32 v14, v3;
	v4 =	vmul.f32 v11, v9  }
.Ltmp3:
0x95: {  	[tilespmem:s23+$0x30] =	vst v6;
	v5 =	vmul.f32 v8, v5;
	v2 =	vmul.f32 v7, v2;
	(pc) =	sbr.rel @p0 .LBB2_8-.Ltmp3, $4  }
0x96: {  	[tilespmem:s23+$0x40] =	vst v3  }
0x97: {  	[tilespmem:s23+$0x50] =	vst v4  }
0x98: {  	[tilespmem:s23+$0x60] =	vst v5  }
0x99: {  	s25 =	sshra.s32 s24, $0x2;
	s24 =	sadd.s32 $0x40, s24;
	[tilespmem:s23+$0x70] =	vst v2  }
0x9a: {  	_ =	sdelay $0x3  }
0x9b: {  	v1 =	vld.idx.msk [tilespmem:v1+s25+$0x0 ss:$0x1], $0xffff  }
0x9c: {  	s23 =	sadd.s32 $0x100, s23  }
0x9d: {  	v2 =	vld [tilespmem:s23+$0xFFFFFF80]  }
0x9e: {  	v3 =	vld [tilespmem:s23+$0xFFFFFF90]  }
0x9f: {  	v4 =	vld [tilespmem:s23+$0xFFFFFFA0]  }
0xa0: {  	v5 =	vld [tilespmem:s23+$0xFFFFFFB0];
	v6 =	vbroadcast v1, $0x0  }
0xa1: {  	v9 =	vld [tilespmem:s23+$0xFFFFFFD0];
	v7 =	vbroadcast v1, $0x1  }
0xa2: {  	v8 =	vld [tilespmem:s23+$0xFFFFFFC0];
	v10 =	vbroadcast v1, $0x2;
	v2 =	vmul.f32 v6, v2  }
0xa3: {  	v49 =	vld [tilespmem:s23+$0xFFFFFFE0];
	v48 =	vbroadcast v1, $0x3;
	v3 =	vmul.f32 v3, v7  }
0xa4: {  	v51 =	vld [tilespmem:s23+$0x10];
	v50 =	vbroadcast v1, $0x5;
	v4 =	vmul.f32 v4, v10;
	[tilespmem:s23+$0xFFFFFF80] =	vst v2  }
0xa5: {  	v11 =	vld [tilespmem:s23+$0xFFFFFFF0];
	v5 =	vmul.f32 v5, v48;
	v2 =	vbroadcast v1, $0x4;
	[tilespmem:s23+$0xFFFFFF90] =	vst v3  }
0xa6: {  	v12 =	vbroadcast v1, $0x6;
	v6 =	vmul.f32 v9, v50;
	v3 =	vld [tilespmem:s23+$0x0];
	[tilespmem:s23+$0xFFFFFFA0] =	vst v4  }
0xa7: {  	v57 =	vld [tilespmem:s23+$0x50];
	v55 =	vbroadcast v1, $0x9;
	[tilespmem:s23+$0xFFFFFFB0] =	vst v5;
	v2 =	vmul.f32 v8, v2  }
0xa8: {  	v53 =	vld [tilespmem:s23+$0x20];
	v52 =	vbroadcast v1, $0x7;
	v7 =	vmul.f32 v49, v12;
	[tilespmem:s23+$0xFFFFFFD0] =	vst v6  }
0xa9: {  	v54 =	vld [tilespmem:s23+$0x30];
	v59 =	vmul.f32 v51, v55;
	[tilespmem:s23+$0xFFFFFFC0] =	vst v2;
	v2 =	vbroadcast v1, $0x8  }
0xaa: {  	v56 =	vld [tilespmem:s23+$0x40];
	v62 =	vbroadcast v1, $0xD;
	v4 =	vmul.f32 v11, v52;
	[tilespmem:s23+$0xFFFFFFE0] =	vst v7  }
0xab: {  	v60 =	vld [tilespmem:s23+$0x60];
	v58 =	vbroadcast v1, $0xA;
	[tilespmem:s23+$0x10] =	vst v59;
	v2 =	vmul.f32 v3, v2  }
0xac: {  	v61 =	vld [tilespmem:s23+$0x70];
	v5 =	vmul.f32 v57, v62;
	[tilespmem:s23+$0xFFFFFFF0] =	vst v4;
	v3 =	vbroadcast v1, $0xB  }
0xad: {  	v8 =	vmul.f32 v53, v58;
	[tilespmem:s23+$0x0] =	vst v2;
	v2 =	vbroadcast v1, $0xC  }
0xae: {  	v63 =	vbroadcast v1, $0xE;
	[tilespmem:s23+$0x50] =	vst v5;
	v3 =	vmul.f32 v54, v3  }
0xaf: {  	[tilespmem:s23+$0x20] =	vst v8;
	v1 =	vbroadcast v1, $0xF;
	v2 =	vmul.f32 v56, v2  }
0xb0: {  	[tilespmem:s23+$0x30] =	vst v3;
	v3 =	vmul.f32 v60, v63  }
0xb1: {  	v1 =	vmul.f32 v61, v1;
	[tilespmem:s23+$0x40] =	vst v2  }
0xb2: {  	[tilespmem:s23+$0x60] =	vst v3  }
0xb3: {  	s1 =	sadd.s32 $0x480, s31;
	p0 =	slt.u32 s30, $0x1B;
	[tilespmem:s23+$0x70] =	vst v1  }
0xb4: {  	[spmem:s2] =	stream.indirect.scatter.add.f32 [tilespmem:s20], [sflag:$0x3], $0x10, s1, s22, $0xb8;
	[tilespmem:$0x7D80] =	vst v63  }
.Ltmp4:
0xb5: {  	_ = 	snop;
	(pc) =	sbr.rel @p0 .LBB2_4-.Ltmp4, $4  }
0xb6: {  	s25 =	sadd.s32 $0x500, s31  }
0xb7: {  	[spmem:s2] =	stream.indirect.scatter.add.f32 [tilespmem:s0], [sflag:$0x3], $0x10, s25, s22, $0xb8;
	[tilespmem:$0x7D80] =	vst v63  }
0xb8: {  	s31 =	sadd.s32 $0x580, s31;
	s0 =	smov.u32 s30  }
0xb9: {  	[spmem:s2] =	stream.indirect.scatter.add.f32 [tilespmem:s19], [sflag:$0x3], $0x10, s31, s22, $0xb8;
	[tilespmem:$0x7D80] =	vst v63  }
0xba: {  	_ =	swait.ge [sflag:s28], $0x800  }
0xbb: {  	[sflag:s28] =	ssyncset.done $0x0  }
0xbc: {  	[sflag:s28] =	ssyncadd.s32 $0xFFFFF800  }
0xbd: {  	_ =	swait.ge [sflag:s28], $0x800  }
0xbe: {  	[sflag:s28] =	ssyncset.done $0x0  }
0xbf: {  	[sflag:s28] =	ssyncadd.s32 $0xFFFFF800  }
0xc0: {  	_ =	swait.ge [sflag:s28], $0x800  }
0xc1: {  	[sflag:s28] =	ssyncset.done $0x0  }
0xc2: {  	[sflag:s28] =	ssyncadd.s32 $0xFFFFF800  }
0xc3: {  	_ =	swait.ge [sflag:s28], $0x800  }
0xc4: {  	[sflag:s28] =	ssyncset.done $0x0  }
0xc5: {  	[sflag:s28] =	ssyncadd.s32 $0xFFFFF800  }
0xc6: {  	_ =	swait.ge [sflag:s28], $0x800  }
0xc7: {  	[sflag:s28] =	ssyncset.done $0x0  }
0xc8: {  	[sflag:s28] =	ssyncadd.s32 $0xFFFFF800  }
0xc9: {  	s0 =	stileid.u32;
	_ =	swait.ge [sflag:s28], $0x800  }
0xca: {  	s1 =	sshrl.u32 s9, $0x3;
	s29 =	sadd.s32 $0x1, s29;
	[sflag:s28] =	ssyncset.done $0x0  }
0xcb: {  	s0 =	sshll.u32 s0, $0x6;
	p0 =	sne.s32 s29, s16;
	[sflag:s28] =	ssyncadd.s32 $0xFFFFF800  }
.Ltmp5:
0xcc: {  	s0 =	sor.u32 $0x1C04, s0;
	[bflag:$0x0] =	sbarrier.arrive $0xFFFF;
	(pc) =	sbr.rel @p0 .LBB2_1-.Ltmp5, $4  }
0xcd: {  	[hbm:s15], [sflag:s0] =	dma.local [spmem:s1], $0x500  }
0xce: {  	_ =	swait.ge [sflag:s18], $0x500  }
0xcf: {  	[sflag:s18] =	ssyncset.done $0x0  }
0xd0: {  	[sflag:s18] =	ssyncadd.s32 $0xFFFFFB00  }
0xd1: {  	_ =	sfence.sel $0x180000  }
0xd2: {  	[bflag:$0x0] =	sbarrier.arrive $0xFFFF  }
0xd3: {  	_ =	strace $0x90000047  }
0xd4: {  	s0 =	stileid.u32;
	[bflag:$0x2] =	sbarrier.arrive $0xFFFF  }
0xd5: {  	p0 =	sne.s32 s0, $0x0;
	s0 =	rddreg [dreg:$0x2]  }
0xd6: {  	s0 =	sadd.s32 @!p0 $0x100000, s0  }
0xd7: {  	[sflag:s0] =	ssyncadd.tile.s32 @!p0 $0x1;
	_ =	shalt  }
.Lfunc_end2:
_tile_overlayer_lowered:
.L_overlay_start_2:
0xd8: {  	(tag) =	ssettag $0x2  }
0xd9: {  	s0 =	rddreg [dreg:$0x0];
	s2 =	stileid.u32  }
0xda: {  	s1 =	rddreg [dreg:$0x1];
	p0 =	sne.s32 s2, $0x0  }
0xdb: {  	s3 =	rddreg [dreg:$0x2];
	[bflag:$0x3] =	sbarrier.arrive $0xFFFF;
	s2 =	simm.s32 @!p0 $0x1C04  }
0xdc: {  	[timem:s3], [sflag:s2] =	dma.local @!p0 [hbm:s0], s1  }
0xdd: {  	s0 =	simm.s32 @!p0 $0x4  }
0xde: {  	_ =	swait.ge @!p0 [sflag:s0], s1  }
0xdf: {  	s1 =	ssub.s32 @!p0 $0x0, s1;
	[sflag:s0] =	ssyncset.done @!p0 $0x0  }
0xe0: {  	[sflag:s0] =	ssyncadd.s32 @!p0 s1  }
0xe1: {  	[bflag:$0x3] =	sbarrier.arrive $0xFFFF  }
0xe2: {  	_ =	shalt  }

</sc_bundles>
